<compile_context>
chip_gen: v7x
topology: tpu7x:2x2x1
jax: 0.10.2.dev20260603
libtpu: 0.0.44.dev20260713+nightly
codegen_flags: <defaults>
</compile_context>

<pallas_src>
import functools

import jax
import jax.numpy as jnp
from jax import lax
from jax.experimental import pallas as pl
from jax.experimental.pallas import tpu as pltpu
from jax.experimental.pallas import tpu_sc as plsc

_PS = 16
_C = 3
_H = 512
_W = 512
_N = 65536
_WP = _W - _PS + 1
_NROWS = _N * _C * _PS

_NT = 32
_BH = _H // _NT
_BAND = _C * _BH * _W
_TRASH = _BAND

_OCS = 8192
_NOC = _N // _OCS
_RF = 2048
_RCAP = _RF + _C * _PS * 16
_SEG = 256
_GCAP = ((_RCAP + _SEG - 1) // _SEG) * _SEG


def _off_body(inds_ref, off_ref):
    i = inds_ref[...]
    y0 = i // _WP
    off_ref[...] = y0 * _W + (i - y0 * _WP)


def _compute_offsets(inds):
    inds2 = inds.reshape(_N // 128, 128)
    out = pl.pallas_call(
        _off_body,
        out_shape=jax.ShapeDtypeStruct((_N // 128, 128), jnp.int32),
    )(inds2)
    return out.reshape(_N)


def _sc_body(pf_hbm, off_hbm, out_hbm,
             offs_v, klo, klp, rid, rdst, gbuf, canvas, sem):
    cid = lax.axis_index("c")
    sid = lax.axis_index("s")
    w = cid * (_NT // 2) + sid
    iota = lax.broadcasted_iota(jnp.int32, (16,), 0)
    zeros16 = jnp.zeros((16,), jnp.float32)

    def _z(i, c):
        canvas[pl.ds(i * 16, 16)] = zeros16
        return c

    lax.fori_loop(0, (_BAND + 16) // 16, _z, 0)

    def _zr(i, c):
        rid[pl.ds(i * 16, 16)] = iota * 0
        return c

    lax.fori_loop(0, _GCAP // 16, _zr, 0)

    def _flush(cur):
        rdst[pl.ds(cur, 16)] = jnp.full((16,), _TRASH, jnp.int32)
        nseg = (cur + _SEG - 1) // _SEG

        def _gather(s, c):
            pltpu.async_copy(
                pf_hbm.at[rid.at[pl.ds(s * _SEG, _SEG)]],
                gbuf.at[pl.ds(s * _SEG, _SEG), :], sem)
            return c

        lax.fori_loop(0, nseg, _gather, 0)

        def _drain(s, c):
            pltpu.make_async_copy(
                pf_hbm.at[rid.at[pl.ds(0, _SEG)]],
                gbuf.at[pl.ds(0, _SEG), :], sem).wait()
            return c

        lax.fori_loop(0, nseg, _drain, 0)

        def _scat(g, c):
            base = rdst[pl.ds(g * 16, 16)]
            rows = iota + g * 16
            for dx in range(_PS):
                rot = (iota + dx) & (_PS - 1)
                vals = plsc.load_gather(gbuf, [rows, rot])
                plsc.addupdate_scatter(canvas, [base + rot], vals)
            return c

        lax.fori_loop(0, (cur + 15) // 16, _scat, 0)
        return 0

    def _chunk(ci, cur_r):
        pltpu.async_copy(
            off_hbm.at[pl.ds(ci * _OCS, _OCS)], offs_v, sem).wait()

        def _vec(v, cur_k):
            ov = offs_v[pl.ds(v * 16, 16)]
            y0 = lax.shift_right_logical(ov, 9)
            m = (y0 >= w * _BH - (_PS - 1)) & (y0 <= w * _BH + (_BH - 1))
            plsc.store_compressed(klo.at[pl.ds(cur_k, 16)], ov, mask=m)
            plsc.store_compressed(
                klp.at[pl.ds(cur_k, 16)], iota + ci * _OCS + v * 16, mask=m)
            cnt = plsc.all_reduce_population_count(m)
            return cur_k + cnt[0]

        kcnt = lax.fori_loop(0, _OCS // 16, _vec, 0)
        klo[pl.ds(kcnt, 16)] = jnp.full((16,), 1 << 22, jnp.int32)
        kpad = (kcnt + 15) >> 4

        def _build(k, cur):
            cur = lax.cond(cur >= _RF, _flush, lambda c: c, cur)
            ov = klo[pl.ds(k * 16, 16)]
            pv = klp[pl.ds(k * 16, 16)]
            y0 = lax.shift_right_logical(ov, 9)
            x0 = ov & (_W - 1)
            pr = pv * (_C * _PS)
            for dy in range(_PS):
                y = y0 + dy
                m = lax.shift_right_logical(y, 4) == w
                d0 = ((y & (_BH - 1)) * _W) + x0
                cnt = plsc.all_reduce_population_count(m)[0]
                for ch in range(_C):
                    pos = cur + ch * cnt
                    plsc.store_compressed(
                        rid.at[pl.ds(pos, 16)], pr + (ch * _PS + dy), mask=m)
                    plsc.store_compressed(
                        rdst.at[pl.ds(pos, 16)], d0 + ch * (_BH * _W),
                        mask=m)
                cur = cur + _C * cnt
            return cur

        return lax.fori_loop(0, kpad, _build, cur_r)

    cur_r = lax.fori_loop(0, _NOC, _chunk, 0)

    @pl.when(cur_r > 0)
    def _():
        _flush(cur_r)

    pltpu.sync_copy(canvas.at[pl.ds(0, _BAND)], out_hbm.at[w])


_sc_fold = functools.partial(
    pl.kernel,
    out_type=jax.ShapeDtypeStruct((_NT, _BAND), jnp.float32),
    mesh=plsc.VectorSubcoreMesh(core_axis_name="c", subcore_axis_name="s"),
    compiler_params=pltpu.CompilerParams(
        needs_layout_passes=False, use_tc_tiling_on_sc=False),
    scratch_types=[
        pltpu.VMEM((_OCS,), jnp.int32),
        pltpu.VMEM((_OCS + 16,), jnp.int32),
        pltpu.VMEM((_OCS + 16,), jnp.int32),
        pltpu.VMEM((_GCAP,), jnp.int32),
        pltpu.VMEM((_RCAP + 16,), jnp.int32),
        pltpu.VMEM((_GCAP, _PS), jnp.float32),
        pltpu.VMEM((_BAND + 16,), jnp.float32),
        pltpu.SemaphoreType.DMA,
    ],
)(_sc_body)


def kernel(patches, inds):
    pf = patches.reshape(_NROWS, _PS)
    offs = _compute_offsets(inds.astype(jnp.int32))
    bands = _sc_fold(pf, offs)
    vid = bands.reshape(_NT, _C, _BH, _W).transpose(1, 0, 2, 3)
    return vid.reshape(1, _C, _H, _W)

# --- scband reference (transcript-rebuilt; emitter-appended) ---
"""Pipeline reference for scband-aggregation0-81956565942551 (READ-ONLY COPY).

The authoritative reference and input builder live on the scoring server;
editing this copy changes nothing except your own understanding.
"""

import jax, jax.numpy as jnp
import numpy as np

PS = 16
C = 3
H = 512
W = 512
N = 65536


def setup_inputs(seed: int = 0) -> dict:
    key = jax.random.key(seed)
    k1, k2 = jax.random.split(key)
    patches = jax.random.normal(k1, (1, N, 1, C * PS * PS), dtype=jnp.float32)
    inds = jax.random.randint(k2, (N,), 0, (H - PS + 1) * (W - PS + 1), dtype=jnp.int32)
    return {"patches": patches, "inds": inds}


def reference(patches, inds):
    # Faithful translation of Aggregation0.batched_fwd_a:
    #   patches: '1 n 1 (c h w) -> n 1 1 c h w', fold (scatter-add) into video,
    #   also computes weight-fold of ones (wvid), returns vid.
    ps = PS
    c = C
    p = patches.reshape(-1, 1, 1, c, ps, ps)  # rearrange '1 n 1 (c h w) -> n 1 1 c h w'
    n = p.shape[0]
    Wp = W - ps + 1
    inds = inds.astype(jnp.int32)
    y0 = inds // Wp
    x0 = inds % Wp
    dy = jnp.arange(ps, dtype=jnp.int32)
    dx = jnp.arange(ps, dtype=jnp.int32)
    ch = jnp.arange(c, dtype=jnp.int32)
    # flat destination index [n, c, ps, ps] into flattened (c, H, W) canvas
    flat = (ch[None, :, None, None] * (H * W)
            + (y0[:, None, None, None] + dy[None, None, :, None]) * W
            + (x0[:, None, None, None] + dx[None, None, None, :]))
    vals = p.reshape(n, c, ps, ps)
    vid = jnp.zeros((c * H * W,), dtype=patches.dtype).at[flat.reshape(-1)].add(vals.reshape(-1))
    ones = jnp.ones_like(vals)
    wvid = jnp.zeros((c * H * W,), dtype=patches.dtype).at[flat.reshape(-1)].add(ones.reshape(-1))
    vid = vid.reshape(1, c, H, W)
    wvid = wvid.reshape(1, c, H, W)  # computed like in the torch module, but vid is returned
    return vid

if __name__ == "__main__":
    import jax
    _d = setup_inputs()
    print(jax.jit(kernel)(*tuple(_d.values())))

</pallas_src>

<mosaic_0001>
#map = affine_map<(d0, d1) -> (0, 0)>
#map1 = affine_map<(d0, d1) -> (0)>
module attributes {stable_mosaic.version = 14 : i64} {
  func.func @_sc_body(%arg0: i32, %arg1: i32, %arg2: memref<3145728x16xf32, #tpu.memory_space<hbm>>, %arg3: memref<65536xi32, #tpu.memory_space<hbm>>, %arg4: memref<32x24576xf32, #tpu.memory_space<hbm>>, %arg5: memref<8192xi32, #tpu.memory_space<vmem>>, %arg6: memref<8208xi32, #tpu.memory_space<vmem>>, %arg7: memref<8208xi32, #tpu.memory_space<vmem>>, %arg8: memref<2816xi32, #tpu.memory_space<vmem>>, %arg9: memref<2832xi32, #tpu.memory_space<vmem>>, %arg10: memref<2816x16xf32, #tpu.memory_space<vmem>>, %arg11: memref<24592xf32, #tpu.memory_space<vmem>>, %arg12: memref<!tpu.dma_semaphore, #tpu.memory_space<semaphore_mem>>) attributes {dimension_semantics = [#tpu.dimension_semantics<core_parallel>, #tpu.dimension_semantics<subcore_parallel>], iteration_bounds = array<i64: 2, 16>, scalar_prefetch = 0 : i64, scratch_operands = 8 : i64, tpu.core_type = #tpu.core_type<sc_vector_subcore>, window_params = [{transform_indices = #map}, {transform_indices = #map1}, {transform_indices = #map}]} {
    %mul3A = arith.constant 16 : i32
    %mul3A_0 = arith.muli %arg0, %mul3A : i32
    %add3A = arith.addi %mul3A_0, %arg1 : i32
    %iota3A = tpu.iota {dimensions = array<i32: 0>} : vector<16xi32>
    %broadcast_in_dim3A = arith.constant 0.000000e+00 : f32
    %broadcast_in_dim3A_1 = vector.broadcast %broadcast_in_dim3A : f32 to vector<16xf32>
    %scan3A = arith.constant 0 : i32
    %scan3A_2 = arith.constant 0 : i32
    %scan3A_3 = arith.constant 1537 : i32
    %scan3A_4 = arith.addi %scan3A_2, %scan3A_3 : i32
    %scan3A_5 = arith.constant 1 : i32
    scf.for %scan3A_22 = %scan3A_2 to %scan3A_4 step %scan3A_5  : i32 {
      %mul3A_23 = arith.constant 16 : i32
      %mul3A_24 = arith.muli %scan3A_22, %mul3A_23 : i32
      %swap3A = arith.index_cast %mul3A_24 : i32 to index
      %swap3A_25 = tpu.vector_load %arg11[%swap3A] {strides = array<i32>} : memref<24592xf32, #tpu.memory_space<vmem>>, vector<16xf32>,
      tpu.vector_store %arg11[%swap3A], %broadcast_in_dim3A_1 {strides = array<i32>} : memref<24592xf32, #tpu.memory_space<vmem>>, vector<16xf32>,
    }
    %scan3A_6 = arith.constant 1537 : i32
    %scan3A_7 = arith.constant 0 : i32
    %scan3A_8 = arith.constant 0 : i32
    %scan3A_9 = arith.constant 176 : i32
    %scan3A_10 = arith.addi %scan3A_8, %scan3A_9 : i32
    %scan3A_11 = arith.constant 1 : i32
    scf.for %scan3A_22 = %scan3A_8 to %scan3A_10 step %scan3A_11  : i32 {
      %mul3A_23 = arith.constant 0 : i32
      %mul3A_24 = vector.broadcast %mul3A_23 : i32 to vector<16xi32>
      %mul3A_25 = arith.muli %iota3A, %mul3A_24 : vector<16xi32>
      %mul3A_26 = arith.constant 16 : i32
      %mul3A_27 = arith.muli %scan3A_22, %mul3A_26 : i32
      %swap3A = arith.index_cast %mul3A_27 : i32 to index
      %swap3A_28 = tpu.vector_load %arg8[%swap3A] {strides = array<i32>} : memref<2816xi32, #tpu.memory_space<vmem>>, vector<16xi32>,
      tpu.vector_store %arg8[%swap3A], %mul3A_25 {strides = array<i32>} : memref<2816xi32, #tpu.memory_space<vmem>>, vector<16xi32>,
    }
    %scan3A_12 = arith.constant 176 : i32
    %scan3A_13 = arith.constant 0 : i32
    %scan3A_14 = arith.constant 0 : i32
    %scan3A_15 = arith.constant 8 : i32
    %scan3A_16 = arith.addi %scan3A_14, %scan3A_15 : i32
    %scan3A_17 = arith.constant 1 : i32
    %scan3A_18 = scf.for %scan3A_22 = %scan3A_14 to %scan3A_16 step %scan3A_17 iter_args(%scan3A_23 = %scan3A_13) -> (i32)  : i32 {
      %mul3A_24 = arith.constant 8192 : i32
      %mul3A_25 = arith.muli %scan3A_22, %mul3A_24 : i32
      %dma_start3A = tpu.memref_slice %arg3[%mul3A_25] : memref<65536xi32, #tpu.memory_space<hbm>> -> memref<8192xi32, #tpu.memory_space<hbm>>
      %dma_start3A_26 = tpu.memref_slice %arg3[%mul3A_25] : memref<65536xi32, #tpu.memory_space<hbm>> -> memref<8192xi32, #tpu.memory_space<hbm>>
      tpu.enqueue_dma source(%dma_start3A_26 : memref<8192xi32, #tpu.memory_space<hbm>>) target(%arg5 : memref<8192xi32, #tpu.memory_space<vmem>>) target_semaphore(%arg12 : memref<!tpu.dma_semaphore, #tpu.memory_space<semaphore_mem>>)
      %dma_wait3A = tpu.memref_slice %arg3[%mul3A_25] : memref<65536xi32, #tpu.memory_space<hbm>> -> memref<8192xi32, #tpu.memory_space<hbm>>
      %dma_wait3A_27 = tpu.memref_slice %arg3[%mul3A_25] : memref<65536xi32, #tpu.memory_space<hbm>> -> memref<8192xi32, #tpu.memory_space<hbm>>
      tpu.wait_dma2 semaphore(%arg12 : memref<!tpu.dma_semaphore, #tpu.memory_space<semaphore_mem>>) src(%dma_wait3A_27 : memref<8192xi32, #tpu.memory_space<hbm>>) dst(%arg5 : memref<8192xi32, #tpu.memory_space<vmem>>)
      %scan3A_28 = arith.constant 0 : i32
      %scan3A_29 = arith.constant 0 : i32
      %scan3A_30 = arith.constant 512 : i32
      %scan3A_31 = arith.addi %scan3A_29, %scan3A_30 : i32
      %scan3A_32 = arith.constant 1 : i32
      %scan3A_33 = scf.for %scan3A_51 = %scan3A_29 to %scan3A_31 step %scan3A_32 iter_args(%scan3A_52 = %scan3A_28) -> (i32)  : i32 {
        %mul3A_53 = arith.constant 16 : i32
        %mul3A_54 = arith.muli %scan3A_51, %mul3A_53 : i32
        %get3A = arith.index_cast %mul3A_54 : i32 to index
        %get3A_55 = tpu.vector_load %arg5[%get3A] {strides = array<i32>} : memref<8192xi32, #tpu.memory_space<vmem>>, vector<16xi32>,
        %shift_right_logical3A = arith.constant 9 : i32
        %shift_right_logical3A_56 = vector.broadcast %shift_right_logical3A : i32 to vector<16xi32>
        %shift_right_logical3A_57 = arith.shrui %get3A_55, %shift_right_logical3A_56 : vector<16xi32>
        %mul3A_58 = arith.constant 16 : i32
        %mul3A_59 = arith.muli %add3A, %mul3A_58 : i32
        %sub3A = arith.constant 15 : i32
        %sub3A_60 = arith.subi %mul3A_59, %sub3A : i32
        %ge3A = vector.broadcast %sub3A_60 : i32 to vector<16xi32>
        %ge3A_61 = arith.cmpi sge, %shift_right_logical3A_57, %ge3A : vector<16xi32>
        %mul3A_62 = arith.constant 16 : i32
        %mul3A_63 = arith.muli %add3A, %mul3A_62 : i32
        %add3A_64 = arith.constant 15 : i32
        %add3A_65 = arith.addi %mul3A_63, %add3A_64 : i32
        %le3A = vector.broadcast %add3A_65 : i32 to vector<16xi32>
        %le3A_66 = arith.cmpi sle, %shift_right_logical3A_57, %le3A : vector<16xi32>
        %and3A = arith.andi %ge3A_61, %le3A_66 : vector<16xi1>
        %swap3A_67 = arith.index_cast %scan3A_52 : i32 to index
        %swap3A_68 = tpu.vector_load %arg6[%swap3A_67] masked %and3A {strides = array<i32>} : memref<8208xi32, #tpu.memory_space<vmem>>, vector<16xi32>, vector<16xi1>
        tpu.vector_store %arg6[%swap3A_67], %get3A_55 masked %and3A {strides = array<i32>} : memref<8208xi32, #tpu.memory_space<vmem>>, vector<16xi32>, vector<16xi1>
        %mul3A_69 = arith.constant 8192 : i32
        %mul3A_70 = arith.muli %scan3A_22, %mul3A_69 : i32
        %add3A_71 = vector.broadcast %mul3A_70 : i32 to vector<16xi32>
        %add3A_72 = arith.addi %iota3A, %add3A_71 : vector<16xi32>
        %mul3A_73 = arith.constant 16 : i32
        %mul3A_74 = arith.muli %scan3A_51, %mul3A_73 : i32
        %add3A_75 = vector.broadcast %mul3A_74 : i32 to vector<16xi32>
        %add3A_76 = arith.addi %add3A_72, %add3A_75 : vector<16xi32>
        %swap3A_77 = arith.index_cast %scan3A_52 : i32 to index
        %swap3A_78 = tpu.vector_load %arg7[%swap3A_77] masked %and3A {strides = array<i32>} : memref<8208xi32, #tpu.memory_space<vmem>>, vector<16xi32>, vector<16xi1>
        tpu.vector_store %arg7[%swap3A_77], %add3A_76 masked %and3A {strides = array<i32>} : memref<8208xi32, #tpu.memory_space<vmem>>, vector<16xi32>, vector<16xi1>
        %all_reduce_population_count3A = tpu.all_reduce %and3A {dim = 0 : i64, kind = #tpu.reduction_kind<sum>} : vector<16xi1> -> vector<16xi32>
        %slice3A = vector.extract_strided_slice %all_reduce_population_count3A {offsets = [0], sizes = [1], strides = [1]} : vector<16xi32> to vector<1xi32>
        %squeeze3A = vector.extract %slice3A[0] : i32 from vector<1xi32>
        %add3A_79 = arith.addi %scan3A_52, %squeeze3A : i32
        scf.yield %add3A_79 : i32
      }
      %scan3A_34 = arith.constant 512 : i32
      %broadcast_in_dim3A_35 = arith.constant 4194304 : i32
      %broadcast_in_dim3A_36 = vector.broadcast %broadcast_in_dim3A_35 : i32 to vector<16xi32>
      %swap3A = arith.index_cast %scan3A_33 : i32 to index
      %swap3A_37 = tpu.vector_load %arg6[%swap3A] {strides = array<i32>} : memref<8208xi32, #tpu.memory_space<vmem>>, vector<16xi32>,
      tpu.vector_store %arg6[%swap3A], %broadcast_in_dim3A_36 {strides = array<i32>} : memref<8208xi32, #tpu.memory_space<vmem>>, vector<16xi32>,
      %add3A_38 = arith.constant 15 : i32
      %add3A_39 = arith.addi %scan3A_33, %add3A_38 : i32
      %shift_right_arithmetic3A = arith.constant 4 : i32
      %shift_right_arithmetic3A_40 = arith.shrsi %add3A_39, %shift_right_arithmetic3A : i32
      %while3A = arith.constant 0 : i32
      %while3A_41 = arith.subi %shift_right_arithmetic3A_40, %while3A : i32
      %while3A_42 = arith.addi %while3A, %while3A_41 : i32
      %while3A_43 = arith.constant 1 : i32
      %while3A_44 = arith.divsi %while3A_41, %while3A_43 : i32
      %while3A_45 = arith.muli %while3A_44, %while3A_43 : i32
      %while3A_46 = arith.addi %while3A, %while3A_45 : i32
      %while3A_47 = arith.constant 1 : i32
      %while3A_48 = scf.for %while3A_51 = %while3A to %while3A_46 step %while3A_47 iter_args(%while3A_52 = %scan3A_23) -> (i32)  : i32 {
        %ge3A = arith.constant 2048 : i32
        %ge3A_53 = arith.cmpi sge, %while3A_52, %ge3A : i32
        %convert_element_type3A_54 = arith.extui %ge3A_53 : i1 to i32
        %cond3A_55 = arith.constant 0 : i32
        %cond3A_56 = arith.cmpi ne, %convert_element_type3A_54, %cond3A_55 : i32
        %cond3A_57 = scf.if %cond3A_56 -> (i32) {
          %broadcast_in_dim3A_1028 = arith.constant 24576 : i32
          %broadcast_in_dim3A_1029 = vector.broadcast %broadcast_in_dim3A_1028 : i32 to vector<16xi32>
          %swap3A_1030 = arith.index_cast %while3A_52 : i32 to index
          %swap3A_1031 = tpu.vector_load %arg9[%swap3A_1030] {strides = array<i32>} : memref<2832xi32, #tpu.memory_space<vmem>>, vector<16xi32>,
          tpu.vector_store %arg9[%swap3A_1030], %broadcast_in_dim3A_1029 {strides = array<i32>} : memref<2832xi32, #tpu.memory_space<vmem>>, vector<16xi32>,
          %add3A_1032 = arith.constant 256 : i32
          %add3A_1033 = arith.addi %while3A_52, %add3A_1032 : i32
          %sub3A = arith.constant 1 : i32
          %sub3A_1034 = arith.subi %add3A_1033, %sub3A : i32
          %jit3A = arith.constant 256 : i32
          %div3A = arith.divsi %sub3A_1034, %jit3A : i32
          %sign3A = arith.constant 0 : i32
          %sign3A_1035 = arith.cmpi sgt, %sub3A_1034, %sign3A : i32
          %sign3A_1036 = arith.extui %sign3A_1035 : i1 to i32
          %sign3A_1037 = arith.constant 0 : i32
          %sign3A_1038 = arith.cmpi slt, %sub3A_1034, %sign3A_1037 : i32
          %sign3A_1039 = arith.extui %sign3A_1038 : i1 to i32
          %sign3A_1040 = arith.subi %sign3A_1036, %sign3A_1039 : i32
          %sign3A_1041 = arith.constant 0 : i32
          %sign3A_1042 = arith.cmpi sgt, %jit3A, %sign3A_1041 : i32
          %sign3A_1043 = arith.extui %sign3A_1042 : i1 to i32
          %sign3A_1044 = arith.constant 0 : i32
          %sign3A_1045 = arith.cmpi slt, %jit3A, %sign3A_1044 : i32
          %sign3A_1046 = arith.extui %sign3A_1045 : i1 to i32
          %sign3A_1047 = arith.subi %sign3A_1043, %sign3A_1046 : i32
          %ne3A = arith.cmpi ne, %sign3A_1040, %sign3A_1047 : i32
          %rem3A = arith.remsi %sub3A_1034, %jit3A : i32
          %ne3A_1048 = arith.constant 0 : i32
          %ne3A_1049 = arith.cmpi ne, %rem3A, %ne3A_1048 : i32
          %and3A_1050 = arith.andi %ne3A, %ne3A_1049 : i1
          %sub3A_1051 = arith.constant 1 : i32
          %sub3A_1052 = arith.subi %div3A, %sub3A_1051 : i32
          %select_n3A = arith.select %and3A_1050, %sub3A_1052, %div3A : i32
          %while3A_1053 = arith.constant 0 : i32
          %while3A_1054 = arith.constant 0 : i32
          %while3A_1055 = arith.subi %select_n3A, %while3A_1054 : i32
          %while3A_1056 = arith.addi %while3A_1054, %while3A_1055 : i32
          %while3A_1057 = arith.constant 1 : i32
          %while3A_1058 = arith.divsi %while3A_1055, %while3A_1057 : i32
          %while3A_1059 = arith.muli %while3A_1058, %while3A_1057 : i32
          %while3A_1060 = arith.addi %while3A_1054, %while3A_1059 : i32
          %while3A_1061 = arith.constant 1 : i32
          scf.for %while3A_1110 = %while3A_1054 to %while3A_1060 step %while3A_1061  : i32 {
            %mul3A_1111 = arith.constant 256 : i32
            %mul3A_1112 = arith.muli %while3A_1110, %mul3A_1111 : i32
            %mul3A_1113 = arith.constant 256 : i32
            %mul3A_1114 = arith.muli %while3A_1110, %mul3A_1113 : i32
            %dma_start3A_1115 = arith.constant 0 : i32
            %dma_start3A_1116 = tpu.memref_slice %arg10[%mul3A_1114, %dma_start3A_1115] : memref<2816x16xf32, #tpu.memory_space<vmem>> -> memref<256x16xf32, #tpu.memory_space<vmem>>
            %dma_start3A_1117 = tpu.memref_slice %arg8[%mul3A_1112] : memref<2816xi32, #tpu.memory_space<vmem>> -> memref<256xi32, #tpu.memory_space<vmem>>
            %dma_start3A_1118 = arith.constant 0 : i32
            %dma_start3A_1119 = arith.constant 0 : i32
            %dma_start3A_1120 = tpu.memref_slice %arg2[%dma_start3A_1118, %dma_start3A_1119] : memref<3145728x16xf32, #tpu.memory_space<hbm>> -> memref<3145728x16xf32, #tpu.memory_space<hbm>>
            tpu.enqueue_indirect_dma source(%dma_start3A_1120 : memref<3145728x16xf32, #tpu.memory_space<hbm>>) target(%dma_start3A_1116 : memref<256x16xf32, #tpu.memory_space<vmem>>) offsets(%dma_start3A_1117 : memref<256xi32, #tpu.memory_space<vmem>>) semaphore(%arg12 : memref<!tpu.dma_semaphore, #tpu.memory_space<semaphore_mem>>)
          }
          %while3A_1062 = arith.constant 1 : i32
          scf.for %while3A_1110 = %while3A_1060 to %while3A_1056 step %while3A_1062  : i32 {
            %mul3A_1111 = arith.constant 256 : i32
            %mul3A_1112 = arith.muli %while3A_1110, %mul3A_1111 : i32
            %mul3A_1113 = arith.constant 256 : i32
            %mul3A_1114 = arith.muli %while3A_1110, %mul3A_1113 : i32
            %dma_start3A_1115 = arith.constant 0 : i32
            %dma_start3A_1116 = tpu.memref_slice %arg10[%mul3A_1114, %dma_start3A_1115] : memref<2816x16xf32, #tpu.memory_space<vmem>> -> memref<256x16xf32, #tpu.memory_space<vmem>>
            %dma_start3A_1117 = tpu.memref_slice %arg8[%mul3A_1112] : memref<2816xi32, #tpu.memory_space<vmem>> -> memref<256xi32, #tpu.memory_space<vmem>>
            %dma_start3A_1118 = arith.constant 0 : i32
            %dma_start3A_1119 = arith.constant 0 : i32
            %dma_start3A_1120 = tpu.memref_slice %arg2[%dma_start3A_1118, %dma_start3A_1119] : memref<3145728x16xf32, #tpu.memory_space<hbm>> -> memref<3145728x16xf32, #tpu.memory_space<hbm>>
            tpu.enqueue_indirect_dma source(%dma_start3A_1120 : memref<3145728x16xf32, #tpu.memory_space<hbm>>) target(%dma_start3A_1116 : memref<256x16xf32, #tpu.memory_space<vmem>>) offsets(%dma_start3A_1117 : memref<256xi32, #tpu.memory_space<vmem>>) semaphore(%arg12 : memref<!tpu.dma_semaphore, #tpu.memory_space<semaphore_mem>>)
          }
          %while3A_1063 = arith.constant 0 : i32
          %while3A_1064 = arith.constant 0 : i32
          %while3A_1065 = arith.subi %select_n3A, %while3A_1064 : i32
          %while3A_1066 = arith.addi %while3A_1064, %while3A_1065 : i32
          %while3A_1067 = arith.constant 1 : i32
          %while3A_1068 = arith.divsi %while3A_1065, %while3A_1067 : i32
          %while3A_1069 = arith.muli %while3A_1068, %while3A_1067 : i32
          %while3A_1070 = arith.addi %while3A_1064, %while3A_1069 : i32
          %while3A_1071 = arith.constant 1 : i32
          scf.for %while3A_1110 = %while3A_1064 to %while3A_1070 step %while3A_1071  : i32 {
            %dma_wait3A_1111 = arith.constant 0 : i32
            %dma_wait3A_1112 = arith.constant 0 : i32
            %dma_wait3A_1113 = tpu.memref_slice %arg10[%dma_wait3A_1111, %dma_wait3A_1112] : memref<2816x16xf32, #tpu.memory_space<vmem>> -> memref<256x16xf32, #tpu.memory_space<vmem>>
            %dma_wait3A_1114 = arith.constant 0 : i32
            %dma_wait3A_1115 = tpu.memref_slice %arg8[%dma_wait3A_1114] : memref<2816xi32, #tpu.memory_space<vmem>> -> memref<256xi32, #tpu.memory_space<vmem>>
            %dma_wait3A_1116 = arith.constant 0 : i32
            %dma_wait3A_1117 = arith.constant 0 : i32
            %dma_wait3A_1118 = tpu.memref_slice %arg2[%dma_wait3A_1116, %dma_wait3A_1117] : memref<3145728x16xf32, #tpu.memory_space<hbm>> -> memref<3145728x16xf32, #tpu.memory_space<hbm>>
            tpu.wait_indirect_dma semaphore(%arg12 : memref<!tpu.dma_semaphore, #tpu.memory_space<semaphore_mem>>) src(%dma_wait3A_1118 : memref<3145728x16xf32, #tpu.memory_space<hbm>>) dst(%dma_wait3A_1113 : memref<256x16xf32, #tpu.memory_space<vmem>>)
          }
          %while3A_1072 = arith.constant 1 : i32
          scf.for %while3A_1110 = %while3A_1070 to %while3A_1066 step %while3A_1072  : i32 {
            %dma_wait3A_1111 = arith.constant 0 : i32
            %dma_wait3A_1112 = arith.constant 0 : i32
            %dma_wait3A_1113 = tpu.memref_slice %arg10[%dma_wait3A_1111, %dma_wait3A_1112] : memref<2816x16xf32, #tpu.memory_space<vmem>> -> memref<256x16xf32, #tpu.memory_space<vmem>>
            %dma_wait3A_1114 = arith.constant 0 : i32
            %dma_wait3A_1115 = tpu.memref_slice %arg8[%dma_wait3A_1114] : memref<2816xi32, #tpu.memory_space<vmem>> -> memref<256xi32, #tpu.memory_space<vmem>>
            %dma_wait3A_1116 = arith.constant 0 : i32
            %dma_wait3A_1117 = arith.constant 0 : i32
            %dma_wait3A_1118 = tpu.memref_slice %arg2[%dma_wait3A_1116, %dma_wait3A_1117] : memref<3145728x16xf32, #tpu.memory_space<hbm>> -> memref<3145728x16xf32, #tpu.memory_space<hbm>>
            tpu.wait_indirect_dma semaphore(%arg12 : memref<!tpu.dma_semaphore, #tpu.memory_space<semaphore_mem>>) src(%dma_wait3A_1118 : memref<3145728x16xf32, #tpu.memory_space<hbm>>) dst(%dma_wait3A_1113 : memref<256x16xf32, #tpu.memory_space<vmem>>)
          }
          %add3A_1073 = arith.constant 15 : i32
          %add3A_1074 = arith.addi %while3A_52, %add3A_1073 : i32
          %jit3A_1075 = arith.constant 16 : i32
          %div3A_1076 = arith.divsi %add3A_1074, %jit3A_1075 : i32
          %sign3A_1077 = arith.constant 0 : i32
          %sign3A_1078 = arith.cmpi sgt, %add3A_1074, %sign3A_1077 : i32
          %sign3A_1079 = arith.extui %sign3A_1078 : i1 to i32
          %sign3A_1080 = arith.constant 0 : i32
          %sign3A_1081 = arith.cmpi slt, %add3A_1074, %sign3A_1080 : i32
          %sign3A_1082 = arith.extui %sign3A_1081 : i1 to i32
          %sign3A_1083 = arith.subi %sign3A_1079, %sign3A_1082 : i32
          %sign3A_1084 = arith.constant 0 : i32
          %sign3A_1085 = arith.cmpi sgt, %jit3A_1075, %sign3A_1084 : i32
          %sign3A_1086 = arith.extui %sign3A_1085 : i1 to i32
          %sign3A_1087 = arith.constant 0 : i32
          %sign3A_1088 = arith.cmpi slt, %jit3A_1075, %sign3A_1087 : i32
          %sign3A_1089 = arith.extui %sign3A_1088 : i1 to i32
          %sign3A_1090 = arith.subi %sign3A_1086, %sign3A_1089 : i32
          %ne3A_1091 = arith.cmpi ne, %sign3A_1083, %sign3A_1090 : i32
          %rem3A_1092 = arith.remsi %add3A_1074, %jit3A_1075 : i32
          %ne3A_1093 = arith.constant 0 : i32
          %ne3A_1094 = arith.cmpi ne, %rem3A_1092, %ne3A_1093 : i32
          %and3A_1095 = arith.andi %ne3A_1091, %ne3A_1094 : i1
          %sub3A_1096 = arith.constant 1 : i32
          %sub3A_1097 = arith.subi %div3A_1076, %sub3A_1096 : i32
          %select_n3A_1098 = arith.select %and3A_1095, %sub3A_1097, %div3A_1076 : i32
          %while3A_1099 = arith.constant 0 : i32
          %while3A_1100 = arith.constant 0 : i32
          %while3A_1101 = arith.subi %select_n3A_1098, %while3A_1100 : i32
          %while3A_1102 = arith.addi %while3A_1100, %while3A_1101 : i32
          %while3A_1103 = arith.constant 1 : i32
          %while3A_1104 = arith.divsi %while3A_1101, %while3A_1103 : i32
          %while3A_1105 = arith.muli %while3A_1104, %while3A_1103 : i32
          %while3A_1106 = arith.addi %while3A_1100, %while3A_1105 : i32
          %while3A_1107 = arith.constant 1 : i32
          scf.for %while3A_1110 = %while3A_1100 to %while3A_1106 step %while3A_1107  : i32 {
            %mul3A_1111 = arith.constant 16 : i32
            %mul3A_1112 = arith.muli %while3A_1110, %mul3A_1111 : i32
            %get3A_1113 = arith.index_cast %mul3A_1112 : i32 to index
            %get3A_1114 = tpu.vector_load %arg9[%get3A_1113] {strides = array<i32>} : memref<2832xi32, #tpu.memory_space<vmem>>, vector<16xi32>,
            %mul3A_1115 = arith.constant 16 : i32
            %mul3A_1116 = arith.muli %while3A_1110, %mul3A_1115 : i32
            %add3A_1117 = vector.broadcast %mul3A_1116 : i32 to vector<16xi32>
            %add3A_1118 = arith.addi %iota3A, %add3A_1117 : vector<16xi32>
            %add3A_1119 = arith.constant 0 : i32
            %add3A_1120 = vector.broadcast %add3A_1119 : i32 to vector<16xi32>
            %add3A_1121 = arith.addi %iota3A, %add3A_1120 : vector<16xi32>
            %and3A_1122 = arith.constant 15 : i32
            %and3A_1123 = vector.broadcast %and3A_1122 : i32 to vector<16xi32>
            %and3A_1124 = arith.andi %add3A_1121, %and3A_1123 : vector<16xi32>
            %gather3A = tpu.vector_load_idx %arg10[%add3A_1118, %and3A_1124] : memref<2816x16xf32, #tpu.memory_space<vmem>>[vector<16xi32>, vector<16xi32>], vector<16xf32>,
            %add3A_1125 = arith.addi %get3A_1114, %and3A_1124 : vector<16xi32>
            tpu.vector_store_idx %arg11[%add3A_1125], %gather3A {add = true} : memref<24592xf32, #tpu.memory_space<vmem>>[vector<16xi32>], vector<16xf32>,
            %add3A_1126 = arith.constant 1 : i32
            %add3A_1127 = vector.broadcast %add3A_1126 : i32 to vector<16xi32>
            %add3A_1128 = arith.addi %iota3A, %add3A_1127 : vector<16xi32>
            %and3A_1129 = arith.constant 15 : i32
            %and3A_1130 = vector.broadcast %and3A_1129 : i32 to vector<16xi32>
            %and3A_1131 = arith.andi %add3A_1128, %and3A_1130 : vector<16xi32>
            %gather3A_1132 = tpu.vector_load_idx %arg10[%add3A_1118, %and3A_1131] : memref<2816x16xf32, #tpu.memory_space<vmem>>[vector<16xi32>, vector<16xi32>], vector<16xf32>,
            %add3A_1133 = arith.addi %get3A_1114, %and3A_1131 : vector<16xi32>
            tpu.vector_store_idx %arg11[%add3A_1133], %gather3A_1132 {add = true} : memref<24592xf32, #tpu.memory_space<vmem>>[vector<16xi32>], vector<16xf32>,
            %add3A_1134 = arith.constant 2 : i32
            %add3A_1135 = vector.broadcast %add3A_1134 : i32 to vector<16xi32>
            %add3A_1136 = arith.addi %iota3A, %add3A_1135 : vector<16xi32>
            %and3A_1137 = arith.constant 15 : i32
            %and3A_1138 = vector.broadcast %and3A_1137 : i32 to vector<16xi32>
            %and3A_1139 = arith.andi %add3A_1136, %and3A_1138 : vector<16xi32>
            %gather3A_1140 = tpu.vector_load_idx %arg10[%add3A_1118, %and3A_1139] : memref<2816x16xf32, #tpu.memory_space<vmem>>[vector<16xi32>, vector<16xi32>], vector<16xf32>,
            %add3A_1141 = arith.addi %get3A_1114, %and3A_1139 : vector<16xi32>
            tpu.vector_store_idx %arg11[%add3A_1141], %gather3A_1140 {add = true} : memref<24592xf32, #tpu.memory_space<vmem>>[vector<16xi32>], vector<16xf32>,
            %add3A_1142 = arith.constant 3 : i32
            %add3A_1143 = vector.broadcast %add3A_1142 : i32 to vector<16xi32>
            %add3A_1144 = arith.addi %iota3A, %add3A_1143 : vector<16xi32>
            %and3A_1145 = arith.constant 15 : i32
            %and3A_1146 = vector.broadcast %and3A_1145 : i32 to vector<16xi32>
            %and3A_1147 = arith.andi %add3A_1144, %and3A_1146 : vector<16xi32>
            %gather3A_1148 = tpu.vector_load_idx %arg10[%add3A_1118, %and3A_1147] : memref<2816x16xf32, #tpu.memory_space<vmem>>[vector<16xi32>, vector<16xi32>], vector<16xf32>,
            %add3A_1149 = arith.addi %get3A_1114, %and3A_1147 : vector<16xi32>
            tpu.vector_store_idx %arg11[%add3A_1149], %gather3A_1148 {add = true} : memref<24592xf32, #tpu.memory_space<vmem>>[vector<16xi32>], vector<16xf32>,
            %add3A_1150 = arith.constant 4 : i32
            %add3A_1151 = vector.broadcast %add3A_1150 : i32 to vector<16xi32>
            %add3A_1152 = arith.addi %iota3A, %add3A_1151 : vector<16xi32>
            %and3A_1153 = arith.constant 15 : i32
            %and3A_1154 = vector.broadcast %and3A_1153 : i32 to vector<16xi32>
            %and3A_1155 = arith.andi %add3A_1152, %and3A_1154 : vector<16xi32>
            %gather3A_1156 = tpu.vector_load_idx %arg10[%add3A_1118, %and3A_1155] : memref<2816x16xf32, #tpu.memory_space<vmem>>[vector<16xi32>, vector<16xi32>], vector<16xf32>,
            %add3A_1157 = arith.addi %get3A_1114, %and3A_1155 : vector<16xi32>
            tpu.vector_store_idx %arg11[%add3A_1157], %gather3A_1156 {add = true} : memref<24592xf32, #tpu.memory_space<vmem>>[vector<16xi32>], vector<16xf32>,
            %add3A_1158 = arith.constant 5 : i32
            %add3A_1159 = vector.broadcast %add3A_1158 : i32 to vector<16xi32>
            %add3A_1160 = arith.addi %iota3A, %add3A_1159 : vector<16xi32>
            %and3A_1161 = arith.constant 15 : i32
            %and3A_1162 = vector.broadcast %and3A_1161 : i32 to vector<16xi32>
            %and3A_1163 = arith.andi %add3A_1160, %and3A_1162 : vector<16xi32>
            %gather3A_1164 = tpu.vector_load_idx %arg10[%add3A_1118, %and3A_1163] : memref<2816x16xf32, #tpu.memory_space<vmem>>[vector<16xi32>, vector<16xi32>], vector<16xf32>,
            %add3A_1165 = arith.addi %get3A_1114, %and3A_1163 : vector<16xi32>
            tpu.vector_store_idx %arg11[%add3A_1165], %gather3A_1164 {add = true} : memref<24592xf32, #tpu.memory_space<vmem>>[vector<16xi32>], vector<16xf32>,
            %add3A_1166 = arith.constant 6 : i32
            %add3A_1167 = vector.broadcast %add3A_1166 : i32 to vector<16xi32>
            %add3A_1168 = arith.addi %iota3A, %add3A_1167 : vector<16xi32>
            %and3A_1169 = arith.constant 15 : i32
            %and3A_1170 = vector.broadcast %and3A_1169 : i32 to vector<16xi32>
            %and3A_1171 = arith.andi %add3A_1168, %and3A_1170 : vector<16xi32>
            %gather3A_1172 = tpu.vector_load_idx %arg10[%add3A_1118, %and3A_1171] : memref<2816x16xf32, #tpu.memory_space<vmem>>[vector<16xi32>, vector<16xi32>], vector<16xf32>,
            %add3A_1173 = arith.addi %get3A_1114, %and3A_1171 : vector<16xi32>
            tpu.vector_store_idx %arg11[%add3A_1173], %gather3A_1172 {add = true} : memref<24592xf32, #tpu.memory_space<vmem>>[vector<16xi32>], vector<16xf32>,
            %add3A_1174 = arith.constant 7 : i32
            %add3A_1175 = vector.broadcast %add3A_1174 : i32 to vector<16xi32>
            %add3A_1176 = arith.addi %iota3A, %add3A_1175 : vector<16xi32>
            %and3A_1177 = arith.constant 15 : i32
            %and3A_1178 = vector.broadcast %and3A_1177 : i32 to vector<16xi32>
            %and3A_1179 = arith.andi %add3A_1176, %and3A_1178 : vector<16xi32>
            %gather3A_1180 = tpu.vector_load_idx %arg10[%add3A_1118, %and3A_1179] : memref<2816x16xf32, #tpu.memory_space<vmem>>[vector<16xi32>, vector<16xi32>], vector<16xf32>,
            %add3A_1181 = arith.addi %get3A_1114, %and3A_1179 : vector<16xi32>
            tpu.vector_store_idx %arg11[%add3A_1181], %gather3A_1180 {add = true} : memref<24592xf32, #tpu.memory_space<vmem>>[vector<16xi32>], vector<16xf32>,
            %add3A_1182 = arith.constant 8 : i32
            %add3A_1183 = vector.broadcast %add3A_1182 : i32 to vector<16xi32>
            %add3A_1184 = arith.addi %iota3A, %add3A_1183 : vector<16xi32>
            %and3A_1185 = arith.constant 15 : i32
            %and3A_1186 = vector.broadcast %and3A_1185 : i32 to vector<16xi32>
            %and3A_1187 = arith.andi %add3A_1184, %and3A_1186 : vector<16xi32>
            %gather3A_1188 = tpu.vector_load_idx %arg10[%add3A_1118, %and3A_1187] : memref<2816x16xf32, #tpu.memory_space<vmem>>[vector<16xi32>, vector<16xi32>], vector<16xf32>,
            %add3A_1189 = arith.addi %get3A_1114, %and3A_1187 : vector<16xi32>
            tpu.vector_store_idx %arg11[%add3A_1189], %gather3A_1188 {add = true} : memref<24592xf32, #tpu.memory_space<vmem>>[vector<16xi32>], vector<16xf32>,
            %add3A_1190 = arith.constant 9 : i32
            %add3A_1191 = vector.broadcast %add3A_1190 : i32 to vector<16xi32>
            %add3A_1192 = arith.addi %iota3A, %add3A_1191 : vector<16xi32>
            %and3A_1193 = arith.constant 15 : i32
            %and3A_1194 = vector.broadcast %and3A_1193 : i32 to vector<16xi32>
            %and3A_1195 = arith.andi %add3A_1192, %and3A_1194 : vector<16xi32>
            %gather3A_1196 = tpu.vector_load_idx %arg10[%add3A_1118, %and3A_1195] : memref<2816x16xf32, #tpu.memory_space<vmem>>[vector<16xi32>, vector<16xi32>], vector<16xf32>,
            %add3A_1197 = arith.addi %get3A_1114, %and3A_1195 : vector<16xi32>
            tpu.vector_store_idx %arg11[%add3A_1197], %gather3A_1196 {add = true} : memref<24592xf32, #tpu.memory_space<vmem>>[vector<16xi32>], vector<16xf32>,
            %add3A_1198 = arith.constant 10 : i32
            %add3A_1199 = vector.broadcast %add3A_1198 : i32 to vector<16xi32>
            %add3A_1200 = arith.addi %iota3A, %add3A_1199 : vector<16xi32>
            %and3A_1201 = arith.constant 15 : i32
            %and3A_1202 = vector.broadcast %and3A_1201 : i32 to vector<16xi32>
            %and3A_1203 = arith.andi %add3A_1200, %and3A_1202 : vector<16xi32>
            %gather3A_1204 = tpu.vector_load_idx %arg10[%add3A_1118, %and3A_1203] : memref<2816x16xf32, #tpu.memory_space<vmem>>[vector<16xi32>, vector<16xi32>], vector<16xf32>,
            %add3A_1205 = arith.addi %get3A_1114, %and3A_1203 : vector<16xi32>
            tpu.vector_store_idx %arg11[%add3A_1205], %gather3A_1204 {add = true} : memref<24592xf32, #tpu.memory_space<vmem>>[vector<16xi32>], vector<16xf32>,
            %add3A_1206 = arith.constant 11 : i32
            %add3A_1207 = vector.broadcast %add3A_1206 : i32 to vector<16xi32>
            %add3A_1208 = arith.addi %iota3A, %add3A_1207 : vector<16xi32>
            %and3A_1209 = arith.constant 15 : i32
            %and3A_1210 = vector.broadcast %and3A_1209 : i32 to vector<16xi32>
            %and3A_1211 = arith.andi %add3A_1208, %and3A_1210 : vector<16xi32>
            %gather3A_1212 = tpu.vector_load_idx %arg10[%add3A_1118, %and3A_1211] : memref<2816x16xf32, #tpu.memory_space<vmem>>[vector<16xi32>, vector<16xi32>], vector<16xf32>,
            %add3A_1213 = arith.addi %get3A_1114, %and3A_1211 : vector<16xi32>
            tpu.vector_store_idx %arg11[%add3A_1213], %gather3A_1212 {add = true} : memref<24592xf32, #tpu.memory_space<vmem>>[vector<16xi32>], vector<16xf32>,
            %add3A_1214 = arith.constant 12 : i32
            %add3A_1215 = vector.broadcast %add3A_1214 : i32 to vector<16xi32>
            %add3A_1216 = arith.addi %iota3A, %add3A_1215 : vector<16xi32>
            %and3A_1217 = arith.constant 15 : i32
            %and3A_1218 = vector.broadcast %and3A_1217 : i32 to vector<16xi32>
            %and3A_1219 = arith.andi %add3A_1216, %and3A_1218 : vector<16xi32>
            %gather3A_1220 = tpu.vector_load_idx %arg10[%add3A_1118, %and3A_1219] : memref<2816x16xf32, #tpu.memory_space<vmem>>[vector<16xi32>, vector<16xi32>], vector<16xf32>,
            %add3A_1221 = arith.addi %get3A_1114, %and3A_1219 : vector<16xi32>
            tpu.vector_store_idx %arg11[%add3A_1221], %gather3A_1220 {add = true} : memref<24592xf32, #tpu.memory_space<vmem>>[vector<16xi32>], vector<16xf32>,
            %add3A_1222 = arith.constant 13 : i32
            %add3A_1223 = vector.broadcast %add3A_1222 : i32 to vector<16xi32>
            %add3A_1224 = arith.addi %iota3A, %add3A_1223 : vector<16xi32>
            %and3A_1225 = arith.constant 15 : i32
            %and3A_1226 = vector.broadcast %and3A_1225 : i32 to vector<16xi32>
            %and3A_1227 = arith.andi %add3A_1224, %and3A_1226 : vector<16xi32>
            %gather3A_1228 = tpu.vector_load_idx %arg10[%add3A_1118, %and3A_1227] : memref<2816x16xf32, #tpu.memory_space<vmem>>[vector<16xi32>, vector<16xi32>], vector<16xf32>,
            %add3A_1229 = arith.addi %get3A_1114, %and3A_1227 : vector<16xi32>
            tpu.vector_store_idx %arg11[%add3A_1229], %gather3A_1228 {add = true} : memref<24592xf32, #tpu.memory_space<vmem>>[vector<16xi32>], vector<16xf32>,
            %add3A_1230 = arith.constant 14 : i32
            %add3A_1231 = vector.broadcast %add3A_1230 : i32 to vector<16xi32>
            %add3A_1232 = arith.addi %iota3A, %add3A_1231 : vector<16xi32>
            %and3A_1233 = arith.constant 15 : i32
            %and3A_1234 = vector.broadcast %and3A_1233 : i32 to vector<16xi32>
            %and3A_1235 = arith.andi %add3A_1232, %and3A_1234 : vector<16xi32>
            %gather3A_1236 = tpu.vector_load_idx %arg10[%add3A_1118, %and3A_1235] : memref<2816x16xf32, #tpu.memory_space<vmem>>[vector<16xi32>, vector<16xi32>], vector<16xf32>,
            %add3A_1237 = arith.addi %get3A_1114, %and3A_1235 : vector<16xi32>
            tpu.vector_store_idx %arg11[%add3A_1237], %gather3A_1236 {add = true} : memref<24592xf32, #tpu.memory_space<vmem>>[vector<16xi32>], vector<16xf32>,
            %add3A_1238 = arith.constant 15 : i32
            %add3A_1239 = vector.broadcast %add3A_1238 : i32 to vector<16xi32>
            %add3A_1240 = arith.addi %iota3A, %add3A_1239 : vector<16xi32>
            %and3A_1241 = arith.constant 15 : i32
            %and3A_1242 = vector.broadcast %and3A_1241 : i32 to vector<16xi32>
            %and3A_1243 = arith.andi %add3A_1240, %and3A_1242 : vector<16xi32>
            %gather3A_1244 = tpu.vector_load_idx %arg10[%add3A_1118, %and3A_1243] : memref<2816x16xf32, #tpu.memory_space<vmem>>[vector<16xi32>, vector<16xi32>], vector<16xf32>,
            %add3A_1245 = arith.addi %get3A_1114, %and3A_1243 : vector<16xi32>
            tpu.vector_store_idx %arg11[%add3A_1245], %gather3A_1244 {add = true} : memref<24592xf32, #tpu.memory_space<vmem>>[vector<16xi32>], vector<16xf32>,
          }
          %while3A_1108 = arith.constant 1 : i32
          scf.for %while3A_1110 = %while3A_1106 to %while3A_1102 step %while3A_1108  : i32 {
            %mul3A_1111 = arith.constant 16 : i32
            %mul3A_1112 = arith.muli %while3A_1110, %mul3A_1111 : i32
            %get3A_1113 = arith.index_cast %mul3A_1112 : i32 to index
            %get3A_1114 = tpu.vector_load %arg9[%get3A_1113] {strides = array<i32>} : memref<2832xi32, #tpu.memory_space<vmem>>, vector<16xi32>,
            %mul3A_1115 = arith.constant 16 : i32
            %mul3A_1116 = arith.muli %while3A_1110, %mul3A_1115 : i32
            %add3A_1117 = vector.broadcast %mul3A_1116 : i32 to vector<16xi32>
            %add3A_1118 = arith.addi %iota3A, %add3A_1117 : vector<16xi32>
            %add3A_1119 = arith.constant 0 : i32
            %add3A_1120 = vector.broadcast %add3A_1119 : i32 to vector<16xi32>
            %add3A_1121 = arith.addi %iota3A, %add3A_1120 : vector<16xi32>
            %and3A_1122 = arith.constant 15 : i32
            %and3A_1123 = vector.broadcast %and3A_1122 : i32 to vector<16xi32>
            %and3A_1124 = arith.andi %add3A_1121, %and3A_1123 : vector<16xi32>
            %gather3A = tpu.vector_load_idx %arg10[%add3A_1118, %and3A_1124] : memref<2816x16xf32, #tpu.memory_space<vmem>>[vector<16xi32>, vector<16xi32>], vector<16xf32>,
            %add3A_1125 = arith.addi %get3A_1114, %and3A_1124 : vector<16xi32>
            tpu.vector_store_idx %arg11[%add3A_1125], %gather3A {add = true} : memref<24592xf32, #tpu.memory_space<vmem>>[vector<16xi32>], vector<16xf32>,
            %add3A_1126 = arith.constant 1 : i32
            %add3A_1127 = vector.broadcast %add3A_1126 : i32 to vector<16xi32>
            %add3A_1128 = arith.addi %iota3A, %add3A_1127 : vector<16xi32>
            %and3A_1129 = arith.constant 15 : i32
            %and3A_1130 = vector.broadcast %and3A_1129 : i32 to vector<16xi32>
            %and3A_1131 = arith.andi %add3A_1128, %and3A_1130 : vector<16xi32>
            %gather3A_1132 = tpu.vector_load_idx %arg10[%add3A_1118, %and3A_1131] : memref<2816x16xf32, #tpu.memory_space<vmem>>[vector<16xi32>, vector<16xi32>], vector<16xf32>,
            %add3A_1133 = arith.addi %get3A_1114, %and3A_1131 : vector<16xi32>
            tpu.vector_store_idx %arg11[%add3A_1133], %gather3A_1132 {add = true} : memref<24592xf32, #tpu.memory_space<vmem>>[vector<16xi32>], vector<16xf32>,
            %add3A_1134 = arith.constant 2 : i32
            %add3A_1135 = vector.broadcast %add3A_1134 : i32 to vector<16xi32>
            %add3A_1136 = arith.addi %iota3A, %add3A_1135 : vector<16xi32>
            %and3A_1137 = arith.constant 15 : i32
            %and3A_1138 = vector.broadcast %and3A_1137 : i32 to vector<16xi32>
            %and3A_1139 = arith.andi %add3A_1136, %and3A_1138 : vector<16xi32>
            %gather3A_1140 = tpu.vector_load_idx %arg10[%add3A_1118, %and3A_1139] : memref<2816x16xf32, #tpu.memory_space<vmem>>[vector<16xi32>, vector<16xi32>], vector<16xf32>,
            %add3A_1141 = arith.addi %get3A_1114, %and3A_1139 : vector<16xi32>
            tpu.vector_store_idx %arg11[%add3A_1141], %gather3A_1140 {add = true} : memref<24592xf32, #tpu.memory_space<vmem>>[vector<16xi32>], vector<16xf32>,
            %add3A_1142 = arith.constant 3 : i32
            %add3A_1143 = vector.broadcast %add3A_1142 : i32 to vector<16xi32>
            %add3A_1144 = arith.addi %iota3A, %add3A_1143 : vector<16xi32>
            %and3A_1145 = arith.constant 15 : i32
            %and3A_1146 = vector.broadcast %and3A_1145 : i32 to vector<16xi32>
            %and3A_1147 = arith.andi %add3A_1144, %and3A_1146 : vector<16xi32>
            %gather3A_1148 = tpu.vector_load_idx %arg10[%add3A_1118, %and3A_1147] : memref<2816x16xf32, #tpu.memory_space<vmem>>[vector<16xi32>, vector<16xi32>], vector<16xf32>,
            %add3A_1149 = arith.addi %get3A_1114, %and3A_1147 : vector<16xi32>
            tpu.vector_store_idx %arg11[%add3A_1149], %gather3A_1148 {add = true} : memref<24592xf32, #tpu.memory_space<vmem>>[vector<16xi32>], vector<16xf32>,
            %add3A_1150 = arith.constant 4 : i32
            %add3A_1151 = vector.broadcast %add3A_1150 : i32 to vector<16xi32>
            %add3A_1152 = arith.addi %iota3A, %add3A_1151 : vector<16xi32>
            %and3A_1153 = arith.constant 15 : i32
            %and3A_1154 = vector.broadcast %and3A_1153 : i32 to vector<16xi32>
            %and3A_1155 = arith.andi %add3A_1152, %and3A_1154 : vector<16xi32>
            %gather3A_1156 = tpu.vector_load_idx %arg10[%add3A_1118, %and3A_1155] : memref<2816x16xf32, #tpu.memory_space<vmem>>[vector<16xi32>, vector<16xi32>], vector<16xf32>,
            %add3A_1157 = arith.addi %get3A_1114, %and3A_1155 : vector<16xi32>
            tpu.vector_store_idx %arg11[%add3A_1157], %gather3A_1156 {add = true} : memref<24592xf32, #tpu.memory_space<vmem>>[vector<16xi32>], vector<16xf32>,
            %add3A_1158 = arith.constant 5 : i32
            %add3A_1159 = vector.broadcast %add3A_1158 : i32 to vector<16xi32>
            %add3A_1160 = arith.addi %iota3A, %add3A_1159 : vector<16xi32>
            %and3A_1161 = arith.constant 15 : i32
            %and3A_1162 = vector.broadcast %and3A_1161 : i32 to vector<16xi32>
            %and3A_1163 = arith.andi %add3A_1160, %and3A_1162 : vector<16xi32>
            %gather3A_1164 = tpu.vector_load_idx %arg10[%add3A_1118, %and3A_1163] : memref<2816x16xf32, #tpu.memory_space<vmem>>[vector<16xi32>, vector<16xi32>], vector<16xf32>,
            %add3A_1165 = arith.addi %get3A_1114, %and3A_1163 : vector<16xi32>
            tpu.vector_store_idx %arg11[%add3A_1165], %gather3A_1164 {add = true} : memref<24592xf32, #tpu.memory_space<vmem>>[vector<16xi32>], vector<16xf32>,
            %add3A_1166 = arith.constant 6 : i32
            %add3A_1167 = vector.broadcast %add3A_1166 : i32 to vector<16xi32>
            %add3A_1168 = arith.addi %iota3A, %add3A_1167 : vector<16xi32>
            %and3A_1169 = arith.constant 15 : i32
            %and3A_1170 = vector.broadcast %and3A_1169 : i32 to vector<16xi32>
            %and3A_1171 = arith.andi %add3A_1168, %and3A_1170 : vector<16xi32>
            %gather3A_1172 = tpu.vector_load_idx %arg10[%add3A_1118, %and3A_1171] : memref<2816x16xf32, #tpu.memory_space<vmem>>[vector<16xi32>, vector<16xi32>], vector<16xf32>,
            %add3A_1173 = arith.addi %get3A_1114, %and3A_1171 : vector<16xi32>
            tpu.vector_store_idx %arg11[%add3A_1173], %gather3A_1172 {add = true} : memref<24592xf32, #tpu.memory_space<vmem>>[vector<16xi32>], vector<16xf32>,
            %add3A_1174 = arith.constant 7 : i32
            %add3A_1175 = vector.broadcast %add3A_1174 : i32 to vector<16xi32>
            %add3A_1176 = arith.addi %iota3A, %add3A_1175 : vector<16xi32>
            %and3A_1177 = arith.constant 15 : i32
            %and3A_1178 = vector.broadcast %and3A_1177 : i32 to vector<16xi32>
            %and3A_1179 = arith.andi %add3A_1176, %and3A_1178 : vector<16xi32>
            %gather3A_1180 = tpu.vector_load_idx %arg10[%add3A_1118, %and3A_1179] : memref<2816x16xf32, #tpu.memory_space<vmem>>[vector<16xi32>, vector<16xi32>], vector<16xf32>,
            %add3A_1181 = arith.addi %get3A_1114, %and3A_1179 : vector<16xi32>
            tpu.vector_store_idx %arg11[%add3A_1181], %gather3A_1180 {add = true} : memref<24592xf32, #tpu.memory_space<vmem>>[vector<16xi32>], vector<16xf32>,
            %add3A_1182 = arith.constant 8 : i32
            %add3A_1183 = vector.broadcast %add3A_1182 : i32 to vector<16xi32>
            %add3A_1184 = arith.addi %iota3A, %add3A_1183 : vector<16xi32>
            %and3A_1185 = arith.constant 15 : i32
            %and3A_1186 = vector.broadcast %and3A_1185 : i32 to vector<16xi32>
            %and3A_1187 = arith.andi %add3A_1184, %and3A_1186 : vector<16xi32>
            %gather3A_1188 = tpu.vector_load_idx %arg10[%add3A_1118, %and3A_1187] : memref<2816x16xf32, #tpu.memory_space<vmem>>[vector<16xi32>, vector<16xi32>], vector<16xf32>,
            %add3A_1189 = arith.addi %get3A_1114, %and3A_1187 : vector<16xi32>
            tpu.vector_store_idx %arg11[%add3A_1189], %gather3A_1188 {add = true} : memref<24592xf32, #tpu.memory_space<vmem>>[vector<16xi32>], vector<16xf32>,
            %add3A_1190 = arith.constant 9 : i32
            %add3A_1191 = vector.broadcast %add3A_1190 : i32 to vector<16xi32>
            %add3A_1192 = arith.addi %iota3A, %add3A_1191 : vector<16xi32>
            %and3A_1193 = arith.constant 15 : i32
            %and3A_1194 = vector.broadcast %and3A_1193 : i32 to vector<16xi32>
            %and3A_1195 = arith.andi %add3A_1192, %and3A_1194 : vector<16xi32>
            %gather3A_1196 = tpu.vector_load_idx %arg10[%add3A_1118, %and3A_1195] : memref<2816x16xf32, #tpu.memory_space<vmem>>[vector<16xi32>, vector<16xi32>], vector<16xf32>,
            %add3A_1197 = arith.addi %get3A_1114, %and3A_1195 : vector<16xi32>
            tpu.vector_store_idx %arg11[%add3A_1197], %gather3A_1196 {add = true} : memref<24592xf32, #tpu.memory_space<vmem>>[vector<16xi32>], vector<16xf32>,
            %add3A_1198 = arith.constant 10 : i32
            %add3A_1199 = vector.broadcast %add3A_1198 : i32 to vector<16xi32>
            %add3A_1200 = arith.addi %iota3A, %add3A_1199 : vector<16xi32>
            %and3A_1201 = arith.constant 15 : i32
            %and3A_1202 = vector.broadcast %and3A_1201 : i32 to vector<16xi32>
            %and3A_1203 = arith.andi %add3A_1200, %and3A_1202 : vector<16xi32>
            %gather3A_1204 = tpu.vector_load_idx %arg10[%add3A_1118, %and3A_1203] : memref<2816x16xf32, #tpu.memory_space<vmem>>[vector<16xi32>, vector<16xi32>], vector<16xf32>,
            %add3A_1205 = arith.addi %get3A_1114, %and3A_1203 : vector<16xi32>
            tpu.vector_store_idx %arg11[%add3A_1205], %gather3A_1204 {add = true} : memref<24592xf32, #tpu.memory_space<vmem>>[vector<16xi32>], vector<16xf32>,
            %add3A_1206 = arith.constant 11 : i32
            %add3A_1207 = vector.broadcast %add3A_1206 : i32 to vector<16xi32>
            %add3A_1208 = arith.addi %iota3A, %add3A_1207 : vector<16xi32>
            %and3A_1209 = arith.constant 15 : i32
            %and3A_1210 = vector.broadcast %and3A_1209 : i32 to vector<16xi32>
            %and3A_1211 = arith.andi %add3A_1208, %and3A_1210 : vector<16xi32>
            %gather3A_1212 = tpu.vector_load_idx %arg10[%add3A_1118, %and3A_1211] : memref<2816x16xf32, #tpu.memory_space<vmem>>[vector<16xi32>, vector<16xi32>], vector<16xf32>,
            %add3A_1213 = arith.addi %get3A_1114, %and3A_1211 : vector<16xi32>
            tpu.vector_store_idx %arg11[%add3A_1213], %gather3A_1212 {add = true} : memref<24592xf32, #tpu.memory_space<vmem>>[vector<16xi32>], vector<16xf32>,
            %add3A_1214 = arith.constant 12 : i32
            %add3A_1215 = vector.broadcast %add3A_1214 : i32 to vector<16xi32>
            %add3A_1216 = arith.addi %iota3A, %add3A_1215 : vector<16xi32>
            %and3A_1217 = arith.constant 15 : i32
            %and3A_1218 = vector.broadcast %and3A_1217 : i32 to vector<16xi32>
            %and3A_1219 = arith.andi %add3A_1216, %and3A_1218 : vector<16xi32>
            %gather3A_1220 = tpu.vector_load_idx %arg10[%add3A_1118, %and3A_1219] : memref<2816x16xf32, #tpu.memory_space<vmem>>[vector<16xi32>, vector<16xi32>], vector<16xf32>,
            %add3A_1221 = arith.addi %get3A_1114, %and3A_1219 : vector<16xi32>
            tpu.vector_store_idx %arg11[%add3A_1221], %gather3A_1220 {add = true} : memref<24592xf32, #tpu.memory_space<vmem>>[vector<16xi32>], vector<16xf32>,
            %add3A_1222 = arith.constant 13 : i32
            %add3A_1223 = vector.broadcast %add3A_1222 : i32 to vector<16xi32>
            %add3A_1224 = arith.addi %iota3A, %add3A_1223 : vector<16xi32>
            %and3A_1225 = arith.constant 15 : i32
            %and3A_1226 = vector.broadcast %and3A_1225 : i32 to vector<16xi32>
            %and3A_1227 = arith.andi %add3A_1224, %and3A_1226 : vector<16xi32>
            %gather3A_1228 = tpu.vector_load_idx %arg10[%add3A_1118, %and3A_1227] : memref<2816x16xf32, #tpu.memory_space<vmem>>[vector<16xi32>, vector<16xi32>], vector<16xf32>,
            %add3A_1229 = arith.addi %get3A_1114, %and3A_1227 : vector<16xi32>
            tpu.vector_store_idx %arg11[%add3A_1229], %gather3A_1228 {add = true} : memref<24592xf32, #tpu.memory_space<vmem>>[vector<16xi32>], vector<16xf32>,
            %add3A_1230 = arith.constant 14 : i32
            %add3A_1231 = vector.broadcast %add3A_1230 : i32 to vector<16xi32>
            %add3A_1232 = arith.addi %iota3A, %add3A_1231 : vector<16xi32>
            %and3A_1233 = arith.constant 15 : i32
            %and3A_1234 = vector.broadcast %and3A_1233 : i32 to vector<16xi32>
            %and3A_1235 = arith.andi %add3A_1232, %and3A_1234 : vector<16xi32>
            %gather3A_1236 = tpu.vector_load_idx %arg10[%add3A_1118, %and3A_1235] : memref<2816x16xf32, #tpu.memory_space<vmem>>[vector<16xi32>, vector<16xi32>], vector<16xf32>,
            %add3A_1237 = arith.addi %get3A_1114, %and3A_1235 : vector<16xi32>
            tpu.vector_store_idx %arg11[%add3A_1237], %gather3A_1236 {add = true} : memref<24592xf32, #tpu.memory_space<vmem>>[vector<16xi32>], vector<16xf32>,
            %add3A_1238 = arith.constant 15 : i32
            %add3A_1239 = vector.broadcast %add3A_1238 : i32 to vector<16xi32>
            %add3A_1240 = arith.addi %iota3A, %add3A_1239 : vector<16xi32>
            %and3A_1241 = arith.constant 15 : i32
            %and3A_1242 = vector.broadcast %and3A_1241 : i32 to vector<16xi32>
            %and3A_1243 = arith.andi %add3A_1240, %and3A_1242 : vector<16xi32>
            %gather3A_1244 = tpu.vector_load_idx %arg10[%add3A_1118, %and3A_1243] : memref<2816x16xf32, #tpu.memory_space<vmem>>[vector<16xi32>, vector<16xi32>], vector<16xf32>,
            %add3A_1245 = arith.addi %get3A_1114, %and3A_1243 : vector<16xi32>
            tpu.vector_store_idx %arg11[%add3A_1245], %gather3A_1244 {add = true} : memref<24592xf32, #tpu.memory_space<vmem>>[vector<16xi32>], vector<16xf32>,
          }
          %cond3A_1109 = arith.constant 0 : i32
          scf.yield %cond3A_1109 : i32
        } else {
          scf.yield %while3A_52 : i32
        }
        %mul3A_58 = arith.constant 16 : i32
        %mul3A_59 = arith.muli %while3A_51, %mul3A_58 : i32
        %get3A = arith.index_cast %mul3A_59 : i32 to index
        %get3A_60 = tpu.vector_load %arg6[%get3A] {strides = array<i32>} : memref<8208xi32, #tpu.memory_space<vmem>>, vector<16xi32>,
        %mul3A_61 = arith.constant 16 : i32
        %mul3A_62 = arith.muli %while3A_51, %mul3A_61 : i32
        %get3A_63 = arith.index_cast %mul3A_62 : i32 to index
        %get3A_64 = tpu.vector_load %arg7[%get3A_63] {strides = array<i32>} : memref<8208xi32, #tpu.memory_space<vmem>>, vector<16xi32>,
        %shift_right_logical3A = arith.constant 9 : i32
        %shift_right_logical3A_65 = vector.broadcast %shift_right_logical3A : i32 to vector<16xi32>
        %shift_right_logical3A_66 = arith.shrui %get3A_60, %shift_right_logical3A_65 : vector<16xi32>
        %and3A = arith.constant 511 : i32
        %and3A_67 = vector.broadcast %and3A : i32 to vector<16xi32>
        %and3A_68 = arith.andi %get3A_60, %and3A_67 : vector<16xi32>
        %mul3A_69 = arith.constant 48 : i32
        %mul3A_70 = vector.broadcast %mul3A_69 : i32 to vector<16xi32>
        %mul3A_71 = arith.muli %get3A_64, %mul3A_70 : vector<16xi32>
        %add3A_72 = arith.constant 0 : i32
        %add3A_73 = vector.broadcast %add3A_72 : i32 to vector<16xi32>
        %add3A_74 = arith.addi %shift_right_logical3A_66, %add3A_73 : vector<16xi32>
        %shift_right_logical3A_75 = arith.constant 4 : i32
        %shift_right_logical3A_76 = vector.broadcast %shift_right_logical3A_75 : i32 to vector<16xi32>
        %shift_right_logical3A_77 = arith.shrui %add3A_74, %shift_right_logical3A_76 : vector<16xi32>
        %eq3A = vector.broadcast %add3A : i32 to vector<16xi32>
        %eq3A_78 = arith.cmpi eq, %shift_right_logical3A_77, %eq3A : vector<16xi32>
        %and3A_79 = arith.constant 15 : i32
        %and3A_80 = vector.broadcast %and3A_79 : i32 to vector<16xi32>
        %and3A_81 = arith.andi %add3A_74, %and3A_80 : vector<16xi32>
        %mul3A_82 = arith.constant 512 : i32
        %mul3A_83 = vector.broadcast %mul3A_82 : i32 to vector<16xi32>
        %mul3A_84 = arith.muli %and3A_81, %mul3A_83 : vector<16xi32>
        %add3A_85 = arith.addi %mul3A_84, %and3A_68 : vector<16xi32>
        %all_reduce_population_count3A = tpu.all_reduce %eq3A_78 {dim = 0 : i64, kind = #tpu.reduction_kind<sum>} : vector<16xi1> -> vector<16xi32>
        %slice3A = vector.extract_strided_slice %all_reduce_population_count3A {offsets = [0], sizes = [1], strides = [1]} : vector<16xi32> to vector<1xi32>
        %squeeze3A = vector.extract %slice3A[0] : i32 from vector<1xi32>
        %mul3A_86 = arith.constant 0 : i32
        %mul3A_87 = arith.muli %mul3A_86, %squeeze3A : i32
        %add3A_88 = arith.addi %cond3A_57, %mul3A_87 : i32
        %add3A_89 = arith.constant 0 : i32
        %add3A_90 = vector.broadcast %add3A_89 : i32 to vector<16xi32>
        %add3A_91 = arith.addi %mul3A_71, %add3A_90 : vector<16xi32>
        %swap3A_92 = arith.index_cast %add3A_88 : i32 to index
        %swap3A_93 = tpu.vector_load %arg8[%swap3A_92] masked %eq3A_78 {strides = array<i32>} : memref<2816xi32, #tpu.memory_space<vmem>>, vector<16xi32>, vector<16xi1>
        tpu.vector_store %arg8[%swap3A_92], %add3A_91 masked %eq3A_78 {strides = array<i32>} : memref<2816xi32, #tpu.memory_space<vmem>>, vector<16xi32>, vector<16xi1>
        %add3A_94 = arith.constant 0 : i32
        %add3A_95 = vector.broadcast %add3A_94 : i32 to vector<16xi32>
        %add3A_96 = arith.addi %add3A_85, %add3A_95 : vector<16xi32>
        %swap3A_97 = arith.index_cast %add3A_88 : i32 to index
        %swap3A_98 = tpu.vector_load %arg9[%swap3A_97] masked %eq3A_78 {strides = array<i32>} : memref<2832xi32, #tpu.memory_space<vmem>>, vector<16xi32>, vector<16xi1>
        tpu.vector_store %arg9[%swap3A_97], %add3A_96 masked %eq3A_78 {strides = array<i32>} : memref<2832xi32, #tpu.memory_space<vmem>>, vector<16xi32>, vector<16xi1>
        %mul3A_99 = arith.constant 1 : i32
        %mul3A_100 = arith.muli %mul3A_99, %squeeze3A : i32
        %add3A_101 = arith.addi %cond3A_57, %mul3A_100 : i32
        %add3A_102 = arith.constant 16 : i32
        %add3A_103 = vector.broadcast %add3A_102 : i32 to vector<16xi32>
        %add3A_104 = arith.addi %mul3A_71, %add3A_103 : vector<16xi32>
        %swap3A_105 = arith.index_cast %add3A_101 : i32 to index
        %swap3A_106 = tpu.vector_load %arg8[%swap3A_105] masked %eq3A_78 {strides = array<i32>} : memref<2816xi32, #tpu.memory_space<vmem>>, vector<16xi32>, vector<16xi1>
        tpu.vector_store %arg8[%swap3A_105], %add3A_104 masked %eq3A_78 {strides = array<i32>} : memref<2816xi32, #tpu.memory_space<vmem>>, vector<16xi32>, vector<16xi1>
        %add3A_107 = arith.constant 8192 : i32
        %add3A_108 = vector.broadcast %add3A_107 : i32 to vector<16xi32>
        %add3A_109 = arith.addi %add3A_85, %add3A_108 : vector<16xi32>
        %swap3A_110 = arith.index_cast %add3A_101 : i32 to index
        %swap3A_111 = tpu.vector_load %arg9[%swap3A_110] masked %eq3A_78 {strides = array<i32>} : memref<2832xi32, #tpu.memory_space<vmem>>, vector<16xi32>, vector<16xi1>
        tpu.vector_store %arg9[%swap3A_110], %add3A_109 masked %eq3A_78 {strides = array<i32>} : memref<2832xi32, #tpu.memory_space<vmem>>, vector<16xi32>, vector<16xi1>
        %mul3A_112 = arith.constant 2 : i32
        %mul3A_113 = arith.muli %mul3A_112, %squeeze3A : i32
        %add3A_114 = arith.addi %cond3A_57, %mul3A_113 : i32
        %add3A_115 = arith.constant 32 : i32
        %add3A_116 = vector.broadcast %add3A_115 : i32 to vector<16xi32>
        %add3A_117 = arith.addi %mul3A_71, %add3A_116 : vector<16xi32>
        %swap3A_118 = arith.index_cast %add3A_114 : i32 to index
        %swap3A_119 = tpu.vector_load %arg8[%swap3A_118] masked %eq3A_78 {strides = array<i32>} : memref<2816xi32, #tpu.memory_space<vmem>>, vector<16xi32>, vector<16xi1>
        tpu.vector_store %arg8[%swap3A_118], %add3A_117 masked %eq3A_78 {strides = array<i32>} : memref<2816xi32, #tpu.memory_space<vmem>>, vector<16xi32>, vector<16xi1>
        %add3A_120 = arith.constant 16384 : i32
        %add3A_121 = vector.broadcast %add3A_120 : i32 to vector<16xi32>
        %add3A_122 = arith.addi %add3A_85, %add3A_121 : vector<16xi32>
        %swap3A_123 = arith.index_cast %add3A_114 : i32 to index
        %swap3A_124 = tpu.vector_load %arg9[%swap3A_123] masked %eq3A_78 {strides = array<i32>} : memref<2832xi32, #tpu.memory_space<vmem>>, vector<16xi32>, vector<16xi1>
        tpu.vector_store %arg9[%swap3A_123], %add3A_122 masked %eq3A_78 {strides = array<i32>} : memref<2832xi32, #tpu.memory_space<vmem>>, vector<16xi32>, vector<16xi1>
        %mul3A_125 = arith.constant 3 : i32
        %mul3A_126 = arith.muli %mul3A_125, %squeeze3A : i32
        %add3A_127 = arith.addi %cond3A_57, %mul3A_126 : i32
        %add3A_128 = arith.constant 1 : i32
        %add3A_129 = vector.broadcast %add3A_128 : i32 to vector<16xi32>
        %add3A_130 = arith.addi %shift_right_logical3A_66, %add3A_129 : vector<16xi32>
        %shift_right_logical3A_131 = arith.constant 4 : i32
        %shift_right_logical3A_132 = vector.broadcast %shift_right_logical3A_131 : i32 to vector<16xi32>
        %shift_right_logical3A_133 = arith.shrui %add3A_130, %shift_right_logical3A_132 : vector<16xi32>
        %eq3A_134 = vector.broadcast %add3A : i32 to vector<16xi32>
        %eq3A_135 = arith.cmpi eq, %shift_right_logical3A_133, %eq3A_134 : vector<16xi32>
        %and3A_136 = arith.constant 15 : i32
        %and3A_137 = vector.broadcast %and3A_136 : i32 to vector<16xi32>
        %and3A_138 = arith.andi %add3A_130, %and3A_137 : vector<16xi32>
        %mul3A_139 = arith.constant 512 : i32
        %mul3A_140 = vector.broadcast %mul3A_139 : i32 to vector<16xi32>
        %mul3A_141 = arith.muli %and3A_138, %mul3A_140 : vector<16xi32>
        %add3A_142 = arith.addi %mul3A_141, %and3A_68 : vector<16xi32>
        %all_reduce_population_count3A_143 = tpu.all_reduce %eq3A_135 {dim = 0 : i64, kind = #tpu.reduction_kind<sum>} : vector<16xi1> -> vector<16xi32>
        %slice3A_144 = vector.extract_strided_slice %all_reduce_population_count3A_143 {offsets = [0], sizes = [1], strides = [1]} : vector<16xi32> to vector<1xi32>
        %squeeze3A_145 = vector.extract %slice3A_144[0] : i32 from vector<1xi32>
        %mul3A_146 = arith.constant 0 : i32
        %mul3A_147 = arith.muli %mul3A_146, %squeeze3A_145 : i32
        %add3A_148 = arith.addi %add3A_127, %mul3A_147 : i32
        %add3A_149 = arith.constant 1 : i32
        %add3A_150 = vector.broadcast %add3A_149 : i32 to vector<16xi32>
        %add3A_151 = arith.addi %mul3A_71, %add3A_150 : vector<16xi32>
        %swap3A_152 = arith.index_cast %add3A_148 : i32 to index
        %swap3A_153 = tpu.vector_load %arg8[%swap3A_152] masked %eq3A_135 {strides = array<i32>} : memref<2816xi32, #tpu.memory_space<vmem>>, vector<16xi32>, vector<16xi1>
        tpu.vector_store %arg8[%swap3A_152], %add3A_151 masked %eq3A_135 {strides = array<i32>} : memref<2816xi32, #tpu.memory_space<vmem>>, vector<16xi32>, vector<16xi1>
        %add3A_154 = arith.constant 0 : i32
        %add3A_155 = vector.broadcast %add3A_154 : i32 to vector<16xi32>
        %add3A_156 = arith.addi %add3A_142, %add3A_155 : vector<16xi32>
        %swap3A_157 = arith.index_cast %add3A_148 : i32 to index
        %swap3A_158 = tpu.vector_load %arg9[%swap3A_157] masked %eq3A_135 {strides = array<i32>} : memref<2832xi32, #tpu.memory_space<vmem>>, vector<16xi32>, vector<16xi1>
        tpu.vector_store %arg9[%swap3A_157], %add3A_156 masked %eq3A_135 {strides = array<i32>} : memref<2832xi32, #tpu.memory_space<vmem>>, vector<16xi32>, vector<16xi1>
        %mul3A_159 = arith.constant 1 : i32
        %mul3A_160 = arith.muli %mul3A_159, %squeeze3A_145 : i32
        %add3A_161 = arith.addi %add3A_127, %mul3A_160 : i32
        %add3A_162 = arith.constant 17 : i32
        %add3A_163 = vector.broadcast %add3A_162 : i32 to vector<16xi32>
        %add3A_164 = arith.addi %mul3A_71, %add3A_163 : vector<16xi32>
        %swap3A_165 = arith.index_cast %add3A_161 : i32 to index
        %swap3A_166 = tpu.vector_load %arg8[%swap3A_165] masked %eq3A_135 {strides = array<i32>} : memref<2816xi32, #tpu.memory_space<vmem>>, vector<16xi32>, vector<16xi1>
        tpu.vector_store %arg8[%swap3A_165], %add3A_164 masked %eq3A_135 {strides = array<i32>} : memref<2816xi32, #tpu.memory_space<vmem>>, vector<16xi32>, vector<16xi1>
        %add3A_167 = arith.constant 8192 : i32
        %add3A_168 = vector.broadcast %add3A_167 : i32 to vector<16xi32>
        %add3A_169 = arith.addi %add3A_142, %add3A_168 : vector<16xi32>
        %swap3A_170 = arith.index_cast %add3A_161 : i32 to index
        %swap3A_171 = tpu.vector_load %arg9[%swap3A_170] masked %eq3A_135 {strides = array<i32>} : memref<2832xi32, #tpu.memory_space<vmem>>, vector<16xi32>, vector<16xi1>
        tpu.vector_store %arg9[%swap3A_170], %add3A_169 masked %eq3A_135 {strides = array<i32>} : memref<2832xi32, #tpu.memory_space<vmem>>, vector<16xi32>, vector<16xi1>
        %mul3A_172 = arith.constant 2 : i32
        %mul3A_173 = arith.muli %mul3A_172, %squeeze3A_145 : i32
        %add3A_174 = arith.addi %add3A_127, %mul3A_173 : i32
        %add3A_175 = arith.constant 33 : i32
        %add3A_176 = vector.broadcast %add3A_175 : i32 to vector<16xi32>
        %add3A_177 = arith.addi %mul3A_71, %add3A_176 : vector<16xi32>
        %swap3A_178 = arith.index_cast %add3A_174 : i32 to index
        %swap3A_179 = tpu.vector_load %arg8[%swap3A_178] masked %eq3A_135 {strides = array<i32>} : memref<2816xi32, #tpu.memory_space<vmem>>, vector<16xi32>, vector<16xi1>
        tpu.vector_store %arg8[%swap3A_178], %add3A_177 masked %eq3A_135 {strides = array<i32>} : memref<2816xi32, #tpu.memory_space<vmem>>, vector<16xi32>, vector<16xi1>
        %add3A_180 = arith.constant 16384 : i32
        %add3A_181 = vector.broadcast %add3A_180 : i32 to vector<16xi32>
        %add3A_182 = arith.addi %add3A_142, %add3A_181 : vector<16xi32>
        %swap3A_183 = arith.index_cast %add3A_174 : i32 to index
        %swap3A_184 = tpu.vector_load %arg9[%swap3A_183] masked %eq3A_135 {strides = array<i32>} : memref<2832xi32, #tpu.memory_space<vmem>>, vector<16xi32>, vector<16xi1>
        tpu.vector_store %arg9[%swap3A_183], %add3A_182 masked %eq3A_135 {strides = array<i32>} : memref<2832xi32, #tpu.memory_space<vmem>>, vector<16xi32>, vector<16xi1>
        %mul3A_185 = arith.constant 3 : i32
        %mul3A_186 = arith.muli %mul3A_185, %squeeze3A_145 : i32
        %add3A_187 = arith.addi %add3A_127, %mul3A_186 : i32
        %add3A_188 = arith.constant 2 : i32
        %add3A_189 = vector.broadcast %add3A_188 : i32 to vector<16xi32>
        %add3A_190 = arith.addi %shift_right_logical3A_66, %add3A_189 : vector<16xi32>
        %shift_right_logical3A_191 = arith.constant 4 : i32
        %shift_right_logical3A_192 = vector.broadcast %shift_right_logical3A_191 : i32 to vector<16xi32>
        %shift_right_logical3A_193 = arith.shrui %add3A_190, %shift_right_logical3A_192 : vector<16xi32>
        %eq3A_194 = vector.broadcast %add3A : i32 to vector<16xi32>
        %eq3A_195 = arith.cmpi eq, %shift_right_logical3A_193, %eq3A_194 : vector<16xi32>
        %and3A_196 = arith.constant 15 : i32
        %and3A_197 = vector.broadcast %and3A_196 : i32 to vector<16xi32>
        %and3A_198 = arith.andi %add3A_190, %and3A_197 : vector<16xi32>
        %mul3A_199 = arith.constant 512 : i32
        %mul3A_200 = vector.broadcast %mul3A_199 : i32 to vector<16xi32>
        %mul3A_201 = arith.muli %and3A_198, %mul3A_200 : vector<16xi32>
        %add3A_202 = arith.addi %mul3A_201, %and3A_68 : vector<16xi32>
        %all_reduce_population_count3A_203 = tpu.all_reduce %eq3A_195 {dim = 0 : i64, kind = #tpu.reduction_kind<sum>} : vector<16xi1> -> vector<16xi32>
        %slice3A_204 = vector.extract_strided_slice %all_reduce_population_count3A_203 {offsets = [0], sizes = [1], strides = [1]} : vector<16xi32> to vector<1xi32>
        %squeeze3A_205 = vector.extract %slice3A_204[0] : i32 from vector<1xi32>
        %mul3A_206 = arith.constant 0 : i32
        %mul3A_207 = arith.muli %mul3A_206, %squeeze3A_205 : i32
        %add3A_208 = arith.addi %add3A_187, %mul3A_207 : i32
        %add3A_209 = arith.constant 2 : i32
        %add3A_210 = vector.broadcast %add3A_209 : i32 to vector<16xi32>
        %add3A_211 = arith.addi %mul3A_71, %add3A_210 : vector<16xi32>
        %swap3A_212 = arith.index_cast %add3A_208 : i32 to index
        %swap3A_213 = tpu.vector_load %arg8[%swap3A_212] masked %eq3A_195 {strides = array<i32>} : memref<2816xi32, #tpu.memory_space<vmem>>, vector<16xi32>, vector<16xi1>
        tpu.vector_store %arg8[%swap3A_212], %add3A_211 masked %eq3A_195 {strides = array<i32>} : memref<2816xi32, #tpu.memory_space<vmem>>, vector<16xi32>, vector<16xi1>
        %add3A_214 = arith.constant 0 : i32
        %add3A_215 = vector.broadcast %add3A_214 : i32 to vector<16xi32>
        %add3A_216 = arith.addi %add3A_202, %add3A_215 : vector<16xi32>
        %swap3A_217 = arith.index_cast %add3A_208 : i32 to index
        %swap3A_218 = tpu.vector_load %arg9[%swap3A_217] masked %eq3A_195 {strides = array<i32>} : memref<2832xi32, #tpu.memory_space<vmem>>, vector<16xi32>, vector<16xi1>
        tpu.vector_store %arg9[%swap3A_217], %add3A_216 masked %eq3A_195 {strides = array<i32>} : memref<2832xi32, #tpu.memory_space<vmem>>, vector<16xi32>, vector<16xi1>
        %mul3A_219 = arith.constant 1 : i32
        %mul3A_220 = arith.muli %mul3A_219, %squeeze3A_205 : i32
        %add3A_221 = arith.addi %add3A_187, %mul3A_220 : i32
        %add3A_222 = arith.constant 18 : i32
        %add3A_223 = vector.broadcast %add3A_222 : i32 to vector<16xi32>
        %add3A_224 = arith.addi %mul3A_71, %add3A_223 : vector<16xi32>
        %swap3A_225 = arith.index_cast %add3A_221 : i32 to index
        %swap3A_226 = tpu.vector_load %arg8[%swap3A_225] masked %eq3A_195 {strides = array<i32>} : memref<2816xi32, #tpu.memory_space<vmem>>, vector<16xi32>, vector<16xi1>
        tpu.vector_store %arg8[%swap3A_225], %add3A_224 masked %eq3A_195 {strides = array<i32>} : memref<2816xi32, #tpu.memory_space<vmem>>, vector<16xi32>, vector<16xi1>
        %add3A_227 = arith.constant 8192 : i32
        %add3A_228 = vector.broadcast %add3A_227 : i32 to vector<16xi32>
        %add3A_229 = arith.addi %add3A_202, %add3A_228 : vector<16xi32>
        %swap3A_230 = arith.index_cast %add3A_221 : i32 to index
        %swap3A_231 = tpu.vector_load %arg9[%swap3A_230] masked %eq3A_195 {strides = array<i32>} : memref<2832xi32, #tpu.memory_space<vmem>>, vector<16xi32>, vector<16xi1>
        tpu.vector_store %arg9[%swap3A_230], %add3A_229 masked %eq3A_195 {strides = array<i32>} : memref<2832xi32, #tpu.memory_space<vmem>>, vector<16xi32>, vector<16xi1>
        %mul3A_232 = arith.constant 2 : i32
        %mul3A_233 = arith.muli %mul3A_232, %squeeze3A_205 : i32
        %add3A_234 = arith.addi %add3A_187, %mul3A_233 : i32
        %add3A_235 = arith.constant 34 : i32
        %add3A_236 = vector.broadcast %add3A_235 : i32 to vector<16xi32>
        %add3A_237 = arith.addi %mul3A_71, %add3A_236 : vector<16xi32>
        %swap3A_238 = arith.index_cast %add3A_234 : i32 to index
        %swap3A_239 = tpu.vector_load %arg8[%swap3A_238] masked %eq3A_195 {strides = array<i32>} : memref<2816xi32, #tpu.memory_space<vmem>>, vector<16xi32>, vector<16xi1>
        tpu.vector_store %arg8[%swap3A_238], %add3A_237 masked %eq3A_195 {strides = array<i32>} : memref<2816xi32, #tpu.memory_space<vmem>>, vector<16xi32>, vector<16xi1>
        %add3A_240 = arith.constant 16384 : i32
        %add3A_241 = vector.broadcast %add3A_240 : i32 to vector<16xi32>
        %add3A_242 = arith.addi %add3A_202, %add3A_241 : vector<16xi32>
        %swap3A_243 = arith.index_cast %add3A_234 : i32 to index
        %swap3A_244 = tpu.vector_load %arg9[%swap3A_243] masked %eq3A_195 {strides = array<i32>} : memref<2832xi32, #tpu.memory_space<vmem>>, vector<16xi32>, vector<16xi1>
        tpu.vector_store %arg9[%swap3A_243], %add3A_242 masked %eq3A_195 {strides = array<i32>} : memref<2832xi32, #tpu.memory_space<vmem>>, vector<16xi32>, vector<16xi1>
        %mul3A_245 = arith.constant 3 : i32
        %mul3A_246 = arith.muli %mul3A_245, %squeeze3A_205 : i32
        %add3A_247 = arith.addi %add3A_187, %mul3A_246 : i32
        %add3A_248 = arith.constant 3 : i32
        %add3A_249 = vector.broadcast %add3A_248 : i32 to vector<16xi32>
        %add3A_250 = arith.addi %shift_right_logical3A_66, %add3A_249 : vector<16xi32>
        %shift_right_logical3A_251 = arith.constant 4 : i32
        %shift_right_logical3A_252 = vector.broadcast %shift_right_logical3A_251 : i32 to vector<16xi32>
        %shift_right_logical3A_253 = arith.shrui %add3A_250, %shift_right_logical3A_252 : vector<16xi32>
        %eq3A_254 = vector.broadcast %add3A : i32 to vector<16xi32>
        %eq3A_255 = arith.cmpi eq, %shift_right_logical3A_253, %eq3A_254 : vector<16xi32>
        %and3A_256 = arith.constant 15 : i32
        %and3A_257 = vector.broadcast %and3A_256 : i32 to vector<16xi32>
        %and3A_258 = arith.andi %add3A_250, %and3A_257 : vector<16xi32>
        %mul3A_259 = arith.constant 512 : i32
        %mul3A_260 = vector.broadcast %mul3A_259 : i32 to vector<16xi32>
        %mul3A_261 = arith.muli %and3A_258, %mul3A_260 : vector<16xi32>
        %add3A_262 = arith.addi %mul3A_261, %and3A_68 : vector<16xi32>
        %all_reduce_population_count3A_263 = tpu.all_reduce %eq3A_255 {dim = 0 : i64, kind = #tpu.reduction_kind<sum>} : vector<16xi1> -> vector<16xi32>
        %slice3A_264 = vector.extract_strided_slice %all_reduce_population_count3A_263 {offsets = [0], sizes = [1], strides = [1]} : vector<16xi32> to vector<1xi32>
        %squeeze3A_265 = vector.extract %slice3A_264[0] : i32 from vector<1xi32>
        %mul3A_266 = arith.constant 0 : i32
        %mul3A_267 = arith.muli %mul3A_266, %squeeze3A_265 : i32
        %add3A_268 = arith.addi %add3A_247, %mul3A_267 : i32
        %add3A_269 = arith.constant 3 : i32
        %add3A_270 = vector.broadcast %add3A_269 : i32 to vector<16xi32>
        %add3A_271 = arith.addi %mul3A_71, %add3A_270 : vector<16xi32>
        %swap3A_272 = arith.index_cast %add3A_268 : i32 to index
        %swap3A_273 = tpu.vector_load %arg8[%swap3A_272] masked %eq3A_255 {strides = array<i32>} : memref<2816xi32, #tpu.memory_space<vmem>>, vector<16xi32>, vector<16xi1>
        tpu.vector_store %arg8[%swap3A_272], %add3A_271 masked %eq3A_255 {strides = array<i32>} : memref<2816xi32, #tpu.memory_space<vmem>>, vector<16xi32>, vector<16xi1>
        %add3A_274 = arith.constant 0 : i32
        %add3A_275 = vector.broadcast %add3A_274 : i32 to vector<16xi32>
        %add3A_276 = arith.addi %add3A_262, %add3A_275 : vector<16xi32>
        %swap3A_277 = arith.index_cast %add3A_268 : i32 to index
        %swap3A_278 = tpu.vector_load %arg9[%swap3A_277] masked %eq3A_255 {strides = array<i32>} : memref<2832xi32, #tpu.memory_space<vmem>>, vector<16xi32>, vector<16xi1>
        tpu.vector_store %arg9[%swap3A_277], %add3A_276 masked %eq3A_255 {strides = array<i32>} : memref<2832xi32, #tpu.memory_space<vmem>>, vector<16xi32>, vector<16xi1>
        %mul3A_279 = arith.constant 1 : i32
        %mul3A_280 = arith.muli %mul3A_279, %squeeze3A_265 : i32
        %add3A_281 = arith.addi %add3A_247, %mul3A_280 : i32
        %add3A_282 = arith.constant 19 : i32
        %add3A_283 = vector.broadcast %add3A_282 : i32 to vector<16xi32>
        %add3A_284 = arith.addi %mul3A_71, %add3A_283 : vector<16xi32>
        %swap3A_285 = arith.index_cast %add3A_281 : i32 to index
        %swap3A_286 = tpu.vector_load %arg8[%swap3A_285] masked %eq3A_255 {strides = array<i32>} : memref<2816xi32, #tpu.memory_space<vmem>>, vector<16xi32>, vector<16xi1>
        tpu.vector_store %arg8[%swap3A_285], %add3A_284 masked %eq3A_255 {strides = array<i32>} : memref<2816xi32, #tpu.memory_space<vmem>>, vector<16xi32>, vector<16xi1>
        %add3A_287 = arith.constant 8192 : i32
        %add3A_288 = vector.broadcast %add3A_287 : i32 to vector<16xi32>
        %add3A_289 = arith.addi %add3A_262, %add3A_288 : vector<16xi32>
        %swap3A_290 = arith.index_cast %add3A_281 : i32 to index
        %swap3A_291 = tpu.vector_load %arg9[%swap3A_290] masked %eq3A_255 {strides = array<i32>} : memref<2832xi32, #tpu.memory_space<vmem>>, vector<16xi32>, vector<16xi1>
        tpu.vector_store %arg9[%swap3A_290], %add3A_289 masked %eq3A_255 {strides = array<i32>} : memref<2832xi32, #tpu.memory_space<vmem>>, vector<16xi32>, vector<16xi1>
        %mul3A_292 = arith.constant 2 : i32
        %mul3A_293 = arith.muli %mul3A_292, %squeeze3A_265 : i32
        %add3A_294 = arith.addi %add3A_247, %mul3A_293 : i32
        %add3A_295 = arith.constant 35 : i32
        %add3A_296 = vector.broadcast %add3A_295 : i32 to vector<16xi32>
        %add3A_297 = arith.addi %mul3A_71, %add3A_296 : vector<16xi32>
        %swap3A_298 = arith.index_cast %add3A_294 : i32 to index
        %swap3A_299 = tpu.vector_load %arg8[%swap3A_298] masked %eq3A_255 {strides = array<i32>} : memref<2816xi32, #tpu.memory_space<vmem>>, vector<16xi32>, vector<16xi1>
        tpu.vector_store %arg8[%swap3A_298], %add3A_297 masked %eq3A_255 {strides = array<i32>} : memref<2816xi32, #tpu.memory_space<vmem>>, vector<16xi32>, vector<16xi1>
        %add3A_300 = arith.constant 16384 : i32
        %add3A_301 = vector.broadcast %add3A_300 : i32 to vector<16xi32>
        %add3A_302 = arith.addi %add3A_262, %add3A_301 : vector<16xi32>
        %swap3A_303 = arith.index_cast %add3A_294 : i32 to index
        %swap3A_304 = tpu.vector_load %arg9[%swap3A_303] masked %eq3A_255 {strides = array<i32>} : memref<2832xi32, #tpu.memory_space<vmem>>, vector<16xi32>, vector<16xi1>
        tpu.vector_store %arg9[%swap3A_303], %add3A_302 masked %eq3A_255 {strides = array<i32>} : memref<2832xi32, #tpu.memory_space<vmem>>, vector<16xi32>, vector<16xi1>
        %mul3A_305 = arith.constant 3 : i32
        %mul3A_306 = arith.muli %mul3A_305, %squeeze3A_265 : i32
        %add3A_307 = arith.addi %add3A_247, %mul3A_306 : i32
        %add3A_308 = arith.constant 4 : i32
        %add3A_309 = vector.broadcast %add3A_308 : i32 to vector<16xi32>
        %add3A_310 = arith.addi %shift_right_logical3A_66, %add3A_309 : vector<16xi32>
        %shift_right_logical3A_311 = arith.constant 4 : i32
        %shift_right_logical3A_312 = vector.broadcast %shift_right_logical3A_311 : i32 to vector<16xi32>
        %shift_right_logical3A_313 = arith.shrui %add3A_310, %shift_right_logical3A_312 : vector<16xi32>
        %eq3A_314 = vector.broadcast %add3A : i32 to vector<16xi32>
        %eq3A_315 = arith.cmpi eq, %shift_right_logical3A_313, %eq3A_314 : vector<16xi32>
        %and3A_316 = arith.constant 15 : i32
        %and3A_317 = vector.broadcast %and3A_316 : i32 to vector<16xi32>
        %and3A_318 = arith.andi %add3A_310, %and3A_317 : vector<16xi32>
        %mul3A_319 = arith.constant 512 : i32
        %mul3A_320 = vector.broadcast %mul3A_319 : i32 to vector<16xi32>
        %mul3A_321 = arith.muli %and3A_318, %mul3A_320 : vector<16xi32>
        %add3A_322 = arith.addi %mul3A_321, %and3A_68 : vector<16xi32>
        %all_reduce_population_count3A_323 = tpu.all_reduce %eq3A_315 {dim = 0 : i64, kind = #tpu.reduction_kind<sum>} : vector<16xi1> -> vector<16xi32>
        %slice3A_324 = vector.extract_strided_slice %all_reduce_population_count3A_323 {offsets = [0], sizes = [1], strides = [1]} : vector<16xi32> to vector<1xi32>
        %squeeze3A_325 = vector.extract %slice3A_324[0] : i32 from vector<1xi32>
        %mul3A_326 = arith.constant 0 : i32
        %mul3A_327 = arith.muli %mul3A_326, %squeeze3A_325 : i32
        %add3A_328 = arith.addi %add3A_307, %mul3A_327 : i32
        %add3A_329 = arith.constant 4 : i32
        %add3A_330 = vector.broadcast %add3A_329 : i32 to vector<16xi32>
        %add3A_331 = arith.addi %mul3A_71, %add3A_330 : vector<16xi32>
        %swap3A_332 = arith.index_cast %add3A_328 : i32 to index
        %swap3A_333 = tpu.vector_load %arg8[%swap3A_332] masked %eq3A_315 {strides = array<i32>} : memref<2816xi32, #tpu.memory_space<vmem>>, vector<16xi32>, vector<16xi1>
        tpu.vector_store %arg8[%swap3A_332], %add3A_331 masked %eq3A_315 {strides = array<i32>} : memref<2816xi32, #tpu.memory_space<vmem>>, vector<16xi32>, vector<16xi1>
        %add3A_334 = arith.constant 0 : i32
        %add3A_335 = vector.broadcast %add3A_334 : i32 to vector<16xi32>
        %add3A_336 = arith.addi %add3A_322, %add3A_335 : vector<16xi32>
        %swap3A_337 = arith.index_cast %add3A_328 : i32 to index
        %swap3A_338 = tpu.vector_load %arg9[%swap3A_337] masked %eq3A_315 {strides = array<i32>} : memref<2832xi32, #tpu.memory_space<vmem>>, vector<16xi32>, vector<16xi1>
        tpu.vector_store %arg9[%swap3A_337], %add3A_336 masked %eq3A_315 {strides = array<i32>} : memref<2832xi32, #tpu.memory_space<vmem>>, vector<16xi32>, vector<16xi1>
        %mul3A_339 = arith.constant 1 : i32
        %mul3A_340 = arith.muli %mul3A_339, %squeeze3A_325 : i32
        %add3A_341 = arith.addi %add3A_307, %mul3A_340 : i32
        %add3A_342 = arith.constant 20 : i32
        %add3A_343 = vector.broadcast %add3A_342 : i32 to vector<16xi32>
        %add3A_344 = arith.addi %mul3A_71, %add3A_343 : vector<16xi32>
        %swap3A_345 = arith.index_cast %add3A_341 : i32 to index
        %swap3A_346 = tpu.vector_load %arg8[%swap3A_345] masked %eq3A_315 {strides = array<i32>} : memref<2816xi32, #tpu.memory_space<vmem>>, vector<16xi32>, vector<16xi1>
        tpu.vector_store %arg8[%swap3A_345], %add3A_344 masked %eq3A_315 {strides = array<i32>} : memref<2816xi32, #tpu.memory_space<vmem>>, vector<16xi32>, vector<16xi1>
        %add3A_347 = arith.constant 8192 : i32
        %add3A_348 = vector.broadcast %add3A_347 : i32 to vector<16xi32>
        %add3A_349 = arith.addi %add3A_322, %add3A_348 : vector<16xi32>
        %swap3A_350 = arith.index_cast %add3A_341 : i32 to index
        %swap3A_351 = tpu.vector_load %arg9[%swap3A_350] masked %eq3A_315 {strides = array<i32>} : memref<2832xi32, #tpu.memory_space<vmem>>, vector<16xi32>, vector<16xi1>
        tpu.vector_store %arg9[%swap3A_350], %add3A_349 masked %eq3A_315 {strides = array<i32>} : memref<2832xi32, #tpu.memory_space<vmem>>, vector<16xi32>, vector<16xi1>
        %mul3A_352 = arith.constant 2 : i32
        %mul3A_353 = arith.muli %mul3A_352, %squeeze3A_325 : i32
        %add3A_354 = arith.addi %add3A_307, %mul3A_353 : i32
        %add3A_355 = arith.constant 36 : i32
        %add3A_356 = vector.broadcast %add3A_355 : i32 to vector<16xi32>
        %add3A_357 = arith.addi %mul3A_71, %add3A_356 : vector<16xi32>
        %swap3A_358 = arith.index_cast %add3A_354 : i32 to index
        %swap3A_359 = tpu.vector_load %arg8[%swap3A_358] masked %eq3A_315 {strides = array<i32>} : memref<2816xi32, #tpu.memory_space<vmem>>, vector<16xi32>, vector<16xi1>
        tpu.vector_store %arg8[%swap3A_358], %add3A_357 masked %eq3A_315 {strides = array<i32>} : memref<2816xi32, #tpu.memory_space<vmem>>, vector<16xi32>, vector<16xi1>
        %add3A_360 = arith.constant 16384 : i32
        %add3A_361 = vector.broadcast %add3A_360 : i32 to vector<16xi32>
        %add3A_362 = arith.addi %add3A_322, %add3A_361 : vector<16xi32>
        %swap3A_363 = arith.index_cast %add3A_354 : i32 to index
        %swap3A_364 = tpu.vector_load %arg9[%swap3A_363] masked %eq3A_315 {strides = array<i32>} : memref<2832xi32, #tpu.memory_space<vmem>>, vector<16xi32>, vector<16xi1>
        tpu.vector_store %arg9[%swap3A_363], %add3A_362 masked %eq3A_315 {strides = array<i32>} : memref<2832xi32, #tpu.memory_space<vmem>>, vector<16xi32>, vector<16xi1>
        %mul3A_365 = arith.constant 3 : i32
        %mul3A_366 = arith.muli %mul3A_365, %squeeze3A_325 : i32
        %add3A_367 = arith.addi %add3A_307, %mul3A_366 : i32
        %add3A_368 = arith.constant 5 : i32
        %add3A_369 = vector.broadcast %add3A_368 : i32 to vector<16xi32>
        %add3A_370 = arith.addi %shift_right_logical3A_66, %add3A_369 : vector<16xi32>
        %shift_right_logical3A_371 = arith.constant 4 : i32
        %shift_right_logical3A_372 = vector.broadcast %shift_right_logical3A_371 : i32 to vector<16xi32>
        %shift_right_logical3A_373 = arith.shrui %add3A_370, %shift_right_logical3A_372 : vector<16xi32>
        %eq3A_374 = vector.broadcast %add3A : i32 to vector<16xi32>
        %eq3A_375 = arith.cmpi eq, %shift_right_logical3A_373, %eq3A_374 : vector<16xi32>
        %and3A_376 = arith.constant 15 : i32
        %and3A_377 = vector.broadcast %and3A_376 : i32 to vector<16xi32>
        %and3A_378 = arith.andi %add3A_370, %and3A_377 : vector<16xi32>
        %mul3A_379 = arith.constant 512 : i32
        %mul3A_380 = vector.broadcast %mul3A_379 : i32 to vector<16xi32>
        %mul3A_381 = arith.muli %and3A_378, %mul3A_380 : vector<16xi32>
        %add3A_382 = arith.addi %mul3A_381, %and3A_68 : vector<16xi32>
        %all_reduce_population_count3A_383 = tpu.all_reduce %eq3A_375 {dim = 0 : i64, kind = #tpu.reduction_kind<sum>} : vector<16xi1> -> vector<16xi32>
        %slice3A_384 = vector.extract_strided_slice %all_reduce_population_count3A_383 {offsets = [0], sizes = [1], strides = [1]} : vector<16xi32> to vector<1xi32>
        %squeeze3A_385 = vector.extract %slice3A_384[0] : i32 from vector<1xi32>
        %mul3A_386 = arith.constant 0 : i32
        %mul3A_387 = arith.muli %mul3A_386, %squeeze3A_385 : i32
        %add3A_388 = arith.addi %add3A_367, %mul3A_387 : i32
        %add3A_389 = arith.constant 5 : i32
        %add3A_390 = vector.broadcast %add3A_389 : i32 to vector<16xi32>
        %add3A_391 = arith.addi %mul3A_71, %add3A_390 : vector<16xi32>
        %swap3A_392 = arith.index_cast %add3A_388 : i32 to index
        %swap3A_393 = tpu.vector_load %arg8[%swap3A_392] masked %eq3A_375 {strides = array<i32>} : memref<2816xi32, #tpu.memory_space<vmem>>, vector<16xi32>, vector<16xi1>
        tpu.vector_store %arg8[%swap3A_392], %add3A_391 masked %eq3A_375 {strides = array<i32>} : memref<2816xi32, #tpu.memory_space<vmem>>, vector<16xi32>, vector<16xi1>
        %add3A_394 = arith.constant 0 : i32
        %add3A_395 = vector.broadcast %add3A_394 : i32 to vector<16xi32>
        %add3A_396 = arith.addi %add3A_382, %add3A_395 : vector<16xi32>
        %swap3A_397 = arith.index_cast %add3A_388 : i32 to index
        %swap3A_398 = tpu.vector_load %arg9[%swap3A_397] masked %eq3A_375 {strides = array<i32>} : memref<2832xi32, #tpu.memory_space<vmem>>, vector<16xi32>, vector<16xi1>
        tpu.vector_store %arg9[%swap3A_397], %add3A_396 masked %eq3A_375 {strides = array<i32>} : memref<2832xi32, #tpu.memory_space<vmem>>, vector<16xi32>, vector<16xi1>
        %mul3A_399 = arith.constant 1 : i32
        %mul3A_400 = arith.muli %mul3A_399, %squeeze3A_385 : i32
        %add3A_401 = arith.addi %add3A_367, %mul3A_400 : i32
        %add3A_402 = arith.constant 21 : i32
        %add3A_403 = vector.broadcast %add3A_402 : i32 to vector<16xi32>
        %add3A_404 = arith.addi %mul3A_71, %add3A_403 : vector<16xi32>
        %swap3A_405 = arith.index_cast %add3A_401 : i32 to index
        %swap3A_406 = tpu.vector_load %arg8[%swap3A_405] masked %eq3A_375 {strides = array<i32>} : memref<2816xi32, #tpu.memory_space<vmem>>, vector<16xi32>, vector<16xi1>
        tpu.vector_store %arg8[%swap3A_405], %add3A_404 masked %eq3A_375 {strides = array<i32>} : memref<2816xi32, #tpu.memory_space<vmem>>, vector<16xi32>, vector<16xi1>
        %add3A_407 = arith.constant 8192 : i32
        %add3A_408 = vector.broadcast %add3A_407 : i32 to vector<16xi32>
        %add3A_409 = arith.addi %add3A_382, %add3A_408 : vector<16xi32>
        %swap3A_410 = arith.index_cast %add3A_401 : i32 to index
        %swap3A_411 = tpu.vector_load %arg9[%swap3A_410] masked %eq3A_375 {strides = array<i32>} : memref<2832xi32, #tpu.memory_space<vmem>>, vector<16xi32>, vector<16xi1>
        tpu.vector_store %arg9[%swap3A_410], %add3A_409 masked %eq3A_375 {strides = array<i32>} : memref<2832xi32, #tpu.memory_space<vmem>>, vector<16xi32>, vector<16xi1>
        %mul3A_412 = arith.constant 2 : i32
        %mul3A_413 = arith.muli %mul3A_412, %squeeze3A_385 : i32
        %add3A_414 = arith.addi %add3A_367, %mul3A_413 : i32
        %add3A_415 = arith.constant 37 : i32
        %add3A_416 = vector.broadcast %add3A_415 : i32 to vector<16xi32>
        %add3A_417 = arith.addi %mul3A_71, %add3A_416 : vector<16xi32>
        %swap3A_418 = arith.index_cast %add3A_414 : i32 to index
        %swap3A_419 = tpu.vector_load %arg8[%swap3A_418] masked %eq3A_375 {strides = array<i32>} : memref<2816xi32, #tpu.memory_space<vmem>>, vector<16xi32>, vector<16xi1>
        tpu.vector_store %arg8[%swap3A_418], %add3A_417 masked %eq3A_375 {strides = array<i32>} : memref<2816xi32, #tpu.memory_space<vmem>>, vector<16xi32>, vector<16xi1>
        %add3A_420 = arith.constant 16384 : i32
        %add3A_421 = vector.broadcast %add3A_420 : i32 to vector<16xi32>
        %add3A_422 = arith.addi %add3A_382, %add3A_421 : vector<16xi32>
        %swap3A_423 = arith.index_cast %add3A_414 : i32 to index
        %swap3A_424 = tpu.vector_load %arg9[%swap3A_423] masked %eq3A_375 {strides = array<i32>} : memref<2832xi32, #tpu.memory_space<vmem>>, vector<16xi32>, vector<16xi1>
        tpu.vector_store %arg9[%swap3A_423], %add3A_422 masked %eq3A_375 {strides = array<i32>} : memref<2832xi32, #tpu.memory_space<vmem>>, vector<16xi32>, vector<16xi1>
        %mul3A_425 = arith.constant 3 : i32
        %mul3A_426 = arith.muli %mul3A_425, %squeeze3A_385 : i32
        %add3A_427 = arith.addi %add3A_367, %mul3A_426 : i32
        %add3A_428 = arith.constant 6 : i32
        %add3A_429 = vector.broadcast %add3A_428 : i32 to vector<16xi32>
        %add3A_430 = arith.addi %shift_right_logical3A_66, %add3A_429 : vector<16xi32>
        %shift_right_logical3A_431 = arith.constant 4 : i32
        %shift_right_logical3A_432 = vector.broadcast %shift_right_logical3A_431 : i32 to vector<16xi32>
        %shift_right_logical3A_433 = arith.shrui %add3A_430, %shift_right_logical3A_432 : vector<16xi32>
        %eq3A_434 = vector.broadcast %add3A : i32 to vector<16xi32>
        %eq3A_435 = arith.cmpi eq, %shift_right_logical3A_433, %eq3A_434 : vector<16xi32>
        %and3A_436 = arith.constant 15 : i32
        %and3A_437 = vector.broadcast %and3A_436 : i32 to vector<16xi32>
        %and3A_438 = arith.andi %add3A_430, %and3A_437 : vector<16xi32>
        %mul3A_439 = arith.constant 512 : i32
        %mul3A_440 = vector.broadcast %mul3A_439 : i32 to vector<16xi32>
        %mul3A_441 = arith.muli %and3A_438, %mul3A_440 : vector<16xi32>
        %add3A_442 = arith.addi %mul3A_441, %and3A_68 : vector<16xi32>
        %all_reduce_population_count3A_443 = tpu.all_reduce %eq3A_435 {dim = 0 : i64, kind = #tpu.reduction_kind<sum>} : vector<16xi1> -> vector<16xi32>
        %slice3A_444 = vector.extract_strided_slice %all_reduce_population_count3A_443 {offsets = [0], sizes = [1], strides = [1]} : vector<16xi32> to vector<1xi32>
        %squeeze3A_445 = vector.extract %slice3A_444[0] : i32 from vector<1xi32>
        %mul3A_446 = arith.constant 0 : i32
        %mul3A_447 = arith.muli %mul3A_446, %squeeze3A_445 : i32
        %add3A_448 = arith.addi %add3A_427, %mul3A_447 : i32
        %add3A_449 = arith.constant 6 : i32
        %add3A_450 = vector.broadcast %add3A_449 : i32 to vector<16xi32>
        %add3A_451 = arith.addi %mul3A_71, %add3A_450 : vector<16xi32>
        %swap3A_452 = arith.index_cast %add3A_448 : i32 to index
        %swap3A_453 = tpu.vector_load %arg8[%swap3A_452] masked %eq3A_435 {strides = array<i32>} : memref<2816xi32, #tpu.memory_space<vmem>>, vector<16xi32>, vector<16xi1>
        tpu.vector_store %arg8[%swap3A_452], %add3A_451 masked %eq3A_435 {strides = array<i32>} : memref<2816xi32, #tpu.memory_space<vmem>>, vector<16xi32>, vector<16xi1>
        %add3A_454 = arith.constant 0 : i32
        %add3A_455 = vector.broadcast %add3A_454 : i32 to vector<16xi32>
        %add3A_456 = arith.addi %add3A_442, %add3A_455 : vector<16xi32>
        %swap3A_457 = arith.index_cast %add3A_448 : i32 to index
        %swap3A_458 = tpu.vector_load %arg9[%swap3A_457] masked %eq3A_435 {strides = array<i32>} : memref<2832xi32, #tpu.memory_space<vmem>>, vector<16xi32>, vector<16xi1>
        tpu.vector_store %arg9[%swap3A_457], %add3A_456 masked %eq3A_435 {strides = array<i32>} : memref<2832xi32, #tpu.memory_space<vmem>>, vector<16xi32>, vector<16xi1>
        %mul3A_459 = arith.constant 1 : i32
        %mul3A_460 = arith.muli %mul3A_459, %squeeze3A_445 : i32
        %add3A_461 = arith.addi %add3A_427, %mul3A_460 : i32
        %add3A_462 = arith.constant 22 : i32
        %add3A_463 = vector.broadcast %add3A_462 : i32 to vector<16xi32>
        %add3A_464 = arith.addi %mul3A_71, %add3A_463 : vector<16xi32>
        %swap3A_465 = arith.index_cast %add3A_461 : i32 to index
        %swap3A_466 = tpu.vector_load %arg8[%swap3A_465] masked %eq3A_435 {strides = array<i32>} : memref<2816xi32, #tpu.memory_space<vmem>>, vector<16xi32>, vector<16xi1>
        tpu.vector_store %arg8[%swap3A_465], %add3A_464 masked %eq3A_435 {strides = array<i32>} : memref<2816xi32, #tpu.memory_space<vmem>>, vector<16xi32>, vector<16xi1>
        %add3A_467 = arith.constant 8192 : i32
        %add3A_468 = vector.broadcast %add3A_467 : i32 to vector<16xi32>
        %add3A_469 = arith.addi %add3A_442, %add3A_468 : vector<16xi32>
        %swap3A_470 = arith.index_cast %add3A_461 : i32 to index
        %swap3A_471 = tpu.vector_load %arg9[%swap3A_470] masked %eq3A_435 {strides = array<i32>} : memref<2832xi32, #tpu.memory_space<vmem>>, vector<16xi32>, vector<16xi1>
        tpu.vector_store %arg9[%swap3A_470], %add3A_469 masked %eq3A_435 {strides = array<i32>} : memref<2832xi32, #tpu.memory_space<vmem>>, vector<16xi32>, vector<16xi1>
        %mul3A_472 = arith.constant 2 : i32
        %mul3A_473 = arith.muli %mul3A_472, %squeeze3A_445 : i32
        %add3A_474 = arith.addi %add3A_427, %mul3A_473 : i32
        %add3A_475 = arith.constant 38 : i32
        %add3A_476 = vector.broadcast %add3A_475 : i32 to vector<16xi32>
        %add3A_477 = arith.addi %mul3A_71, %add3A_476 : vector<16xi32>
        %swap3A_478 = arith.index_cast %add3A_474 : i32 to index
        %swap3A_479 = tpu.vector_load %arg8[%swap3A_478] masked %eq3A_435 {strides = array<i32>} : memref<2816xi32, #tpu.memory_space<vmem>>, vector<16xi32>, vector<16xi1>
        tpu.vector_store %arg8[%swap3A_478], %add3A_477 masked %eq3A_435 {strides = array<i32>} : memref<2816xi32, #tpu.memory_space<vmem>>, vector<16xi32>, vector<16xi1>
        %add3A_480 = arith.constant 16384 : i32
        %add3A_481 = vector.broadcast %add3A_480 : i32 to vector<16xi32>
        %add3A_482 = arith.addi %add3A_442, %add3A_481 : vector<16xi32>
        %swap3A_483 = arith.index_cast %add3A_474 : i32 to index
        %swap3A_484 = tpu.vector_load %arg9[%swap3A_483] masked %eq3A_435 {strides = array<i32>} : memref<2832xi32, #tpu.memory_space<vmem>>, vector<16xi32>, vector<16xi1>
        tpu.vector_store %arg9[%swap3A_483], %add3A_482 masked %eq3A_435 {strides = array<i32>} : memref<2832xi32, #tpu.memory_space<vmem>>, vector<16xi32>, vector<16xi1>
        %mul3A_485 = arith.constant 3 : i32
        %mul3A_486 = arith.muli %mul3A_485, %squeeze3A_445 : i32
        %add3A_487 = arith.addi %add3A_427, %mul3A_486 : i32
        %add3A_488 = arith.constant 7 : i32
        %add3A_489 = vector.broadcast %add3A_488 : i32 to vector<16xi32>
        %add3A_490 = arith.addi %shift_right_logical3A_66, %add3A_489 : vector<16xi32>
        %shift_right_logical3A_491 = arith.constant 4 : i32
        %shift_right_logical3A_492 = vector.broadcast %shift_right_logical3A_491 : i32 to vector<16xi32>
        %shift_right_logical3A_493 = arith.shrui %add3A_490, %shift_right_logical3A_492 : vector<16xi32>
        %eq3A_494 = vector.broadcast %add3A : i32 to vector<16xi32>
        %eq3A_495 = arith.cmpi eq, %shift_right_logical3A_493, %eq3A_494 : vector<16xi32>
        %and3A_496 = arith.constant 15 : i32
        %and3A_497 = vector.broadcast %and3A_496 : i32 to vector<16xi32>
        %and3A_498 = arith.andi %add3A_490, %and3A_497 : vector<16xi32>
        %mul3A_499 = arith.constant 512 : i32
        %mul3A_500 = vector.broadcast %mul3A_499 : i32 to vector<16xi32>
        %mul3A_501 = arith.muli %and3A_498, %mul3A_500 : vector<16xi32>
        %add3A_502 = arith.addi %mul3A_501, %and3A_68 : vector<16xi32>
        %all_reduce_population_count3A_503 = tpu.all_reduce %eq3A_495 {dim = 0 : i64, kind = #tpu.reduction_kind<sum>} : vector<16xi1> -> vector<16xi32>
        %slice3A_504 = vector.extract_strided_slice %all_reduce_population_count3A_503 {offsets = [0], sizes = [1], strides = [1]} : vector<16xi32> to vector<1xi32>
        %squeeze3A_505 = vector.extract %slice3A_504[0] : i32 from vector<1xi32>
        %mul3A_506 = arith.constant 0 : i32
        %mul3A_507 = arith.muli %mul3A_506, %squeeze3A_505 : i32
        %add3A_508 = arith.addi %add3A_487, %mul3A_507 : i32
        %add3A_509 = arith.constant 7 : i32
        %add3A_510 = vector.broadcast %add3A_509 : i32 to vector<16xi32>
        %add3A_511 = arith.addi %mul3A_71, %add3A_510 : vector<16xi32>
        %swap3A_512 = arith.index_cast %add3A_508 : i32 to index
        %swap3A_513 = tpu.vector_load %arg8[%swap3A_512] masked %eq3A_495 {strides = array<i32>} : memref<2816xi32, #tpu.memory_space<vmem>>, vector<16xi32>, vector<16xi1>
        tpu.vector_store %arg8[%swap3A_512], %add3A_511 masked %eq3A_495 {strides = array<i32>} : memref<2816xi32, #tpu.memory_space<vmem>>, vector<16xi32>, vector<16xi1>
        %add3A_514 = arith.constant 0 : i32
        %add3A_515 = vector.broadcast %add3A_514 : i32 to vector<16xi32>
        %add3A_516 = arith.addi %add3A_502, %add3A_515 : vector<16xi32>
        %swap3A_517 = arith.index_cast %add3A_508 : i32 to index
        %swap3A_518 = tpu.vector_load %arg9[%swap3A_517] masked %eq3A_495 {strides = array<i32>} : memref<2832xi32, #tpu.memory_space<vmem>>, vector<16xi32>, vector<16xi1>
        tpu.vector_store %arg9[%swap3A_517], %add3A_516 masked %eq3A_495 {strides = array<i32>} : memref<2832xi32, #tpu.memory_space<vmem>>, vector<16xi32>, vector<16xi1>
        %mul3A_519 = arith.constant 1 : i32
        %mul3A_520 = arith.muli %mul3A_519, %squeeze3A_505 : i32
        %add3A_521 = arith.addi %add3A_487, %mul3A_520 : i32
        %add3A_522 = arith.constant 23 : i32
        %add3A_523 = vector.broadcast %add3A_522 : i32 to vector<16xi32>
        %add3A_524 = arith.addi %mul3A_71, %add3A_523 : vector<16xi32>
        %swap3A_525 = arith.index_cast %add3A_521 : i32 to index
        %swap3A_526 = tpu.vector_load %arg8[%swap3A_525] masked %eq3A_495 {strides = array<i32>} : memref<2816xi32, #tpu.memory_space<vmem>>, vector<16xi32>, vector<16xi1>
        tpu.vector_store %arg8[%swap3A_525], %add3A_524 masked %eq3A_495 {strides = array<i32>} : memref<2816xi32, #tpu.memory_space<vmem>>, vector<16xi32>, vector<16xi1>
        %add3A_527 = arith.constant 8192 : i32
        %add3A_528 = vector.broadcast %add3A_527 : i32 to vector<16xi32>
        %add3A_529 = arith.addi %add3A_502, %add3A_528 : vector<16xi32>
        %swap3A_530 = arith.index_cast %add3A_521 : i32 to index
        %swap3A_531 = tpu.vector_load %arg9[%swap3A_530] masked %eq3A_495 {strides = array<i32>} : memref<2832xi32, #tpu.memory_space<vmem>>, vector<16xi32>, vector<16xi1>
        tpu.vector_store %arg9[%swap3A_530], %add3A_529 masked %eq3A_495 {strides = array<i32>} : memref<2832xi32, #tpu.memory_space<vmem>>, vector<16xi32>, vector<16xi1>
        %mul3A_532 = arith.constant 2 : i32
        %mul3A_533 = arith.muli %mul3A_532, %squeeze3A_505 : i32
        %add3A_534 = arith.addi %add3A_487, %mul3A_533 : i32
        %add3A_535 = arith.constant 39 : i32
        %add3A_536 = vector.broadcast %add3A_535 : i32 to vector<16xi32>
        %add3A_537 = arith.addi %mul3A_71, %add3A_536 : vector<16xi32>
        %swap3A_538 = arith.index_cast %add3A_534 : i32 to index
        %swap3A_539 = tpu.vector_load %arg8[%swap3A_538] masked %eq3A_495 {strides = array<i32>} : memref<2816xi32, #tpu.memory_space<vmem>>, vector<16xi32>, vector<16xi1>
        tpu.vector_store %arg8[%swap3A_538], %add3A_537 masked %eq3A_495 {strides = array<i32>} : memref<2816xi32, #tpu.memory_space<vmem>>, vector<16xi32>, vector<16xi1>
        %add3A_540 = arith.constant 16384 : i32
        %add3A_541 = vector.broadcast %add3A_540 : i32 to vector<16xi32>
        %add3A_542 = arith.addi %add3A_502, %add3A_541 : vector<16xi32>
        %swap3A_543 = arith.index_cast %add3A_534 : i32 to index
        %swap3A_544 = tpu.vector_load %arg9[%swap3A_543] masked %eq3A_495 {strides = array<i32>} : memref<2832xi32, #tpu.memory_space<vmem>>, vector<16xi32>, vector<16xi1>
        tpu.vector_store %arg9[%swap3A_543], %add3A_542 masked %eq3A_495 {strides = array<i32>} : memref<2832xi32, #tpu.memory_space<vmem>>, vector<16xi32>, vector<16xi1>
        %mul3A_545 = arith.constant 3 : i32
        %mul3A_546 = arith.muli %mul3A_545, %squeeze3A_505 : i32
        %add3A_547 = arith.addi %add3A_487, %mul3A_546 : i32
        %add3A_548 = arith.constant 8 : i32
        %add3A_549 = vector.broadcast %add3A_548 : i32 to vector<16xi32>
        %add3A_550 = arith.addi %shift_right_logical3A_66, %add3A_549 : vector<16xi32>
        %shift_right_logical3A_551 = arith.constant 4 : i32
        %shift_right_logical3A_552 = vector.broadcast %shift_right_logical3A_551 : i32 to vector<16xi32>
        %shift_right_logical3A_553 = arith.shrui %add3A_550, %shift_right_logical3A_552 : vector<16xi32>
        %eq3A_554 = vector.broadcast %add3A : i32 to vector<16xi32>
        %eq3A_555 = arith.cmpi eq, %shift_right_logical3A_553, %eq3A_554 : vector<16xi32>
        %and3A_556 = arith.constant 15 : i32
        %and3A_557 = vector.broadcast %and3A_556 : i32 to vector<16xi32>
        %and3A_558 = arith.andi %add3A_550, %and3A_557 : vector<16xi32>
        %mul3A_559 = arith.constant 512 : i32
        %mul3A_560 = vector.broadcast %mul3A_559 : i32 to vector<16xi32>
        %mul3A_561 = arith.muli %and3A_558, %mul3A_560 : vector<16xi32>
        %add3A_562 = arith.addi %mul3A_561, %and3A_68 : vector<16xi32>
        %all_reduce_population_count3A_563 = tpu.all_reduce %eq3A_555 {dim = 0 : i64, kind = #tpu.reduction_kind<sum>} : vector<16xi1> -> vector<16xi32>
        %slice3A_564 = vector.extract_strided_slice %all_reduce_population_count3A_563 {offsets = [0], sizes = [1], strides = [1]} : vector<16xi32> to vector<1xi32>
        %squeeze3A_565 = vector.extract %slice3A_564[0] : i32 from vector<1xi32>
        %mul3A_566 = arith.constant 0 : i32
        %mul3A_567 = arith.muli %mul3A_566, %squeeze3A_565 : i32
        %add3A_568 = arith.addi %add3A_547, %mul3A_567 : i32
        %add3A_569 = arith.constant 8 : i32
        %add3A_570 = vector.broadcast %add3A_569 : i32 to vector<16xi32>
        %add3A_571 = arith.addi %mul3A_71, %add3A_570 : vector<16xi32>
        %swap3A_572 = arith.index_cast %add3A_568 : i32 to index
        %swap3A_573 = tpu.vector_load %arg8[%swap3A_572] masked %eq3A_555 {strides = array<i32>} : memref<2816xi32, #tpu.memory_space<vmem>>, vector<16xi32>, vector<16xi1>
        tpu.vector_store %arg8[%swap3A_572], %add3A_571 masked %eq3A_555 {strides = array<i32>} : memref<2816xi32, #tpu.memory_space<vmem>>, vector<16xi32>, vector<16xi1>
        %add3A_574 = arith.constant 0 : i32
        %add3A_575 = vector.broadcast %add3A_574 : i32 to vector<16xi32>
        %add3A_576 = arith.addi %add3A_562, %add3A_575 : vector<16xi32>
        %swap3A_577 = arith.index_cast %add3A_568 : i32 to index
        %swap3A_578 = tpu.vector_load %arg9[%swap3A_577] masked %eq3A_555 {strides = array<i32>} : memref<2832xi32, #tpu.memory_space<vmem>>, vector<16xi32>, vector<16xi1>
        tpu.vector_store %arg9[%swap3A_577], %add3A_576 masked %eq3A_555 {strides = array<i32>} : memref<2832xi32, #tpu.memory_space<vmem>>, vector<16xi32>, vector<16xi1>
        %mul3A_579 = arith.constant 1 : i32
        %mul3A_580 = arith.muli %mul3A_579, %squeeze3A_565 : i32
        %add3A_581 = arith.addi %add3A_547, %mul3A_580 : i32
        %add3A_582 = arith.constant 24 : i32
        %add3A_583 = vector.broadcast %add3A_582 : i32 to vector<16xi32>
        %add3A_584 = arith.addi %mul3A_71, %add3A_583 : vector<16xi32>
        %swap3A_585 = arith.index_cast %add3A_581 : i32 to index
        %swap3A_586 = tpu.vector_load %arg8[%swap3A_585] masked %eq3A_555 {strides = array<i32>} : memref<2816xi32, #tpu.memory_space<vmem>>, vector<16xi32>, vector<16xi1>
        tpu.vector_store %arg8[%swap3A_585], %add3A_584 masked %eq3A_555 {strides = array<i32>} : memref<2816xi32, #tpu.memory_space<vmem>>, vector<16xi32>, vector<16xi1>
        %add3A_587 = arith.constant 8192 : i32
        %add3A_588 = vector.broadcast %add3A_587 : i32 to vector<16xi32>
        %add3A_589 = arith.addi %add3A_562, %add3A_588 : vector<16xi32>
        %swap3A_590 = arith.index_cast %add3A_581 : i32 to index
        %swap3A_591 = tpu.vector_load %arg9[%swap3A_590] masked %eq3A_555 {strides = array<i32>} : memref<2832xi32, #tpu.memory_space<vmem>>, vector<16xi32>, vector<16xi1>
        tpu.vector_store %arg9[%swap3A_590], %add3A_589 masked %eq3A_555 {strides = array<i32>} : memref<2832xi32, #tpu.memory_space<vmem>>, vector<16xi32>, vector<16xi1>
        %mul3A_592 = arith.constant 2 : i32
        %mul3A_593 = arith.muli %mul3A_592, %squeeze3A_565 : i32
        %add3A_594 = arith.addi %add3A_547, %mul3A_593 : i32
        %add3A_595 = arith.constant 40 : i32
        %add3A_596 = vector.broadcast %add3A_595 : i32 to vector<16xi32>
        %add3A_597 = arith.addi %mul3A_71, %add3A_596 : vector<16xi32>
        %swap3A_598 = arith.index_cast %add3A_594 : i32 to index
        %swap3A_599 = tpu.vector_load %arg8[%swap3A_598] masked %eq3A_555 {strides = array<i32>} : memref<2816xi32, #tpu.memory_space<vmem>>, vector<16xi32>, vector<16xi1>
        tpu.vector_store %arg8[%swap3A_598], %add3A_597 masked %eq3A_555 {strides = array<i32>} : memref<2816xi32, #tpu.memory_space<vmem>>, vector<16xi32>, vector<16xi1>
        %add3A_600 = arith.constant 16384 : i32
        %add3A_601 = vector.broadcast %add3A_600 : i32 to vector<16xi32>
        %add3A_602 = arith.addi %add3A_562, %add3A_601 : vector<16xi32>
        %swap3A_603 = arith.index_cast %add3A_594 : i32 to index
        %swap3A_604 = tpu.vector_load %arg9[%swap3A_603] masked %eq3A_555 {strides = array<i32>} : memref<2832xi32, #tpu.memory_space<vmem>>, vector<16xi32>, vector<16xi1>
        tpu.vector_store %arg9[%swap3A_603], %add3A_602 masked %eq3A_555 {strides = array<i32>} : memref<2832xi32, #tpu.memory_space<vmem>>, vector<16xi32>, vector<16xi1>
        %mul3A_605 = arith.constant 3 : i32
        %mul3A_606 = arith.muli %mul3A_605, %squeeze3A_565 : i32
        %add3A_607 = arith.addi %add3A_547, %mul3A_606 : i32
        %add3A_608 = arith.constant 9 : i32
        %add3A_609 = vector.broadcast %add3A_608 : i32 to vector<16xi32>
        %add3A_610 = arith.addi %shift_right_logical3A_66, %add3A_609 : vector<16xi32>
        %shift_right_logical3A_611 = arith.constant 4 : i32
        %shift_right_logical3A_612 = vector.broadcast %shift_right_logical3A_611 : i32 to vector<16xi32>
        %shift_right_logical3A_613 = arith.shrui %add3A_610, %shift_right_logical3A_612 : vector<16xi32>
        %eq3A_614 = vector.broadcast %add3A : i32 to vector<16xi32>
        %eq3A_615 = arith.cmpi eq, %shift_right_logical3A_613, %eq3A_614 : vector<16xi32>
        %and3A_616 = arith.constant 15 : i32
        %and3A_617 = vector.broadcast %and3A_616 : i32 to vector<16xi32>
        %and3A_618 = arith.andi %add3A_610, %and3A_617 : vector<16xi32>
        %mul3A_619 = arith.constant 512 : i32
        %mul3A_620 = vector.broadcast %mul3A_619 : i32 to vector<16xi32>
        %mul3A_621 = arith.muli %and3A_618, %mul3A_620 : vector<16xi32>
        %add3A_622 = arith.addi %mul3A_621, %and3A_68 : vector<16xi32>
        %all_reduce_population_count3A_623 = tpu.all_reduce %eq3A_615 {dim = 0 : i64, kind = #tpu.reduction_kind<sum>} : vector<16xi1> -> vector<16xi32>
        %slice3A_624 = vector.extract_strided_slice %all_reduce_population_count3A_623 {offsets = [0], sizes = [1], strides = [1]} : vector<16xi32> to vector<1xi32>
        %squeeze3A_625 = vector.extract %slice3A_624[0] : i32 from vector<1xi32>
        %mul3A_626 = arith.constant 0 : i32
        %mul3A_627 = arith.muli %mul3A_626, %squeeze3A_625 : i32
        %add3A_628 = arith.addi %add3A_607, %mul3A_627 : i32
        %add3A_629 = arith.constant 9 : i32
        %add3A_630 = vector.broadcast %add3A_629 : i32 to vector<16xi32>
        %add3A_631 = arith.addi %mul3A_71, %add3A_630 : vector<16xi32>
        %swap3A_632 = arith.index_cast %add3A_628 : i32 to index
        %swap3A_633 = tpu.vector_load %arg8[%swap3A_632] masked %eq3A_615 {strides = array<i32>} : memref<2816xi32, #tpu.memory_space<vmem>>, vector<16xi32>, vector<16xi1>
        tpu.vector_store %arg8[%swap3A_632], %add3A_631 masked %eq3A_615 {strides = array<i32>} : memref<2816xi32, #tpu.memory_space<vmem>>, vector<16xi32>, vector<16xi1>
        %add3A_634 = arith.constant 0 : i32
        %add3A_635 = vector.broadcast %add3A_634 : i32 to vector<16xi32>
        %add3A_636 = arith.addi %add3A_622, %add3A_635 : vector<16xi32>
        %swap3A_637 = arith.index_cast %add3A_628 : i32 to index
        %swap3A_638 = tpu.vector_load %arg9[%swap3A_637] masked %eq3A_615 {strides = array<i32>} : memref<2832xi32, #tpu.memory_space<vmem>>, vector<16xi32>, vector<16xi1>
        tpu.vector_store %arg9[%swap3A_637], %add3A_636 masked %eq3A_615 {strides = array<i32>} : memref<2832xi32, #tpu.memory_space<vmem>>, vector<16xi32>, vector<16xi1>
        %mul3A_639 = arith.constant 1 : i32
        %mul3A_640 = arith.muli %mul3A_639, %squeeze3A_625 : i32
        %add3A_641 = arith.addi %add3A_607, %mul3A_640 : i32
        %add3A_642 = arith.constant 25 : i32
        %add3A_643 = vector.broadcast %add3A_642 : i32 to vector<16xi32>
        %add3A_644 = arith.addi %mul3A_71, %add3A_643 : vector<16xi32>
        %swap3A_645 = arith.index_cast %add3A_641 : i32 to index
        %swap3A_646 = tpu.vector_load %arg8[%swap3A_645] masked %eq3A_615 {strides = array<i32>} : memref<2816xi32, #tpu.memory_space<vmem>>, vector<16xi32>, vector<16xi1>
        tpu.vector_store %arg8[%swap3A_645], %add3A_644 masked %eq3A_615 {strides = array<i32>} : memref<2816xi32, #tpu.memory_space<vmem>>, vector<16xi32>, vector<16xi1>
        %add3A_647 = arith.constant 8192 : i32
        %add3A_648 = vector.broadcast %add3A_647 : i32 to vector<16xi32>
        %add3A_649 = arith.addi %add3A_622, %add3A_648 : vector<16xi32>
        %swap3A_650 = arith.index_cast %add3A_641 : i32 to index
        %swap3A_651 = tpu.vector_load %arg9[%swap3A_650] masked %eq3A_615 {strides = array<i32>} : memref<2832xi32, #tpu.memory_space<vmem>>, vector<16xi32>, vector<16xi1>
        tpu.vector_store %arg9[%swap3A_650], %add3A_649 masked %eq3A_615 {strides = array<i32>} : memref<2832xi32, #tpu.memory_space<vmem>>, vector<16xi32>, vector<16xi1>
        %mul3A_652 = arith.constant 2 : i32
        %mul3A_653 = arith.muli %mul3A_652, %squeeze3A_625 : i32
        %add3A_654 = arith.addi %add3A_607, %mul3A_653 : i32
        %add3A_655 = arith.constant 41 : i32
        %add3A_656 = vector.broadcast %add3A_655 : i32 to vector<16xi32>
        %add3A_657 = arith.addi %mul3A_71, %add3A_656 : vector<16xi32>
        %swap3A_658 = arith.index_cast %add3A_654 : i32 to index
        %swap3A_659 = tpu.vector_load %arg8[%swap3A_658] masked %eq3A_615 {strides = array<i32>} : memref<2816xi32, #tpu.memory_space<vmem>>, vector<16xi32>, vector<16xi1>
        tpu.vector_store %arg8[%swap3A_658], %add3A_657 masked %eq3A_615 {strides = array<i32>} : memref<2816xi32, #tpu.memory_space<vmem>>, vector<16xi32>, vector<16xi1>
        %add3A_660 = arith.constant 16384 : i32
        %add3A_661 = vector.broadcast %add3A_660 : i32 to vector<16xi32>
        %add3A_662 = arith.addi %add3A_622, %add3A_661 : vector<16xi32>
        %swap3A_663 = arith.index_cast %add3A_654 : i32 to index
        %swap3A_664 = tpu.vector_load %arg9[%swap3A_663] masked %eq3A_615 {strides = array<i32>} : memref<2832xi32, #tpu.memory_space<vmem>>, vector<16xi32>, vector<16xi1>
        tpu.vector_store %arg9[%swap3A_663], %add3A_662 masked %eq3A_615 {strides = array<i32>} : memref<2832xi32, #tpu.memory_space<vmem>>, vector<16xi32>, vector<16xi1>
        %mul3A_665 = arith.constant 3 : i32
        %mul3A_666 = arith.muli %mul3A_665, %squeeze3A_625 : i32
        %add3A_667 = arith.addi %add3A_607, %mul3A_666 : i32
        %add3A_668 = arith.constant 10 : i32
        %add3A_669 = vector.broadcast %add3A_668 : i32 to vector<16xi32>
        %add3A_670 = arith.addi %shift_right_logical3A_66, %add3A_669 : vector<16xi32>
        %shift_right_logical3A_671 = arith.constant 4 : i32
        %shift_right_logical3A_672 = vector.broadcast %shift_right_logical3A_671 : i32 to vector<16xi32>
        %shift_right_logical3A_673 = arith.shrui %add3A_670, %shift_right_logical3A_672 : vector<16xi32>
        %eq3A_674 = vector.broadcast %add3A : i32 to vector<16xi32>
        %eq3A_675 = arith.cmpi eq, %shift_right_logical3A_673, %eq3A_674 : vector<16xi32>
        %and3A_676 = arith.constant 15 : i32
        %and3A_677 = vector.broadcast %and3A_676 : i32 to vector<16xi32>
        %and3A_678 = arith.andi %add3A_670, %and3A_677 : vector<16xi32>
        %mul3A_679 = arith.constant 512 : i32
        %mul3A_680 = vector.broadcast %mul3A_679 : i32 to vector<16xi32>
        %mul3A_681 = arith.muli %and3A_678, %mul3A_680 : vector<16xi32>
        %add3A_682 = arith.addi %mul3A_681, %and3A_68 : vector<16xi32>
        %all_reduce_population_count3A_683 = tpu.all_reduce %eq3A_675 {dim = 0 : i64, kind = #tpu.reduction_kind<sum>} : vector<16xi1> -> vector<16xi32>
        %slice3A_684 = vector.extract_strided_slice %all_reduce_population_count3A_683 {offsets = [0], sizes = [1], strides = [1]} : vector<16xi32> to vector<1xi32>
        %squeeze3A_685 = vector.extract %slice3A_684[0] : i32 from vector<1xi32>
        %mul3A_686 = arith.constant 0 : i32
        %mul3A_687 = arith.muli %mul3A_686, %squeeze3A_685 : i32
        %add3A_688 = arith.addi %add3A_667, %mul3A_687 : i32
        %add3A_689 = arith.constant 10 : i32
        %add3A_690 = vector.broadcast %add3A_689 : i32 to vector<16xi32>
        %add3A_691 = arith.addi %mul3A_71, %add3A_690 : vector<16xi32>
        %swap3A_692 = arith.index_cast %add3A_688 : i32 to index
        %swap3A_693 = tpu.vector_load %arg8[%swap3A_692] masked %eq3A_675 {strides = array<i32>} : memref<2816xi32, #tpu.memory_space<vmem>>, vector<16xi32>, vector<16xi1>
        tpu.vector_store %arg8[%swap3A_692], %add3A_691 masked %eq3A_675 {strides = array<i32>} : memref<2816xi32, #tpu.memory_space<vmem>>, vector<16xi32>, vector<16xi1>
        %add3A_694 = arith.constant 0 : i32
        %add3A_695 = vector.broadcast %add3A_694 : i32 to vector<16xi32>
        %add3A_696 = arith.addi %add3A_682, %add3A_695 : vector<16xi32>
        %swap3A_697 = arith.index_cast %add3A_688 : i32 to index
        %swap3A_698 = tpu.vector_load %arg9[%swap3A_697] masked %eq3A_675 {strides = array<i32>} : memref<2832xi32, #tpu.memory_space<vmem>>, vector<16xi32>, vector<16xi1>
        tpu.vector_store %arg9[%swap3A_697], %add3A_696 masked %eq3A_675 {strides = array<i32>} : memref<2832xi32, #tpu.memory_space<vmem>>, vector<16xi32>, vector<16xi1>
        %mul3A_699 = arith.constant 1 : i32
        %mul3A_700 = arith.muli %mul3A_699, %squeeze3A_685 : i32
        %add3A_701 = arith.addi %add3A_667, %mul3A_700 : i32
        %add3A_702 = arith.constant 26 : i32
        %add3A_703 = vector.broadcast %add3A_702 : i32 to vector<16xi32>
        %add3A_704 = arith.addi %mul3A_71, %add3A_703 : vector<16xi32>
        %swap3A_705 = arith.index_cast %add3A_701 : i32 to index
        %swap3A_706 = tpu.vector_load %arg8[%swap3A_705] masked %eq3A_675 {strides = array<i32>} : memref<2816xi32, #tpu.memory_space<vmem>>, vector<16xi32>, vector<16xi1>
        tpu.vector_store %arg8[%swap3A_705], %add3A_704 masked %eq3A_675 {strides = array<i32>} : memref<2816xi32, #tpu.memory_space<vmem>>, vector<16xi32>, vector<16xi1>
        %add3A_707 = arith.constant 8192 : i32
        %add3A_708 = vector.broadcast %add3A_707 : i32 to vector<16xi32>
        %add3A_709 = arith.addi %add3A_682, %add3A_708 : vector<16xi32>
        %swap3A_710 = arith.index_cast %add3A_701 : i32 to index
        %swap3A_711 = tpu.vector_load %arg9[%swap3A_710] masked %eq3A_675 {strides = array<i32>} : memref<2832xi32, #tpu.memory_space<vmem>>, vector<16xi32>, vector<16xi1>
        tpu.vector_store %arg9[%swap3A_710], %add3A_709 masked %eq3A_675 {strides = array<i32>} : memref<2832xi32, #tpu.memory_space<vmem>>, vector<16xi32>, vector<16xi1>
        %mul3A_712 = arith.constant 2 : i32
        %mul3A_713 = arith.muli %mul3A_712, %squeeze3A_685 : i32
        %add3A_714 = arith.addi %add3A_667, %mul3A_713 : i32
        %add3A_715 = arith.constant 42 : i32
        %add3A_716 = vector.broadcast %add3A_715 : i32 to vector<16xi32>
        %add3A_717 = arith.addi %mul3A_71, %add3A_716 : vector<16xi32>
        %swap3A_718 = arith.index_cast %add3A_714 : i32 to index
        %swap3A_719 = tpu.vector_load %arg8[%swap3A_718] masked %eq3A_675 {strides = array<i32>} : memref<2816xi32, #tpu.memory_space<vmem>>, vector<16xi32>, vector<16xi1>
        tpu.vector_store %arg8[%swap3A_718], %add3A_717 masked %eq3A_675 {strides = array<i32>} : memref<2816xi32, #tpu.memory_space<vmem>>, vector<16xi32>, vector<16xi1>
        %add3A_720 = arith.constant 16384 : i32
        %add3A_721 = vector.broadcast %add3A_720 : i32 to vector<16xi32>
        %add3A_722 = arith.addi %add3A_682, %add3A_721 : vector<16xi32>
        %swap3A_723 = arith.index_cast %add3A_714 : i32 to index
        %swap3A_724 = tpu.vector_load %arg9[%swap3A_723] masked %eq3A_675 {strides = array<i32>} : memref<2832xi32, #tpu.memory_space<vmem>>, vector<16xi32>, vector<16xi1>
        tpu.vector_store %arg9[%swap3A_723], %add3A_722 masked %eq3A_675 {strides = array<i32>} : memref<2832xi32, #tpu.memory_space<vmem>>, vector<16xi32>, vector<16xi1>
        %mul3A_725 = arith.constant 3 : i32
        %mul3A_726 = arith.muli %mul3A_725, %squeeze3A_685 : i32
        %add3A_727 = arith.addi %add3A_667, %mul3A_726 : i32
        %add3A_728 = arith.constant 11 : i32
        %add3A_729 = vector.broadcast %add3A_728 : i32 to vector<16xi32>
        %add3A_730 = arith.addi %shift_right_logical3A_66, %add3A_729 : vector<16xi32>
        %shift_right_logical3A_731 = arith.constant 4 : i32
        %shift_right_logical3A_732 = vector.broadcast %shift_right_logical3A_731 : i32 to vector<16xi32>
        %shift_right_logical3A_733 = arith.shrui %add3A_730, %shift_right_logical3A_732 : vector<16xi32>
        %eq3A_734 = vector.broadcast %add3A : i32 to vector<16xi32>
        %eq3A_735 = arith.cmpi eq, %shift_right_logical3A_733, %eq3A_734 : vector<16xi32>
        %and3A_736 = arith.constant 15 : i32
        %and3A_737 = vector.broadcast %and3A_736 : i32 to vector<16xi32>
        %and3A_738 = arith.andi %add3A_730, %and3A_737 : vector<16xi32>
        %mul3A_739 = arith.constant 512 : i32
        %mul3A_740 = vector.broadcast %mul3A_739 : i32 to vector<16xi32>
        %mul3A_741 = arith.muli %and3A_738, %mul3A_740 : vector<16xi32>
        %add3A_742 = arith.addi %mul3A_741, %and3A_68 : vector<16xi32>
        %all_reduce_population_count3A_743 = tpu.all_reduce %eq3A_735 {dim = 0 : i64, kind = #tpu.reduction_kind<sum>} : vector<16xi1> -> vector<16xi32>
        %slice3A_744 = vector.extract_strided_slice %all_reduce_population_count3A_743 {offsets = [0], sizes = [1], strides = [1]} : vector<16xi32> to vector<1xi32>
        %squeeze3A_745 = vector.extract %slice3A_744[0] : i32 from vector<1xi32>
        %mul3A_746 = arith.constant 0 : i32
        %mul3A_747 = arith.muli %mul3A_746, %squeeze3A_745 : i32
        %add3A_748 = arith.addi %add3A_727, %mul3A_747 : i32
        %add3A_749 = arith.constant 11 : i32
        %add3A_750 = vector.broadcast %add3A_749 : i32 to vector<16xi32>
        %add3A_751 = arith.addi %mul3A_71, %add3A_750 : vector<16xi32>
        %swap3A_752 = arith.index_cast %add3A_748 : i32 to index
        %swap3A_753 = tpu.vector_load %arg8[%swap3A_752] masked %eq3A_735 {strides = array<i32>} : memref<2816xi32, #tpu.memory_space<vmem>>, vector<16xi32>, vector<16xi1>
        tpu.vector_store %arg8[%swap3A_752], %add3A_751 masked %eq3A_735 {strides = array<i32>} : memref<2816xi32, #tpu.memory_space<vmem>>, vector<16xi32>, vector<16xi1>
        %add3A_754 = arith.constant 0 : i32
        %add3A_755 = vector.broadcast %add3A_754 : i32 to vector<16xi32>
        %add3A_756 = arith.addi %add3A_742, %add3A_755 : vector<16xi32>
        %swap3A_757 = arith.index_cast %add3A_748 : i32 to index
        %swap3A_758 = tpu.vector_load %arg9[%swap3A_757] masked %eq3A_735 {strides = array<i32>} : memref<2832xi32, #tpu.memory_space<vmem>>, vector<16xi32>, vector<16xi1>
        tpu.vector_store %arg9[%swap3A_757], %add3A_756 masked %eq3A_735 {strides = array<i32>} : memref<2832xi32, #tpu.memory_space<vmem>>, vector<16xi32>, vector<16xi1>
        %mul3A_759 = arith.constant 1 : i32
        %mul3A_760 = arith.muli %mul3A_759, %squeeze3A_745 : i32
        %add3A_761 = arith.addi %add3A_727, %mul3A_760 : i32
        %add3A_762 = arith.constant 27 : i32
        %add3A_763 = vector.broadcast %add3A_762 : i32 to vector<16xi32>
        %add3A_764 = arith.addi %mul3A_71, %add3A_763 : vector<16xi32>
        %swap3A_765 = arith.index_cast %add3A_761 : i32 to index
        %swap3A_766 = tpu.vector_load %arg8[%swap3A_765] masked %eq3A_735 {strides = array<i32>} : memref<2816xi32, #tpu.memory_space<vmem>>, vector<16xi32>, vector<16xi1>
        tpu.vector_store %arg8[%swap3A_765], %add3A_764 masked %eq3A_735 {strides = array<i32>} : memref<2816xi32, #tpu.memory_space<vmem>>, vector<16xi32>, vector<16xi1>
        %add3A_767 = arith.constant 8192 : i32
        %add3A_768 = vector.broadcast %add3A_767 : i32 to vector<16xi32>
        %add3A_769 = arith.addi %add3A_742, %add3A_768 : vector<16xi32>
        %swap3A_770 = arith.index_cast %add3A_761 : i32 to index
        %swap3A_771 = tpu.vector_load %arg9[%swap3A_770] masked %eq3A_735 {strides = array<i32>} : memref<2832xi32, #tpu.memory_space<vmem>>, vector<16xi32>, vector<16xi1>
        tpu.vector_store %arg9[%swap3A_770], %add3A_769 masked %eq3A_735 {strides = array<i32>} : memref<2832xi32, #tpu.memory_space<vmem>>, vector<16xi32>, vector<16xi1>
        %mul3A_772 = arith.constant 2 : i32
        %mul3A_773 = arith.muli %mul3A_772, %squeeze3A_745 : i32
        %add3A_774 = arith.addi %add3A_727, %mul3A_773 : i32
        %add3A_775 = arith.constant 43 : i32
        %add3A_776 = vector.broadcast %add3A_775 : i32 to vector<16xi32>
        %add3A_777 = arith.addi %mul3A_71, %add3A_776 : vector<16xi32>
        %swap3A_778 = arith.index_cast %add3A_774 : i32 to index
        %swap3A_779 = tpu.vector_load %arg8[%swap3A_778] masked %eq3A_735 {strides = array<i32>} : memref<2816xi32, #tpu.memory_space<vmem>>, vector<16xi32>, vector<16xi1>
        tpu.vector_store %arg8[%swap3A_778], %add3A_777 masked %eq3A_735 {strides = array<i32>} : memref<2816xi32, #tpu.memory_space<vmem>>, vector<16xi32>, vector<16xi1>
        %add3A_780 = arith.constant 16384 : i32
        %add3A_781 = vector.broadcast %add3A_780 : i32 to vector<16xi32>
        %add3A_782 = arith.addi %add3A_742, %add3A_781 : vector<16xi32>
        %swap3A_783 = arith.index_cast %add3A_774 : i32 to index
        %swap3A_784 = tpu.vector_load %arg9[%swap3A_783] masked %eq3A_735 {strides = array<i32>} : memref<2832xi32, #tpu.memory_space<vmem>>, vector<16xi32>, vector<16xi1>
        tpu.vector_store %arg9[%swap3A_783], %add3A_782 masked %eq3A_735 {strides = array<i32>} : memref<2832xi32, #tpu.memory_space<vmem>>, vector<16xi32>, vector<16xi1>
        %mul3A_785 = arith.constant 3 : i32
        %mul3A_786 = arith.muli %mul3A_785, %squeeze3A_745 : i32
        %add3A_787 = arith.addi %add3A_727, %mul3A_786 : i32
        %add3A_788 = arith.constant 12 : i32
        %add3A_789 = vector.broadcast %add3A_788 : i32 to vector<16xi32>
        %add3A_790 = arith.addi %shift_right_logical3A_66, %add3A_789 : vector<16xi32>
        %shift_right_logical3A_791 = arith.constant 4 : i32
        %shift_right_logical3A_792 = vector.broadcast %shift_right_logical3A_791 : i32 to vector<16xi32>
        %shift_right_logical3A_793 = arith.shrui %add3A_790, %shift_right_logical3A_792 : vector<16xi32>
        %eq3A_794 = vector.broadcast %add3A : i32 to vector<16xi32>
        %eq3A_795 = arith.cmpi eq, %shift_right_logical3A_793, %eq3A_794 : vector<16xi32>
        %and3A_796 = arith.constant 15 : i32
        %and3A_797 = vector.broadcast %and3A_796 : i32 to vector<16xi32>
        %and3A_798 = arith.andi %add3A_790, %and3A_797 : vector<16xi32>
        %mul3A_799 = arith.constant 512 : i32
        %mul3A_800 = vector.broadcast %mul3A_799 : i32 to vector<16xi32>
        %mul3A_801 = arith.muli %and3A_798, %mul3A_800 : vector<16xi32>
        %add3A_802 = arith.addi %mul3A_801, %and3A_68 : vector<16xi32>
        %all_reduce_population_count3A_803 = tpu.all_reduce %eq3A_795 {dim = 0 : i64, kind = #tpu.reduction_kind<sum>} : vector<16xi1> -> vector<16xi32>
        %slice3A_804 = vector.extract_strided_slice %all_reduce_population_count3A_803 {offsets = [0], sizes = [1], strides = [1]} : vector<16xi32> to vector<1xi32>
        %squeeze3A_805 = vector.extract %slice3A_804[0] : i32 from vector<1xi32>
        %mul3A_806 = arith.constant 0 : i32
        %mul3A_807 = arith.muli %mul3A_806, %squeeze3A_805 : i32
        %add3A_808 = arith.addi %add3A_787, %mul3A_807 : i32
        %add3A_809 = arith.constant 12 : i32
        %add3A_810 = vector.broadcast %add3A_809 : i32 to vector<16xi32>
        %add3A_811 = arith.addi %mul3A_71, %add3A_810 : vector<16xi32>
        %swap3A_812 = arith.index_cast %add3A_808 : i32 to index
        %swap3A_813 = tpu.vector_load %arg8[%swap3A_812] masked %eq3A_795 {strides = array<i32>} : memref<2816xi32, #tpu.memory_space<vmem>>, vector<16xi32>, vector<16xi1>
        tpu.vector_store %arg8[%swap3A_812], %add3A_811 masked %eq3A_795 {strides = array<i32>} : memref<2816xi32, #tpu.memory_space<vmem>>, vector<16xi32>, vector<16xi1>
        %add3A_814 = arith.constant 0 : i32
        %add3A_815 = vector.broadcast %add3A_814 : i32 to vector<16xi32>
        %add3A_816 = arith.addi %add3A_802, %add3A_815 : vector<16xi32>
        %swap3A_817 = arith.index_cast %add3A_808 : i32 to index
        %swap3A_818 = tpu.vector_load %arg9[%swap3A_817] masked %eq3A_795 {strides = array<i32>} : memref<2832xi32, #tpu.memory_space<vmem>>, vector<16xi32>, vector<16xi1>
        tpu.vector_store %arg9[%swap3A_817], %add3A_816 masked %eq3A_795 {strides = array<i32>} : memref<2832xi32, #tpu.memory_space<vmem>>, vector<16xi32>, vector<16xi1>
        %mul3A_819 = arith.constant 1 : i32
        %mul3A_820 = arith.muli %mul3A_819, %squeeze3A_805 : i32
        %add3A_821 = arith.addi %add3A_787, %mul3A_820 : i32
        %add3A_822 = arith.constant 28 : i32
        %add3A_823 = vector.broadcast %add3A_822 : i32 to vector<16xi32>
        %add3A_824 = arith.addi %mul3A_71, %add3A_823 : vector<16xi32>
        %swap3A_825 = arith.index_cast %add3A_821 : i32 to index
        %swap3A_826 = tpu.vector_load %arg8[%swap3A_825] masked %eq3A_795 {strides = array<i32>} : memref<2816xi32, #tpu.memory_space<vmem>>, vector<16xi32>, vector<16xi1>
        tpu.vector_store %arg8[%swap3A_825], %add3A_824 masked %eq3A_795 {strides = array<i32>} : memref<2816xi32, #tpu.memory_space<vmem>>, vector<16xi32>, vector<16xi1>
        %add3A_827 = arith.constant 8192 : i32
        %add3A_828 = vector.broadcast %add3A_827 : i32 to vector<16xi32>
        %add3A_829 = arith.addi %add3A_802, %add3A_828 : vector<16xi32>
        %swap3A_830 = arith.index_cast %add3A_821 : i32 to index
        %swap3A_831 = tpu.vector_load %arg9[%swap3A_830] masked %eq3A_795 {strides = array<i32>} : memref<2832xi32, #tpu.memory_space<vmem>>, vector<16xi32>, vector<16xi1>
        tpu.vector_store %arg9[%swap3A_830], %add3A_829 masked %eq3A_795 {strides = array<i32>} : memref<2832xi32, #tpu.memory_space<vmem>>, vector<16xi32>, vector<16xi1>
        %mul3A_832 = arith.constant 2 : i32
        %mul3A_833 = arith.muli %mul3A_832, %squeeze3A_805 : i32
        %add3A_834 = arith.addi %add3A_787, %mul3A_833 : i32
        %add3A_835 = arith.constant 44 : i32
        %add3A_836 = vector.broadcast %add3A_835 : i32 to vector<16xi32>
        %add3A_837 = arith.addi %mul3A_71, %add3A_836 : vector<16xi32>
        %swap3A_838 = arith.index_cast %add3A_834 : i32 to index
        %swap3A_839 = tpu.vector_load %arg8[%swap3A_838] masked %eq3A_795 {strides = array<i32>} : memref<2816xi32, #tpu.memory_space<vmem>>, vector<16xi32>, vector<16xi1>
        tpu.vector_store %arg8[%swap3A_838], %add3A_837 masked %eq3A_795 {strides = array<i32>} : memref<2816xi32, #tpu.memory_space<vmem>>, vector<16xi32>, vector<16xi1>
        %add3A_840 = arith.constant 16384 : i32
        %add3A_841 = vector.broadcast %add3A_840 : i32 to vector<16xi32>
        %add3A_842 = arith.addi %add3A_802, %add3A_841 : vector<16xi32>
        %swap3A_843 = arith.index_cast %add3A_834 : i32 to index
        %swap3A_844 = tpu.vector_load %arg9[%swap3A_843] masked %eq3A_795 {strides = array<i32>} : memref<2832xi32, #tpu.memory_space<vmem>>, vector<16xi32>, vector<16xi1>
        tpu.vector_store %arg9[%swap3A_843], %add3A_842 masked %eq3A_795 {strides = array<i32>} : memref<2832xi32, #tpu.memory_space<vmem>>, vector<16xi32>, vector<16xi1>
        %mul3A_845 = arith.constant 3 : i32
        %mul3A_846 = arith.muli %mul3A_845, %squeeze3A_805 : i32
        %add3A_847 = arith.addi %add3A_787, %mul3A_846 : i32
        %add3A_848 = arith.constant 13 : i32
        %add3A_849 = vector.broadcast %add3A_848 : i32 to vector<16xi32>
        %add3A_850 = arith.addi %shift_right_logical3A_66, %add3A_849 : vector<16xi32>
        %shift_right_logical3A_851 = arith.constant 4 : i32
        %shift_right_logical3A_852 = vector.broadcast %shift_right_logical3A_851 : i32 to vector<16xi32>
        %shift_right_logical3A_853 = arith.shrui %add3A_850, %shift_right_logical3A_852 : vector<16xi32>
        %eq3A_854 = vector.broadcast %add3A : i32 to vector<16xi32>
        %eq3A_855 = arith.cmpi eq, %shift_right_logical3A_853, %eq3A_854 : vector<16xi32>
        %and3A_856 = arith.constant 15 : i32
        %and3A_857 = vector.broadcast %and3A_856 : i32 to vector<16xi32>
        %and3A_858 = arith.andi %add3A_850, %and3A_857 : vector<16xi32>
        %mul3A_859 = arith.constant 512 : i32
        %mul3A_860 = vector.broadcast %mul3A_859 : i32 to vector<16xi32>
        %mul3A_861 = arith.muli %and3A_858, %mul3A_860 : vector<16xi32>
        %add3A_862 = arith.addi %mul3A_861, %and3A_68 : vector<16xi32>
        %all_reduce_population_count3A_863 = tpu.all_reduce %eq3A_855 {dim = 0 : i64, kind = #tpu.reduction_kind<sum>} : vector<16xi1> -> vector<16xi32>
        %slice3A_864 = vector.extract_strided_slice %all_reduce_population_count3A_863 {offsets = [0], sizes = [1], strides = [1]} : vector<16xi32> to vector<1xi32>
        %squeeze3A_865 = vector.extract %slice3A_864[0] : i32 from vector<1xi32>
        %mul3A_866 = arith.constant 0 : i32
        %mul3A_867 = arith.muli %mul3A_866, %squeeze3A_865 : i32
        %add3A_868 = arith.addi %add3A_847, %mul3A_867 : i32
        %add3A_869 = arith.constant 13 : i32
        %add3A_870 = vector.broadcast %add3A_869 : i32 to vector<16xi32>
        %add3A_871 = arith.addi %mul3A_71, %add3A_870 : vector<16xi32>
        %swap3A_872 = arith.index_cast %add3A_868 : i32 to index
        %swap3A_873 = tpu.vector_load %arg8[%swap3A_872] masked %eq3A_855 {strides = array<i32>} : memref<2816xi32, #tpu.memory_space<vmem>>, vector<16xi32>, vector<16xi1>
        tpu.vector_store %arg8[%swap3A_872], %add3A_871 masked %eq3A_855 {strides = array<i32>} : memref<2816xi32, #tpu.memory_space<vmem>>, vector<16xi32>, vector<16xi1>
        %add3A_874 = arith.constant 0 : i32
        %add3A_875 = vector.broadcast %add3A_874 : i32 to vector<16xi32>
        %add3A_876 = arith.addi %add3A_862, %add3A_875 : vector<16xi32>
        %swap3A_877 = arith.index_cast %add3A_868 : i32 to index
        %swap3A_878 = tpu.vector_load %arg9[%swap3A_877] masked %eq3A_855 {strides = array<i32>} : memref<2832xi32, #tpu.memory_space<vmem>>, vector<16xi32>, vector<16xi1>
        tpu.vector_store %arg9[%swap3A_877], %add3A_876 masked %eq3A_855 {strides = array<i32>} : memref<2832xi32, #tpu.memory_space<vmem>>, vector<16xi32>, vector<16xi1>
        %mul3A_879 = arith.constant 1 : i32
        %mul3A_880 = arith.muli %mul3A_879, %squeeze3A_865 : i32
        %add3A_881 = arith.addi %add3A_847, %mul3A_880 : i32
        %add3A_882 = arith.constant 29 : i32
        %add3A_883 = vector.broadcast %add3A_882 : i32 to vector<16xi32>
        %add3A_884 = arith.addi %mul3A_71, %add3A_883 : vector<16xi32>
        %swap3A_885 = arith.index_cast %add3A_881 : i32 to index
        %swap3A_886 = tpu.vector_load %arg8[%swap3A_885] masked %eq3A_855 {strides = array<i32>} : memref<2816xi32, #tpu.memory_space<vmem>>, vector<16xi32>, vector<16xi1>
        tpu.vector_store %arg8[%swap3A_885], %add3A_884 masked %eq3A_855 {strides = array<i32>} : memref<2816xi32, #tpu.memory_space<vmem>>, vector<16xi32>, vector<16xi1>
        %add3A_887 = arith.constant 8192 : i32
        %add3A_888 = vector.broadcast %add3A_887 : i32 to vector<16xi32>
        %add3A_889 = arith.addi %add3A_862, %add3A_888 : vector<16xi32>
        %swap3A_890 = arith.index_cast %add3A_881 : i32 to index
        %swap3A_891 = tpu.vector_load %arg9[%swap3A_890] masked %eq3A_855 {strides = array<i32>} : memref<2832xi32, #tpu.memory_space<vmem>>, vector<16xi32>, vector<16xi1>
        tpu.vector_store %arg9[%swap3A_890], %add3A_889 masked %eq3A_855 {strides = array<i32>} : memref<2832xi32, #tpu.memory_space<vmem>>, vector<16xi32>, vector<16xi1>
        %mul3A_892 = arith.constant 2 : i32
        %mul3A_893 = arith.muli %mul3A_892, %squeeze3A_865 : i32
        %add3A_894 = arith.addi %add3A_847, %mul3A_893 : i32
        %add3A_895 = arith.constant 45 : i32
        %add3A_896 = vector.broadcast %add3A_895 : i32 to vector<16xi32>
        %add3A_897 = arith.addi %mul3A_71, %add3A_896 : vector<16xi32>
        %swap3A_898 = arith.index_cast %add3A_894 : i32 to index
        %swap3A_899 = tpu.vector_load %arg8[%swap3A_898] masked %eq3A_855 {strides = array<i32>} : memref<2816xi32, #tpu.memory_space<vmem>>, vector<16xi32>, vector<16xi1>
        tpu.vector_store %arg8[%swap3A_898], %add3A_897 masked %eq3A_855 {strides = array<i32>} : memref<2816xi32, #tpu.memory_space<vmem>>, vector<16xi32>, vector<16xi1>
        %add3A_900 = arith.constant 16384 : i32
        %add3A_901 = vector.broadcast %add3A_900 : i32 to vector<16xi32>
        %add3A_902 = arith.addi %add3A_862, %add3A_901 : vector<16xi32>
        %swap3A_903 = arith.index_cast %add3A_894 : i32 to index
        %swap3A_904 = tpu.vector_load %arg9[%swap3A_903] masked %eq3A_855 {strides = array<i32>} : memref<2832xi32, #tpu.memory_space<vmem>>, vector<16xi32>, vector<16xi1>
        tpu.vector_store %arg9[%swap3A_903], %add3A_902 masked %eq3A_855 {strides = array<i32>} : memref<2832xi32, #tpu.memory_space<vmem>>, vector<16xi32>, vector<16xi1>
        %mul3A_905 = arith.constant 3 : i32
        %mul3A_906 = arith.muli %mul3A_905, %squeeze3A_865 : i32
        %add3A_907 = arith.addi %add3A_847, %mul3A_906 : i32
        %add3A_908 = arith.constant 14 : i32
        %add3A_909 = vector.broadcast %add3A_908 : i32 to vector<16xi32>
        %add3A_910 = arith.addi %shift_right_logical3A_66, %add3A_909 : vector<16xi32>
        %shift_right_logical3A_911 = arith.constant 4 : i32
        %shift_right_logical3A_912 = vector.broadcast %shift_right_logical3A_911 : i32 to vector<16xi32>
        %shift_right_logical3A_913 = arith.shrui %add3A_910, %shift_right_logical3A_912 : vector<16xi32>
        %eq3A_914 = vector.broadcast %add3A : i32 to vector<16xi32>
        %eq3A_915 = arith.cmpi eq, %shift_right_logical3A_913, %eq3A_914 : vector<16xi32>
        %and3A_916 = arith.constant 15 : i32
        %and3A_917 = vector.broadcast %and3A_916 : i32 to vector<16xi32>
        %and3A_918 = arith.andi %add3A_910, %and3A_917 : vector<16xi32>
        %mul3A_919 = arith.constant 512 : i32
        %mul3A_920 = vector.broadcast %mul3A_919 : i32 to vector<16xi32>
        %mul3A_921 = arith.muli %and3A_918, %mul3A_920 : vector<16xi32>
        %add3A_922 = arith.addi %mul3A_921, %and3A_68 : vector<16xi32>
        %all_reduce_population_count3A_923 = tpu.all_reduce %eq3A_915 {dim = 0 : i64, kind = #tpu.reduction_kind<sum>} : vector<16xi1> -> vector<16xi32>
        %slice3A_924 = vector.extract_strided_slice %all_reduce_population_count3A_923 {offsets = [0], sizes = [1], strides = [1]} : vector<16xi32> to vector<1xi32>
        %squeeze3A_925 = vector.extract %slice3A_924[0] : i32 from vector<1xi32>
        %mul3A_926 = arith.constant 0 : i32
        %mul3A_927 = arith.muli %mul3A_926, %squeeze3A_925 : i32
        %add3A_928 = arith.addi %add3A_907, %mul3A_927 : i32
        %add3A_929 = arith.constant 14 : i32
        %add3A_930 = vector.broadcast %add3A_929 : i32 to vector<16xi32>
        %add3A_931 = arith.addi %mul3A_71, %add3A_930 : vector<16xi32>
        %swap3A_932 = arith.index_cast %add3A_928 : i32 to index
        %swap3A_933 = tpu.vector_load %arg8[%swap3A_932] masked %eq3A_915 {strides = array<i32>} : memref<2816xi32, #tpu.memory_space<vmem>>, vector<16xi32>, vector<16xi1>
        tpu.vector_store %arg8[%swap3A_932], %add3A_931 masked %eq3A_915 {strides = array<i32>} : memref<2816xi32, #tpu.memory_space<vmem>>, vector<16xi32>, vector<16xi1>
        %add3A_934 = arith.constant 0 : i32
        %add3A_935 = vector.broadcast %add3A_934 : i32 to vector<16xi32>
        %add3A_936 = arith.addi %add3A_922, %add3A_935 : vector<16xi32>
        %swap3A_937 = arith.index_cast %add3A_928 : i32 to index
        %swap3A_938 = tpu.vector_load %arg9[%swap3A_937] masked %eq3A_915 {strides = array<i32>} : memref<2832xi32, #tpu.memory_space<vmem>>, vector<16xi32>, vector<16xi1>
        tpu.vector_store %arg9[%swap3A_937], %add3A_936 masked %eq3A_915 {strides = array<i32>} : memref<2832xi32, #tpu.memory_space<vmem>>, vector<16xi32>, vector<16xi1>
        %mul3A_939 = arith.constant 1 : i32
        %mul3A_940 = arith.muli %mul3A_939, %squeeze3A_925 : i32
        %add3A_941 = arith.addi %add3A_907, %mul3A_940 : i32
        %add3A_942 = arith.constant 30 : i32
        %add3A_943 = vector.broadcast %add3A_942 : i32 to vector<16xi32>
        %add3A_944 = arith.addi %mul3A_71, %add3A_943 : vector<16xi32>
        %swap3A_945 = arith.index_cast %add3A_941 : i32 to index
        %swap3A_946 = tpu.vector_load %arg8[%swap3A_945] masked %eq3A_915 {strides = array<i32>} : memref<2816xi32, #tpu.memory_space<vmem>>, vector<16xi32>, vector<16xi1>
        tpu.vector_store %arg8[%swap3A_945], %add3A_944 masked %eq3A_915 {strides = array<i32>} : memref<2816xi32, #tpu.memory_space<vmem>>, vector<16xi32>, vector<16xi1>
        %add3A_947 = arith.constant 8192 : i32
        %add3A_948 = vector.broadcast %add3A_947 : i32 to vector<16xi32>
        %add3A_949 = arith.addi %add3A_922, %add3A_948 : vector<16xi32>
        %swap3A_950 = arith.index_cast %add3A_941 : i32 to index
        %swap3A_951 = tpu.vector_load %arg9[%swap3A_950] masked %eq3A_915 {strides = array<i32>} : memref<2832xi32, #tpu.memory_space<vmem>>, vector<16xi32>, vector<16xi1>
        tpu.vector_store %arg9[%swap3A_950], %add3A_949 masked %eq3A_915 {strides = array<i32>} : memref<2832xi32, #tpu.memory_space<vmem>>, vector<16xi32>, vector<16xi1>
        %mul3A_952 = arith.constant 2 : i32
        %mul3A_953 = arith.muli %mul3A_952, %squeeze3A_925 : i32
        %add3A_954 = arith.addi %add3A_907, %mul3A_953 : i32
        %add3A_955 = arith.constant 46 : i32
        %add3A_956 = vector.broadcast %add3A_955 : i32 to vector<16xi32>
        %add3A_957 = arith.addi %mul3A_71, %add3A_956 : vector<16xi32>
        %swap3A_958 = arith.index_cast %add3A_954 : i32 to index
        %swap3A_959 = tpu.vector_load %arg8[%swap3A_958] masked %eq3A_915 {strides = array<i32>} : memref<2816xi32, #tpu.memory_space<vmem>>, vector<16xi32>, vector<16xi1>
        tpu.vector_store %arg8[%swap3A_958], %add3A_957 masked %eq3A_915 {strides = array<i32>} : memref<2816xi32, #tpu.memory_space<vmem>>, vector<16xi32>, vector<16xi1>
        %add3A_960 = arith.constant 16384 : i32
        %add3A_961 = vector.broadcast %add3A_960 : i32 to vector<16xi32>
        %add3A_962 = arith.addi %add3A_922, %add3A_961 : vector<16xi32>
        %swap3A_963 = arith.index_cast %add3A_954 : i32 to index
        %swap3A_964 = tpu.vector_load %arg9[%swap3A_963] masked %eq3A_915 {strides = array<i32>} : memref<2832xi32, #tpu.memory_space<vmem>>, vector<16xi32>, vector<16xi1>
        tpu.vector_store %arg9[%swap3A_963], %add3A_962 masked %eq3A_915 {strides = array<i32>} : memref<2832xi32, #tpu.memory_space<vmem>>, vector<16xi32>, vector<16xi1>
        %mul3A_965 = arith.constant 3 : i32
        %mul3A_966 = arith.muli %mul3A_965, %squeeze3A_925 : i32
        %add3A_967 = arith.addi %add3A_907, %mul3A_966 : i32
        %add3A_968 = arith.constant 15 : i32
        %add3A_969 = vector.broadcast %add3A_968 : i32 to vector<16xi32>
        %add3A_970 = arith.addi %shift_right_logical3A_66, %add3A_969 : vector<16xi32>
        %shift_right_logical3A_971 = arith.constant 4 : i32
        %shift_right_logical3A_972 = vector.broadcast %shift_right_logical3A_971 : i32 to vector<16xi32>
        %shift_right_logical3A_973 = arith.shrui %add3A_970, %shift_right_logical3A_972 : vector<16xi32>
        %eq3A_974 = vector.broadcast %add3A : i32 to vector<16xi32>
        %eq3A_975 = arith.cmpi eq, %shift_right_logical3A_973, %eq3A_974 : vector<16xi32>
        %and3A_976 = arith.constant 15 : i32
        %and3A_977 = vector.broadcast %and3A_976 : i32 to vector<16xi32>
        %and3A_978 = arith.andi %add3A_970, %and3A_977 : vector<16xi32>
        %mul3A_979 = arith.constant 512 : i32
        %mul3A_980 = vector.broadcast %mul3A_979 : i32 to vector<16xi32>
        %mul3A_981 = arith.muli %and3A_978, %mul3A_980 : vector<16xi32>
        %add3A_982 = arith.addi %mul3A_981, %and3A_68 : vector<16xi32>
        %all_reduce_population_count3A_983 = tpu.all_reduce %eq3A_975 {dim = 0 : i64, kind = #tpu.reduction_kind<sum>} : vector<16xi1> -> vector<16xi32>
        %slice3A_984 = vector.extract_strided_slice %all_reduce_population_count3A_983 {offsets = [0], sizes = [1], strides = [1]} : vector<16xi32> to vector<1xi32>
        %squeeze3A_985 = vector.extract %slice3A_984[0] : i32 from vector<1xi32>
        %mul3A_986 = arith.constant 0 : i32
        %mul3A_987 = arith.muli %mul3A_986, %squeeze3A_985 : i32
        %add3A_988 = arith.addi %add3A_967, %mul3A_987 : i32
        %add3A_989 = arith.constant 15 : i32
        %add3A_990 = vector.broadcast %add3A_989 : i32 to vector<16xi32>
        %add3A_991 = arith.addi %mul3A_71, %add3A_990 : vector<16xi32>
        %swap3A_992 = arith.index_cast %add3A_988 : i32 to index
        %swap3A_993 = tpu.vector_load %arg8[%swap3A_992] masked %eq3A_975 {strides = array<i32>} : memref<2816xi32, #tpu.memory_space<vmem>>, vector<16xi32>, vector<16xi1>
        tpu.vector_store %arg8[%swap3A_992], %add3A_991 masked %eq3A_975 {strides = array<i32>} : memref<2816xi32, #tpu.memory_space<vmem>>, vector<16xi32>, vector<16xi1>
        %add3A_994 = arith.constant 0 : i32
        %add3A_995 = vector.broadcast %add3A_994 : i32 to vector<16xi32>
        %add3A_996 = arith.addi %add3A_982, %add3A_995 : vector<16xi32>
        %swap3A_997 = arith.index_cast %add3A_988 : i32 to index
        %swap3A_998 = tpu.vector_load %arg9[%swap3A_997] masked %eq3A_975 {strides = array<i32>} : memref<2832xi32, #tpu.memory_space<vmem>>, vector<16xi32>, vector<16xi1>
        tpu.vector_store %arg9[%swap3A_997], %add3A_996 masked %eq3A_975 {strides = array<i32>} : memref<2832xi32, #tpu.memory_space<vmem>>, vector<16xi32>, vector<16xi1>
        %mul3A_999 = arith.constant 1 : i32
        %mul3A_1000 = arith.muli %mul3A_999, %squeeze3A_985 : i32
        %add3A_1001 = arith.addi %add3A_967, %mul3A_1000 : i32
        %add3A_1002 = arith.constant 31 : i32
        %add3A_1003 = vector.broadcast %add3A_1002 : i32 to vector<16xi32>
        %add3A_1004 = arith.addi %mul3A_71, %add3A_1003 : vector<16xi32>
        %swap3A_1005 = arith.index_cast %add3A_1001 : i32 to index
        %swap3A_1006 = tpu.vector_load %arg8[%swap3A_1005] masked %eq3A_975 {strides = array<i32>} : memref<2816xi32, #tpu.memory_space<vmem>>, vector<16xi32>, vector<16xi1>
        tpu.vector_store %arg8[%swap3A_1005], %add3A_1004 masked %eq3A_975 {strides = array<i32>} : memref<2816xi32, #tpu.memory_space<vmem>>, vector<16xi32>, vector<16xi1>
        %add3A_1007 = arith.constant 8192 : i32
        %add3A_1008 = vector.broadcast %add3A_1007 : i32 to vector<16xi32>
        %add3A_1009 = arith.addi %add3A_982, %add3A_1008 : vector<16xi32>
        %swap3A_1010 = arith.index_cast %add3A_1001 : i32 to index
        %swap3A_1011 = tpu.vector_load %arg9[%swap3A_1010] masked %eq3A_975 {strides = array<i32>} : memref<2832xi32, #tpu.memory_space<vmem>>, vector<16xi32>, vector<16xi1>
        tpu.vector_store %arg9[%swap3A_1010], %add3A_1009 masked %eq3A_975 {strides = array<i32>} : memref<2832xi32, #tpu.memory_space<vmem>>, vector<16xi32>, vector<16xi1>
        %mul3A_1012 = arith.constant 2 : i32
        %mul3A_1013 = arith.muli %mul3A_1012, %squeeze3A_985 : i32
        %add3A_1014 = arith.addi %add3A_967, %mul3A_1013 : i32
        %add3A_1015 = arith.constant 47 : i32
        %add3A_1016 = vector.broadcast %add3A_1015 : i32 to vector<16xi32>
        %add3A_1017 = arith.addi %mul3A_71, %add3A_1016 : vector<16xi32>
        %swap3A_1018 = arith.index_cast %add3A_1014 : i32 to index
        %swap3A_1019 = tpu.vector_load %arg8[%swap3A_1018] masked %eq3A_975 {strides = array<i32>} : memref<2816xi32, #tpu.memory_space<vmem>>, vector<16xi32>, vector<16xi1>
        tpu.vector_store %arg8[%swap3A_1018], %add3A_1017 masked %eq3A_975 {strides = array<i32>} : memref<2816xi32, #tpu.memory_space<vmem>>, vector<16xi32>, vector<16xi1>
        %add3A_1020 = arith.constant 16384 : i32
        %add3A_1021 = vector.broadcast %add3A_1020 : i32 to vector<16xi32>
        %add3A_1022 = arith.addi %add3A_982, %add3A_1021 : vector<16xi32>
        %swap3A_1023 = arith.index_cast %add3A_1014 : i32 to index
        %swap3A_1024 = tpu.vector_load %arg9[%swap3A_1023] masked %eq3A_975 {strides = array<i32>} : memref<2832xi32, #tpu.memory_space<vmem>>, vector<16xi32>, vector<16xi1>
        tpu.vector_store %arg9[%swap3A_1023], %add3A_1022 masked %eq3A_975 {strides = array<i32>} : memref<2832xi32, #tpu.memory_space<vmem>>, vector<16xi32>, vector<16xi1>
        %mul3A_1025 = arith.constant 3 : i32
        %mul3A_1026 = arith.muli %mul3A_1025, %squeeze3A_985 : i32
        %add3A_1027 = arith.addi %add3A_967, %mul3A_1026 : i32
        scf.yield %add3A_1027 : i32
      }
      %while3A_49 = arith.constant 1 : i32
      %while3A_50 = scf.for %while3A_51 = %while3A_46 to %while3A_42 step %while3A_49 iter_args(%while3A_52 = %while3A_48) -> (i32)  : i32 {
        %ge3A = arith.constant 2048 : i32
        %ge3A_53 = arith.cmpi sge, %while3A_52, %ge3A : i32
        %convert_element_type3A_54 = arith.extui %ge3A_53 : i1 to i32
        %cond3A_55 = arith.constant 0 : i32
        %cond3A_56 = arith.cmpi ne, %convert_element_type3A_54, %cond3A_55 : i32
        %cond3A_57 = scf.if %cond3A_56 -> (i32) {
          %broadcast_in_dim3A_1028 = arith.constant 24576 : i32
          %broadcast_in_dim3A_1029 = vector.broadcast %broadcast_in_dim3A_1028 : i32 to vector<16xi32>
          %swap3A_1030 = arith.index_cast %while3A_52 : i32 to index
          %swap3A_1031 = tpu.vector_load %arg9[%swap3A_1030] {strides = array<i32>} : memref<2832xi32, #tpu.memory_space<vmem>>, vector<16xi32>,
          tpu.vector_store %arg9[%swap3A_1030], %broadcast_in_dim3A_1029 {strides = array<i32>} : memref<2832xi32, #tpu.memory_space<vmem>>, vector<16xi32>,
          %add3A_1032 = arith.constant 256 : i32
          %add3A_1033 = arith.addi %while3A_52, %add3A_1032 : i32
          %sub3A = arith.constant 1 : i32
          %sub3A_1034 = arith.subi %add3A_1033, %sub3A : i32
          %jit3A = arith.constant 256 : i32
          %div3A = arith.divsi %sub3A_1034, %jit3A : i32
          %sign3A = arith.constant 0 : i32
          %sign3A_1035 = arith.cmpi sgt, %sub3A_1034, %sign3A : i32
          %sign3A_1036 = arith.extui %sign3A_1035 : i1 to i32
          %sign3A_1037 = arith.constant 0 : i32
          %sign3A_1038 = arith.cmpi slt, %sub3A_1034, %sign3A_1037 : i32
          %sign3A_1039 = arith.extui %sign3A_1038 : i1 to i32
          %sign3A_1040 = arith.subi %sign3A_1036, %sign3A_1039 : i32
          %sign3A_1041 = arith.constant 0 : i32
          %sign3A_1042 = arith.cmpi sgt, %jit3A, %sign3A_1041 : i32
          %sign3A_1043 = arith.extui %sign3A_1042 : i1 to i32
          %sign3A_1044 = arith.constant 0 : i32
          %sign3A_1045 = arith.cmpi slt, %jit3A, %sign3A_1044 : i32
          %sign3A_1046 = arith.extui %sign3A_1045 : i1 to i32
          %sign3A_1047 = arith.subi %sign3A_1043, %sign3A_1046 : i32
          %ne3A = arith.cmpi ne, %sign3A_1040, %sign3A_1047 : i32
          %rem3A = arith.remsi %sub3A_1034, %jit3A : i32
          %ne3A_1048 = arith.constant 0 : i32
          %ne3A_1049 = arith.cmpi ne, %rem3A, %ne3A_1048 : i32
          %and3A_1050 = arith.andi %ne3A, %ne3A_1049 : i1
          %sub3A_1051 = arith.constant 1 : i32
          %sub3A_1052 = arith.subi %div3A, %sub3A_1051 : i32
          %select_n3A = arith.select %and3A_1050, %sub3A_1052, %div3A : i32
          %while3A_1053 = arith.constant 0 : i32
          %while3A_1054 = arith.constant 0 : i32
          %while3A_1055 = arith.subi %select_n3A, %while3A_1054 : i32
          %while3A_1056 = arith.addi %while3A_1054, %while3A_1055 : i32
          %while3A_1057 = arith.constant 1 : i32
          %while3A_1058 = arith.divsi %while3A_1055, %while3A_1057 : i32
          %while3A_1059 = arith.muli %while3A_1058, %while3A_1057 : i32
          %while3A_1060 = arith.addi %while3A_1054, %while3A_1059 : i32
          %while3A_1061 = arith.constant 1 : i32
          scf.for %while3A_1110 = %while3A_1054 to %while3A_1060 step %while3A_1061  : i32 {
            %mul3A_1111 = arith.constant 256 : i32
            %mul3A_1112 = arith.muli %while3A_1110, %mul3A_1111 : i32
            %mul3A_1113 = arith.constant 256 : i32
            %mul3A_1114 = arith.muli %while3A_1110, %mul3A_1113 : i32
            %dma_start3A_1115 = arith.constant 0 : i32
            %dma_start3A_1116 = tpu.memref_slice %arg10[%mul3A_1114, %dma_start3A_1115] : memref<2816x16xf32, #tpu.memory_space<vmem>> -> memref<256x16xf32, #tpu.memory_space<vmem>>
            %dma_start3A_1117 = tpu.memref_slice %arg8[%mul3A_1112] : memref<2816xi32, #tpu.memory_space<vmem>> -> memref<256xi32, #tpu.memory_space<vmem>>
            %dma_start3A_1118 = arith.constant 0 : i32
            %dma_start3A_1119 = arith.constant 0 : i32
            %dma_start3A_1120 = tpu.memref_slice %arg2[%dma_start3A_1118, %dma_start3A_1119] : memref<3145728x16xf32, #tpu.memory_space<hbm>> -> memref<3145728x16xf32, #tpu.memory_space<hbm>>
            tpu.enqueue_indirect_dma source(%dma_start3A_1120 : memref<3145728x16xf32, #tpu.memory_space<hbm>>) target(%dma_start3A_1116 : memref<256x16xf32, #tpu.memory_space<vmem>>) offsets(%dma_start3A_1117 : memref<256xi32, #tpu.memory_space<vmem>>) semaphore(%arg12 : memref<!tpu.dma_semaphore, #tpu.memory_space<semaphore_mem>>)
          }
          %while3A_1062 = arith.constant 1 : i32
          scf.for %while3A_1110 = %while3A_1060 to %while3A_1056 step %while3A_1062  : i32 {
            %mul3A_1111 = arith.constant 256 : i32
            %mul3A_1112 = arith.muli %while3A_1110, %mul3A_1111 : i32
            %mul3A_1113 = arith.constant 256 : i32
            %mul3A_1114 = arith.muli %while3A_1110, %mul3A_1113 : i32
            %dma_start3A_1115 = arith.constant 0 : i32
            %dma_start3A_1116 = tpu.memref_slice %arg10[%mul3A_1114, %dma_start3A_1115] : memref<2816x16xf32, #tpu.memory_space<vmem>> -> memref<256x16xf32, #tpu.memory_space<vmem>>
            %dma_start3A_1117 = tpu.memref_slice %arg8[%mul3A_1112] : memref<2816xi32, #tpu.memory_space<vmem>> -> memref<256xi32, #tpu.memory_space<vmem>>
            %dma_start3A_1118 = arith.constant 0 : i32
            %dma_start3A_1119 = arith.constant 0 : i32
            %dma_start3A_1120 = tpu.memref_slice %arg2[%dma_start3A_1118, %dma_start3A_1119] : memref<3145728x16xf32, #tpu.memory_space<hbm>> -> memref<3145728x16xf32, #tpu.memory_space<hbm>>
            tpu.enqueue_indirect_dma source(%dma_start3A_1120 : memref<3145728x16xf32, #tpu.memory_space<hbm>>) target(%dma_start3A_1116 : memref<256x16xf32, #tpu.memory_space<vmem>>) offsets(%dma_start3A_1117 : memref<256xi32, #tpu.memory_space<vmem>>) semaphore(%arg12 : memref<!tpu.dma_semaphore, #tpu.memory_space<semaphore_mem>>)
          }
          %while3A_1063 = arith.constant 0 : i32
          %while3A_1064 = arith.constant 0 : i32
          %while3A_1065 = arith.subi %select_n3A, %while3A_1064 : i32
          %while3A_1066 = arith.addi %while3A_1064, %while3A_1065 : i32
          %while3A_1067 = arith.constant 1 : i32
          %while3A_1068 = arith.divsi %while3A_1065, %while3A_1067 : i32
          %while3A_1069 = arith.muli %while3A_1068, %while3A_1067 : i32
          %while3A_1070 = arith.addi %while3A_1064, %while3A_1069 : i32
          %while3A_1071 = arith.constant 1 : i32
          scf.for %while3A_1110 = %while3A_1064 to %while3A_1070 step %while3A_1071  : i32 {
            %dma_wait3A_1111 = arith.constant 0 : i32
            %dma_wait3A_1112 = arith.constant 0 : i32
            %dma_wait3A_1113 = tpu.memref_slice %arg10[%dma_wait3A_1111, %dma_wait3A_1112] : memref<2816x16xf32, #tpu.memory_space<vmem>> -> memref<256x16xf32, #tpu.memory_space<vmem>>
            %dma_wait3A_1114 = arith.constant 0 : i32
            %dma_wait3A_1115 = tpu.memref_slice %arg8[%dma_wait3A_1114] : memref<2816xi32, #tpu.memory_space<vmem>> -> memref<256xi32, #tpu.memory_space<vmem>>
            %dma_wait3A_1116 = arith.constant 0 : i32
            %dma_wait3A_1117 = arith.constant 0 : i32
            %dma_wait3A_1118 = tpu.memref_slice %arg2[%dma_wait3A_1116, %dma_wait3A_1117] : memref<3145728x16xf32, #tpu.memory_space<hbm>> -> memref<3145728x16xf32, #tpu.memory_space<hbm>>
            tpu.wait_indirect_dma semaphore(%arg12 : memref<!tpu.dma_semaphore, #tpu.memory_space<semaphore_mem>>) src(%dma_wait3A_1118 : memref<3145728x16xf32, #tpu.memory_space<hbm>>) dst(%dma_wait3A_1113 : memref<256x16xf32, #tpu.memory_space<vmem>>)
          }
          %while3A_1072 = arith.constant 1 : i32
          scf.for %while3A_1110 = %while3A_1070 to %while3A_1066 step %while3A_1072  : i32 {
            %dma_wait3A_1111 = arith.constant 0 : i32
            %dma_wait3A_1112 = arith.constant 0 : i32
            %dma_wait3A_1113 = tpu.memref_slice %arg10[%dma_wait3A_1111, %dma_wait3A_1112] : memref<2816x16xf32, #tpu.memory_space<vmem>> -> memref<256x16xf32, #tpu.memory_space<vmem>>
            %dma_wait3A_1114 = arith.constant 0 : i32
            %dma_wait3A_1115 = tpu.memref_slice %arg8[%dma_wait3A_1114] : memref<2816xi32, #tpu.memory_space<vmem>> -> memref<256xi32, #tpu.memory_space<vmem>>
            %dma_wait3A_1116 = arith.constant 0 : i32
            %dma_wait3A_1117 = arith.constant 0 : i32
            %dma_wait3A_1118 = tpu.memref_slice %arg2[%dma_wait3A_1116, %dma_wait3A_1117] : memref<3145728x16xf32, #tpu.memory_space<hbm>> -> memref<3145728x16xf32, #tpu.memory_space<hbm>>
            tpu.wait_indirect_dma semaphore(%arg12 : memref<!tpu.dma_semaphore, #tpu.memory_space<semaphore_mem>>) src(%dma_wait3A_1118 : memref<3145728x16xf32, #tpu.memory_space<hbm>>) dst(%dma_wait3A_1113 : memref<256x16xf32, #tpu.memory_space<vmem>>)
          }
          %add3A_1073 = arith.constant 15 : i32
          %add3A_1074 = arith.addi %while3A_52, %add3A_1073 : i32
          %jit3A_1075 = arith.constant 16 : i32
          %div3A_1076 = arith.divsi %add3A_1074, %jit3A_1075 : i32
          %sign3A_1077 = arith.constant 0 : i32
          %sign3A_1078 = arith.cmpi sgt, %add3A_1074, %sign3A_1077 : i32
          %sign3A_1079 = arith.extui %sign3A_1078 : i1 to i32
          %sign3A_1080 = arith.constant 0 : i32
          %sign3A_1081 = arith.cmpi slt, %add3A_1074, %sign3A_1080 : i32
          %sign3A_1082 = arith.extui %sign3A_1081 : i1 to i32
          %sign3A_1083 = arith.subi %sign3A_1079, %sign3A_1082 : i32
          %sign3A_1084 = arith.constant 0 : i32
          %sign3A_1085 = arith.cmpi sgt, %jit3A_1075, %sign3A_1084 : i32
          %sign3A_1086 = arith.extui %sign3A_1085 : i1 to i32
          %sign3A_1087 = arith.constant 0 : i32
          %sign3A_1088 = arith.cmpi slt, %jit3A_1075, %sign3A_1087 : i32
          %sign3A_1089 = arith.extui %sign3A_1088 : i1 to i32
          %sign3A_1090 = arith.subi %sign3A_1086, %sign3A_1089 : i32
          %ne3A_1091 = arith.cmpi ne, %sign3A_1083, %sign3A_1090 : i32
          %rem3A_1092 = arith.remsi %add3A_1074, %jit3A_1075 : i32
          %ne3A_1093 = arith.constant 0 : i32
          %ne3A_1094 = arith.cmpi ne, %rem3A_1092, %ne3A_1093 : i32
          %and3A_1095 = arith.andi %ne3A_1091, %ne3A_1094 : i1
          %sub3A_1096 = arith.constant 1 : i32
          %sub3A_1097 = arith.subi %div3A_1076, %sub3A_1096 : i32
          %select_n3A_1098 = arith.select %and3A_1095, %sub3A_1097, %div3A_1076 : i32
          %while3A_1099 = arith.constant 0 : i32
          %while3A_1100 = arith.constant 0 : i32
          %while3A_1101 = arith.subi %select_n3A_1098, %while3A_1100 : i32
          %while3A_1102 = arith.addi %while3A_1100, %while3A_1101 : i32
          %while3A_1103 = arith.constant 1 : i32
          %while3A_1104 = arith.divsi %while3A_1101, %while3A_1103 : i32
          %while3A_1105 = arith.muli %while3A_1104, %while3A_1103 : i32
          %while3A_1106 = arith.addi %while3A_1100, %while3A_1105 : i32
          %while3A_1107 = arith.constant 1 : i32
          scf.for %while3A_1110 = %while3A_1100 to %while3A_1106 step %while3A_1107  : i32 {
            %mul3A_1111 = arith.constant 16 : i32
            %mul3A_1112 = arith.muli %while3A_1110, %mul3A_1111 : i32
            %get3A_1113 = arith.index_cast %mul3A_1112 : i32 to index
            %get3A_1114 = tpu.vector_load %arg9[%get3A_1113] {strides = array<i32>} : memref<2832xi32, #tpu.memory_space<vmem>>, vector<16xi32>,
            %mul3A_1115 = arith.constant 16 : i32
            %mul3A_1116 = arith.muli %while3A_1110, %mul3A_1115 : i32
            %add3A_1117 = vector.broadcast %mul3A_1116 : i32 to vector<16xi32>
            %add3A_1118 = arith.addi %iota3A, %add3A_1117 : vector<16xi32>
            %add3A_1119 = arith.constant 0 : i32
            %add3A_1120 = vector.broadcast %add3A_1119 : i32 to vector<16xi32>
            %add3A_1121 = arith.addi %iota3A, %add3A_1120 : vector<16xi32>
            %and3A_1122 = arith.constant 15 : i32
            %and3A_1123 = vector.broadcast %and3A_1122 : i32 to vector<16xi32>
            %and3A_1124 = arith.andi %add3A_1121, %and3A_1123 : vector<16xi32>
            %gather3A = tpu.vector_load_idx %arg10[%add3A_1118, %and3A_1124] : memref<2816x16xf32, #tpu.memory_space<vmem>>[vector<16xi32>, vector<16xi32>], vector<16xf32>,
            %add3A_1125 = arith.addi %get3A_1114, %and3A_1124 : vector<16xi32>
            tpu.vector_store_idx %arg11[%add3A_1125], %gather3A {add = true} : memref<24592xf32, #tpu.memory_space<vmem>>[vector<16xi32>], vector<16xf32>,
            %add3A_1126 = arith.constant 1 : i32
            %add3A_1127 = vector.broadcast %add3A_1126 : i32 to vector<16xi32>
            %add3A_1128 = arith.addi %iota3A, %add3A_1127 : vector<16xi32>
            %and3A_1129 = arith.constant 15 : i32
            %and3A_1130 = vector.broadcast %and3A_1129 : i32 to vector<16xi32>
            %and3A_1131 = arith.andi %add3A_1128, %and3A_1130 : vector<16xi32>
            %gather3A_1132 = tpu.vector_load_idx %arg10[%add3A_1118, %and3A_1131] : memref<2816x16xf32, #tpu.memory_space<vmem>>[vector<16xi32>, vector<16xi32>], vector<16xf32>,
            %add3A_1133 = arith.addi %get3A_1114, %and3A_1131 : vector<16xi32>
            tpu.vector_store_idx %arg11[%add3A_1133], %gather3A_1132 {add = true} : memref<24592xf32, #tpu.memory_space<vmem>>[vector<16xi32>], vector<16xf32>,
            %add3A_1134 = arith.constant 2 : i32
            %add3A_1135 = vector.broadcast %add3A_1134 : i32 to vector<16xi32>
            %add3A_1136 = arith.addi %iota3A, %add3A_1135 : vector<16xi32>
            %and3A_1137 = arith.constant 15 : i32
            %and3A_1138 = vector.broadcast %and3A_1137 : i32 to vector<16xi32>
            %and3A_1139 = arith.andi %add3A_1136, %and3A_1138 : vector<16xi32>
            %gather3A_1140 = tpu.vector_load_idx %arg10[%add3A_1118, %and3A_1139] : memref<2816x16xf32, #tpu.memory_space<vmem>>[vector<16xi32>, vector<16xi32>], vector<16xf32>,
            %add3A_1141 = arith.addi %get3A_1114, %and3A_1139 : vector<16xi32>
            tpu.vector_store_idx %arg11[%add3A_1141], %gather3A_1140 {add = true} : memref<24592xf32, #tpu.memory_space<vmem>>[vector<16xi32>], vector<16xf32>,
            %add3A_1142 = arith.constant 3 : i32
            %add3A_1143 = vector.broadcast %add3A_1142 : i32 to vector<16xi32>
            %add3A_1144 = arith.addi %iota3A, %add3A_1143 : vector<16xi32>
            %and3A_1145 = arith.constant 15 : i32
            %and3A_1146 = vector.broadcast %and3A_1145 : i32 to vector<16xi32>
            %and3A_1147 = arith.andi %add3A_1144, %and3A_1146 : vector<16xi32>
            %gather3A_1148 = tpu.vector_load_idx %arg10[%add3A_1118, %and3A_1147] : memref<2816x16xf32, #tpu.memory_space<vmem>>[vector<16xi32>, vector<16xi32>], vector<16xf32>,
            %add3A_1149 = arith.addi %get3A_1114, %and3A_1147 : vector<16xi32>
            tpu.vector_store_idx %arg11[%add3A_1149], %gather3A_1148 {add = true} : memref<24592xf32, #tpu.memory_space<vmem>>[vector<16xi32>], vector<16xf32>,
            %add3A_1150 = arith.constant 4 : i32
            %add3A_1151 = vector.broadcast %add3A_1150 : i32 to vector<16xi32>
            %add3A_1152 = arith.addi %iota3A, %add3A_1151 : vector<16xi32>
            %and3A_1153 = arith.constant 15 : i32
            %and3A_1154 = vector.broadcast %and3A_1153 : i32 to vector<16xi32>
            %and3A_1155 = arith.andi %add3A_1152, %and3A_1154 : vector<16xi32>
            %gather3A_1156 = tpu.vector_load_idx %arg10[%add3A_1118, %and3A_1155] : memref<2816x16xf32, #tpu.memory_space<vmem>>[vector<16xi32>, vector<16xi32>], vector<16xf32>,
            %add3A_1157 = arith.addi %get3A_1114, %and3A_1155 : vector<16xi32>
            tpu.vector_store_idx %arg11[%add3A_1157], %gather3A_1156 {add = true} : memref<24592xf32, #tpu.memory_space<vmem>>[vector<16xi32>], vector<16xf32>,
            %add3A_1158 = arith.constant 5 : i32
            %add3A_1159 = vector.broadcast %add3A_1158 : i32 to vector<16xi32>
            %add3A_1160 = arith.addi %iota3A, %add3A_1159 : vector<16xi32>
            %and3A_1161 = arith.constant 15 : i32
            %and3A_1162 = vector.broadcast %and3A_1161 : i32 to vector<16xi32>
            %and3A_1163 = arith.andi %add3A_1160, %and3A_1162 : vector<16xi32>
            %gather3A_1164 = tpu.vector_load_idx %arg10[%add3A_1118, %and3A_1163] : memref<2816x16xf32, #tpu.memory_space<vmem>>[vector<16xi32>, vector<16xi32>], vector<16xf32>,
            %add3A_1165 = arith.addi %get3A_1114, %and3A_1163 : vector<16xi32>
            tpu.vector_store_idx %arg11[%add3A_1165], %gather3A_1164 {add = true} : memref<24592xf32, #tpu.memory_space<vmem>>[vector<16xi32>], vector<16xf32>,
            %add3A_1166 = arith.constant 6 : i32
            %add3A_1167 = vector.broadcast %add3A_1166 : i32 to vector<16xi32>
            %add3A_1168 = arith.addi %iota3A, %add3A_1167 : vector<16xi32>
            %and3A_1169 = arith.constant 15 : i32
            %and3A_1170 = vector.broadcast %and3A_1169 : i32 to vector<16xi32>
            %and3A_1171 = arith.andi %add3A_1168, %and3A_1170 : vector<16xi32>
            %gather3A_1172 = tpu.vector_load_idx %arg10[%add3A_1118, %and3A_1171] : memref<2816x16xf32, #tpu.memory_space<vmem>>[vector<16xi32>, vector<16xi32>], vector<16xf32>,
            %add3A_1173 = arith.addi %get3A_1114, %and3A_1171 : vector<16xi32>
            tpu.vector_store_idx %arg11[%add3A_1173], %gather3A_1172 {add = true} : memref<24592xf32, #tpu.memory_space<vmem>>[vector<16xi32>], vector<16xf32>,
            %add3A_1174 = arith.constant 7 : i32
            %add3A_1175 = vector.broadcast %add3A_1174 : i32 to vector<16xi32>
            %add3A_1176 = arith.addi %iota3A, %add3A_1175 : vector<16xi32>
            %and3A_1177 = arith.constant 15 : i32
            %and3A_1178 = vector.broadcast %and3A_1177 : i32 to vector<16xi32>
            %and3A_1179 = arith.andi %add3A_1176, %and3A_1178 : vector<16xi32>
            %gather3A_1180 = tpu.vector_load_idx %arg10[%add3A_1118, %and3A_1179] : memref<2816x16xf32, #tpu.memory_space<vmem>>[vector<16xi32>, vector<16xi32>], vector<16xf32>,
            %add3A_1181 = arith.addi %get3A_1114, %and3A_1179 : vector<16xi32>
            tpu.vector_store_idx %arg11[%add3A_1181], %gather3A_1180 {add = true} : memref<24592xf32, #tpu.memory_space<vmem>>[vector<16xi32>], vector<16xf32>,
            %add3A_1182 = arith.constant 8 : i32
            %add3A_1183 = vector.broadcast %add3A_1182 : i32 to vector<16xi32>
            %add3A_1184 = arith.addi %iota3A, %add3A_1183 : vector<16xi32>
            %and3A_1185 = arith.constant 15 : i32
            %and3A_1186 = vector.broadcast %and3A_1185 : i32 to vector<16xi32>
            %and3A_1187 = arith.andi %add3A_1184, %and3A_1186 : vector<16xi32>
            %gather3A_1188 = tpu.vector_load_idx %arg10[%add3A_1118, %and3A_1187] : memref<2816x16xf32, #tpu.memory_space<vmem>>[vector<16xi32>, vector<16xi32>], vector<16xf32>,
            %add3A_1189 = arith.addi %get3A_1114, %and3A_1187 : vector<16xi32>
            tpu.vector_store_idx %arg11[%add3A_1189], %gather3A_1188 {add = true} : memref<24592xf32, #tpu.memory_space<vmem>>[vector<16xi32>], vector<16xf32>,
            %add3A_1190 = arith.constant 9 : i32
            %add3A_1191 = vector.broadcast %add3A_1190 : i32 to vector<16xi32>
            %add3A_1192 = arith.addi %iota3A, %add3A_1191 : vector<16xi32>
            %and3A_1193 = arith.constant 15 : i32
            %and3A_1194 = vector.broadcast %and3A_1193 : i32 to vector<16xi32>
            %and3A_1195 = arith.andi %add3A_1192, %and3A_1194 : vector<16xi32>
            %gather3A_1196 = tpu.vector_load_idx %arg10[%add3A_1118, %and3A_1195] : memref<2816x16xf32, #tpu.memory_space<vmem>>[vector<16xi32>, vector<16xi32>], vector<16xf32>,
            %add3A_1197 = arith.addi %get3A_1114, %and3A_1195 : vector<16xi32>
            tpu.vector_store_idx %arg11[%add3A_1197], %gather3A_1196 {add = true} : memref<24592xf32, #tpu.memory_space<vmem>>[vector<16xi32>], vector<16xf32>,
            %add3A_1198 = arith.constant 10 : i32
            %add3A_1199 = vector.broadcast %add3A_1198 : i32 to vector<16xi32>
            %add3A_1200 = arith.addi %iota3A, %add3A_1199 : vector<16xi32>
            %and3A_1201 = arith.constant 15 : i32
            %and3A_1202 = vector.broadcast %and3A_1201 : i32 to vector<16xi32>
            %and3A_1203 = arith.andi %add3A_1200, %and3A_1202 : vector<16xi32>
            %gather3A_1204 = tpu.vector_load_idx %arg10[%add3A_1118, %and3A_1203] : memref<2816x16xf32, #tpu.memory_space<vmem>>[vector<16xi32>, vector<16xi32>], vector<16xf32>,
            %add3A_1205 = arith.addi %get3A_1114, %and3A_1203 : vector<16xi32>
            tpu.vector_store_idx %arg11[%add3A_1205], %gather3A_1204 {add = true} : memref<24592xf32, #tpu.memory_space<vmem>>[vector<16xi32>], vector<16xf32>,
            %add3A_1206 = arith.constant 11 : i32
            %add3A_1207 = vector.broadcast %add3A_1206 : i32 to vector<16xi32>
            %add3A_1208 = arith.addi %iota3A, %add3A_1207 : vector<16xi32>
            %and3A_1209 = arith.constant 15 : i32
            %and3A_1210 = vector.broadcast %and3A_1209 : i32 to vector<16xi32>
            %and3A_1211 = arith.andi %add3A_1208, %and3A_1210 : vector<16xi32>
            %gather3A_1212 = tpu.vector_load_idx %arg10[%add3A_1118, %and3A_1211] : memref<2816x16xf32, #tpu.memory_space<vmem>>[vector<16xi32>, vector<16xi32>], vector<16xf32>,
            %add3A_1213 = arith.addi %get3A_1114, %and3A_1211 : vector<16xi32>
            tpu.vector_store_idx %arg11[%add3A_1213], %gather3A_1212 {add = true} : memref<24592xf32, #tpu.memory_space<vmem>>[vector<16xi32>], vector<16xf32>,
            %add3A_1214 = arith.constant 12 : i32
            %add3A_1215 = vector.broadcast %add3A_1214 : i32 to vector<16xi32>
            %add3A_1216 = arith.addi %iota3A, %add3A_1215 : vector<16xi32>
            %and3A_1217 = arith.constant 15 : i32
            %and3A_1218 = vector.broadcast %and3A_1217 : i32 to vector<16xi32>
            %and3A_1219 = arith.andi %add3A_1216, %and3A_1218 : vector<16xi32>
            %gather3A_1220 = tpu.vector_load_idx %arg10[%add3A_1118, %and3A_1219] : memref<2816x16xf32, #tpu.memory_space<vmem>>[vector<16xi32>, vector<16xi32>], vector<16xf32>,
            %add3A_1221 = arith.addi %get3A_1114, %and3A_1219 : vector<16xi32>
            tpu.vector_store_idx %arg11[%add3A_1221], %gather3A_1220 {add = true} : memref<24592xf32, #tpu.memory_space<vmem>>[vector<16xi32>], vector<16xf32>,
            %add3A_1222 = arith.constant 13 : i32
            %add3A_1223 = vector.broadcast %add3A_1222 : i32 to vector<16xi32>
            %add3A_1224 = arith.addi %iota3A, %add3A_1223 : vector<16xi32>
            %and3A_1225 = arith.constant 15 : i32
            %and3A_1226 = vector.broadcast %and3A_1225 : i32 to vector<16xi32>
            %and3A_1227 = arith.andi %add3A_1224, %and3A_1226 : vector<16xi32>
            %gather3A_1228 = tpu.vector_load_idx %arg10[%add3A_1118, %and3A_1227] : memref<2816x16xf32, #tpu.memory_space<vmem>>[vector<16xi32>, vector<16xi32>], vector<16xf32>,
            %add3A_1229 = arith.addi %get3A_1114, %and3A_1227 : vector<16xi32>
            tpu.vector_store_idx %arg11[%add3A_1229], %gather3A_1228 {add = true} : memref<24592xf32, #tpu.memory_space<vmem>>[vector<16xi32>], vector<16xf32>,
            %add3A_1230 = arith.constant 14 : i32
            %add3A_1231 = vector.broadcast %add3A_1230 : i32 to vector<16xi32>
            %add3A_1232 = arith.addi %iota3A, %add3A_1231 : vector<16xi32>
            %and3A_1233 = arith.constant 15 : i32
            %and3A_1234 = vector.broadcast %and3A_1233 : i32 to vector<16xi32>
            %and3A_1235 = arith.andi %add3A_1232, %and3A_1234 : vector<16xi32>
            %gather3A_1236 = tpu.vector_load_idx %arg10[%add3A_1118, %and3A_1235] : memref<2816x16xf32, #tpu.memory_space<vmem>>[vector<16xi32>, vector<16xi32>], vector<16xf32>,
            %add3A_1237 = arith.addi %get3A_1114, %and3A_1235 : vector<16xi32>
            tpu.vector_store_idx %arg11[%add3A_1237], %gather3A_1236 {add = true} : memref<24592xf32, #tpu.memory_space<vmem>>[vector<16xi32>], vector<16xf32>,
            %add3A_1238 = arith.constant 15 : i32
            %add3A_1239 = vector.broadcast %add3A_1238 : i32 to vector<16xi32>
            %add3A_1240 = arith.addi %iota3A, %add3A_1239 : vector<16xi32>
            %and3A_1241 = arith.constant 15 : i32
            %and3A_1242 = vector.broadcast %and3A_1241 : i32 to vector<16xi32>
            %and3A_1243 = arith.andi %add3A_1240, %and3A_1242 : vector<16xi32>
            %gather3A_1244 = tpu.vector_load_idx %arg10[%add3A_1118, %and3A_1243] : memref<2816x16xf32, #tpu.memory_space<vmem>>[vector<16xi32>, vector<16xi32>], vector<16xf32>,
            %add3A_1245 = arith.addi %get3A_1114, %and3A_1243 : vector<16xi32>
            tpu.vector_store_idx %arg11[%add3A_1245], %gather3A_1244 {add = true} : memref<24592xf32, #tpu.memory_space<vmem>>[vector<16xi32>], vector<16xf32>,
          }
          %while3A_1108 = arith.constant 1 : i32
          scf.for %while3A_1110 = %while3A_1106 to %while3A_1102 step %while3A_1108  : i32 {
            %mul3A_1111 = arith.constant 16 : i32
            %mul3A_1112 = arith.muli %while3A_1110, %mul3A_1111 : i32
            %get3A_1113 = arith.index_cast %mul3A_1112 : i32 to index
            %get3A_1114 = tpu.vector_load %arg9[%get3A_1113] {strides = array<i32>} : memref<2832xi32, #tpu.memory_space<vmem>>, vector<16xi32>,
            %mul3A_1115 = arith.constant 16 : i32
            %mul3A_1116 = arith.muli %while3A_1110, %mul3A_1115 : i32
            %add3A_1117 = vector.broadcast %mul3A_1116 : i32 to vector<16xi32>
            %add3A_1118 = arith.addi %iota3A, %add3A_1117 : vector<16xi32>
            %add3A_1119 = arith.constant 0 : i32
            %add3A_1120 = vector.broadcast %add3A_1119 : i32 to vector<16xi32>
            %add3A_1121 = arith.addi %iota3A, %add3A_1120 : vector<16xi32>
            %and3A_1122 = arith.constant 15 : i32
            %and3A_1123 = vector.broadcast %and3A_1122 : i32 to vector<16xi32>
            %and3A_1124 = arith.andi %add3A_1121, %and3A_1123 : vector<16xi32>
            %gather3A = tpu.vector_load_idx %arg10[%add3A_1118, %and3A_1124] : memref<2816x16xf32, #tpu.memory_space<vmem>>[vector<16xi32>, vector<16xi32>], vector<16xf32>,
            %add3A_1125 = arith.addi %get3A_1114, %and3A_1124 : vector<16xi32>
            tpu.vector_store_idx %arg11[%add3A_1125], %gather3A {add = true} : memref<24592xf32, #tpu.memory_space<vmem>>[vector<16xi32>], vector<16xf32>,
            %add3A_1126 = arith.constant 1 : i32
            %add3A_1127 = vector.broadcast %add3A_1126 : i32 to vector<16xi32>
            %add3A_1128 = arith.addi %iota3A, %add3A_1127 : vector<16xi32>
            %and3A_1129 = arith.constant 15 : i32
            %and3A_1130 = vector.broadcast %and3A_1129 : i32 to vector<16xi32>
            %and3A_1131 = arith.andi %add3A_1128, %and3A_1130 : vector<16xi32>
            %gather3A_1132 = tpu.vector_load_idx %arg10[%add3A_1118, %and3A_1131] : memref<2816x16xf32, #tpu.memory_space<vmem>>[vector<16xi32>, vector<16xi32>], vector<16xf32>,
            %add3A_1133 = arith.addi %get3A_1114, %and3A_1131 : vector<16xi32>
            tpu.vector_store_idx %arg11[%add3A_1133], %gather3A_1132 {add = true} : memref<24592xf32, #tpu.memory_space<vmem>>[vector<16xi32>], vector<16xf32>,
            %add3A_1134 = arith.constant 2 : i32
            %add3A_1135 = vector.broadcast %add3A_1134 : i32 to vector<16xi32>
            %add3A_1136 = arith.addi %iota3A, %add3A_1135 : vector<16xi32>
            %and3A_1137 = arith.constant 15 : i32
            %and3A_1138 = vector.broadcast %and3A_1137 : i32 to vector<16xi32>
            %and3A_1139 = arith.andi %add3A_1136, %and3A_1138 : vector<16xi32>
            %gather3A_1140 = tpu.vector_load_idx %arg10[%add3A_1118, %and3A_1139] : memref<2816x16xf32, #tpu.memory_space<vmem>>[vector<16xi32>, vector<16xi32>], vector<16xf32>,
            %add3A_1141 = arith.addi %get3A_1114, %and3A_1139 : vector<16xi32>
            tpu.vector_store_idx %arg11[%add3A_1141], %gather3A_1140 {add = true} : memref<24592xf32, #tpu.memory_space<vmem>>[vector<16xi32>], vector<16xf32>,
            %add3A_1142 = arith.constant 3 : i32
            %add3A_1143 = vector.broadcast %add3A_1142 : i32 to vector<16xi32>
            %add3A_1144 = arith.addi %iota3A, %add3A_1143 : vector<16xi32>
            %and3A_1145 = arith.constant 15 : i32
            %and3A_1146 = vector.broadcast %and3A_1145 : i32 to vector<16xi32>
            %and3A_1147 = arith.andi %add3A_1144, %and3A_1146 : vector<16xi32>
            %gather3A_1148 = tpu.vector_load_idx %arg10[%add3A_1118, %and3A_1147] : memref<2816x16xf32, #tpu.memory_space<vmem>>[vector<16xi32>, vector<16xi32>], vector<16xf32>,
            %add3A_1149 = arith.addi %get3A_1114, %and3A_1147 : vector<16xi32>
            tpu.vector_store_idx %arg11[%add3A_1149], %gather3A_1148 {add = true} : memref<24592xf32, #tpu.memory_space<vmem>>[vector<16xi32>], vector<16xf32>,
            %add3A_1150 = arith.constant 4 : i32
            %add3A_1151 = vector.broadcast %add3A_1150 : i32 to vector<16xi32>
            %add3A_1152 = arith.addi %iota3A, %add3A_1151 : vector<16xi32>
            %and3A_1153 = arith.constant 15 : i32
            %and3A_1154 = vector.broadcast %and3A_1153 : i32 to vector<16xi32>
            %and3A_1155 = arith.andi %add3A_1152, %and3A_1154 : vector<16xi32>
            %gather3A_1156 = tpu.vector_load_idx %arg10[%add3A_1118, %and3A_1155] : memref<2816x16xf32, #tpu.memory_space<vmem>>[vector<16xi32>, vector<16xi32>], vector<16xf32>,
            %add3A_1157 = arith.addi %get3A_1114, %and3A_1155 : vector<16xi32>
            tpu.vector_store_idx %arg11[%add3A_1157], %gather3A_1156 {add = true} : memref<24592xf32, #tpu.memory_space<vmem>>[vector<16xi32>], vector<16xf32>,
            %add3A_1158 = arith.constant 5 : i32
            %add3A_1159 = vector.broadcast %add3A_1158 : i32 to vector<16xi32>
            %add3A_1160 = arith.addi %iota3A, %add3A_1159 : vector<16xi32>
            %and3A_1161 = arith.constant 15 : i32
            %and3A_1162 = vector.broadcast %and3A_1161 : i32 to vector<16xi32>
            %and3A_1163 = arith.andi %add3A_1160, %and3A_1162 : vector<16xi32>
            %gather3A_1164 = tpu.vector_load_idx %arg10[%add3A_1118, %and3A_1163] : memref<2816x16xf32, #tpu.memory_space<vmem>>[vector<16xi32>, vector<16xi32>], vector<16xf32>,
            %add3A_1165 = arith.addi %get3A_1114, %and3A_1163 : vector<16xi32>
            tpu.vector_store_idx %arg11[%add3A_1165], %gather3A_1164 {add = true} : memref<24592xf32, #tpu.memory_space<vmem>>[vector<16xi32>], vector<16xf32>,
            %add3A_1166 = arith.constant 6 : i32
            %add3A_1167 = vector.broadcast %add3A_1166 : i32 to vector<16xi32>
            %add3A_1168 = arith.addi %iota3A, %add3A_1167 : vector<16xi32>
            %and3A_1169 = arith.constant 15 : i32
            %and3A_1170 = vector.broadcast %and3A_1169 : i32 to vector<16xi32>
            %and3A_1171 = arith.andi %add3A_1168, %and3A_1170 : vector<16xi32>
            %gather3A_1172 = tpu.vector_load_idx %arg10[%add3A_1118, %and3A_1171] : memref<2816x16xf32, #tpu.memory_space<vmem>>[vector<16xi32>, vector<16xi32>], vector<16xf32>,
            %add3A_1173 = arith.addi %get3A_1114, %and3A_1171 : vector<16xi32>
            tpu.vector_store_idx %arg11[%add3A_1173], %gather3A_1172 {add = true} : memref<24592xf32, #tpu.memory_space<vmem>>[vector<16xi32>], vector<16xf32>,
            %add3A_1174 = arith.constant 7 : i32
            %add3A_1175 = vector.broadcast %add3A_1174 : i32 to vector<16xi32>
            %add3A_1176 = arith.addi %iota3A, %add3A_1175 : vector<16xi32>
            %and3A_1177 = arith.constant 15 : i32
            %and3A_1178 = vector.broadcast %and3A_1177 : i32 to vector<16xi32>
            %and3A_1179 = arith.andi %add3A_1176, %and3A_1178 : vector<16xi32>
            %gather3A_1180 = tpu.vector_load_idx %arg10[%add3A_1118, %and3A_1179] : memref<2816x16xf32, #tpu.memory_space<vmem>>[vector<16xi32>, vector<16xi32>], vector<16xf32>,
            %add3A_1181 = arith.addi %get3A_1114, %and3A_1179 : vector<16xi32>
            tpu.vector_store_idx %arg11[%add3A_1181], %gather3A_1180 {add = true} : memref<24592xf32, #tpu.memory_space<vmem>>[vector<16xi32>], vector<16xf32>,
            %add3A_1182 = arith.constant 8 : i32
            %add3A_1183 = vector.broadcast %add3A_1182 : i32 to vector<16xi32>
            %add3A_1184 = arith.addi %iota3A, %add3A_1183 : vector<16xi32>
            %and3A_1185 = arith.constant 15 : i32
            %and3A_1186 = vector.broadcast %and3A_1185 : i32 to vector<16xi32>
            %and3A_1187 = arith.andi %add3A_1184, %and3A_1186 : vector<16xi32>
            %gather3A_1188 = tpu.vector_load_idx %arg10[%add3A_1118, %and3A_1187] : memref<2816x16xf32, #tpu.memory_space<vmem>>[vector<16xi32>, vector<16xi32>], vector<16xf32>,
            %add3A_1189 = arith.addi %get3A_1114, %and3A_1187 : vector<16xi32>
            tpu.vector_store_idx %arg11[%add3A_1189], %gather3A_1188 {add = true} : memref<24592xf32, #tpu.memory_space<vmem>>[vector<16xi32>], vector<16xf32>,
            %add3A_1190 = arith.constant 9 : i32
            %add3A_1191 = vector.broadcast %add3A_1190 : i32 to vector<16xi32>
            %add3A_1192 = arith.addi %iota3A, %add3A_1191 : vector<16xi32>
            %and3A_1193 = arith.constant 15 : i32
            %and3A_1194 = vector.broadcast %and3A_1193 : i32 to vector<16xi32>
            %and3A_1195 = arith.andi %add3A_1192, %and3A_1194 : vector<16xi32>
            %gather3A_1196 = tpu.vector_load_idx %arg10[%add3A_1118, %and3A_1195] : memref<2816x16xf32, #tpu.memory_space<vmem>>[vector<16xi32>, vector<16xi32>], vector<16xf32>,
            %add3A_1197 = arith.addi %get3A_1114, %and3A_1195 : vector<16xi32>
            tpu.vector_store_idx %arg11[%add3A_1197], %gather3A_1196 {add = true} : memref<24592xf32, #tpu.memory_space<vmem>>[vector<16xi32>], vector<16xf32>,
            %add3A_1198 = arith.constant 10 : i32
            %add3A_1199 = vector.broadcast %add3A_1198 : i32 to vector<16xi32>
            %add3A_1200 = arith.addi %iota3A, %add3A_1199 : vector<16xi32>
            %and3A_1201 = arith.constant 15 : i32
            %and3A_1202 = vector.broadcast %and3A_1201 : i32 to vector<16xi32>
            %and3A_1203 = arith.andi %add3A_1200, %and3A_1202 : vector<16xi32>
            %gather3A_1204 = tpu.vector_load_idx %arg10[%add3A_1118, %and3A_1203] : memref<2816x16xf32, #tpu.memory_space<vmem>>[vector<16xi32>, vector<16xi32>], vector<16xf32>,
            %add3A_1205 = arith.addi %get3A_1114, %and3A_1203 : vector<16xi32>
            tpu.vector_store_idx %arg11[%add3A_1205], %gather3A_1204 {add = true} : memref<24592xf32, #tpu.memory_space<vmem>>[vector<16xi32>], vector<16xf32>,
            %add3A_1206 = arith.constant 11 : i32
            %add3A_1207 = vector.broadcast %add3A_1206 : i32 to vector<16xi32>
            %add3A_1208 = arith.addi %iota3A, %add3A_1207 : vector<16xi32>
            %and3A_1209 = arith.constant 15 : i32
            %and3A_1210 = vector.broadcast %and3A_1209 : i32 to vector<16xi32>
            %and3A_1211 = arith.andi %add3A_1208, %and3A_1210 : vector<16xi32>
            %gather3A_1212 = tpu.vector_load_idx %arg10[%add3A_1118, %and3A_1211] : memref<2816x16xf32, #tpu.memory_space<vmem>>[vector<16xi32>, vector<16xi32>], vector<16xf32>,
            %add3A_1213 = arith.addi %get3A_1114, %and3A_1211 : vector<16xi32>
            tpu.vector_store_idx %arg11[%add3A_1213], %gather3A_1212 {add = true} : memref<24592xf32, #tpu.memory_space<vmem>>[vector<16xi32>], vector<16xf32>,
            %add3A_1214 = arith.constant 12 : i32
            %add3A_1215 = vector.broadcast %add3A_1214 : i32 to vector<16xi32>
            %add3A_1216 = arith.addi %iota3A, %add3A_1215 : vector<16xi32>
            %and3A_1217 = arith.constant 15 : i32
            %and3A_1218 = vector.broadcast %and3A_1217 : i32 to vector<16xi32>
            %and3A_1219 = arith.andi %add3A_1216, %and3A_1218 : vector<16xi32>
            %gather3A_1220 = tpu.vector_load_idx %arg10[%add3A_1118, %and3A_1219] : memref<2816x16xf32, #tpu.memory_space<vmem>>[vector<16xi32>, vector<16xi32>], vector<16xf32>,
            %add3A_1221 = arith.addi %get3A_1114, %and3A_1219 : vector<16xi32>
            tpu.vector_store_idx %arg11[%add3A_1221], %gather3A_1220 {add = true} : memref<24592xf32, #tpu.memory_space<vmem>>[vector<16xi32>], vector<16xf32>,
            %add3A_1222 = arith.constant 13 : i32
            %add3A_1223 = vector.broadcast %add3A_1222 : i32 to vector<16xi32>
            %add3A_1224 = arith.addi %iota3A, %add3A_1223 : vector<16xi32>
            %and3A_1225 = arith.constant 15 : i32
            %and3A_1226 = vector.broadcast %and3A_1225 : i32 to vector<16xi32>
            %and3A_1227 = arith.andi %add3A_1224, %and3A_1226 : vector<16xi32>
            %gather3A_1228 = tpu.vector_load_idx %arg10[%add3A_1118, %and3A_1227] : memref<2816x16xf32, #tpu.memory_space<vmem>>[vector<16xi32>, vector<16xi32>], vector<16xf32>,
            %add3A_1229 = arith.addi %get3A_1114, %and3A_1227 : vector<16xi32>
            tpu.vector_store_idx %arg11[%add3A_1229], %gather3A_1228 {add = true} : memref<24592xf32, #tpu.memory_space<vmem>>[vector<16xi32>], vector<16xf32>,
            %add3A_1230 = arith.constant 14 : i32
            %add3A_1231 = vector.broadcast %add3A_1230 : i32 to vector<16xi32>
            %add3A_1232 = arith.addi %iota3A, %add3A_1231 : vector<16xi32>
            %and3A_1233 = arith.constant 15 : i32
            %and3A_1234 = vector.broadcast %and3A_1233 : i32 to vector<16xi32>
            %and3A_1235 = arith.andi %add3A_1232, %and3A_1234 : vector<16xi32>
            %gather3A_1236 = tpu.vector_load_idx %arg10[%add3A_1118, %and3A_1235] : memref<2816x16xf32, #tpu.memory_space<vmem>>[vector<16xi32>, vector<16xi32>], vector<16xf32>,
            %add3A_1237 = arith.addi %get3A_1114, %and3A_1235 : vector<16xi32>
            tpu.vector_store_idx %arg11[%add3A_1237], %gather3A_1236 {add = true} : memref<24592xf32, #tpu.memory_space<vmem>>[vector<16xi32>], vector<16xf32>,
            %add3A_1238 = arith.constant 15 : i32
            %add3A_1239 = vector.broadcast %add3A_1238 : i32 to vector<16xi32>
            %add3A_1240 = arith.addi %iota3A, %add3A_1239 : vector<16xi32>
            %and3A_1241 = arith.constant 15 : i32
            %and3A_1242 = vector.broadcast %and3A_1241 : i32 to vector<16xi32>
            %and3A_1243 = arith.andi %add3A_1240, %and3A_1242 : vector<16xi32>
            %gather3A_1244 = tpu.vector_load_idx %arg10[%add3A_1118, %and3A_1243] : memref<2816x16xf32, #tpu.memory_space<vmem>>[vector<16xi32>, vector<16xi32>], vector<16xf32>,
            %add3A_1245 = arith.addi %get3A_1114, %and3A_1243 : vector<16xi32>
            tpu.vector_store_idx %arg11[%add3A_1245], %gather3A_1244 {add = true} : memref<24592xf32, #tpu.memory_space<vmem>>[vector<16xi32>], vector<16xf32>,
          }
          %cond3A_1109 = arith.constant 0 : i32
          scf.yield %cond3A_1109 : i32
        } else {
          scf.yield %while3A_52 : i32
        }
        %mul3A_58 = arith.constant 16 : i32
        %mul3A_59 = arith.muli %while3A_51, %mul3A_58 : i32
        %get3A = arith.index_cast %mul3A_59 : i32 to index
        %get3A_60 = tpu.vector_load %arg6[%get3A] {strides = array<i32>} : memref<8208xi32, #tpu.memory_space<vmem>>, vector<16xi32>,
        %mul3A_61 = arith.constant 16 : i32
        %mul3A_62 = arith.muli %while3A_51, %mul3A_61 : i32
        %get3A_63 = arith.index_cast %mul3A_62 : i32 to index
        %get3A_64 = tpu.vector_load %arg7[%get3A_63] {strides = array<i32>} : memref<8208xi32, #tpu.memory_space<vmem>>, vector<16xi32>,
        %shift_right_logical3A = arith.constant 9 : i32
        %shift_right_logical3A_65 = vector.broadcast %shift_right_logical3A : i32 to vector<16xi32>
        %shift_right_logical3A_66 = arith.shrui %get3A_60, %shift_right_logical3A_65 : vector<16xi32>
        %and3A = arith.constant 511 : i32
        %and3A_67 = vector.broadcast %and3A : i32 to vector<16xi32>
        %and3A_68 = arith.andi %get3A_60, %and3A_67 : vector<16xi32>
        %mul3A_69 = arith.constant 48 : i32
        %mul3A_70 = vector.broadcast %mul3A_69 : i32 to vector<16xi32>
        %mul3A_71 = arith.muli %get3A_64, %mul3A_70 : vector<16xi32>
        %add3A_72 = arith.constant 0 : i32
        %add3A_73 = vector.broadcast %add3A_72 : i32 to vector<16xi32>
        %add3A_74 = arith.addi %shift_right_logical3A_66, %add3A_73 : vector<16xi32>
        %shift_right_logical3A_75 = arith.constant 4 : i32
        %shift_right_logical3A_76 = vector.broadcast %shift_right_logical3A_75 : i32 to vector<16xi32>
        %shift_right_logical3A_77 = arith.shrui %add3A_74, %shift_right_logical3A_76 : vector<16xi32>
        %eq3A = vector.broadcast %add3A : i32 to vector<16xi32>
        %eq3A_78 = arith.cmpi eq, %shift_right_logical3A_77, %eq3A : vector<16xi32>
        %and3A_79 = arith.constant 15 : i32
        %and3A_80 = vector.broadcast %and3A_79 : i32 to vector<16xi32>
        %and3A_81 = arith.andi %add3A_74, %and3A_80 : vector<16xi32>
        %mul3A_82 = arith.constant 512 : i32
        %mul3A_83 = vector.broadcast %mul3A_82 : i32 to vector<16xi32>
        %mul3A_84 = arith.muli %and3A_81, %mul3A_83 : vector<16xi32>
        %add3A_85 = arith.addi %mul3A_84, %and3A_68 : vector<16xi32>
        %all_reduce_population_count3A = tpu.all_reduce %eq3A_78 {dim = 0 : i64, kind = #tpu.reduction_kind<sum>} : vector<16xi1> -> vector<16xi32>
        %slice3A = vector.extract_strided_slice %all_reduce_population_count3A {offsets = [0], sizes = [1], strides = [1]} : vector<16xi32> to vector<1xi32>
        %squeeze3A = vector.extract %slice3A[0] : i32 from vector<1xi32>
        %mul3A_86 = arith.constant 0 : i32
        %mul3A_87 = arith.muli %mul3A_86, %squeeze3A : i32
        %add3A_88 = arith.addi %cond3A_57, %mul3A_87 : i32
        %add3A_89 = arith.constant 0 : i32
        %add3A_90 = vector.broadcast %add3A_89 : i32 to vector<16xi32>
        %add3A_91 = arith.addi %mul3A_71, %add3A_90 : vector<16xi32>
        %swap3A_92 = arith.index_cast %add3A_88 : i32 to index
        %swap3A_93 = tpu.vector_load %arg8[%swap3A_92] masked %eq3A_78 {strides = array<i32>} : memref<2816xi32, #tpu.memory_space<vmem>>, vector<16xi32>, vector<16xi1>
        tpu.vector_store %arg8[%swap3A_92], %add3A_91 masked %eq3A_78 {strides = array<i32>} : memref<2816xi32, #tpu.memory_space<vmem>>, vector<16xi32>, vector<16xi1>
        %add3A_94 = arith.constant 0 : i32
        %add3A_95 = vector.broadcast %add3A_94 : i32 to vector<16xi32>
        %add3A_96 = arith.addi %add3A_85, %add3A_95 : vector<16xi32>
        %swap3A_97 = arith.index_cast %add3A_88 : i32 to index
        %swap3A_98 = tpu.vector_load %arg9[%swap3A_97] masked %eq3A_78 {strides = array<i32>} : memref<2832xi32, #tpu.memory_space<vmem>>, vector<16xi32>, vector<16xi1>
        tpu.vector_store %arg9[%swap3A_97], %add3A_96 masked %eq3A_78 {strides = array<i32>} : memref<2832xi32, #tpu.memory_space<vmem>>, vector<16xi32>, vector<16xi1>
        %mul3A_99 = arith.constant 1 : i32
        %mul3A_100 = arith.muli %mul3A_99, %squeeze3A : i32
        %add3A_101 = arith.addi %cond3A_57, %mul3A_100 : i32
        %add3A_102 = arith.constant 16 : i32
        %add3A_103 = vector.broadcast %add3A_102 : i32 to vector<16xi32>
        %add3A_104 = arith.addi %mul3A_71, %add3A_103 : vector<16xi32>
        %swap3A_105 = arith.index_cast %add3A_101 : i32 to index
        %swap3A_106 = tpu.vector_load %arg8[%swap3A_105] masked %eq3A_78 {strides = array<i32>} : memref<2816xi32, #tpu.memory_space<vmem>>, vector<16xi32>, vector<16xi1>
        tpu.vector_store %arg8[%swap3A_105], %add3A_104 masked %eq3A_78 {strides = array<i32>} : memref<2816xi32, #tpu.memory_space<vmem>>, vector<16xi32>, vector<16xi1>
        %add3A_107 = arith.constant 8192 : i32
        %add3A_108 = vector.broadcast %add3A_107 : i32 to vector<16xi32>
        %add3A_109 = arith.addi %add3A_85, %add3A_108 : vector<16xi32>
        %swap3A_110 = arith.index_cast %add3A_101 : i32 to index
        %swap3A_111 = tpu.vector_load %arg9[%swap3A_110] masked %eq3A_78 {strides = array<i32>} : memref<2832xi32, #tpu.memory_space<vmem>>, vector<16xi32>, vector<16xi1>
        tpu.vector_store %arg9[%swap3A_110], %add3A_109 masked %eq3A_78 {strides = array<i32>} : memref<2832xi32, #tpu.memory_space<vmem>>, vector<16xi32>, vector<16xi1>
        %mul3A_112 = arith.constant 2 : i32
        %mul3A_113 = arith.muli %mul3A_112, %squeeze3A : i32
        %add3A_114 = arith.addi %cond3A_57, %mul3A_113 : i32
        %add3A_115 = arith.constant 32 : i32
        %add3A_116 = vector.broadcast %add3A_115 : i32 to vector<16xi32>
        %add3A_117 = arith.addi %mul3A_71, %add3A_116 : vector<16xi32>
        %swap3A_118 = arith.index_cast %add3A_114 : i32 to index
        %swap3A_119 = tpu.vector_load %arg8[%swap3A_118] masked %eq3A_78 {strides = array<i32>} : memref<2816xi32, #tpu.memory_space<vmem>>, vector<16xi32>, vector<16xi1>
        tpu.vector_store %arg8[%swap3A_118], %add3A_117 masked %eq3A_78 {strides = array<i32>} : memref<2816xi32, #tpu.memory_space<vmem>>, vector<16xi32>, vector<16xi1>
        %add3A_120 = arith.constant 16384 : i32
        %add3A_121 = vector.broadcast %add3A_120 : i32 to vector<16xi32>
        %add3A_122 = arith.addi %add3A_85, %add3A_121 : vector<16xi32>
        %swap3A_123 = arith.index_cast %add3A_114 : i32 to index
        %swap3A_124 = tpu.vector_load %arg9[%swap3A_123] masked %eq3A_78 {strides = array<i32>} : memref<2832xi32, #tpu.memory_space<vmem>>, vector<16xi32>, vector<16xi1>
        tpu.vector_store %arg9[%swap3A_123], %add3A_122 masked %eq3A_78 {strides = array<i32>} : memref<2832xi32, #tpu.memory_space<vmem>>, vector<16xi32>, vector<16xi1>
        %mul3A_125 = arith.constant 3 : i32
        %mul3A_126 = arith.muli %mul3A_125, %squeeze3A : i32
        %add3A_127 = arith.addi %cond3A_57, %mul3A_126 : i32
        %add3A_128 = arith.constant 1 : i32
        %add3A_129 = vector.broadcast %add3A_128 : i32 to vector<16xi32>
        %add3A_130 = arith.addi %shift_right_logical3A_66, %add3A_129 : vector<16xi32>
        %shift_right_logical3A_131 = arith.constant 4 : i32
        %shift_right_logical3A_132 = vector.broadcast %shift_right_logical3A_131 : i32 to vector<16xi32>
        %shift_right_logical3A_133 = arith.shrui %add3A_130, %shift_right_logical3A_132 : vector<16xi32>
        %eq3A_134 = vector.broadcast %add3A : i32 to vector<16xi32>
        %eq3A_135 = arith.cmpi eq, %shift_right_logical3A_133, %eq3A_134 : vector<16xi32>
        %and3A_136 = arith.constant 15 : i32
        %and3A_137 = vector.broadcast %and3A_136 : i32 to vector<16xi32>
        %and3A_138 = arith.andi %add3A_130, %and3A_137 : vector<16xi32>
        %mul3A_139 = arith.constant 512 : i32
        %mul3A_140 = vector.broadcast %mul3A_139 : i32 to vector<16xi32>
        %mul3A_141 = arith.muli %and3A_138, %mul3A_140 : vector<16xi32>
        %add3A_142 = arith.addi %mul3A_141, %and3A_68 : vector<16xi32>
        %all_reduce_population_count3A_143 = tpu.all_reduce %eq3A_135 {dim = 0 : i64, kind = #tpu.reduction_kind<sum>} : vector<16xi1> -> vector<16xi32>
        %slice3A_144 = vector.extract_strided_slice %all_reduce_population_count3A_143 {offsets = [0], sizes = [1], strides = [1]} : vector<16xi32> to vector<1xi32>
        %squeeze3A_145 = vector.extract %slice3A_144[0] : i32 from vector<1xi32>
        %mul3A_146 = arith.constant 0 : i32
        %mul3A_147 = arith.muli %mul3A_146, %squeeze3A_145 : i32
        %add3A_148 = arith.addi %add3A_127, %mul3A_147 : i32
        %add3A_149 = arith.constant 1 : i32
        %add3A_150 = vector.broadcast %add3A_149 : i32 to vector<16xi32>
        %add3A_151 = arith.addi %mul3A_71, %add3A_150 : vector<16xi32>
        %swap3A_152 = arith.index_cast %add3A_148 : i32 to index
        %swap3A_153 = tpu.vector_load %arg8[%swap3A_152] masked %eq3A_135 {strides = array<i32>} : memref<2816xi32, #tpu.memory_space<vmem>>, vector<16xi32>, vector<16xi1>
        tpu.vector_store %arg8[%swap3A_152], %add3A_151 masked %eq3A_135 {strides = array<i32>} : memref<2816xi32, #tpu.memory_space<vmem>>, vector<16xi32>, vector<16xi1>
        %add3A_154 = arith.constant 0 : i32
        %add3A_155 = vector.broadcast %add3A_154 : i32 to vector<16xi32>
        %add3A_156 = arith.addi %add3A_142, %add3A_155 : vector<16xi32>
        %swap3A_157 = arith.index_cast %add3A_148 : i32 to index
        %swap3A_158 = tpu.vector_load %arg9[%swap3A_157] masked %eq3A_135 {strides = array<i32>} : memref<2832xi32, #tpu.memory_space<vmem>>, vector<16xi32>, vector<16xi1>
        tpu.vector_store %arg9[%swap3A_157], %add3A_156 masked %eq3A_135 {strides = array<i32>} : memref<2832xi32, #tpu.memory_space<vmem>>, vector<16xi32>, vector<16xi1>
        %mul3A_159 = arith.constant 1 : i32
        %mul3A_160 = arith.muli %mul3A_159, %squeeze3A_145 : i32
        %add3A_161 = arith.addi %add3A_127, %mul3A_160 : i32
        %add3A_162 = arith.constant 17 : i32
        %add3A_163 = vector.broadcast %add3A_162 : i32 to vector<16xi32>
        %add3A_164 = arith.addi %mul3A_71, %add3A_163 : vector<16xi32>
        %swap3A_165 = arith.index_cast %add3A_161 : i32 to index
        %swap3A_166 = tpu.vector_load %arg8[%swap3A_165] masked %eq3A_135 {strides = array<i32>} : memref<2816xi32, #tpu.memory_space<vmem>>, vector<16xi32>, vector<16xi1>
        tpu.vector_store %arg8[%swap3A_165], %add3A_164 masked %eq3A_135 {strides = array<i32>} : memref<2816xi32, #tpu.memory_space<vmem>>, vector<16xi32>, vector<16xi1>
        %add3A_167 = arith.constant 8192 : i32
        %add3A_168 = vector.broadcast %add3A_167 : i32 to vector<16xi32>
        %add3A_169 = arith.addi %add3A_142, %add3A_168 : vector<16xi32>
        %swap3A_170 = arith.index_cast %add3A_161 : i32 to index
        %swap3A_171 = tpu.vector_load %arg9[%swap3A_170] masked %eq3A_135 {strides = array<i32>} : memref<2832xi32, #tpu.memory_space<vmem>>, vector<16xi32>, vector<16xi1>
        tpu.vector_store %arg9[%swap3A_170], %add3A_169 masked %eq3A_135 {strides = array<i32>} : memref<2832xi32, #tpu.memory_space<vmem>>, vector<16xi32>, vector<16xi1>
        %mul3A_172 = arith.constant 2 : i32
        %mul3A_173 = arith.muli %mul3A_172, %squeeze3A_145 : i32
        %add3A_174 = arith.addi %add3A_127, %mul3A_173 : i32
        %add3A_175 = arith.constant 33 : i32
        %add3A_176 = vector.broadcast %add3A_175 : i32 to vector<16xi32>
        %add3A_177 = arith.addi %mul3A_71, %add3A_176 : vector<16xi32>
        %swap3A_178 = arith.index_cast %add3A_174 : i32 to index
        %swap3A_179 = tpu.vector_load %arg8[%swap3A_178] masked %eq3A_135 {strides = array<i32>} : memref<2816xi32, #tpu.memory_space<vmem>>, vector<16xi32>, vector<16xi1>
        tpu.vector_store %arg8[%swap3A_178], %add3A_177 masked %eq3A_135 {strides = array<i32>} : memref<2816xi32, #tpu.memory_space<vmem>>, vector<16xi32>, vector<16xi1>
        %add3A_180 = arith.constant 16384 : i32
        %add3A_181 = vector.broadcast %add3A_180 : i32 to vector<16xi32>
        %add3A_182 = arith.addi %add3A_142, %add3A_181 : vector<16xi32>
        %swap3A_183 = arith.index_cast %add3A_174 : i32 to index
        %swap3A_184 = tpu.vector_load %arg9[%swap3A_183] masked %eq3A_135 {strides = array<i32>} : memref<2832xi32, #tpu.memory_space<vmem>>, vector<16xi32>, vector<16xi1>
        tpu.vector_store %arg9[%swap3A_183], %add3A_182 masked %eq3A_135 {strides = array<i32>} : memref<2832xi32, #tpu.memory_space<vmem>>, vector<16xi32>, vector<16xi1>
        %mul3A_185 = arith.constant 3 : i32
        %mul3A_186 = arith.muli %mul3A_185, %squeeze3A_145 : i32
        %add3A_187 = arith.addi %add3A_127, %mul3A_186 : i32
        %add3A_188 = arith.constant 2 : i32
        %add3A_189 = vector.broadcast %add3A_188 : i32 to vector<16xi32>
        %add3A_190 = arith.addi %shift_right_logical3A_66, %add3A_189 : vector<16xi32>
        %shift_right_logical3A_191 = arith.constant 4 : i32
        %shift_right_logical3A_192 = vector.broadcast %shift_right_logical3A_191 : i32 to vector<16xi32>
        %shift_right_logical3A_193 = arith.shrui %add3A_190, %shift_right_logical3A_192 : vector<16xi32>
        %eq3A_194 = vector.broadcast %add3A : i32 to vector<16xi32>
        %eq3A_195 = arith.cmpi eq, %shift_right_logical3A_193, %eq3A_194 : vector<16xi32>
        %and3A_196 = arith.constant 15 : i32
        %and3A_197 = vector.broadcast %and3A_196 : i32 to vector<16xi32>
        %and3A_198 = arith.andi %add3A_190, %and3A_197 : vector<16xi32>
        %mul3A_199 = arith.constant 512 : i32
        %mul3A_200 = vector.broadcast %mul3A_199 : i32 to vector<16xi32>
        %mul3A_201 = arith.muli %and3A_198, %mul3A_200 : vector<16xi32>
        %add3A_202 = arith.addi %mul3A_201, %and3A_68 : vector<16xi32>
        %all_reduce_population_count3A_203 = tpu.all_reduce %eq3A_195 {dim = 0 : i64, kind = #tpu.reduction_kind<sum>} : vector<16xi1> -> vector<16xi32>
        %slice3A_204 = vector.extract_strided_slice %all_reduce_population_count3A_203 {offsets = [0], sizes = [1], strides = [1]} : vector<16xi32> to vector<1xi32>
        %squeeze3A_205 = vector.extract %slice3A_204[0] : i32 from vector<1xi32>
        %mul3A_206 = arith.constant 0 : i32
        %mul3A_207 = arith.muli %mul3A_206, %squeeze3A_205 : i32
        %add3A_208 = arith.addi %add3A_187, %mul3A_207 : i32
        %add3A_209 = arith.constant 2 : i32
        %add3A_210 = vector.broadcast %add3A_209 : i32 to vector<16xi32>
        %add3A_211 = arith.addi %mul3A_71, %add3A_210 : vector<16xi32>
        %swap3A_212 = arith.index_cast %add3A_208 : i32 to index
        %swap3A_213 = tpu.vector_load %arg8[%swap3A_212] masked %eq3A_195 {strides = array<i32>} : memref<2816xi32, #tpu.memory_space<vmem>>, vector<16xi32>, vector<16xi1>
        tpu.vector_store %arg8[%swap3A_212], %add3A_211 masked %eq3A_195 {strides = array<i32>} : memref<2816xi32, #tpu.memory_space<vmem>>, vector<16xi32>, vector<16xi1>
        %add3A_214 = arith.constant 0 : i32
        %add3A_215 = vector.broadcast %add3A_214 : i32 to vector<16xi32>
        %add3A_216 = arith.addi %add3A_202, %add3A_215 : vector<16xi32>
        %swap3A_217 = arith.index_cast %add3A_208 : i32 to index
        %swap3A_218 = tpu.vector_load %arg9[%swap3A_217] masked %eq3A_195 {strides = array<i32>} : memref<2832xi32, #tpu.memory_space<vmem>>, vector<16xi32>, vector<16xi1>
        tpu.vector_store %arg9[%swap3A_217], %add3A_216 masked %eq3A_195 {strides = array<i32>} : memref<2832xi32, #tpu.memory_space<vmem>>, vector<16xi32>, vector<16xi1>
        %mul3A_219 = arith.constant 1 : i32
        %mul3A_220 = arith.muli %mul3A_219, %squeeze3A_205 : i32
        %add3A_221 = arith.addi %add3A_187, %mul3A_220 : i32
        %add3A_222 = arith.constant 18 : i32
        %add3A_223 = vector.broadcast %add3A_222 : i32 to vector<16xi32>
        %add3A_224 = arith.addi %mul3A_71, %add3A_223 : vector<16xi32>
        %swap3A_225 = arith.index_cast %add3A_221 : i32 to index
        %swap3A_226 = tpu.vector_load %arg8[%swap3A_225] masked %eq3A_195 {strides = array<i32>} : memref<2816xi32, #tpu.memory_space<vmem>>, vector<16xi32>, vector<16xi1>
        tpu.vector_store %arg8[%swap3A_225], %add3A_224 masked %eq3A_195 {strides = array<i32>} : memref<2816xi32, #tpu.memory_space<vmem>>, vector<16xi32>, vector<16xi1>
        %add3A_227 = arith.constant 8192 : i32
        %add3A_228 = vector.broadcast %add3A_227 : i32 to vector<16xi32>
        %add3A_229 = arith.addi %add3A_202, %add3A_228 : vector<16xi32>
        %swap3A_230 = arith.index_cast %add3A_221 : i32 to index
        %swap3A_231 = tpu.vector_load %arg9[%swap3A_230] masked %eq3A_195 {strides = array<i32>} : memref<2832xi32, #tpu.memory_space<vmem>>, vector<16xi32>, vector<16xi1>
        tpu.vector_store %arg9[%swap3A_230], %add3A_229 masked %eq3A_195 {strides = array<i32>} : memref<2832xi32, #tpu.memory_space<vmem>>, vector<16xi32>, vector<16xi1>
        %mul3A_232 = arith.constant 2 : i32
        %mul3A_233 = arith.muli %mul3A_232, %squeeze3A_205 : i32
        %add3A_234 = arith.addi %add3A_187, %mul3A_233 : i32
        %add3A_235 = arith.constant 34 : i32
        %add3A_236 = vector.broadcast %add3A_235 : i32 to vector<16xi32>
        %add3A_237 = arith.addi %mul3A_71, %add3A_236 : vector<16xi32>
        %swap3A_238 = arith.index_cast %add3A_234 : i32 to index
        %swap3A_239 = tpu.vector_load %arg8[%swap3A_238] masked %eq3A_195 {strides = array<i32>} : memref<2816xi32, #tpu.memory_space<vmem>>, vector<16xi32>, vector<16xi1>
        tpu.vector_store %arg8[%swap3A_238], %add3A_237 masked %eq3A_195 {strides = array<i32>} : memref<2816xi32, #tpu.memory_space<vmem>>, vector<16xi32>, vector<16xi1>
        %add3A_240 = arith.constant 16384 : i32
        %add3A_241 = vector.broadcast %add3A_240 : i32 to vector<16xi32>
        %add3A_242 = arith.addi %add3A_202, %add3A_241 : vector<16xi32>
        %swap3A_243 = arith.index_cast %add3A_234 : i32 to index
        %swap3A_244 = tpu.vector_load %arg9[%swap3A_243] masked %eq3A_195 {strides = array<i32>} : memref<2832xi32, #tpu.memory_space<vmem>>, vector<16xi32>, vector<16xi1>
        tpu.vector_store %arg9[%swap3A_243], %add3A_242 masked %eq3A_195 {strides = array<i32>} : memref<2832xi32, #tpu.memory_space<vmem>>, vector<16xi32>, vector<16xi1>
        %mul3A_245 = arith.constant 3 : i32
        %mul3A_246 = arith.muli %mul3A_245, %squeeze3A_205 : i32
        %add3A_247 = arith.addi %add3A_187, %mul3A_246 : i32
        %add3A_248 = arith.constant 3 : i32
        %add3A_249 = vector.broadcast %add3A_248 : i32 to vector<16xi32>
        %add3A_250 = arith.addi %shift_right_logical3A_66, %add3A_249 : vector<16xi32>
        %shift_right_logical3A_251 = arith.constant 4 : i32
        %shift_right_logical3A_252 = vector.broadcast %shift_right_logical3A_251 : i32 to vector<16xi32>
        %shift_right_logical3A_253 = arith.shrui %add3A_250, %shift_right_logical3A_252 : vector<16xi32>
        %eq3A_254 = vector.broadcast %add3A : i32 to vector<16xi32>
        %eq3A_255 = arith.cmpi eq, %shift_right_logical3A_253, %eq3A_254 : vector<16xi32>
        %and3A_256 = arith.constant 15 : i32
        %and3A_257 = vector.broadcast %and3A_256 : i32 to vector<16xi32>
        %and3A_258 = arith.andi %add3A_250, %and3A_257 : vector<16xi32>
        %mul3A_259 = arith.constant 512 : i32
        %mul3A_260 = vector.broadcast %mul3A_259 : i32 to vector<16xi32>
        %mul3A_261 = arith.muli %and3A_258, %mul3A_260 : vector<16xi32>
        %add3A_262 = arith.addi %mul3A_261, %and3A_68 : vector<16xi32>
        %all_reduce_population_count3A_263 = tpu.all_reduce %eq3A_255 {dim = 0 : i64, kind = #tpu.reduction_kind<sum>} : vector<16xi1> -> vector<16xi32>
        %slice3A_264 = vector.extract_strided_slice %all_reduce_population_count3A_263 {offsets = [0], sizes = [1], strides = [1]} : vector<16xi32> to vector<1xi32>
        %squeeze3A_265 = vector.extract %slice3A_264[0] : i32 from vector<1xi32>
        %mul3A_266 = arith.constant 0 : i32
        %mul3A_267 = arith.muli %mul3A_266, %squeeze3A_265 : i32
        %add3A_268 = arith.addi %add3A_247, %mul3A_267 : i32
        %add3A_269 = arith.constant 3 : i32
        %add3A_270 = vector.broadcast %add3A_269 : i32 to vector<16xi32>
        %add3A_271 = arith.addi %mul3A_71, %add3A_270 : vector<16xi32>
        %swap3A_272 = arith.index_cast %add3A_268 : i32 to index
        %swap3A_273 = tpu.vector_load %arg8[%swap3A_272] masked %eq3A_255 {strides = array<i32>} : memref<2816xi32, #tpu.memory_space<vmem>>, vector<16xi32>, vector<16xi1>
        tpu.vector_store %arg8[%swap3A_272], %add3A_271 masked %eq3A_255 {strides = array<i32>} : memref<2816xi32, #tpu.memory_space<vmem>>, vector<16xi32>, vector<16xi1>
        %add3A_274 = arith.constant 0 : i32
        %add3A_275 = vector.broadcast %add3A_274 : i32 to vector<16xi32>
        %add3A_276 = arith.addi %add3A_262, %add3A_275 : vector<16xi32>
        %swap3A_277 = arith.index_cast %add3A_268 : i32 to index
        %swap3A_278 = tpu.vector_load %arg9[%swap3A_277] masked %eq3A_255 {strides = array<i32>} : memref<2832xi32, #tpu.memory_space<vmem>>, vector<16xi32>, vector<16xi1>
        tpu.vector_store %arg9[%swap3A_277], %add3A_276 masked %eq3A_255 {strides = array<i32>} : memref<2832xi32, #tpu.memory_space<vmem>>, vector<16xi32>, vector<16xi1>
        %mul3A_279 = arith.constant 1 : i32
        %mul3A_280 = arith.muli %mul3A_279, %squeeze3A_265 : i32
        %add3A_281 = arith.addi %add3A_247, %mul3A_280 : i32
        %add3A_282 = arith.constant 19 : i32
        %add3A_283 = vector.broadcast %add3A_282 : i32 to vector<16xi32>
        %add3A_284 = arith.addi %mul3A_71, %add3A_283 : vector<16xi32>
        %swap3A_285 = arith.index_cast %add3A_281 : i32 to index
        %swap3A_286 = tpu.vector_load %arg8[%swap3A_285] masked %eq3A_255 {strides = array<i32>} : memref<2816xi32, #tpu.memory_space<vmem>>, vector<16xi32>, vector<16xi1>
        tpu.vector_store %arg8[%swap3A_285], %add3A_284 masked %eq3A_255 {strides = array<i32>} : memref<2816xi32, #tpu.memory_space<vmem>>, vector<16xi32>, vector<16xi1>
        %add3A_287 = arith.constant 8192 : i32
        %add3A_288 = vector.broadcast %add3A_287 : i32 to vector<16xi32>
        %add3A_289 = arith.addi %add3A_262, %add3A_288 : vector<16xi32>
        %swap3A_290 = arith.index_cast %add3A_281 : i32 to index
        %swap3A_291 = tpu.vector_load %arg9[%swap3A_290] masked %eq3A_255 {strides = array<i32>} : memref<2832xi32, #tpu.memory_space<vmem>>, vector<16xi32>, vector<16xi1>
        tpu.vector_store %arg9[%swap3A_290], %add3A_289 masked %eq3A_255 {strides = array<i32>} : memref<2832xi32, #tpu.memory_space<vmem>>, vector<16xi32>, vector<16xi1>
        %mul3A_292 = arith.constant 2 : i32
        %mul3A_293 = arith.muli %mul3A_292, %squeeze3A_265 : i32
        %add3A_294 = arith.addi %add3A_247, %mul3A_293 : i32
        %add3A_295 = arith.constant 35 : i32
        %add3A_296 = vector.broadcast %add3A_295 : i32 to vector<16xi32>
        %add3A_297 = arith.addi %mul3A_71, %add3A_296 : vector<16xi32>
        %swap3A_298 = arith.index_cast %add3A_294 : i32 to index
        %swap3A_299 = tpu.vector_load %arg8[%swap3A_298] masked %eq3A_255 {strides = array<i32>} : memref<2816xi32, #tpu.memory_space<vmem>>, vector<16xi32>, vector<16xi1>
        tpu.vector_store %arg8[%swap3A_298], %add3A_297 masked %eq3A_255 {strides = array<i32>} : memref<2816xi32, #tpu.memory_space<vmem>>, vector<16xi32>, vector<16xi1>
        %add3A_300 = arith.constant 16384 : i32
        %add3A_301 = vector.broadcast %add3A_300 : i32 to vector<16xi32>
        %add3A_302 = arith.addi %add3A_262, %add3A_301 : vector<16xi32>
        %swap3A_303 = arith.index_cast %add3A_294 : i32 to index
        %swap3A_304 = tpu.vector_load %arg9[%swap3A_303] masked %eq3A_255 {strides = array<i32>} : memref<2832xi32, #tpu.memory_space<vmem>>, vector<16xi32>, vector<16xi1>
        tpu.vector_store %arg9[%swap3A_303], %add3A_302 masked %eq3A_255 {strides = array<i32>} : memref<2832xi32, #tpu.memory_space<vmem>>, vector<16xi32>, vector<16xi1>
        %mul3A_305 = arith.constant 3 : i32
        %mul3A_306 = arith.muli %mul3A_305, %squeeze3A_265 : i32
        %add3A_307 = arith.addi %add3A_247, %mul3A_306 : i32
        %add3A_308 = arith.constant 4 : i32
        %add3A_309 = vector.broadcast %add3A_308 : i32 to vector<16xi32>
        %add3A_310 = arith.addi %shift_right_logical3A_66, %add3A_309 : vector<16xi32>
        %shift_right_logical3A_311 = arith.constant 4 : i32
        %shift_right_logical3A_312 = vector.broadcast %shift_right_logical3A_311 : i32 to vector<16xi32>
        %shift_right_logical3A_313 = arith.shrui %add3A_310, %shift_right_logical3A_312 : vector<16xi32>
        %eq3A_314 = vector.broadcast %add3A : i32 to vector<16xi32>
        %eq3A_315 = arith.cmpi eq, %shift_right_logical3A_313, %eq3A_314 : vector<16xi32>
        %and3A_316 = arith.constant 15 : i32
        %and3A_317 = vector.broadcast %and3A_316 : i32 to vector<16xi32>
        %and3A_318 = arith.andi %add3A_310, %and3A_317 : vector<16xi32>
        %mul3A_319 = arith.constant 512 : i32
        %mul3A_320 = vector.broadcast %mul3A_319 : i32 to vector<16xi32>
        %mul3A_321 = arith.muli %and3A_318, %mul3A_320 : vector<16xi32>
        %add3A_322 = arith.addi %mul3A_321, %and3A_68 : vector<16xi32>
        %all_reduce_population_count3A_323 = tpu.all_reduce %eq3A_315 {dim = 0 : i64, kind = #tpu.reduction_kind<sum>} : vector<16xi1> -> vector<16xi32>
        %slice3A_324 = vector.extract_strided_slice %all_reduce_population_count3A_323 {offsets = [0], sizes = [1], strides = [1]} : vector<16xi32> to vector<1xi32>
        %squeeze3A_325 = vector.extract %slice3A_324[0] : i32 from vector<1xi32>
        %mul3A_326 = arith.constant 0 : i32
        %mul3A_327 = arith.muli %mul3A_326, %squeeze3A_325 : i32
        %add3A_328 = arith.addi %add3A_307, %mul3A_327 : i32
        %add3A_329 = arith.constant 4 : i32
        %add3A_330 = vector.broadcast %add3A_329 : i32 to vector<16xi32>
        %add3A_331 = arith.addi %mul3A_71, %add3A_330 : vector<16xi32>
        %swap3A_332 = arith.index_cast %add3A_328 : i32 to index
        %swap3A_333 = tpu.vector_load %arg8[%swap3A_332] masked %eq3A_315 {strides = array<i32>} : memref<2816xi32, #tpu.memory_space<vmem>>, vector<16xi32>, vector<16xi1>
        tpu.vector_store %arg8[%swap3A_332], %add3A_331 masked %eq3A_315 {strides = array<i32>} : memref<2816xi32, #tpu.memory_space<vmem>>, vector<16xi32>, vector<16xi1>
        %add3A_334 = arith.constant 0 : i32
        %add3A_335 = vector.broadcast %add3A_334 : i32 to vector<16xi32>
        %add3A_336 = arith.addi %add3A_322, %add3A_335 : vector<16xi32>
        %swap3A_337 = arith.index_cast %add3A_328 : i32 to index
        %swap3A_338 = tpu.vector_load %arg9[%swap3A_337] masked %eq3A_315 {strides = array<i32>} : memref<2832xi32, #tpu.memory_space<vmem>>, vector<16xi32>, vector<16xi1>
        tpu.vector_store %arg9[%swap3A_337], %add3A_336 masked %eq3A_315 {strides = array<i32>} : memref<2832xi32, #tpu.memory_space<vmem>>, vector<16xi32>, vector<16xi1>
        %mul3A_339 = arith.constant 1 : i32
        %mul3A_340 = arith.muli %mul3A_339, %squeeze3A_325 : i32
        %add3A_341 = arith.addi %add3A_307, %mul3A_340 : i32
        %add3A_342 = arith.constant 20 : i32
        %add3A_343 = vector.broadcast %add3A_342 : i32 to vector<16xi32>
        %add3A_344 = arith.addi %mul3A_71, %add3A_343 : vector<16xi32>
        %swap3A_345 = arith.index_cast %add3A_341 : i32 to index
        %swap3A_346 = tpu.vector_load %arg8[%swap3A_345] masked %eq3A_315 {strides = array<i32>} : memref<2816xi32, #tpu.memory_space<vmem>>, vector<16xi32>, vector<16xi1>
        tpu.vector_store %arg8[%swap3A_345], %add3A_344 masked %eq3A_315 {strides = array<i32>} : memref<2816xi32, #tpu.memory_space<vmem>>, vector<16xi32>, vector<16xi1>
        %add3A_347 = arith.constant 8192 : i32
        %add3A_348 = vector.broadcast %add3A_347 : i32 to vector<16xi32>
        %add3A_349 = arith.addi %add3A_322, %add3A_348 : vector<16xi32>
        %swap3A_350 = arith.index_cast %add3A_341 : i32 to index
        %swap3A_351 = tpu.vector_load %arg9[%swap3A_350] masked %eq3A_315 {strides = array<i32>} : memref<2832xi32, #tpu.memory_space<vmem>>, vector<16xi32>, vector<16xi1>
        tpu.vector_store %arg9[%swap3A_350], %add3A_349 masked %eq3A_315 {strides = array<i32>} : memref<2832xi32, #tpu.memory_space<vmem>>, vector<16xi32>, vector<16xi1>
        %mul3A_352 = arith.constant 2 : i32
        %mul3A_353 = arith.muli %mul3A_352, %squeeze3A_325 : i32
        %add3A_354 = arith.addi %add3A_307, %mul3A_353 : i32
        %add3A_355 = arith.constant 36 : i32
        %add3A_356 = vector.broadcast %add3A_355 : i32 to vector<16xi32>
        %add3A_357 = arith.addi %mul3A_71, %add3A_356 : vector<16xi32>
        %swap3A_358 = arith.index_cast %add3A_354 : i32 to index
        %swap3A_359 = tpu.vector_load %arg8[%swap3A_358] masked %eq3A_315 {strides = array<i32>} : memref<2816xi32, #tpu.memory_space<vmem>>, vector<16xi32>, vector<16xi1>
        tpu.vector_store %arg8[%swap3A_358], %add3A_357 masked %eq3A_315 {strides = array<i32>} : memref<2816xi32, #tpu.memory_space<vmem>>, vector<16xi32>, vector<16xi1>
        %add3A_360 = arith.constant 16384 : i32
        %add3A_361 = vector.broadcast %add3A_360 : i32 to vector<16xi32>
        %add3A_362 = arith.addi %add3A_322, %add3A_361 : vector<16xi32>
        %swap3A_363 = arith.index_cast %add3A_354 : i32 to index
        %swap3A_364 = tpu.vector_load %arg9[%swap3A_363] masked %eq3A_315 {strides = array<i32>} : memref<2832xi32, #tpu.memory_space<vmem>>, vector<16xi32>, vector<16xi1>
        tpu.vector_store %arg9[%swap3A_363], %add3A_362 masked %eq3A_315 {strides = array<i32>} : memref<2832xi32, #tpu.memory_space<vmem>>, vector<16xi32>, vector<16xi1>
        %mul3A_365 = arith.constant 3 : i32
        %mul3A_366 = arith.muli %mul3A_365, %squeeze3A_325 : i32
        %add3A_367 = arith.addi %add3A_307, %mul3A_366 : i32
        %add3A_368 = arith.constant 5 : i32
        %add3A_369 = vector.broadcast %add3A_368 : i32 to vector<16xi32>
        %add3A_370 = arith.addi %shift_right_logical3A_66, %add3A_369 : vector<16xi32>
        %shift_right_logical3A_371 = arith.constant 4 : i32
        %shift_right_logical3A_372 = vector.broadcast %shift_right_logical3A_371 : i32 to vector<16xi32>
        %shift_right_logical3A_373 = arith.shrui %add3A_370, %shift_right_logical3A_372 : vector<16xi32>
        %eq3A_374 = vector.broadcast %add3A : i32 to vector<16xi32>
        %eq3A_375 = arith.cmpi eq, %shift_right_logical3A_373, %eq3A_374 : vector<16xi32>
        %and3A_376 = arith.constant 15 : i32
        %and3A_377 = vector.broadcast %and3A_376 : i32 to vector<16xi32>
        %and3A_378 = arith.andi %add3A_370, %and3A_377 : vector<16xi32>
        %mul3A_379 = arith.constant 512 : i32
        %mul3A_380 = vector.broadcast %mul3A_379 : i32 to vector<16xi32>
        %mul3A_381 = arith.muli %and3A_378, %mul3A_380 : vector<16xi32>
        %add3A_382 = arith.addi %mul3A_381, %and3A_68 : vector<16xi32>
        %all_reduce_population_count3A_383 = tpu.all_reduce %eq3A_375 {dim = 0 : i64, kind = #tpu.reduction_kind<sum>} : vector<16xi1> -> vector<16xi32>
        %slice3A_384 = vector.extract_strided_slice %all_reduce_population_count3A_383 {offsets = [0], sizes = [1], strides = [1]} : vector<16xi32> to vector<1xi32>
        %squeeze3A_385 = vector.extract %slice3A_384[0] : i32 from vector<1xi32>
        %mul3A_386 = arith.constant 0 : i32
        %mul3A_387 = arith.muli %mul3A_386, %squeeze3A_385 : i32
        %add3A_388 = arith.addi %add3A_367, %mul3A_387 : i32
        %add3A_389 = arith.constant 5 : i32
        %add3A_390 = vector.broadcast %add3A_389 : i32 to vector<16xi32>
        %add3A_391 = arith.addi %mul3A_71, %add3A_390 : vector<16xi32>
        %swap3A_392 = arith.index_cast %add3A_388 : i32 to index
        %swap3A_393 = tpu.vector_load %arg8[%swap3A_392] masked %eq3A_375 {strides = array<i32>} : memref<2816xi32, #tpu.memory_space<vmem>>, vector<16xi32>, vector<16xi1>
        tpu.vector_store %arg8[%swap3A_392], %add3A_391 masked %eq3A_375 {strides = array<i32>} : memref<2816xi32, #tpu.memory_space<vmem>>, vector<16xi32>, vector<16xi1>
        %add3A_394 = arith.constant 0 : i32
        %add3A_395 = vector.broadcast %add3A_394 : i32 to vector<16xi32>
        %add3A_396 = arith.addi %add3A_382, %add3A_395 : vector<16xi32>
        %swap3A_397 = arith.index_cast %add3A_388 : i32 to index
        %swap3A_398 = tpu.vector_load %arg9[%swap3A_397] masked %eq3A_375 {strides = array<i32>} : memref<2832xi32, #tpu.memory_space<vmem>>, vector<16xi32>, vector<16xi1>
        tpu.vector_store %arg9[%swap3A_397], %add3A_396 masked %eq3A_375 {strides = array<i32>} : memref<2832xi32, #tpu.memory_space<vmem>>, vector<16xi32>, vector<16xi1>
        %mul3A_399 = arith.constant 1 : i32
        %mul3A_400 = arith.muli %mul3A_399, %squeeze3A_385 : i32
        %add3A_401 = arith.addi %add3A_367, %mul3A_400 : i32
        %add3A_402 = arith.constant 21 : i32
        %add3A_403 = vector.broadcast %add3A_402 : i32 to vector<16xi32>
        %add3A_404 = arith.addi %mul3A_71, %add3A_403 : vector<16xi32>
        %swap3A_405 = arith.index_cast %add3A_401 : i32 to index
        %swap3A_406 = tpu.vector_load %arg8[%swap3A_405] masked %eq3A_375 {strides = array<i32>} : memref<2816xi32, #tpu.memory_space<vmem>>, vector<16xi32>, vector<16xi1>
        tpu.vector_store %arg8[%swap3A_405], %add3A_404 masked %eq3A_375 {strides = array<i32>} : memref<2816xi32, #tpu.memory_space<vmem>>, vector<16xi32>, vector<16xi1>
        %add3A_407 = arith.constant 8192 : i32
        %add3A_408 = vector.broadcast %add3A_407 : i32 to vector<16xi32>
        %add3A_409 = arith.addi %add3A_382, %add3A_408 : vector<16xi32>
        %swap3A_410 = arith.index_cast %add3A_401 : i32 to index
        %swap3A_411 = tpu.vector_load %arg9[%swap3A_410] masked %eq3A_375 {strides = array<i32>} : memref<2832xi32, #tpu.memory_space<vmem>>, vector<16xi32>, vector<16xi1>
        tpu.vector_store %arg9[%swap3A_410], %add3A_409 masked %eq3A_375 {strides = array<i32>} : memref<2832xi32, #tpu.memory_space<vmem>>, vector<16xi32>, vector<16xi1>
        %mul3A_412 = arith.constant 2 : i32
        %mul3A_413 = arith.muli %mul3A_412, %squeeze3A_385 : i32
        %add3A_414 = arith.addi %add3A_367, %mul3A_413 : i32
        %add3A_415 = arith.constant 37 : i32
        %add3A_416 = vector.broadcast %add3A_415 : i32 to vector<16xi32>
        %add3A_417 = arith.addi %mul3A_71, %add3A_416 : vector<16xi32>
        %swap3A_418 = arith.index_cast %add3A_414 : i32 to index
        %swap3A_419 = tpu.vector_load %arg8[%swap3A_418] masked %eq3A_375 {strides = array<i32>} : memref<2816xi32, #tpu.memory_space<vmem>>, vector<16xi32>, vector<16xi1>
        tpu.vector_store %arg8[%swap3A_418], %add3A_417 masked %eq3A_375 {strides = array<i32>} : memref<2816xi32, #tpu.memory_space<vmem>>, vector<16xi32>, vector<16xi1>
        %add3A_420 = arith.constant 16384 : i32
        %add3A_421 = vector.broadcast %add3A_420 : i32 to vector<16xi32>
        %add3A_422 = arith.addi %add3A_382, %add3A_421 : vector<16xi32>
        %swap3A_423 = arith.index_cast %add3A_414 : i32 to index
        %swap3A_424 = tpu.vector_load %arg9[%swap3A_423] masked %eq3A_375 {strides = array<i32>} : memref<2832xi32, #tpu.memory_space<vmem>>, vector<16xi32>, vector<16xi1>
        tpu.vector_store %arg9[%swap3A_423], %add3A_422 masked %eq3A_375 {strides = array<i32>} : memref<2832xi32, #tpu.memory_space<vmem>>, vector<16xi32>, vector<16xi1>
        %mul3A_425 = arith.constant 3 : i32
        %mul3A_426 = arith.muli %mul3A_425, %squeeze3A_385 : i32
        %add3A_427 = arith.addi %add3A_367, %mul3A_426 : i32
        %add3A_428 = arith.constant 6 : i32
        %add3A_429 = vector.broadcast %add3A_428 : i32 to vector<16xi32>
        %add3A_430 = arith.addi %shift_right_logical3A_66, %add3A_429 : vector<16xi32>
        %shift_right_logical3A_431 = arith.constant 4 : i32
        %shift_right_logical3A_432 = vector.broadcast %shift_right_logical3A_431 : i32 to vector<16xi32>
        %shift_right_logical3A_433 = arith.shrui %add3A_430, %shift_right_logical3A_432 : vector<16xi32>
        %eq3A_434 = vector.broadcast %add3A : i32 to vector<16xi32>
        %eq3A_435 = arith.cmpi eq, %shift_right_logical3A_433, %eq3A_434 : vector<16xi32>
        %and3A_436 = arith.constant 15 : i32
        %and3A_437 = vector.broadcast %and3A_436 : i32 to vector<16xi32>
        %and3A_438 = arith.andi %add3A_430, %and3A_437 : vector<16xi32>
        %mul3A_439 = arith.constant 512 : i32
        %mul3A_440 = vector.broadcast %mul3A_439 : i32 to vector<16xi32>
        %mul3A_441 = arith.muli %and3A_438, %mul3A_440 : vector<16xi32>
        %add3A_442 = arith.addi %mul3A_441, %and3A_68 : vector<16xi32>
        %all_reduce_population_count3A_443 = tpu.all_reduce %eq3A_435 {dim = 0 : i64, kind = #tpu.reduction_kind<sum>} : vector<16xi1> -> vector<16xi32>
        %slice3A_444 = vector.extract_strided_slice %all_reduce_population_count3A_443 {offsets = [0], sizes = [1], strides = [1]} : vector<16xi32> to vector<1xi32>
        %squeeze3A_445 = vector.extract %slice3A_444[0] : i32 from vector<1xi32>
        %mul3A_446 = arith.constant 0 : i32
        %mul3A_447 = arith.muli %mul3A_446, %squeeze3A_445 : i32
        %add3A_448 = arith.addi %add3A_427, %mul3A_447 : i32
        %add3A_449 = arith.constant 6 : i32
        %add3A_450 = vector.broadcast %add3A_449 : i32 to vector<16xi32>
        %add3A_451 = arith.addi %mul3A_71, %add3A_450 : vector<16xi32>
        %swap3A_452 = arith.index_cast %add3A_448 : i32 to index
        %swap3A_453 = tpu.vector_load %arg8[%swap3A_452] masked %eq3A_435 {strides = array<i32>} : memref<2816xi32, #tpu.memory_space<vmem>>, vector<16xi32>, vector<16xi1>
        tpu.vector_store %arg8[%swap3A_452], %add3A_451 masked %eq3A_435 {strides = array<i32>} : memref<2816xi32, #tpu.memory_space<vmem>>, vector<16xi32>, vector<16xi1>
        %add3A_454 = arith.constant 0 : i32
        %add3A_455 = vector.broadcast %add3A_454 : i32 to vector<16xi32>
        %add3A_456 = arith.addi %add3A_442, %add3A_455 : vector<16xi32>
        %swap3A_457 = arith.index_cast %add3A_448 : i32 to index
        %swap3A_458 = tpu.vector_load %arg9[%swap3A_457] masked %eq3A_435 {strides = array<i32>} : memref<2832xi32, #tpu.memory_space<vmem>>, vector<16xi32>, vector<16xi1>
        tpu.vector_store %arg9[%swap3A_457], %add3A_456 masked %eq3A_435 {strides = array<i32>} : memref<2832xi32, #tpu.memory_space<vmem>>, vector<16xi32>, vector<16xi1>
        %mul3A_459 = arith.constant 1 : i32
        %mul3A_460 = arith.muli %mul3A_459, %squeeze3A_445 : i32
        %add3A_461 = arith.addi %add3A_427, %mul3A_460 : i32
        %add3A_462 = arith.constant 22 : i32
        %add3A_463 = vector.broadcast %add3A_462 : i32 to vector<16xi32>
        %add3A_464 = arith.addi %mul3A_71, %add3A_463 : vector<16xi32>
        %swap3A_465 = arith.index_cast %add3A_461 : i32 to index
        %swap3A_466 = tpu.vector_load %arg8[%swap3A_465] masked %eq3A_435 {strides = array<i32>} : memref<2816xi32, #tpu.memory_space<vmem>>, vector<16xi32>, vector<16xi1>
        tpu.vector_store %arg8[%swap3A_465], %add3A_464 masked %eq3A_435 {strides = array<i32>} : memref<2816xi32, #tpu.memory_space<vmem>>, vector<16xi32>, vector<16xi1>
        %add3A_467 = arith.constant 8192 : i32
        %add3A_468 = vector.broadcast %add3A_467 : i32 to vector<16xi32>
        %add3A_469 = arith.addi %add3A_442, %add3A_468 : vector<16xi32>
        %swap3A_470 = arith.index_cast %add3A_461 : i32 to index
        %swap3A_471 = tpu.vector_load %arg9[%swap3A_470] masked %eq3A_435 {strides = array<i32>} : memref<2832xi32, #tpu.memory_space<vmem>>, vector<16xi32>, vector<16xi1>
        tpu.vector_store %arg9[%swap3A_470], %add3A_469 masked %eq3A_435 {strides = array<i32>} : memref<2832xi32, #tpu.memory_space<vmem>>, vector<16xi32>, vector<16xi1>
        %mul3A_472 = arith.constant 2 : i32
        %mul3A_473 = arith.muli %mul3A_472, %squeeze3A_445 : i32
        %add3A_474 = arith.addi %add3A_427, %mul3A_473 : i32
        %add3A_475 = arith.constant 38 : i32
        %add3A_476 = vector.broadcast %add3A_475 : i32 to vector<16xi32>
        %add3A_477 = arith.addi %mul3A_71, %add3A_476 : vector<16xi32>
        %swap3A_478 = arith.index_cast %add3A_474 : i32 to index
        %swap3A_479 = tpu.vector_load %arg8[%swap3A_478] masked %eq3A_435 {strides = array<i32>} : memref<2816xi32, #tpu.memory_space<vmem>>, vector<16xi32>, vector<16xi1>
        tpu.vector_store %arg8[%swap3A_478], %add3A_477 masked %eq3A_435 {strides = array<i32>} : memref<2816xi32, #tpu.memory_space<vmem>>, vector<16xi32>, vector<16xi1>
        %add3A_480 = arith.constant 16384 : i32
        %add3A_481 = vector.broadcast %add3A_480 : i32 to vector<16xi32>
        %add3A_482 = arith.addi %add3A_442, %add3A_481 : vector<16xi32>
        %swap3A_483 = arith.index_cast %add3A_474 : i32 to index
        %swap3A_484 = tpu.vector_load %arg9[%swap3A_483] masked %eq3A_435 {strides = array<i32>} : memref<2832xi32, #tpu.memory_space<vmem>>, vector<16xi32>, vector<16xi1>
        tpu.vector_store %arg9[%swap3A_483], %add3A_482 masked %eq3A_435 {strides = array<i32>} : memref<2832xi32, #tpu.memory_space<vmem>>, vector<16xi32>, vector<16xi1>
        %mul3A_485 = arith.constant 3 : i32
        %mul3A_486 = arith.muli %mul3A_485, %squeeze3A_445 : i32
        %add3A_487 = arith.addi %add3A_427, %mul3A_486 : i32
        %add3A_488 = arith.constant 7 : i32
        %add3A_489 = vector.broadcast %add3A_488 : i32 to vector<16xi32>
        %add3A_490 = arith.addi %shift_right_logical3A_66, %add3A_489 : vector<16xi32>
        %shift_right_logical3A_491 = arith.constant 4 : i32
        %shift_right_logical3A_492 = vector.broadcast %shift_right_logical3A_491 : i32 to vector<16xi32>
        %shift_right_logical3A_493 = arith.shrui %add3A_490, %shift_right_logical3A_492 : vector<16xi32>
        %eq3A_494 = vector.broadcast %add3A : i32 to vector<16xi32>
        %eq3A_495 = arith.cmpi eq, %shift_right_logical3A_493, %eq3A_494 : vector<16xi32>
        %and3A_496 = arith.constant 15 : i32
        %and3A_497 = vector.broadcast %and3A_496 : i32 to vector<16xi32>
        %and3A_498 = arith.andi %add3A_490, %and3A_497 : vector<16xi32>
        %mul3A_499 = arith.constant 512 : i32
        %mul3A_500 = vector.broadcast %mul3A_499 : i32 to vector<16xi32>
        %mul3A_501 = arith.muli %and3A_498, %mul3A_500 : vector<16xi32>
        %add3A_502 = arith.addi %mul3A_501, %and3A_68 : vector<16xi32>
        %all_reduce_population_count3A_503 = tpu.all_reduce %eq3A_495 {dim = 0 : i64, kind = #tpu.reduction_kind<sum>} : vector<16xi1> -> vector<16xi32>
        %slice3A_504 = vector.extract_strided_slice %all_reduce_population_count3A_503 {offsets = [0], sizes = [1], strides = [1]} : vector<16xi32> to vector<1xi32>
        %squeeze3A_505 = vector.extract %slice3A_504[0] : i32 from vector<1xi32>
        %mul3A_506 = arith.constant 0 : i32
        %mul3A_507 = arith.muli %mul3A_506, %squeeze3A_505 : i32
        %add3A_508 = arith.addi %add3A_487, %mul3A_507 : i32
        %add3A_509 = arith.constant 7 : i32
        %add3A_510 = vector.broadcast %add3A_509 : i32 to vector<16xi32>
        %add3A_511 = arith.addi %mul3A_71, %add3A_510 : vector<16xi32>
        %swap3A_512 = arith.index_cast %add3A_508 : i32 to index
        %swap3A_513 = tpu.vector_load %arg8[%swap3A_512] masked %eq3A_495 {strides = array<i32>} : memref<2816xi32, #tpu.memory_space<vmem>>, vector<16xi32>, vector<16xi1>
        tpu.vector_store %arg8[%swap3A_512], %add3A_511 masked %eq3A_495 {strides = array<i32>} : memref<2816xi32, #tpu.memory_space<vmem>>, vector<16xi32>, vector<16xi1>
        %add3A_514 = arith.constant 0 : i32
        %add3A_515 = vector.broadcast %add3A_514 : i32 to vector<16xi32>
        %add3A_516 = arith.addi %add3A_502, %add3A_515 : vector<16xi32>
        %swap3A_517 = arith.index_cast %add3A_508 : i32 to index
        %swap3A_518 = tpu.vector_load %arg9[%swap3A_517] masked %eq3A_495 {strides = array<i32>} : memref<2832xi32, #tpu.memory_space<vmem>>, vector<16xi32>, vector<16xi1>
        tpu.vector_store %arg9[%swap3A_517], %add3A_516 masked %eq3A_495 {strides = array<i32>} : memref<2832xi32, #tpu.memory_space<vmem>>, vector<16xi32>, vector<16xi1>
        %mul3A_519 = arith.constant 1 : i32
        %mul3A_520 = arith.muli %mul3A_519, %squeeze3A_505 : i32
        %add3A_521 = arith.addi %add3A_487, %mul3A_520 : i32
        %add3A_522 = arith.constant 23 : i32
        %add3A_523 = vector.broadcast %add3A_522 : i32 to vector<16xi32>
        %add3A_524 = arith.addi %mul3A_71, %add3A_523 : vector<16xi32>
        %swap3A_525 = arith.index_cast %add3A_521 : i32 to index
        %swap3A_526 = tpu.vector_load %arg8[%swap3A_525] masked %eq3A_495 {strides = array<i32>} : memref<2816xi32, #tpu.memory_space<vmem>>, vector<16xi32>, vector<16xi1>
        tpu.vector_store %arg8[%swap3A_525], %add3A_524 masked %eq3A_495 {strides = array<i32>} : memref<2816xi32, #tpu.memory_space<vmem>>, vector<16xi32>, vector<16xi1>
        %add3A_527 = arith.constant 8192 : i32
        %add3A_528 = vector.broadcast %add3A_527 : i32 to vector<16xi32>
        %add3A_529 = arith.addi %add3A_502, %add3A_528 : vector<16xi32>
        %swap3A_530 = arith.index_cast %add3A_521 : i32 to index
        %swap3A_531 = tpu.vector_load %arg9[%swap3A_530] masked %eq3A_495 {strides = array<i32>} : memref<2832xi32, #tpu.memory_space<vmem>>, vector<16xi32>, vector<16xi1>
        tpu.vector_store %arg9[%swap3A_530], %add3A_529 masked %eq3A_495 {strides = array<i32>} : memref<2832xi32, #tpu.memory_space<vmem>>, vector<16xi32>, vector<16xi1>
        %mul3A_532 = arith.constant 2 : i32
        %mul3A_533 = arith.muli %mul3A_532, %squeeze3A_505 : i32
        %add3A_534 = arith.addi %add3A_487, %mul3A_533 : i32
        %add3A_535 = arith.constant 39 : i32
        %add3A_536 = vector.broadcast %add3A_535 : i32 to vector<16xi32>
        %add3A_537 = arith.addi %mul3A_71, %add3A_536 : vector<16xi32>
        %swap3A_538 = arith.index_cast %add3A_534 : i32 to index
        %swap3A_539 = tpu.vector_load %arg8[%swap3A_538] masked %eq3A_495 {strides = array<i32>} : memref<2816xi32, #tpu.memory_space<vmem>>, vector<16xi32>, vector<16xi1>
        tpu.vector_store %arg8[%swap3A_538], %add3A_537 masked %eq3A_495 {strides = array<i32>} : memref<2816xi32, #tpu.memory_space<vmem>>, vector<16xi32>, vector<16xi1>
        %add3A_540 = arith.constant 16384 : i32
        %add3A_541 = vector.broadcast %add3A_540 : i32 to vector<16xi32>
        %add3A_542 = arith.addi %add3A_502, %add3A_541 : vector<16xi32>
        %swap3A_543 = arith.index_cast %add3A_534 : i32 to index
        %swap3A_544 = tpu.vector_load %arg9[%swap3A_543] masked %eq3A_495 {strides = array<i32>} : memref<2832xi32, #tpu.memory_space<vmem>>, vector<16xi32>, vector<16xi1>
        tpu.vector_store %arg9[%swap3A_543], %add3A_542 masked %eq3A_495 {strides = array<i32>} : memref<2832xi32, #tpu.memory_space<vmem>>, vector<16xi32>, vector<16xi1>
        %mul3A_545 = arith.constant 3 : i32
        %mul3A_546 = arith.muli %mul3A_545, %squeeze3A_505 : i32
        %add3A_547 = arith.addi %add3A_487, %mul3A_546 : i32
        %add3A_548 = arith.constant 8 : i32
        %add3A_549 = vector.broadcast %add3A_548 : i32 to vector<16xi32>
        %add3A_550 = arith.addi %shift_right_logical3A_66, %add3A_549 : vector<16xi32>
        %shift_right_logical3A_551 = arith.constant 4 : i32
        %shift_right_logical3A_552 = vector.broadcast %shift_right_logical3A_551 : i32 to vector<16xi32>
        %shift_right_logical3A_553 = arith.shrui %add3A_550, %shift_right_logical3A_552 : vector<16xi32>
        %eq3A_554 = vector.broadcast %add3A : i32 to vector<16xi32>
        %eq3A_555 = arith.cmpi eq, %shift_right_logical3A_553, %eq3A_554 : vector<16xi32>
        %and3A_556 = arith.constant 15 : i32
        %and3A_557 = vector.broadcast %and3A_556 : i32 to vector<16xi32>
        %and3A_558 = arith.andi %add3A_550, %and3A_557 : vector<16xi32>
        %mul3A_559 = arith.constant 512 : i32
        %mul3A_560 = vector.broadcast %mul3A_559 : i32 to vector<16xi32>
        %mul3A_561 = arith.muli %and3A_558, %mul3A_560 : vector<16xi32>
        %add3A_562 = arith.addi %mul3A_561, %and3A_68 : vector<16xi32>
        %all_reduce_population_count3A_563 = tpu.all_reduce %eq3A_555 {dim = 0 : i64, kind = #tpu.reduction_kind<sum>} : vector<16xi1> -> vector<16xi32>
        %slice3A_564 = vector.extract_strided_slice %all_reduce_population_count3A_563 {offsets = [0], sizes = [1], strides = [1]} : vector<16xi32> to vector<1xi32>
        %squeeze3A_565 = vector.extract %slice3A_564[0] : i32 from vector<1xi32>
        %mul3A_566 = arith.constant 0 : i32
        %mul3A_567 = arith.muli %mul3A_566, %squeeze3A_565 : i32
        %add3A_568 = arith.addi %add3A_547, %mul3A_567 : i32
        %add3A_569 = arith.constant 8 : i32
        %add3A_570 = vector.broadcast %add3A_569 : i32 to vector<16xi32>
        %add3A_571 = arith.addi %mul3A_71, %add3A_570 : vector<16xi32>
        %swap3A_572 = arith.index_cast %add3A_568 : i32 to index
        %swap3A_573 = tpu.vector_load %arg8[%swap3A_572] masked %eq3A_555 {strides = array<i32>} : memref<2816xi32, #tpu.memory_space<vmem>>, vector<16xi32>, vector<16xi1>
        tpu.vector_store %arg8[%swap3A_572], %add3A_571 masked %eq3A_555 {strides = array<i32>} : memref<2816xi32, #tpu.memory_space<vmem>>, vector<16xi32>, vector<16xi1>
        %add3A_574 = arith.constant 0 : i32
        %add3A_575 = vector.broadcast %add3A_574 : i32 to vector<16xi32>
        %add3A_576 = arith.addi %add3A_562, %add3A_575 : vector<16xi32>
        %swap3A_577 = arith.index_cast %add3A_568 : i32 to index
        %swap3A_578 = tpu.vector_load %arg9[%swap3A_577] masked %eq3A_555 {strides = array<i32>} : memref<2832xi32, #tpu.memory_space<vmem>>, vector<16xi32>, vector<16xi1>
        tpu.vector_store %arg9[%swap3A_577], %add3A_576 masked %eq3A_555 {strides = array<i32>} : memref<2832xi32, #tpu.memory_space<vmem>>, vector<16xi32>, vector<16xi1>
        %mul3A_579 = arith.constant 1 : i32
        %mul3A_580 = arith.muli %mul3A_579, %squeeze3A_565 : i32
        %add3A_581 = arith.addi %add3A_547, %mul3A_580 : i32
        %add3A_582 = arith.constant 24 : i32
        %add3A_583 = vector.broadcast %add3A_582 : i32 to vector<16xi32>
        %add3A_584 = arith.addi %mul3A_71, %add3A_583 : vector<16xi32>
        %swap3A_585 = arith.index_cast %add3A_581 : i32 to index
        %swap3A_586 = tpu.vector_load %arg8[%swap3A_585] masked %eq3A_555 {strides = array<i32>} : memref<2816xi32, #tpu.memory_space<vmem>>, vector<16xi32>, vector<16xi1>
        tpu.vector_store %arg8[%swap3A_585], %add3A_584 masked %eq3A_555 {strides = array<i32>} : memref<2816xi32, #tpu.memory_space<vmem>>, vector<16xi32>, vector<16xi1>
        %add3A_587 = arith.constant 8192 : i32
        %add3A_588 = vector.broadcast %add3A_587 : i32 to vector<16xi32>
        %add3A_589 = arith.addi %add3A_562, %add3A_588 : vector<16xi32>
        %swap3A_590 = arith.index_cast %add3A_581 : i32 to index
        %swap3A_591 = tpu.vector_load %arg9[%swap3A_590] masked %eq3A_555 {strides = array<i32>} : memref<2832xi32, #tpu.memory_space<vmem>>, vector<16xi32>, vector<16xi1>
        tpu.vector_store %arg9[%swap3A_590], %add3A_589 masked %eq3A_555 {strides = array<i32>} : memref<2832xi32, #tpu.memory_space<vmem>>, vector<16xi32>, vector<16xi1>
        %mul3A_592 = arith.constant 2 : i32
        %mul3A_593 = arith.muli %mul3A_592, %squeeze3A_565 : i32
        %add3A_594 = arith.addi %add3A_547, %mul3A_593 : i32
        %add3A_595 = arith.constant 40 : i32
        %add3A_596 = vector.broadcast %add3A_595 : i32 to vector<16xi32>
        %add3A_597 = arith.addi %mul3A_71, %add3A_596 : vector<16xi32>
        %swap3A_598 = arith.index_cast %add3A_594 : i32 to index
        %swap3A_599 = tpu.vector_load %arg8[%swap3A_598] masked %eq3A_555 {strides = array<i32>} : memref<2816xi32, #tpu.memory_space<vmem>>, vector<16xi32>, vector<16xi1>
        tpu.vector_store %arg8[%swap3A_598], %add3A_597 masked %eq3A_555 {strides = array<i32>} : memref<2816xi32, #tpu.memory_space<vmem>>, vector<16xi32>, vector<16xi1>
        %add3A_600 = arith.constant 16384 : i32
        %add3A_601 = vector.broadcast %add3A_600 : i32 to vector<16xi32>
        %add3A_602 = arith.addi %add3A_562, %add3A_601 : vector<16xi32>
        %swap3A_603 = arith.index_cast %add3A_594 : i32 to index
        %swap3A_604 = tpu.vector_load %arg9[%swap3A_603] masked %eq3A_555 {strides = array<i32>} : memref<2832xi32, #tpu.memory_space<vmem>>, vector<16xi32>, vector<16xi1>
        tpu.vector_store %arg9[%swap3A_603], %add3A_602 masked %eq3A_555 {strides = array<i32>} : memref<2832xi32, #tpu.memory_space<vmem>>, vector<16xi32>, vector<16xi1>
        %mul3A_605 = arith.constant 3 : i32
        %mul3A_606 = arith.muli %mul3A_605, %squeeze3A_565 : i32
        %add3A_607 = arith.addi %add3A_547, %mul3A_606 : i32
        %add3A_608 = arith.constant 9 : i32
        %add3A_609 = vector.broadcast %add3A_608 : i32 to vector<16xi32>
        %add3A_610 = arith.addi %shift_right_logical3A_66, %add3A_609 : vector<16xi32>
        %shift_right_logical3A_611 = arith.constant 4 : i32
        %shift_right_logical3A_612 = vector.broadcast %shift_right_logical3A_611 : i32 to vector<16xi32>
        %shift_right_logical3A_613 = arith.shrui %add3A_610, %shift_right_logical3A_612 : vector<16xi32>
        %eq3A_614 = vector.broadcast %add3A : i32 to vector<16xi32>
        %eq3A_615 = arith.cmpi eq, %shift_right_logical3A_613, %eq3A_614 : vector<16xi32>
        %and3A_616 = arith.constant 15 : i32
        %and3A_617 = vector.broadcast %and3A_616 : i32 to vector<16xi32>
        %and3A_618 = arith.andi %add3A_610, %and3A_617 : vector<16xi32>
        %mul3A_619 = arith.constant 512 : i32
        %mul3A_620 = vector.broadcast %mul3A_619 : i32 to vector<16xi32>
        %mul3A_621 = arith.muli %and3A_618, %mul3A_620 : vector<16xi32>
        %add3A_622 = arith.addi %mul3A_621, %and3A_68 : vector<16xi32>
        %all_reduce_population_count3A_623 = tpu.all_reduce %eq3A_615 {dim = 0 : i64, kind = #tpu.reduction_kind<sum>} : vector<16xi1> -> vector<16xi32>
        %slice3A_624 = vector.extract_strided_slice %all_reduce_population_count3A_623 {offsets = [0], sizes = [1], strides = [1]} : vector<16xi32> to vector<1xi32>
        %squeeze3A_625 = vector.extract %slice3A_624[0] : i32 from vector<1xi32>
        %mul3A_626 = arith.constant 0 : i32
        %mul3A_627 = arith.muli %mul3A_626, %squeeze3A_625 : i32
        %add3A_628 = arith.addi %add3A_607, %mul3A_627 : i32
        %add3A_629 = arith.constant 9 : i32
        %add3A_630 = vector.broadcast %add3A_629 : i32 to vector<16xi32>
        %add3A_631 = arith.addi %mul3A_71, %add3A_630 : vector<16xi32>
        %swap3A_632 = arith.index_cast %add3A_628 : i32 to index
        %swap3A_633 = tpu.vector_load %arg8[%swap3A_632] masked %eq3A_615 {strides = array<i32>} : memref<2816xi32, #tpu.memory_space<vmem>>, vector<16xi32>, vector<16xi1>
        tpu.vector_store %arg8[%swap3A_632], %add3A_631 masked %eq3A_615 {strides = array<i32>} : memref<2816xi32, #tpu.memory_space<vmem>>, vector<16xi32>, vector<16xi1>
        %add3A_634 = arith.constant 0 : i32
        %add3A_635 = vector.broadcast %add3A_634 : i32 to vector<16xi32>
        %add3A_636 = arith.addi %add3A_622, %add3A_635 : vector<16xi32>
        %swap3A_637 = arith.index_cast %add3A_628 : i32 to index
        %swap3A_638 = tpu.vector_load %arg9[%swap3A_637] masked %eq3A_615 {strides = array<i32>} : memref<2832xi32, #tpu.memory_space<vmem>>, vector<16xi32>, vector<16xi1>
        tpu.vector_store %arg9[%swap3A_637], %add3A_636 masked %eq3A_615 {strides = array<i32>} : memref<2832xi32, #tpu.memory_space<vmem>>, vector<16xi32>, vector<16xi1>
        %mul3A_639 = arith.constant 1 : i32
        %mul3A_640 = arith.muli %mul3A_639, %squeeze3A_625 : i32
        %add3A_641 = arith.addi %add3A_607, %mul3A_640 : i32
        %add3A_642 = arith.constant 25 : i32
        %add3A_643 = vector.broadcast %add3A_642 : i32 to vector<16xi32>
        %add3A_644 = arith.addi %mul3A_71, %add3A_643 : vector<16xi32>
        %swap3A_645 = arith.index_cast %add3A_641 : i32 to index
        %swap3A_646 = tpu.vector_load %arg8[%swap3A_645] masked %eq3A_615 {strides = array<i32>} : memref<2816xi32, #tpu.memory_space<vmem>>, vector<16xi32>, vector<16xi1>
        tpu.vector_store %arg8[%swap3A_645], %add3A_644 masked %eq3A_615 {strides = array<i32>} : memref<2816xi32, #tpu.memory_space<vmem>>, vector<16xi32>, vector<16xi1>
        %add3A_647 = arith.constant 8192 : i32
        %add3A_648 = vector.broadcast %add3A_647 : i32 to vector<16xi32>
        %add3A_649 = arith.addi %add3A_622, %add3A_648 : vector<16xi32>
        %swap3A_650 = arith.index_cast %add3A_641 : i32 to index
        %swap3A_651 = tpu.vector_load %arg9[%swap3A_650] masked %eq3A_615 {strides = array<i32>} : memref<2832xi32, #tpu.memory_space<vmem>>, vector<16xi32>, vector<16xi1>
        tpu.vector_store %arg9[%swap3A_650], %add3A_649 masked %eq3A_615 {strides = array<i32>} : memref<2832xi32, #tpu.memory_space<vmem>>, vector<16xi32>, vector<16xi1>
        %mul3A_652 = arith.constant 2 : i32
        %mul3A_653 = arith.muli %mul3A_652, %squeeze3A_625 : i32
        %add3A_654 = arith.addi %add3A_607, %mul3A_653 : i32
        %add3A_655 = arith.constant 41 : i32
        %add3A_656 = vector.broadcast %add3A_655 : i32 to vector<16xi32>
        %add3A_657 = arith.addi %mul3A_71, %add3A_656 : vector<16xi32>
        %swap3A_658 = arith.index_cast %add3A_654 : i32 to index
        %swap3A_659 = tpu.vector_load %arg8[%swap3A_658] masked %eq3A_615 {strides = array<i32>} : memref<2816xi32, #tpu.memory_space<vmem>>, vector<16xi32>, vector<16xi1>
        tpu.vector_store %arg8[%swap3A_658], %add3A_657 masked %eq3A_615 {strides = array<i32>} : memref<2816xi32, #tpu.memory_space<vmem>>, vector<16xi32>, vector<16xi1>
        %add3A_660 = arith.constant 16384 : i32
        %add3A_661 = vector.broadcast %add3A_660 : i32 to vector<16xi32>
        %add3A_662 = arith.addi %add3A_622, %add3A_661 : vector<16xi32>
        %swap3A_663 = arith.index_cast %add3A_654 : i32 to index
        %swap3A_664 = tpu.vector_load %arg9[%swap3A_663] masked %eq3A_615 {strides = array<i32>} : memref<2832xi32, #tpu.memory_space<vmem>>, vector<16xi32>, vector<16xi1>
        tpu.vector_store %arg9[%swap3A_663], %add3A_662 masked %eq3A_615 {strides = array<i32>} : memref<2832xi32, #tpu.memory_space<vmem>>, vector<16xi32>, vector<16xi1>
        %mul3A_665 = arith.constant 3 : i32
        %mul3A_666 = arith.muli %mul3A_665, %squeeze3A_625 : i32
        %add3A_667 = arith.addi %add3A_607, %mul3A_666 : i32
        %add3A_668 = arith.constant 10 : i32
        %add3A_669 = vector.broadcast %add3A_668 : i32 to vector<16xi32>
        %add3A_670 = arith.addi %shift_right_logical3A_66, %add3A_669 : vector<16xi32>
        %shift_right_logical3A_671 = arith.constant 4 : i32
        %shift_right_logical3A_672 = vector.broadcast %shift_right_logical3A_671 : i32 to vector<16xi32>
        %shift_right_logical3A_673 = arith.shrui %add3A_670, %shift_right_logical3A_672 : vector<16xi32>
        %eq3A_674 = vector.broadcast %add3A : i32 to vector<16xi32>
        %eq3A_675 = arith.cmpi eq, %shift_right_logical3A_673, %eq3A_674 : vector<16xi32>
        %and3A_676 = arith.constant 15 : i32
        %and3A_677 = vector.broadcast %and3A_676 : i32 to vector<16xi32>
        %and3A_678 = arith.andi %add3A_670, %and3A_677 : vector<16xi32>
        %mul3A_679 = arith.constant 512 : i32
        %mul3A_680 = vector.broadcast %mul3A_679 : i32 to vector<16xi32>
        %mul3A_681 = arith.muli %and3A_678, %mul3A_680 : vector<16xi32>
        %add3A_682 = arith.addi %mul3A_681, %and3A_68 : vector<16xi32>
        %all_reduce_population_count3A_683 = tpu.all_reduce %eq3A_675 {dim = 0 : i64, kind = #tpu.reduction_kind<sum>} : vector<16xi1> -> vector<16xi32>
        %slice3A_684 = vector.extract_strided_slice %all_reduce_population_count3A_683 {offsets = [0], sizes = [1], strides = [1]} : vector<16xi32> to vector<1xi32>
        %squeeze3A_685 = vector.extract %slice3A_684[0] : i32 from vector<1xi32>
        %mul3A_686 = arith.constant 0 : i32
        %mul3A_687 = arith.muli %mul3A_686, %squeeze3A_685 : i32
        %add3A_688 = arith.addi %add3A_667, %mul3A_687 : i32
        %add3A_689 = arith.constant 10 : i32
        %add3A_690 = vector.broadcast %add3A_689 : i32 to vector<16xi32>
        %add3A_691 = arith.addi %mul3A_71, %add3A_690 : vector<16xi32>
        %swap3A_692 = arith.index_cast %add3A_688 : i32 to index
        %swap3A_693 = tpu.vector_load %arg8[%swap3A_692] masked %eq3A_675 {strides = array<i32>} : memref<2816xi32, #tpu.memory_space<vmem>>, vector<16xi32>, vector<16xi1>
        tpu.vector_store %arg8[%swap3A_692], %add3A_691 masked %eq3A_675 {strides = array<i32>} : memref<2816xi32, #tpu.memory_space<vmem>>, vector<16xi32>, vector<16xi1>
        %add3A_694 = arith.constant 0 : i32
        %add3A_695 = vector.broadcast %add3A_694 : i32 to vector<16xi32>
        %add3A_696 = arith.addi %add3A_682, %add3A_695 : vector<16xi32>
        %swap3A_697 = arith.index_cast %add3A_688 : i32 to index
        %swap3A_698 = tpu.vector_load %arg9[%swap3A_697] masked %eq3A_675 {strides = array<i32>} : memref<2832xi32, #tpu.memory_space<vmem>>, vector<16xi32>, vector<16xi1>
        tpu.vector_store %arg9[%swap3A_697], %add3A_696 masked %eq3A_675 {strides = array<i32>} : memref<2832xi32, #tpu.memory_space<vmem>>, vector<16xi32>, vector<16xi1>
        %mul3A_699 = arith.constant 1 : i32
        %mul3A_700 = arith.muli %mul3A_699, %squeeze3A_685 : i32
        %add3A_701 = arith.addi %add3A_667, %mul3A_700 : i32
        %add3A_702 = arith.constant 26 : i32
        %add3A_703 = vector.broadcast %add3A_702 : i32 to vector<16xi32>
        %add3A_704 = arith.addi %mul3A_71, %add3A_703 : vector<16xi32>
        %swap3A_705 = arith.index_cast %add3A_701 : i32 to index
        %swap3A_706 = tpu.vector_load %arg8[%swap3A_705] masked %eq3A_675 {strides = array<i32>} : memref<2816xi32, #tpu.memory_space<vmem>>, vector<16xi32>, vector<16xi1>
        tpu.vector_store %arg8[%swap3A_705], %add3A_704 masked %eq3A_675 {strides = array<i32>} : memref<2816xi32, #tpu.memory_space<vmem>>, vector<16xi32>, vector<16xi1>
        %add3A_707 = arith.constant 8192 : i32
        %add3A_708 = vector.broadcast %add3A_707 : i32 to vector<16xi32>
        %add3A_709 = arith.addi %add3A_682, %add3A_708 : vector<16xi32>
        %swap3A_710 = arith.index_cast %add3A_701 : i32 to index
        %swap3A_711 = tpu.vector_load %arg9[%swap3A_710] masked %eq3A_675 {strides = array<i32>} : memref<2832xi32, #tpu.memory_space<vmem>>, vector<16xi32>, vector<16xi1>
        tpu.vector_store %arg9[%swap3A_710], %add3A_709 masked %eq3A_675 {strides = array<i32>} : memref<2832xi32, #tpu.memory_space<vmem>>, vector<16xi32>, vector<16xi1>
        %mul3A_712 = arith.constant 2 : i32
        %mul3A_713 = arith.muli %mul3A_712, %squeeze3A_685 : i32
        %add3A_714 = arith.addi %add3A_667, %mul3A_713 : i32
        %add3A_715 = arith.constant 42 : i32
        %add3A_716 = vector.broadcast %add3A_715 : i32 to vector<16xi32>
        %add3A_717 = arith.addi %mul3A_71, %add3A_716 : vector<16xi32>
        %swap3A_718 = arith.index_cast %add3A_714 : i32 to index
        %swap3A_719 = tpu.vector_load %arg8[%swap3A_718] masked %eq3A_675 {strides = array<i32>} : memref<2816xi32, #tpu.memory_space<vmem>>, vector<16xi32>, vector<16xi1>
        tpu.vector_store %arg8[%swap3A_718], %add3A_717 masked %eq3A_675 {strides = array<i32>} : memref<2816xi32, #tpu.memory_space<vmem>>, vector<16xi32>, vector<16xi1>
        %add3A_720 = arith.constant 16384 : i32
        %add3A_721 = vector.broadcast %add3A_720 : i32 to vector<16xi32>
        %add3A_722 = arith.addi %add3A_682, %add3A_721 : vector<16xi32>
        %swap3A_723 = arith.index_cast %add3A_714 : i32 to index
        %swap3A_724 = tpu.vector_load %arg9[%swap3A_723] masked %eq3A_675 {strides = array<i32>} : memref<2832xi32, #tpu.memory_space<vmem>>, vector<16xi32>, vector<16xi1>
        tpu.vector_store %arg9[%swap3A_723], %add3A_722 masked %eq3A_675 {strides = array<i32>} : memref<2832xi32, #tpu.memory_space<vmem>>, vector<16xi32>, vector<16xi1>
        %mul3A_725 = arith.constant 3 : i32
        %mul3A_726 = arith.muli %mul3A_725, %squeeze3A_685 : i32
        %add3A_727 = arith.addi %add3A_667, %mul3A_726 : i32
        %add3A_728 = arith.constant 11 : i32
        %add3A_729 = vector.broadcast %add3A_728 : i32 to vector<16xi32>
        %add3A_730 = arith.addi %shift_right_logical3A_66, %add3A_729 : vector<16xi32>
        %shift_right_logical3A_731 = arith.constant 4 : i32
        %shift_right_logical3A_732 = vector.broadcast %shift_right_logical3A_731 : i32 to vector<16xi32>
        %shift_right_logical3A_733 = arith.shrui %add3A_730, %shift_right_logical3A_732 : vector<16xi32>
        %eq3A_734 = vector.broadcast %add3A : i32 to vector<16xi32>
        %eq3A_735 = arith.cmpi eq, %shift_right_logical3A_733, %eq3A_734 : vector<16xi32>
        %and3A_736 = arith.constant 15 : i32
        %and3A_737 = vector.broadcast %and3A_736 : i32 to vector<16xi32>
        %and3A_738 = arith.andi %add3A_730, %and3A_737 : vector<16xi32>
        %mul3A_739 = arith.constant 512 : i32
        %mul3A_740 = vector.broadcast %mul3A_739 : i32 to vector<16xi32>
        %mul3A_741 = arith.muli %and3A_738, %mul3A_740 : vector<16xi32>
        %add3A_742 = arith.addi %mul3A_741, %and3A_68 : vector<16xi32>
        %all_reduce_population_count3A_743 = tpu.all_reduce %eq3A_735 {dim = 0 : i64, kind = #tpu.reduction_kind<sum>} : vector<16xi1> -> vector<16xi32>
        %slice3A_744 = vector.extract_strided_slice %all_reduce_population_count3A_743 {offsets = [0], sizes = [1], strides = [1]} : vector<16xi32> to vector<1xi32>
        %squeeze3A_745 = vector.extract %slice3A_744[0] : i32 from vector<1xi32>
        %mul3A_746 = arith.constant 0 : i32
        %mul3A_747 = arith.muli %mul3A_746, %squeeze3A_745 : i32
        %add3A_748 = arith.addi %add3A_727, %mul3A_747 : i32
        %add3A_749 = arith.constant 11 : i32
        %add3A_750 = vector.broadcast %add3A_749 : i32 to vector<16xi32>
        %add3A_751 = arith.addi %mul3A_71, %add3A_750 : vector<16xi32>
        %swap3A_752 = arith.index_cast %add3A_748 : i32 to index
        %swap3A_753 = tpu.vector_load %arg8[%swap3A_752] masked %eq3A_735 {strides = array<i32>} : memref<2816xi32, #tpu.memory_space<vmem>>, vector<16xi32>, vector<16xi1>
        tpu.vector_store %arg8[%swap3A_752], %add3A_751 masked %eq3A_735 {strides = array<i32>} : memref<2816xi32, #tpu.memory_space<vmem>>, vector<16xi32>, vector<16xi1>
        %add3A_754 = arith.constant 0 : i32
        %add3A_755 = vector.broadcast %add3A_754 : i32 to vector<16xi32>
        %add3A_756 = arith.addi %add3A_742, %add3A_755 : vector<16xi32>
        %swap3A_757 = arith.index_cast %add3A_748 : i32 to index
        %swap3A_758 = tpu.vector_load %arg9[%swap3A_757] masked %eq3A_735 {strides = array<i32>} : memref<2832xi32, #tpu.memory_space<vmem>>, vector<16xi32>, vector<16xi1>
        tpu.vector_store %arg9[%swap3A_757], %add3A_756 masked %eq3A_735 {strides = array<i32>} : memref<2832xi32, #tpu.memory_space<vmem>>, vector<16xi32>, vector<16xi1>
        %mul3A_759 = arith.constant 1 : i32
        %mul3A_760 = arith.muli %mul3A_759, %squeeze3A_745 : i32
        %add3A_761 = arith.addi %add3A_727, %mul3A_760 : i32
        %add3A_762 = arith.constant 27 : i32
        %add3A_763 = vector.broadcast %add3A_762 : i32 to vector<16xi32>
        %add3A_764 = arith.addi %mul3A_71, %add3A_763 : vector<16xi32>
        %swap3A_765 = arith.index_cast %add3A_761 : i32 to index
        %swap3A_766 = tpu.vector_load %arg8[%swap3A_765] masked %eq3A_735 {strides = array<i32>} : memref<2816xi32, #tpu.memory_space<vmem>>, vector<16xi32>, vector<16xi1>
        tpu.vector_store %arg8[%swap3A_765], %add3A_764 masked %eq3A_735 {strides = array<i32>} : memref<2816xi32, #tpu.memory_space<vmem>>, vector<16xi32>, vector<16xi1>
        %add3A_767 = arith.constant 8192 : i32
        %add3A_768 = vector.broadcast %add3A_767 : i32 to vector<16xi32>
        %add3A_769 = arith.addi %add3A_742, %add3A_768 : vector<16xi32>
        %swap3A_770 = arith.index_cast %add3A_761 : i32 to index
        %swap3A_771 = tpu.vector_load %arg9[%swap3A_770] masked %eq3A_735 {strides = array<i32>} : memref<2832xi32, #tpu.memory_space<vmem>>, vector<16xi32>, vector<16xi1>
        tpu.vector_store %arg9[%swap3A_770], %add3A_769 masked %eq3A_735 {strides = array<i32>} : memref<2832xi32, #tpu.memory_space<vmem>>, vector<16xi32>, vector<16xi1>
        %mul3A_772 = arith.constant 2 : i32
        %mul3A_773 = arith.muli %mul3A_772, %squeeze3A_745 : i32
        %add3A_774 = arith.addi %add3A_727, %mul3A_773 : i32
        %add3A_775 = arith.constant 43 : i32
        %add3A_776 = vector.broadcast %add3A_775 : i32 to vector<16xi32>
        %add3A_777 = arith.addi %mul3A_71, %add3A_776 : vector<16xi32>
        %swap3A_778 = arith.index_cast %add3A_774 : i32 to index
        %swap3A_779 = tpu.vector_load %arg8[%swap3A_778] masked %eq3A_735 {strides = array<i32>} : memref<2816xi32, #tpu.memory_space<vmem>>, vector<16xi32>, vector<16xi1>
        tpu.vector_store %arg8[%swap3A_778], %add3A_777 masked %eq3A_735 {strides = array<i32>} : memref<2816xi32, #tpu.memory_space<vmem>>, vector<16xi32>, vector<16xi1>
        %add3A_780 = arith.constant 16384 : i32
        %add3A_781 = vector.broadcast %add3A_780 : i32 to vector<16xi32>
        %add3A_782 = arith.addi %add3A_742, %add3A_781 : vector<16xi32>
        %swap3A_783 = arith.index_cast %add3A_774 : i32 to index
        %swap3A_784 = tpu.vector_load %arg9[%swap3A_783] masked %eq3A_735 {strides = array<i32>} : memref<2832xi32, #tpu.memory_space<vmem>>, vector<16xi32>, vector<16xi1>
        tpu.vector_store %arg9[%swap3A_783], %add3A_782 masked %eq3A_735 {strides = array<i32>} : memref<2832xi32, #tpu.memory_space<vmem>>, vector<16xi32>, vector<16xi1>
        %mul3A_785 = arith.constant 3 : i32
        %mul3A_786 = arith.muli %mul3A_785, %squeeze3A_745 : i32
        %add3A_787 = arith.addi %add3A_727, %mul3A_786 : i32
        %add3A_788 = arith.constant 12 : i32
        %add3A_789 = vector.broadcast %add3A_788 : i32 to vector<16xi32>
        %add3A_790 = arith.addi %shift_right_logical3A_66, %add3A_789 : vector<16xi32>
        %shift_right_logical3A_791 = arith.constant 4 : i32
        %shift_right_logical3A_792 = vector.broadcast %shift_right_logical3A_791 : i32 to vector<16xi32>
        %shift_right_logical3A_793 = arith.shrui %add3A_790, %shift_right_logical3A_792 : vector<16xi32>
        %eq3A_794 = vector.broadcast %add3A : i32 to vector<16xi32>
        %eq3A_795 = arith.cmpi eq, %shift_right_logical3A_793, %eq3A_794 : vector<16xi32>
        %and3A_796 = arith.constant 15 : i32
        %and3A_797 = vector.broadcast %and3A_796 : i32 to vector<16xi32>
        %and3A_798 = arith.andi %add3A_790, %and3A_797 : vector<16xi32>
        %mul3A_799 = arith.constant 512 : i32
        %mul3A_800 = vector.broadcast %mul3A_799 : i32 to vector<16xi32>
        %mul3A_801 = arith.muli %and3A_798, %mul3A_800 : vector<16xi32>
        %add3A_802 = arith.addi %mul3A_801, %and3A_68 : vector<16xi32>
        %all_reduce_population_count3A_803 = tpu.all_reduce %eq3A_795 {dim = 0 : i64, kind = #tpu.reduction_kind<sum>} : vector<16xi1> -> vector<16xi32>
        %slice3A_804 = vector.extract_strided_slice %all_reduce_population_count3A_803 {offsets = [0], sizes = [1], strides = [1]} : vector<16xi32> to vector<1xi32>
        %squeeze3A_805 = vector.extract %slice3A_804[0] : i32 from vector<1xi32>
        %mul3A_806 = arith.constant 0 : i32
        %mul3A_807 = arith.muli %mul3A_806, %squeeze3A_805 : i32
        %add3A_808 = arith.addi %add3A_787, %mul3A_807 : i32
        %add3A_809 = arith.constant 12 : i32
        %add3A_810 = vector.broadcast %add3A_809 : i32 to vector<16xi32>
        %add3A_811 = arith.addi %mul3A_71, %add3A_810 : vector<16xi32>
        %swap3A_812 = arith.index_cast %add3A_808 : i32 to index
        %swap3A_813 = tpu.vector_load %arg8[%swap3A_812] masked %eq3A_795 {strides = array<i32>} : memref<2816xi32, #tpu.memory_space<vmem>>, vector<16xi32>, vector<16xi1>
        tpu.vector_store %arg8[%swap3A_812], %add3A_811 masked %eq3A_795 {strides = array<i32>} : memref<2816xi32, #tpu.memory_space<vmem>>, vector<16xi32>, vector<16xi1>
        %add3A_814 = arith.constant 0 : i32
        %add3A_815 = vector.broadcast %add3A_814 : i32 to vector<16xi32>
        %add3A_816 = arith.addi %add3A_802, %add3A_815 : vector<16xi32>
        %swap3A_817 = arith.index_cast %add3A_808 : i32 to index
        %swap3A_818 = tpu.vector_load %arg9[%swap3A_817] masked %eq3A_795 {strides = array<i32>} : memref<2832xi32, #tpu.memory_space<vmem>>, vector<16xi32>, vector<16xi1>
        tpu.vector_store %arg9[%swap3A_817], %add3A_816 masked %eq3A_795 {strides = array<i32>} : memref<2832xi32, #tpu.memory_space<vmem>>, vector<16xi32>, vector<16xi1>
        %mul3A_819 = arith.constant 1 : i32
        %mul3A_820 = arith.muli %mul3A_819, %squeeze3A_805 : i32
        %add3A_821 = arith.addi %add3A_787, %mul3A_820 : i32
        %add3A_822 = arith.constant 28 : i32
        %add3A_823 = vector.broadcast %add3A_822 : i32 to vector<16xi32>
        %add3A_824 = arith.addi %mul3A_71, %add3A_823 : vector<16xi32>
        %swap3A_825 = arith.index_cast %add3A_821 : i32 to index
        %swap3A_826 = tpu.vector_load %arg8[%swap3A_825] masked %eq3A_795 {strides = array<i32>} : memref<2816xi32, #tpu.memory_space<vmem>>, vector<16xi32>, vector<16xi1>
        tpu.vector_store %arg8[%swap3A_825], %add3A_824 masked %eq3A_795 {strides = array<i32>} : memref<2816xi32, #tpu.memory_space<vmem>>, vector<16xi32>, vector<16xi1>
        %add3A_827 = arith.constant 8192 : i32
        %add3A_828 = vector.broadcast %add3A_827 : i32 to vector<16xi32>
        %add3A_829 = arith.addi %add3A_802, %add3A_828 : vector<16xi32>
        %swap3A_830 = arith.index_cast %add3A_821 : i32 to index
        %swap3A_831 = tpu.vector_load %arg9[%swap3A_830] masked %eq3A_795 {strides = array<i32>} : memref<2832xi32, #tpu.memory_space<vmem>>, vector<16xi32>, vector<16xi1>
        tpu.vector_store %arg9[%swap3A_830], %add3A_829 masked %eq3A_795 {strides = array<i32>} : memref<2832xi32, #tpu.memory_space<vmem>>, vector<16xi32>, vector<16xi1>
        %mul3A_832 = arith.constant 2 : i32
        %mul3A_833 = arith.muli %mul3A_832, %squeeze3A_805 : i32
        %add3A_834 = arith.addi %add3A_787, %mul3A_833 : i32
        %add3A_835 = arith.constant 44 : i32
        %add3A_836 = vector.broadcast %add3A_835 : i32 to vector<16xi32>
        %add3A_837 = arith.addi %mul3A_71, %add3A_836 : vector<16xi32>
        %swap3A_838 = arith.index_cast %add3A_834 : i32 to index
        %swap3A_839 = tpu.vector_load %arg8[%swap3A_838] masked %eq3A_795 {strides = array<i32>} : memref<2816xi32, #tpu.memory_space<vmem>>, vector<16xi32>, vector<16xi1>
        tpu.vector_store %arg8[%swap3A_838], %add3A_837 masked %eq3A_795 {strides = array<i32>} : memref<2816xi32, #tpu.memory_space<vmem>>, vector<16xi32>, vector<16xi1>
        %add3A_840 = arith.constant 16384 : i32
        %add3A_841 = vector.broadcast %add3A_840 : i32 to vector<16xi32>
        %add3A_842 = arith.addi %add3A_802, %add3A_841 : vector<16xi32>
        %swap3A_843 = arith.index_cast %add3A_834 : i32 to index
        %swap3A_844 = tpu.vector_load %arg9[%swap3A_843] masked %eq3A_795 {strides = array<i32>} : memref<2832xi32, #tpu.memory_space<vmem>>, vector<16xi32>, vector<16xi1>
        tpu.vector_store %arg9[%swap3A_843], %add3A_842 masked %eq3A_795 {strides = array<i32>} : memref<2832xi32, #tpu.memory_space<vmem>>, vector<16xi32>, vector<16xi1>
        %mul3A_845 = arith.constant 3 : i32
        %mul3A_846 = arith.muli %mul3A_845, %squeeze3A_805 : i32
        %add3A_847 = arith.addi %add3A_787, %mul3A_846 : i32
        %add3A_848 = arith.constant 13 : i32
        %add3A_849 = vector.broadcast %add3A_848 : i32 to vector<16xi32>
        %add3A_850 = arith.addi %shift_right_logical3A_66, %add3A_849 : vector<16xi32>
        %shift_right_logical3A_851 = arith.constant 4 : i32
        %shift_right_logical3A_852 = vector.broadcast %shift_right_logical3A_851 : i32 to vector<16xi32>
        %shift_right_logical3A_853 = arith.shrui %add3A_850, %shift_right_logical3A_852 : vector<16xi32>
        %eq3A_854 = vector.broadcast %add3A : i32 to vector<16xi32>
        %eq3A_855 = arith.cmpi eq, %shift_right_logical3A_853, %eq3A_854 : vector<16xi32>
        %and3A_856 = arith.constant 15 : i32
        %and3A_857 = vector.broadcast %and3A_856 : i32 to vector<16xi32>
        %and3A_858 = arith.andi %add3A_850, %and3A_857 : vector<16xi32>
        %mul3A_859 = arith.constant 512 : i32
        %mul3A_860 = vector.broadcast %mul3A_859 : i32 to vector<16xi32>
        %mul3A_861 = arith.muli %and3A_858, %mul3A_860 : vector<16xi32>
        %add3A_862 = arith.addi %mul3A_861, %and3A_68 : vector<16xi32>
        %all_reduce_population_count3A_863 = tpu.all_reduce %eq3A_855 {dim = 0 : i64, kind = #tpu.reduction_kind<sum>} : vector<16xi1> -> vector<16xi32>
        %slice3A_864 = vector.extract_strided_slice %all_reduce_population_count3A_863 {offsets = [0], sizes = [1], strides = [1]} : vector<16xi32> to vector<1xi32>
        %squeeze3A_865 = vector.extract %slice3A_864[0] : i32 from vector<1xi32>
        %mul3A_866 = arith.constant 0 : i32
        %mul3A_867 = arith.muli %mul3A_866, %squeeze3A_865 : i32
        %add3A_868 = arith.addi %add3A_847, %mul3A_867 : i32
        %add3A_869 = arith.constant 13 : i32
        %add3A_870 = vector.broadcast %add3A_869 : i32 to vector<16xi32>
        %add3A_871 = arith.addi %mul3A_71, %add3A_870 : vector<16xi32>
        %swap3A_872 = arith.index_cast %add3A_868 : i32 to index
        %swap3A_873 = tpu.vector_load %arg8[%swap3A_872] masked %eq3A_855 {strides = array<i32>} : memref<2816xi32, #tpu.memory_space<vmem>>, vector<16xi32>, vector<16xi1>
        tpu.vector_store %arg8[%swap3A_872], %add3A_871 masked %eq3A_855 {strides = array<i32>} : memref<2816xi32, #tpu.memory_space<vmem>>, vector<16xi32>, vector<16xi1>
        %add3A_874 = arith.constant 0 : i32
        %add3A_875 = vector.broadcast %add3A_874 : i32 to vector<16xi32>
        %add3A_876 = arith.addi %add3A_862, %add3A_875 : vector<16xi32>
        %swap3A_877 = arith.index_cast %add3A_868 : i32 to index
        %swap3A_878 = tpu.vector_load %arg9[%swap3A_877] masked %eq3A_855 {strides = array<i32>} : memref<2832xi32, #tpu.memory_space<vmem>>, vector<16xi32>, vector<16xi1>
        tpu.vector_store %arg9[%swap3A_877], %add3A_876 masked %eq3A_855 {strides = array<i32>} : memref<2832xi32, #tpu.memory_space<vmem>>, vector<16xi32>, vector<16xi1>
        %mul3A_879 = arith.constant 1 : i32
        %mul3A_880 = arith.muli %mul3A_879, %squeeze3A_865 : i32
        %add3A_881 = arith.addi %add3A_847, %mul3A_880 : i32
        %add3A_882 = arith.constant 29 : i32
        %add3A_883 = vector.broadcast %add3A_882 : i32 to vector<16xi32>
        %add3A_884 = arith.addi %mul3A_71, %add3A_883 : vector<16xi32>
        %swap3A_885 = arith.index_cast %add3A_881 : i32 to index
        %swap3A_886 = tpu.vector_load %arg8[%swap3A_885] masked %eq3A_855 {strides = array<i32>} : memref<2816xi32, #tpu.memory_space<vmem>>, vector<16xi32>, vector<16xi1>
        tpu.vector_store %arg8[%swap3A_885], %add3A_884 masked %eq3A_855 {strides = array<i32>} : memref<2816xi32, #tpu.memory_space<vmem>>, vector<16xi32>, vector<16xi1>
        %add3A_887 = arith.constant 8192 : i32
        %add3A_888 = vector.broadcast %add3A_887 : i32 to vector<16xi32>
        %add3A_889 = arith.addi %add3A_862, %add3A_888 : vector<16xi32>
        %swap3A_890 = arith.index_cast %add3A_881 : i32 to index
        %swap3A_891 = tpu.vector_load %arg9[%swap3A_890] masked %eq3A_855 {strides = array<i32>} : memref<2832xi32, #tpu.memory_space<vmem>>, vector<16xi32>, vector<16xi1>
        tpu.vector_store %arg9[%swap3A_890], %add3A_889 masked %eq3A_855 {strides = array<i32>} : memref<2832xi32, #tpu.memory_space<vmem>>, vector<16xi32>, vector<16xi1>
        %mul3A_892 = arith.constant 2 : i32
        %mul3A_893 = arith.muli %mul3A_892, %squeeze3A_865 : i32
        %add3A_894 = arith.addi %add3A_847, %mul3A_893 : i32
        %add3A_895 = arith.constant 45 : i32
        %add3A_896 = vector.broadcast %add3A_895 : i32 to vector<16xi32>
        %add3A_897 = arith.addi %mul3A_71, %add3A_896 : vector<16xi32>
        %swap3A_898 = arith.index_cast %add3A_894 : i32 to index
        %swap3A_899 = tpu.vector_load %arg8[%swap3A_898] masked %eq3A_855 {strides = array<i32>} : memref<2816xi32, #tpu.memory_space<vmem>>, vector<16xi32>, vector<16xi1>
        tpu.vector_store %arg8[%swap3A_898], %add3A_897 masked %eq3A_855 {strides = array<i32>} : memref<2816xi32, #tpu.memory_space<vmem>>, vector<16xi32>, vector<16xi1>
        %add3A_900 = arith.constant 16384 : i32
        %add3A_901 = vector.broadcast %add3A_900 : i32 to vector<16xi32>
        %add3A_902 = arith.addi %add3A_862, %add3A_901 : vector<16xi32>
        %swap3A_903 = arith.index_cast %add3A_894 : i32 to index
        %swap3A_904 = tpu.vector_load %arg9[%swap3A_903] masked %eq3A_855 {strides = array<i32>} : memref<2832xi32, #tpu.memory_space<vmem>>, vector<16xi32>, vector<16xi1>
        tpu.vector_store %arg9[%swap3A_903], %add3A_902 masked %eq3A_855 {strides = array<i32>} : memref<2832xi32, #tpu.memory_space<vmem>>, vector<16xi32>, vector<16xi1>
        %mul3A_905 = arith.constant 3 : i32
        %mul3A_906 = arith.muli %mul3A_905, %squeeze3A_865 : i32
        %add3A_907 = arith.addi %add3A_847, %mul3A_906 : i32
        %add3A_908 = arith.constant 14 : i32
        %add3A_909 = vector.broadcast %add3A_908 : i32 to vector<16xi32>
        %add3A_910 = arith.addi %shift_right_logical3A_66, %add3A_909 : vector<16xi32>
        %shift_right_logical3A_911 = arith.constant 4 : i32
        %shift_right_logical3A_912 = vector.broadcast %shift_right_logical3A_911 : i32 to vector<16xi32>
        %shift_right_logical3A_913 = arith.shrui %add3A_910, %shift_right_logical3A_912 : vector<16xi32>
        %eq3A_914 = vector.broadcast %add3A : i32 to vector<16xi32>
        %eq3A_915 = arith.cmpi eq, %shift_right_logical3A_913, %eq3A_914 : vector<16xi32>
        %and3A_916 = arith.constant 15 : i32
        %and3A_917 = vector.broadcast %and3A_916 : i32 to vector<16xi32>
        %and3A_918 = arith.andi %add3A_910, %and3A_917 : vector<16xi32>
        %mul3A_919 = arith.constant 512 : i32
        %mul3A_920 = vector.broadcast %mul3A_919 : i32 to vector<16xi32>
        %mul3A_921 = arith.muli %and3A_918, %mul3A_920 : vector<16xi32>
        %add3A_922 = arith.addi %mul3A_921, %and3A_68 : vector<16xi32>
        %all_reduce_population_count3A_923 = tpu.all_reduce %eq3A_915 {dim = 0 : i64, kind = #tpu.reduction_kind<sum>} : vector<16xi1> -> vector<16xi32>
        %slice3A_924 = vector.extract_strided_slice %all_reduce_population_count3A_923 {offsets = [0], sizes = [1], strides = [1]} : vector<16xi32> to vector<1xi32>
        %squeeze3A_925 = vector.extract %slice3A_924[0] : i32 from vector<1xi32>
        %mul3A_926 = arith.constant 0 : i32
        %mul3A_927 = arith.muli %mul3A_926, %squeeze3A_925 : i32
        %add3A_928 = arith.addi %add3A_907, %mul3A_927 : i32
        %add3A_929 = arith.constant 14 : i32
        %add3A_930 = vector.broadcast %add3A_929 : i32 to vector<16xi32>
        %add3A_931 = arith.addi %mul3A_71, %add3A_930 : vector<16xi32>
        %swap3A_932 = arith.index_cast %add3A_928 : i32 to index
        %swap3A_933 = tpu.vector_load %arg8[%swap3A_932] masked %eq3A_915 {strides = array<i32>} : memref<2816xi32, #tpu.memory_space<vmem>>, vector<16xi32>, vector<16xi1>
        tpu.vector_store %arg8[%swap3A_932], %add3A_931 masked %eq3A_915 {strides = array<i32>} : memref<2816xi32, #tpu.memory_space<vmem>>, vector<16xi32>, vector<16xi1>
        %add3A_934 = arith.constant 0 : i32
        %add3A_935 = vector.broadcast %add3A_934 : i32 to vector<16xi32>
        %add3A_936 = arith.addi %add3A_922, %add3A_935 : vector<16xi32>
        %swap3A_937 = arith.index_cast %add3A_928 : i32 to index
        %swap3A_938 = tpu.vector_load %arg9[%swap3A_937] masked %eq3A_915 {strides = array<i32>} : memref<2832xi32, #tpu.memory_space<vmem>>, vector<16xi32>, vector<16xi1>
        tpu.vector_store %arg9[%swap3A_937], %add3A_936 masked %eq3A_915 {strides = array<i32>} : memref<2832xi32, #tpu.memory_space<vmem>>, vector<16xi32>, vector<16xi1>
        %mul3A_939 = arith.constant 1 : i32
        %mul3A_940 = arith.muli %mul3A_939, %squeeze3A_925 : i32
        %add3A_941 = arith.addi %add3A_907, %mul3A_940 : i32
        %add3A_942 = arith.constant 30 : i32
        %add3A_943 = vector.broadcast %add3A_942 : i32 to vector<16xi32>
        %add3A_944 = arith.addi %mul3A_71, %add3A_943 : vector<16xi32>
        %swap3A_945 = arith.index_cast %add3A_941 : i32 to index
        %swap3A_946 = tpu.vector_load %arg8[%swap3A_945] masked %eq3A_915 {strides = array<i32>} : memref<2816xi32, #tpu.memory_space<vmem>>, vector<16xi32>, vector<16xi1>
        tpu.vector_store %arg8[%swap3A_945], %add3A_944 masked %eq3A_915 {strides = array<i32>} : memref<2816xi32, #tpu.memory_space<vmem>>, vector<16xi32>, vector<16xi1>
        %add3A_947 = arith.constant 8192 : i32
        %add3A_948 = vector.broadcast %add3A_947 : i32 to vector<16xi32>
        %add3A_949 = arith.addi %add3A_922, %add3A_948 : vector<16xi32>
        %swap3A_950 = arith.index_cast %add3A_941 : i32 to index
        %swap3A_951 = tpu.vector_load %arg9[%swap3A_950] masked %eq3A_915 {strides = array<i32>} : memref<2832xi32, #tpu.memory_space<vmem>>, vector<16xi32>, vector<16xi1>
        tpu.vector_store %arg9[%swap3A_950], %add3A_949 masked %eq3A_915 {strides = array<i32>} : memref<2832xi32, #tpu.memory_space<vmem>>, vector<16xi32>, vector<16xi1>
        %mul3A_952 = arith.constant 2 : i32
        %mul3A_953 = arith.muli %mul3A_952, %squeeze3A_925 : i32
        %add3A_954 = arith.addi %add3A_907, %mul3A_953 : i32
        %add3A_955 = arith.constant 46 : i32
        %add3A_956 = vector.broadcast %add3A_955 : i32 to vector<16xi32>
        %add3A_957 = arith.addi %mul3A_71, %add3A_956 : vector<16xi32>
        %swap3A_958 = arith.index_cast %add3A_954 : i32 to index
        %swap3A_959 = tpu.vector_load %arg8[%swap3A_958] masked %eq3A_915 {strides = array<i32>} : memref<2816xi32, #tpu.memory_space<vmem>>, vector<16xi32>, vector<16xi1>
        tpu.vector_store %arg8[%swap3A_958], %add3A_957 masked %eq3A_915 {strides = array<i32>} : memref<2816xi32, #tpu.memory_space<vmem>>, vector<16xi32>, vector<16xi1>
        %add3A_960 = arith.constant 16384 : i32
        %add3A_961 = vector.broadcast %add3A_960 : i32 to vector<16xi32>
        %add3A_962 = arith.addi %add3A_922, %add3A_961 : vector<16xi32>
        %swap3A_963 = arith.index_cast %add3A_954 : i32 to index
        %swap3A_964 = tpu.vector_load %arg9[%swap3A_963] masked %eq3A_915 {strides = array<i32>} : memref<2832xi32, #tpu.memory_space<vmem>>, vector<16xi32>, vector<16xi1>
        tpu.vector_store %arg9[%swap3A_963], %add3A_962 masked %eq3A_915 {strides = array<i32>} : memref<2832xi32, #tpu.memory_space<vmem>>, vector<16xi32>, vector<16xi1>
        %mul3A_965 = arith.constant 3 : i32
        %mul3A_966 = arith.muli %mul3A_965, %squeeze3A_925 : i32
        %add3A_967 = arith.addi %add3A_907, %mul3A_966 : i32
        %add3A_968 = arith.constant 15 : i32
        %add3A_969 = vector.broadcast %add3A_968 : i32 to vector<16xi32>
        %add3A_970 = arith.addi %shift_right_logical3A_66, %add3A_969 : vector<16xi32>
        %shift_right_logical3A_971 = arith.constant 4 : i32
        %shift_right_logical3A_972 = vector.broadcast %shift_right_logical3A_971 : i32 to vector<16xi32>
        %shift_right_logical3A_973 = arith.shrui %add3A_970, %shift_right_logical3A_972 : vector<16xi32>
        %eq3A_974 = vector.broadcast %add3A : i32 to vector<16xi32>
        %eq3A_975 = arith.cmpi eq, %shift_right_logical3A_973, %eq3A_974 : vector<16xi32>
        %and3A_976 = arith.constant 15 : i32
        %and3A_977 = vector.broadcast %and3A_976 : i32 to vector<16xi32>
        %and3A_978 = arith.andi %add3A_970, %and3A_977 : vector<16xi32>
        %mul3A_979 = arith.constant 512 : i32
        %mul3A_980 = vector.broadcast %mul3A_979 : i32 to vector<16xi32>
        %mul3A_981 = arith.muli %and3A_978, %mul3A_980 : vector<16xi32>
        %add3A_982 = arith.addi %mul3A_981, %and3A_68 : vector<16xi32>
        %all_reduce_population_count3A_983 = tpu.all_reduce %eq3A_975 {dim = 0 : i64, kind = #tpu.reduction_kind<sum>} : vector<16xi1> -> vector<16xi32>
        %slice3A_984 = vector.extract_strided_slice %all_reduce_population_count3A_983 {offsets = [0], sizes = [1], strides = [1]} : vector<16xi32> to vector<1xi32>
        %squeeze3A_985 = vector.extract %slice3A_984[0] : i32 from vector<1xi32>
        %mul3A_986 = arith.constant 0 : i32
        %mul3A_987 = arith.muli %mul3A_986, %squeeze3A_985 : i32
        %add3A_988 = arith.addi %add3A_967, %mul3A_987 : i32
        %add3A_989 = arith.constant 15 : i32
        %add3A_990 = vector.broadcast %add3A_989 : i32 to vector<16xi32>
        %add3A_991 = arith.addi %mul3A_71, %add3A_990 : vector<16xi32>
        %swap3A_992 = arith.index_cast %add3A_988 : i32 to index
        %swap3A_993 = tpu.vector_load %arg8[%swap3A_992] masked %eq3A_975 {strides = array<i32>} : memref<2816xi32, #tpu.memory_space<vmem>>, vector<16xi32>, vector<16xi1>
        tpu.vector_store %arg8[%swap3A_992], %add3A_991 masked %eq3A_975 {strides = array<i32>} : memref<2816xi32, #tpu.memory_space<vmem>>, vector<16xi32>, vector<16xi1>
        %add3A_994 = arith.constant 0 : i32
        %add3A_995 = vector.broadcast %add3A_994 : i32 to vector<16xi32>
        %add3A_996 = arith.addi %add3A_982, %add3A_995 : vector<16xi32>
        %swap3A_997 = arith.index_cast %add3A_988 : i32 to index
        %swap3A_998 = tpu.vector_load %arg9[%swap3A_997] masked %eq3A_975 {strides = array<i32>} : memref<2832xi32, #tpu.memory_space<vmem>>, vector<16xi32>, vector<16xi1>
        tpu.vector_store %arg9[%swap3A_997], %add3A_996 masked %eq3A_975 {strides = array<i32>} : memref<2832xi32, #tpu.memory_space<vmem>>, vector<16xi32>, vector<16xi1>
        %mul3A_999 = arith.constant 1 : i32
        %mul3A_1000 = arith.muli %mul3A_999, %squeeze3A_985 : i32
        %add3A_1001 = arith.addi %add3A_967, %mul3A_1000 : i32
        %add3A_1002 = arith.constant 31 : i32
        %add3A_1003 = vector.broadcast %add3A_1002 : i32 to vector<16xi32>
        %add3A_1004 = arith.addi %mul3A_71, %add3A_1003 : vector<16xi32>
        %swap3A_1005 = arith.index_cast %add3A_1001 : i32 to index
        %swap3A_1006 = tpu.vector_load %arg8[%swap3A_1005] masked %eq3A_975 {strides = array<i32>} : memref<2816xi32, #tpu.memory_space<vmem>>, vector<16xi32>, vector<16xi1>
        tpu.vector_store %arg8[%swap3A_1005], %add3A_1004 masked %eq3A_975 {strides = array<i32>} : memref<2816xi32, #tpu.memory_space<vmem>>, vector<16xi32>, vector<16xi1>
        %add3A_1007 = arith.constant 8192 : i32
        %add3A_1008 = vector.broadcast %add3A_1007 : i32 to vector<16xi32>
        %add3A_1009 = arith.addi %add3A_982, %add3A_1008 : vector<16xi32>
        %swap3A_1010 = arith.index_cast %add3A_1001 : i32 to index
        %swap3A_1011 = tpu.vector_load %arg9[%swap3A_1010] masked %eq3A_975 {strides = array<i32>} : memref<2832xi32, #tpu.memory_space<vmem>>, vector<16xi32>, vector<16xi1>
        tpu.vector_store %arg9[%swap3A_1010], %add3A_1009 masked %eq3A_975 {strides = array<i32>} : memref<2832xi32, #tpu.memory_space<vmem>>, vector<16xi32>, vector<16xi1>
        %mul3A_1012 = arith.constant 2 : i32
        %mul3A_1013 = arith.muli %mul3A_1012, %squeeze3A_985 : i32
        %add3A_1014 = arith.addi %add3A_967, %mul3A_1013 : i32
        %add3A_1015 = arith.constant 47 : i32
        %add3A_1016 = vector.broadcast %add3A_1015 : i32 to vector<16xi32>
        %add3A_1017 = arith.addi %mul3A_71, %add3A_1016 : vector<16xi32>
        %swap3A_1018 = arith.index_cast %add3A_1014 : i32 to index
        %swap3A_1019 = tpu.vector_load %arg8[%swap3A_1018] masked %eq3A_975 {strides = array<i32>} : memref<2816xi32, #tpu.memory_space<vmem>>, vector<16xi32>, vector<16xi1>
        tpu.vector_store %arg8[%swap3A_1018], %add3A_1017 masked %eq3A_975 {strides = array<i32>} : memref<2816xi32, #tpu.memory_space<vmem>>, vector<16xi32>, vector<16xi1>
        %add3A_1020 = arith.constant 16384 : i32
        %add3A_1021 = vector.broadcast %add3A_1020 : i32 to vector<16xi32>
        %add3A_1022 = arith.addi %add3A_982, %add3A_1021 : vector<16xi32>
        %swap3A_1023 = arith.index_cast %add3A_1014 : i32 to index
        %swap3A_1024 = tpu.vector_load %arg9[%swap3A_1023] masked %eq3A_975 {strides = array<i32>} : memref<2832xi32, #tpu.memory_space<vmem>>, vector<16xi32>, vector<16xi1>
        tpu.vector_store %arg9[%swap3A_1023], %add3A_1022 masked %eq3A_975 {strides = array<i32>} : memref<2832xi32, #tpu.memory_space<vmem>>, vector<16xi32>, vector<16xi1>
        %mul3A_1025 = arith.constant 3 : i32
        %mul3A_1026 = arith.muli %mul3A_1025, %squeeze3A_985 : i32
        %add3A_1027 = arith.addi %add3A_967, %mul3A_1026 : i32
        scf.yield %add3A_1027 : i32
      }
      scf.yield %while3A_50 : i32
    }
    %scan3A_19 = arith.constant 8 : i32
    %gt3A = arith.constant 0 : i32
    %gt3A_20 = arith.cmpi sgt, %scan3A_18, %gt3A : i32
    %convert_element_type3A = arith.extui %gt3A_20 : i1 to i32
    %cond3A = arith.constant 0 : i32
    %cond3A_21 = arith.cmpi ne, %convert_element_type3A, %cond3A : i32
    scf.if %cond3A_21 {
      %broadcast_in_dim3A_22 = arith.constant 24576 : i32
      %broadcast_in_dim3A_23 = vector.broadcast %broadcast_in_dim3A_22 : i32 to vector<16xi32>
      %swap3A = arith.index_cast %scan3A_18 : i32 to index
      %swap3A_24 = tpu.vector_load %arg9[%swap3A] {strides = array<i32>} : memref<2832xi32, #tpu.memory_space<vmem>>, vector<16xi32>,
      tpu.vector_store %arg9[%swap3A], %broadcast_in_dim3A_23 {strides = array<i32>} : memref<2832xi32, #tpu.memory_space<vmem>>, vector<16xi32>,
      %add3A_25 = arith.constant 256 : i32
      %add3A_26 = arith.addi %scan3A_18, %add3A_25 : i32
      %sub3A = arith.constant 1 : i32
      %sub3A_27 = arith.subi %add3A_26, %sub3A : i32
      %jit3A = arith.constant 256 : i32
      %div3A = arith.divsi %sub3A_27, %jit3A : i32
      %sign3A = arith.constant 0 : i32
      %sign3A_28 = arith.cmpi sgt, %sub3A_27, %sign3A : i32
      %sign3A_29 = arith.extui %sign3A_28 : i1 to i32
      %sign3A_30 = arith.constant 0 : i32
      %sign3A_31 = arith.cmpi slt, %sub3A_27, %sign3A_30 : i32
      %sign3A_32 = arith.extui %sign3A_31 : i1 to i32
      %sign3A_33 = arith.subi %sign3A_29, %sign3A_32 : i32
      %sign3A_34 = arith.constant 0 : i32
      %sign3A_35 = arith.cmpi sgt, %jit3A, %sign3A_34 : i32
      %sign3A_36 = arith.extui %sign3A_35 : i1 to i32
      %sign3A_37 = arith.constant 0 : i32
      %sign3A_38 = arith.cmpi slt, %jit3A, %sign3A_37 : i32
      %sign3A_39 = arith.extui %sign3A_38 : i1 to i32
      %sign3A_40 = arith.subi %sign3A_36, %sign3A_39 : i32
      %ne3A = arith.cmpi ne, %sign3A_33, %sign3A_40 : i32
      %rem3A = arith.remsi %sub3A_27, %jit3A : i32
      %ne3A_41 = arith.constant 0 : i32
      %ne3A_42 = arith.cmpi ne, %rem3A, %ne3A_41 : i32
      %and3A = arith.andi %ne3A, %ne3A_42 : i1
      %sub3A_43 = arith.constant 1 : i32
      %sub3A_44 = arith.subi %div3A, %sub3A_43 : i32
      %select_n3A = arith.select %and3A, %sub3A_44, %div3A : i32
      %while3A = arith.constant 0 : i32
      %while3A_45 = arith.constant 0 : i32
      %while3A_46 = arith.subi %select_n3A, %while3A_45 : i32
      %while3A_47 = arith.addi %while3A_45, %while3A_46 : i32
      %while3A_48 = arith.constant 1 : i32
      %while3A_49 = arith.divsi %while3A_46, %while3A_48 : i32
      %while3A_50 = arith.muli %while3A_49, %while3A_48 : i32
      %while3A_51 = arith.addi %while3A_45, %while3A_50 : i32
      %while3A_52 = arith.constant 1 : i32
      scf.for %while3A_100 = %while3A_45 to %while3A_51 step %while3A_52  : i32 {
        %mul3A_101 = arith.constant 256 : i32
        %mul3A_102 = arith.muli %while3A_100, %mul3A_101 : i32
        %mul3A_103 = arith.constant 256 : i32
        %mul3A_104 = arith.muli %while3A_100, %mul3A_103 : i32
        %dma_start3A = arith.constant 0 : i32
        %dma_start3A_105 = tpu.memref_slice %arg10[%mul3A_104, %dma_start3A] : memref<2816x16xf32, #tpu.memory_space<vmem>> -> memref<256x16xf32, #tpu.memory_space<vmem>>
        %dma_start3A_106 = tpu.memref_slice %arg8[%mul3A_102] : memref<2816xi32, #tpu.memory_space<vmem>> -> memref<256xi32, #tpu.memory_space<vmem>>
        %dma_start3A_107 = arith.constant 0 : i32
        %dma_start3A_108 = arith.constant 0 : i32
        %dma_start3A_109 = tpu.memref_slice %arg2[%dma_start3A_107, %dma_start3A_108] : memref<3145728x16xf32, #tpu.memory_space<hbm>> -> memref<3145728x16xf32, #tpu.memory_space<hbm>>
        tpu.enqueue_indirect_dma source(%dma_start3A_109 : memref<3145728x16xf32, #tpu.memory_space<hbm>>) target(%dma_start3A_105 : memref<256x16xf32, #tpu.memory_space<vmem>>) offsets(%dma_start3A_106 : memref<256xi32, #tpu.memory_space<vmem>>) semaphore(%arg12 : memref<!tpu.dma_semaphore, #tpu.memory_space<semaphore_mem>>)
      }
      %while3A_53 = arith.constant 1 : i32
      scf.for %while3A_100 = %while3A_51 to %while3A_47 step %while3A_53  : i32 {
        %mul3A_101 = arith.constant 256 : i32
        %mul3A_102 = arith.muli %while3A_100, %mul3A_101 : i32
        %mul3A_103 = arith.constant 256 : i32
        %mul3A_104 = arith.muli %while3A_100, %mul3A_103 : i32
        %dma_start3A = arith.constant 0 : i32
        %dma_start3A_105 = tpu.memref_slice %arg10[%mul3A_104, %dma_start3A] : memref<2816x16xf32, #tpu.memory_space<vmem>> -> memref<256x16xf32, #tpu.memory_space<vmem>>
        %dma_start3A_106 = tpu.memref_slice %arg8[%mul3A_102] : memref<2816xi32, #tpu.memory_space<vmem>> -> memref<256xi32, #tpu.memory_space<vmem>>
        %dma_start3A_107 = arith.constant 0 : i32
        %dma_start3A_108 = arith.constant 0 : i32
        %dma_start3A_109 = tpu.memref_slice %arg2[%dma_start3A_107, %dma_start3A_108] : memref<3145728x16xf32, #tpu.memory_space<hbm>> -> memref<3145728x16xf32, #tpu.memory_space<hbm>>
        tpu.enqueue_indirect_dma source(%dma_start3A_109 : memref<3145728x16xf32, #tpu.memory_space<hbm>>) target(%dma_start3A_105 : memref<256x16xf32, #tpu.memory_space<vmem>>) offsets(%dma_start3A_106 : memref<256xi32, #tpu.memory_space<vmem>>) semaphore(%arg12 : memref<!tpu.dma_semaphore, #tpu.memory_space<semaphore_mem>>)
      }
      %while3A_54 = arith.constant 0 : i32
      %while3A_55 = arith.constant 0 : i32
      %while3A_56 = arith.subi %select_n3A, %while3A_55 : i32
      %while3A_57 = arith.addi %while3A_55, %while3A_56 : i32
      %while3A_58 = arith.constant 1 : i32
      %while3A_59 = arith.divsi %while3A_56, %while3A_58 : i32
      %while3A_60 = arith.muli %while3A_59, %while3A_58 : i32
      %while3A_61 = arith.addi %while3A_55, %while3A_60 : i32
      %while3A_62 = arith.constant 1 : i32
      scf.for %while3A_100 = %while3A_55 to %while3A_61 step %while3A_62  : i32 {
        %dma_wait3A = arith.constant 0 : i32
        %dma_wait3A_101 = arith.constant 0 : i32
        %dma_wait3A_102 = tpu.memref_slice %arg10[%dma_wait3A, %dma_wait3A_101] : memref<2816x16xf32, #tpu.memory_space<vmem>> -> memref<256x16xf32, #tpu.memory_space<vmem>>
        %dma_wait3A_103 = arith.constant 0 : i32
        %dma_wait3A_104 = tpu.memref_slice %arg8[%dma_wait3A_103] : memref<2816xi32, #tpu.memory_space<vmem>> -> memref<256xi32, #tpu.memory_space<vmem>>
        %dma_wait3A_105 = arith.constant 0 : i32
        %dma_wait3A_106 = arith.constant 0 : i32
        %dma_wait3A_107 = tpu.memref_slice %arg2[%dma_wait3A_105, %dma_wait3A_106] : memref<3145728x16xf32, #tpu.memory_space<hbm>> -> memref<3145728x16xf32, #tpu.memory_space<hbm>>
        tpu.wait_indirect_dma semaphore(%arg12 : memref<!tpu.dma_semaphore, #tpu.memory_space<semaphore_mem>>) src(%dma_wait3A_107 : memref<3145728x16xf32, #tpu.memory_space<hbm>>) dst(%dma_wait3A_102 : memref<256x16xf32, #tpu.memory_space<vmem>>)
      }
      %while3A_63 = arith.constant 1 : i32
      scf.for %while3A_100 = %while3A_61 to %while3A_57 step %while3A_63  : i32 {
        %dma_wait3A = arith.constant 0 : i32
        %dma_wait3A_101 = arith.constant 0 : i32
        %dma_wait3A_102 = tpu.memref_slice %arg10[%dma_wait3A, %dma_wait3A_101] : memref<2816x16xf32, #tpu.memory_space<vmem>> -> memref<256x16xf32, #tpu.memory_space<vmem>>
        %dma_wait3A_103 = arith.constant 0 : i32
        %dma_wait3A_104 = tpu.memref_slice %arg8[%dma_wait3A_103] : memref<2816xi32, #tpu.memory_space<vmem>> -> memref<256xi32, #tpu.memory_space<vmem>>
        %dma_wait3A_105 = arith.constant 0 : i32
        %dma_wait3A_106 = arith.constant 0 : i32
        %dma_wait3A_107 = tpu.memref_slice %arg2[%dma_wait3A_105, %dma_wait3A_106] : memref<3145728x16xf32, #tpu.memory_space<hbm>> -> memref<3145728x16xf32, #tpu.memory_space<hbm>>
        tpu.wait_indirect_dma semaphore(%arg12 : memref<!tpu.dma_semaphore, #tpu.memory_space<semaphore_mem>>) src(%dma_wait3A_107 : memref<3145728x16xf32, #tpu.memory_space<hbm>>) dst(%dma_wait3A_102 : memref<256x16xf32, #tpu.memory_space<vmem>>)
      }
      %add3A_64 = arith.constant 15 : i32
      %add3A_65 = arith.addi %scan3A_18, %add3A_64 : i32
      %jit3A_66 = arith.constant 16 : i32
      %div3A_67 = arith.divsi %add3A_65, %jit3A_66 : i32
      %sign3A_68 = arith.constant 0 : i32
      %sign3A_69 = arith.cmpi sgt, %add3A_65, %sign3A_68 : i32
      %sign3A_70 = arith.extui %sign3A_69 : i1 to i32
      %sign3A_71 = arith.constant 0 : i32
      %sign3A_72 = arith.cmpi slt, %add3A_65, %sign3A_71 : i32
      %sign3A_73 = arith.extui %sign3A_72 : i1 to i32
      %sign3A_74 = arith.subi %sign3A_70, %sign3A_73 : i32
      %sign3A_75 = arith.constant 0 : i32
      %sign3A_76 = arith.cmpi sgt, %jit3A_66, %sign3A_75 : i32
      %sign3A_77 = arith.extui %sign3A_76 : i1 to i32
      %sign3A_78 = arith.constant 0 : i32
      %sign3A_79 = arith.cmpi slt, %jit3A_66, %sign3A_78 : i32
      %sign3A_80 = arith.extui %sign3A_79 : i1 to i32
      %sign3A_81 = arith.subi %sign3A_77, %sign3A_80 : i32
      %ne3A_82 = arith.cmpi ne, %sign3A_74, %sign3A_81 : i32
      %rem3A_83 = arith.remsi %add3A_65, %jit3A_66 : i32
      %ne3A_84 = arith.constant 0 : i32
      %ne3A_85 = arith.cmpi ne, %rem3A_83, %ne3A_84 : i32
      %and3A_86 = arith.andi %ne3A_82, %ne3A_85 : i1
      %sub3A_87 = arith.constant 1 : i32
      %sub3A_88 = arith.subi %div3A_67, %sub3A_87 : i32
      %select_n3A_89 = arith.select %and3A_86, %sub3A_88, %div3A_67 : i32
      %while3A_90 = arith.constant 0 : i32
      %while3A_91 = arith.constant 0 : i32
      %while3A_92 = arith.subi %select_n3A_89, %while3A_91 : i32
      %while3A_93 = arith.addi %while3A_91, %while3A_92 : i32
      %while3A_94 = arith.constant 1 : i32
      %while3A_95 = arith.divsi %while3A_92, %while3A_94 : i32
      %while3A_96 = arith.muli %while3A_95, %while3A_94 : i32
      %while3A_97 = arith.addi %while3A_91, %while3A_96 : i32
      %while3A_98 = arith.constant 1 : i32
      scf.for %while3A_100 = %while3A_91 to %while3A_97 step %while3A_98  : i32 {
        %mul3A_101 = arith.constant 16 : i32
        %mul3A_102 = arith.muli %while3A_100, %mul3A_101 : i32
        %get3A = arith.index_cast %mul3A_102 : i32 to index
        %get3A_103 = tpu.vector_load %arg9[%get3A] {strides = array<i32>} : memref<2832xi32, #tpu.memory_space<vmem>>, vector<16xi32>,
        %mul3A_104 = arith.constant 16 : i32
        %mul3A_105 = arith.muli %while3A_100, %mul3A_104 : i32
        %add3A_106 = vector.broadcast %mul3A_105 : i32 to vector<16xi32>
        %add3A_107 = arith.addi %iota3A, %add3A_106 : vector<16xi32>
        %add3A_108 = arith.constant 0 : i32
        %add3A_109 = vector.broadcast %add3A_108 : i32 to vector<16xi32>
        %add3A_110 = arith.addi %iota3A, %add3A_109 : vector<16xi32>
        %and3A_111 = arith.constant 15 : i32
        %and3A_112 = vector.broadcast %and3A_111 : i32 to vector<16xi32>
        %and3A_113 = arith.andi %add3A_110, %and3A_112 : vector<16xi32>
        %gather3A = tpu.vector_load_idx %arg10[%add3A_107, %and3A_113] : memref<2816x16xf32, #tpu.memory_space<vmem>>[vector<16xi32>, vector<16xi32>], vector<16xf32>,
        %add3A_114 = arith.addi %get3A_103, %and3A_113 : vector<16xi32>
        tpu.vector_store_idx %arg11[%add3A_114], %gather3A {add = true} : memref<24592xf32, #tpu.memory_space<vmem>>[vector<16xi32>], vector<16xf32>,
        %add3A_115 = arith.constant 1 : i32
        %add3A_116 = vector.broadcast %add3A_115 : i32 to vector<16xi32>
        %add3A_117 = arith.addi %iota3A, %add3A_116 : vector<16xi32>
        %and3A_118 = arith.constant 15 : i32
        %and3A_119 = vector.broadcast %and3A_118 : i32 to vector<16xi32>
        %and3A_120 = arith.andi %add3A_117, %and3A_119 : vector<16xi32>
        %gather3A_121 = tpu.vector_load_idx %arg10[%add3A_107, %and3A_120] : memref<2816x16xf32, #tpu.memory_space<vmem>>[vector<16xi32>, vector<16xi32>], vector<16xf32>,
        %add3A_122 = arith.addi %get3A_103, %and3A_120 : vector<16xi32>
        tpu.vector_store_idx %arg11[%add3A_122], %gather3A_121 {add = true} : memref<24592xf32, #tpu.memory_space<vmem>>[vector<16xi32>], vector<16xf32>,
        %add3A_123 = arith.constant 2 : i32
        %add3A_124 = vector.broadcast %add3A_123 : i32 to vector<16xi32>
        %add3A_125 = arith.addi %iota3A, %add3A_124 : vector<16xi32>
        %and3A_126 = arith.constant 15 : i32
        %and3A_127 = vector.broadcast %and3A_126 : i32 to vector<16xi32>
        %and3A_128 = arith.andi %add3A_125, %and3A_127 : vector<16xi32>
        %gather3A_129 = tpu.vector_load_idx %arg10[%add3A_107, %and3A_128] : memref<2816x16xf32, #tpu.memory_space<vmem>>[vector<16xi32>, vector<16xi32>], vector<16xf32>,
        %add3A_130 = arith.addi %get3A_103, %and3A_128 : vector<16xi32>
        tpu.vector_store_idx %arg11[%add3A_130], %gather3A_129 {add = true} : memref<24592xf32, #tpu.memory_space<vmem>>[vector<16xi32>], vector<16xf32>,
        %add3A_131 = arith.constant 3 : i32
        %add3A_132 = vector.broadcast %add3A_131 : i32 to vector<16xi32>
        %add3A_133 = arith.addi %iota3A, %add3A_132 : vector<16xi32>
        %and3A_134 = arith.constant 15 : i32
        %and3A_135 = vector.broadcast %and3A_134 : i32 to vector<16xi32>
        %and3A_136 = arith.andi %add3A_133, %and3A_135 : vector<16xi32>
        %gather3A_137 = tpu.vector_load_idx %arg10[%add3A_107, %and3A_136] : memref<2816x16xf32, #tpu.memory_space<vmem>>[vector<16xi32>, vector<16xi32>], vector<16xf32>,
        %add3A_138 = arith.addi %get3A_103, %and3A_136 : vector<16xi32>
        tpu.vector_store_idx %arg11[%add3A_138], %gather3A_137 {add = true} : memref<24592xf32, #tpu.memory_space<vmem>>[vector<16xi32>], vector<16xf32>,
        %add3A_139 = arith.constant 4 : i32
        %add3A_140 = vector.broadcast %add3A_139 : i32 to vector<16xi32>
        %add3A_141 = arith.addi %iota3A, %add3A_140 : vector<16xi32>
        %and3A_142 = arith.constant 15 : i32
        %and3A_143 = vector.broadcast %and3A_142 : i32 to vector<16xi32>
        %and3A_144 = arith.andi %add3A_141, %and3A_143 : vector<16xi32>
        %gather3A_145 = tpu.vector_load_idx %arg10[%add3A_107, %and3A_144] : memref<2816x16xf32, #tpu.memory_space<vmem>>[vector<16xi32>, vector<16xi32>], vector<16xf32>,
        %add3A_146 = arith.addi %get3A_103, %and3A_144 : vector<16xi32>
        tpu.vector_store_idx %arg11[%add3A_146], %gather3A_145 {add = true} : memref<24592xf32, #tpu.memory_space<vmem>>[vector<16xi32>], vector<16xf32>,
        %add3A_147 = arith.constant 5 : i32
        %add3A_148 = vector.broadcast %add3A_147 : i32 to vector<16xi32>
        %add3A_149 = arith.addi %iota3A, %add3A_148 : vector<16xi32>
        %and3A_150 = arith.constant 15 : i32
        %and3A_151 = vector.broadcast %and3A_150 : i32 to vector<16xi32>
        %and3A_152 = arith.andi %add3A_149, %and3A_151 : vector<16xi32>
        %gather3A_153 = tpu.vector_load_idx %arg10[%add3A_107, %and3A_152] : memref<2816x16xf32, #tpu.memory_space<vmem>>[vector<16xi32>, vector<16xi32>], vector<16xf32>,
        %add3A_154 = arith.addi %get3A_103, %and3A_152 : vector<16xi32>
        tpu.vector_store_idx %arg11[%add3A_154], %gather3A_153 {add = true} : memref<24592xf32, #tpu.memory_space<vmem>>[vector<16xi32>], vector<16xf32>,
        %add3A_155 = arith.constant 6 : i32
        %add3A_156 = vector.broadcast %add3A_155 : i32 to vector<16xi32>
        %add3A_157 = arith.addi %iota3A, %add3A_156 : vector<16xi32>
        %and3A_158 = arith.constant 15 : i32
        %and3A_159 = vector.broadcast %and3A_158 : i32 to vector<16xi32>
        %and3A_160 = arith.andi %add3A_157, %and3A_159 : vector<16xi32>
        %gather3A_161 = tpu.vector_load_idx %arg10[%add3A_107, %and3A_160] : memref<2816x16xf32, #tpu.memory_space<vmem>>[vector<16xi32>, vector<16xi32>], vector<16xf32>,
        %add3A_162 = arith.addi %get3A_103, %and3A_160 : vector<16xi32>
        tpu.vector_store_idx %arg11[%add3A_162], %gather3A_161 {add = true} : memref<24592xf32, #tpu.memory_space<vmem>>[vector<16xi32>], vector<16xf32>,
        %add3A_163 = arith.constant 7 : i32
        %add3A_164 = vector.broadcast %add3A_163 : i32 to vector<16xi32>
        %add3A_165 = arith.addi %iota3A, %add3A_164 : vector<16xi32>
        %and3A_166 = arith.constant 15 : i32
        %and3A_167 = vector.broadcast %and3A_166 : i32 to vector<16xi32>
        %and3A_168 = arith.andi %add3A_165, %and3A_167 : vector<16xi32>
        %gather3A_169 = tpu.vector_load_idx %arg10[%add3A_107, %and3A_168] : memref<2816x16xf32, #tpu.memory_space<vmem>>[vector<16xi32>, vector<16xi32>], vector<16xf32>,
        %add3A_170 = arith.addi %get3A_103, %and3A_168 : vector<16xi32>
        tpu.vector_store_idx %arg11[%add3A_170], %gather3A_169 {add = true} : memref<24592xf32, #tpu.memory_space<vmem>>[vector<16xi32>], vector<16xf32>,
        %add3A_171 = arith.constant 8 : i32
        %add3A_172 = vector.broadcast %add3A_171 : i32 to vector<16xi32>
        %add3A_173 = arith.addi %iota3A, %add3A_172 : vector<16xi32>
        %and3A_174 = arith.constant 15 : i32
        %and3A_175 = vector.broadcast %and3A_174 : i32 to vector<16xi32>
        %and3A_176 = arith.andi %add3A_173, %and3A_175 : vector<16xi32>
        %gather3A_177 = tpu.vector_load_idx %arg10[%add3A_107, %and3A_176] : memref<2816x16xf32, #tpu.memory_space<vmem>>[vector<16xi32>, vector<16xi32>], vector<16xf32>,
        %add3A_178 = arith.addi %get3A_103, %and3A_176 : vector<16xi32>
        tpu.vector_store_idx %arg11[%add3A_178], %gather3A_177 {add = true} : memref<24592xf32, #tpu.memory_space<vmem>>[vector<16xi32>], vector<16xf32>,
        %add3A_179 = arith.constant 9 : i32
        %add3A_180 = vector.broadcast %add3A_179 : i32 to vector<16xi32>
        %add3A_181 = arith.addi %iota3A, %add3A_180 : vector<16xi32>
        %and3A_182 = arith.constant 15 : i32
        %and3A_183 = vector.broadcast %and3A_182 : i32 to vector<16xi32>
        %and3A_184 = arith.andi %add3A_181, %and3A_183 : vector<16xi32>
        %gather3A_185 = tpu.vector_load_idx %arg10[%add3A_107, %and3A_184] : memref<2816x16xf32, #tpu.memory_space<vmem>>[vector<16xi32>, vector<16xi32>], vector<16xf32>,
        %add3A_186 = arith.addi %get3A_103, %and3A_184 : vector<16xi32>
        tpu.vector_store_idx %arg11[%add3A_186], %gather3A_185 {add = true} : memref<24592xf32, #tpu.memory_space<vmem>>[vector<16xi32>], vector<16xf32>,
        %add3A_187 = arith.constant 10 : i32
        %add3A_188 = vector.broadcast %add3A_187 : i32 to vector<16xi32>
        %add3A_189 = arith.addi %iota3A, %add3A_188 : vector<16xi32>
        %and3A_190 = arith.constant 15 : i32
        %and3A_191 = vector.broadcast %and3A_190 : i32 to vector<16xi32>
        %and3A_192 = arith.andi %add3A_189, %and3A_191 : vector<16xi32>
        %gather3A_193 = tpu.vector_load_idx %arg10[%add3A_107, %and3A_192] : memref<2816x16xf32, #tpu.memory_space<vmem>>[vector<16xi32>, vector<16xi32>], vector<16xf32>,
        %add3A_194 = arith.addi %get3A_103, %and3A_192 : vector<16xi32>
        tpu.vector_store_idx %arg11[%add3A_194], %gather3A_193 {add = true} : memref<24592xf32, #tpu.memory_space<vmem>>[vector<16xi32>], vector<16xf32>,
        %add3A_195 = arith.constant 11 : i32
        %add3A_196 = vector.broadcast %add3A_195 : i32 to vector<16xi32>
        %add3A_197 = arith.addi %iota3A, %add3A_196 : vector<16xi32>
        %and3A_198 = arith.constant 15 : i32
        %and3A_199 = vector.broadcast %and3A_198 : i32 to vector<16xi32>
        %and3A_200 = arith.andi %add3A_197, %and3A_199 : vector<16xi32>
        %gather3A_201 = tpu.vector_load_idx %arg10[%add3A_107, %and3A_200] : memref<2816x16xf32, #tpu.memory_space<vmem>>[vector<16xi32>, vector<16xi32>], vector<16xf32>,
        %add3A_202 = arith.addi %get3A_103, %and3A_200 : vector<16xi32>
        tpu.vector_store_idx %arg11[%add3A_202], %gather3A_201 {add = true} : memref<24592xf32, #tpu.memory_space<vmem>>[vector<16xi32>], vector<16xf32>,
        %add3A_203 = arith.constant 12 : i32
        %add3A_204 = vector.broadcast %add3A_203 : i32 to vector<16xi32>
        %add3A_205 = arith.addi %iota3A, %add3A_204 : vector<16xi32>
        %and3A_206 = arith.constant 15 : i32
        %and3A_207 = vector.broadcast %and3A_206 : i32 to vector<16xi32>
        %and3A_208 = arith.andi %add3A_205, %and3A_207 : vector<16xi32>
        %gather3A_209 = tpu.vector_load_idx %arg10[%add3A_107, %and3A_208] : memref<2816x16xf32, #tpu.memory_space<vmem>>[vector<16xi32>, vector<16xi32>], vector<16xf32>,
        %add3A_210 = arith.addi %get3A_103, %and3A_208 : vector<16xi32>
        tpu.vector_store_idx %arg11[%add3A_210], %gather3A_209 {add = true} : memref<24592xf32, #tpu.memory_space<vmem>>[vector<16xi32>], vector<16xf32>,
        %add3A_211 = arith.constant 13 : i32
        %add3A_212 = vector.broadcast %add3A_211 : i32 to vector<16xi32>
        %add3A_213 = arith.addi %iota3A, %add3A_212 : vector<16xi32>
        %and3A_214 = arith.constant 15 : i32
        %and3A_215 = vector.broadcast %and3A_214 : i32 to vector<16xi32>
        %and3A_216 = arith.andi %add3A_213, %and3A_215 : vector<16xi32>
        %gather3A_217 = tpu.vector_load_idx %arg10[%add3A_107, %and3A_216] : memref<2816x16xf32, #tpu.memory_space<vmem>>[vector<16xi32>, vector<16xi32>], vector<16xf32>,
        %add3A_218 = arith.addi %get3A_103, %and3A_216 : vector<16xi32>
        tpu.vector_store_idx %arg11[%add3A_218], %gather3A_217 {add = true} : memref<24592xf32, #tpu.memory_space<vmem>>[vector<16xi32>], vector<16xf32>,
        %add3A_219 = arith.constant 14 : i32
        %add3A_220 = vector.broadcast %add3A_219 : i32 to vector<16xi32>
        %add3A_221 = arith.addi %iota3A, %add3A_220 : vector<16xi32>
        %and3A_222 = arith.constant 15 : i32
        %and3A_223 = vector.broadcast %and3A_222 : i32 to vector<16xi32>
        %and3A_224 = arith.andi %add3A_221, %and3A_223 : vector<16xi32>
        %gather3A_225 = tpu.vector_load_idx %arg10[%add3A_107, %and3A_224] : memref<2816x16xf32, #tpu.memory_space<vmem>>[vector<16xi32>, vector<16xi32>], vector<16xf32>,
        %add3A_226 = arith.addi %get3A_103, %and3A_224 : vector<16xi32>
        tpu.vector_store_idx %arg11[%add3A_226], %gather3A_225 {add = true} : memref<24592xf32, #tpu.memory_space<vmem>>[vector<16xi32>], vector<16xf32>,
        %add3A_227 = arith.constant 15 : i32
        %add3A_228 = vector.broadcast %add3A_227 : i32 to vector<16xi32>
        %add3A_229 = arith.addi %iota3A, %add3A_228 : vector<16xi32>
        %and3A_230 = arith.constant 15 : i32
        %and3A_231 = vector.broadcast %and3A_230 : i32 to vector<16xi32>
        %and3A_232 = arith.andi %add3A_229, %and3A_231 : vector<16xi32>
        %gather3A_233 = tpu.vector_load_idx %arg10[%add3A_107, %and3A_232] : memref<2816x16xf32, #tpu.memory_space<vmem>>[vector<16xi32>, vector<16xi32>], vector<16xf32>,
        %add3A_234 = arith.addi %get3A_103, %and3A_232 : vector<16xi32>
        tpu.vector_store_idx %arg11[%add3A_234], %gather3A_233 {add = true} : memref<24592xf32, #tpu.memory_space<vmem>>[vector<16xi32>], vector<16xf32>,
      }
      %while3A_99 = arith.constant 1 : i32
      scf.for %while3A_100 = %while3A_97 to %while3A_93 step %while3A_99  : i32 {
        %mul3A_101 = arith.constant 16 : i32
        %mul3A_102 = arith.muli %while3A_100, %mul3A_101 : i32
        %get3A = arith.index_cast %mul3A_102 : i32 to index
        %get3A_103 = tpu.vector_load %arg9[%get3A] {strides = array<i32>} : memref<2832xi32, #tpu.memory_space<vmem>>, vector<16xi32>,
        %mul3A_104 = arith.constant 16 : i32
        %mul3A_105 = arith.muli %while3A_100, %mul3A_104 : i32
        %add3A_106 = vector.broadcast %mul3A_105 : i32 to vector<16xi32>
        %add3A_107 = arith.addi %iota3A, %add3A_106 : vector<16xi32>
        %add3A_108 = arith.constant 0 : i32
        %add3A_109 = vector.broadcast %add3A_108 : i32 to vector<16xi32>
        %add3A_110 = arith.addi %iota3A, %add3A_109 : vector<16xi32>
        %and3A_111 = arith.constant 15 : i32
        %and3A_112 = vector.broadcast %and3A_111 : i32 to vector<16xi32>
        %and3A_113 = arith.andi %add3A_110, %and3A_112 : vector<16xi32>
        %gather3A = tpu.vector_load_idx %arg10[%add3A_107, %and3A_113] : memref<2816x16xf32, #tpu.memory_space<vmem>>[vector<16xi32>, vector<16xi32>], vector<16xf32>,
        %add3A_114 = arith.addi %get3A_103, %and3A_113 : vector<16xi32>
        tpu.vector_store_idx %arg11[%add3A_114], %gather3A {add = true} : memref<24592xf32, #tpu.memory_space<vmem>>[vector<16xi32>], vector<16xf32>,
        %add3A_115 = arith.constant 1 : i32
        %add3A_116 = vector.broadcast %add3A_115 : i32 to vector<16xi32>
        %add3A_117 = arith.addi %iota3A, %add3A_116 : vector<16xi32>
        %and3A_118 = arith.constant 15 : i32
        %and3A_119 = vector.broadcast %and3A_118 : i32 to vector<16xi32>
        %and3A_120 = arith.andi %add3A_117, %and3A_119 : vector<16xi32>
        %gather3A_121 = tpu.vector_load_idx %arg10[%add3A_107, %and3A_120] : memref<2816x16xf32, #tpu.memory_space<vmem>>[vector<16xi32>, vector<16xi32>], vector<16xf32>,
        %add3A_122 = arith.addi %get3A_103, %and3A_120 : vector<16xi32>
        tpu.vector_store_idx %arg11[%add3A_122], %gather3A_121 {add = true} : memref<24592xf32, #tpu.memory_space<vmem>>[vector<16xi32>], vector<16xf32>,
        %add3A_123 = arith.constant 2 : i32
        %add3A_124 = vector.broadcast %add3A_123 : i32 to vector<16xi32>
        %add3A_125 = arith.addi %iota3A, %add3A_124 : vector<16xi32>
        %and3A_126 = arith.constant 15 : i32
        %and3A_127 = vector.broadcast %and3A_126 : i32 to vector<16xi32>
        %and3A_128 = arith.andi %add3A_125, %and3A_127 : vector<16xi32>
        %gather3A_129 = tpu.vector_load_idx %arg10[%add3A_107, %and3A_128] : memref<2816x16xf32, #tpu.memory_space<vmem>>[vector<16xi32>, vector<16xi32>], vector<16xf32>,
        %add3A_130 = arith.addi %get3A_103, %and3A_128 : vector<16xi32>
        tpu.vector_store_idx %arg11[%add3A_130], %gather3A_129 {add = true} : memref<24592xf32, #tpu.memory_space<vmem>>[vector<16xi32>], vector<16xf32>,
        %add3A_131 = arith.constant 3 : i32
        %add3A_132 = vector.broadcast %add3A_131 : i32 to vector<16xi32>
        %add3A_133 = arith.addi %iota3A, %add3A_132 : vector<16xi32>
        %and3A_134 = arith.constant 15 : i32
        %and3A_135 = vector.broadcast %and3A_134 : i32 to vector<16xi32>
        %and3A_136 = arith.andi %add3A_133, %and3A_135 : vector<16xi32>
        %gather3A_137 = tpu.vector_load_idx %arg10[%add3A_107, %and3A_136] : memref<2816x16xf32, #tpu.memory_space<vmem>>[vector<16xi32>, vector<16xi32>], vector<16xf32>,
        %add3A_138 = arith.addi %get3A_103, %and3A_136 : vector<16xi32>
        tpu.vector_store_idx %arg11[%add3A_138], %gather3A_137 {add = true} : memref<24592xf32, #tpu.memory_space<vmem>>[vector<16xi32>], vector<16xf32>,
        %add3A_139 = arith.constant 4 : i32
        %add3A_140 = vector.broadcast %add3A_139 : i32 to vector<16xi32>
        %add3A_141 = arith.addi %iota3A, %add3A_140 : vector<16xi32>
        %and3A_142 = arith.constant 15 : i32
        %and3A_143 = vector.broadcast %and3A_142 : i32 to vector<16xi32>
        %and3A_144 = arith.andi %add3A_141, %and3A_143 : vector<16xi32>
        %gather3A_145 = tpu.vector_load_idx %arg10[%add3A_107, %and3A_144] : memref<2816x16xf32, #tpu.memory_space<vmem>>[vector<16xi32>, vector<16xi32>], vector<16xf32>,
        %add3A_146 = arith.addi %get3A_103, %and3A_144 : vector<16xi32>
        tpu.vector_store_idx %arg11[%add3A_146], %gather3A_145 {add = true} : memref<24592xf32, #tpu.memory_space<vmem>>[vector<16xi32>], vector<16xf32>,
        %add3A_147 = arith.constant 5 : i32
        %add3A_148 = vector.broadcast %add3A_147 : i32 to vector<16xi32>
        %add3A_149 = arith.addi %iota3A, %add3A_148 : vector<16xi32>
        %and3A_150 = arith.constant 15 : i32
        %and3A_151 = vector.broadcast %and3A_150 : i32 to vector<16xi32>
        %and3A_152 = arith.andi %add3A_149, %and3A_151 : vector<16xi32>
        %gather3A_153 = tpu.vector_load_idx %arg10[%add3A_107, %and3A_152] : memref<2816x16xf32, #tpu.memory_space<vmem>>[vector<16xi32>, vector<16xi32>], vector<16xf32>,
        %add3A_154 = arith.addi %get3A_103, %and3A_152 : vector<16xi32>
        tpu.vector_store_idx %arg11[%add3A_154], %gather3A_153 {add = true} : memref<24592xf32, #tpu.memory_space<vmem>>[vector<16xi32>], vector<16xf32>,
        %add3A_155 = arith.constant 6 : i32
        %add3A_156 = vector.broadcast %add3A_155 : i32 to vector<16xi32>
        %add3A_157 = arith.addi %iota3A, %add3A_156 : vector<16xi32>
        %and3A_158 = arith.constant 15 : i32
        %and3A_159 = vector.broadcast %and3A_158 : i32 to vector<16xi32>
        %and3A_160 = arith.andi %add3A_157, %and3A_159 : vector<16xi32>
        %gather3A_161 = tpu.vector_load_idx %arg10[%add3A_107, %and3A_160] : memref<2816x16xf32, #tpu.memory_space<vmem>>[vector<16xi32>, vector<16xi32>], vector<16xf32>,
        %add3A_162 = arith.addi %get3A_103, %and3A_160 : vector<16xi32>
        tpu.vector_store_idx %arg11[%add3A_162], %gather3A_161 {add = true} : memref<24592xf32, #tpu.memory_space<vmem>>[vector<16xi32>], vector<16xf32>,
        %add3A_163 = arith.constant 7 : i32
        %add3A_164 = vector.broadcast %add3A_163 : i32 to vector<16xi32>
        %add3A_165 = arith.addi %iota3A, %add3A_164 : vector<16xi32>
        %and3A_166 = arith.constant 15 : i32
        %and3A_167 = vector.broadcast %and3A_166 : i32 to vector<16xi32>
        %and3A_168 = arith.andi %add3A_165, %and3A_167 : vector<16xi32>
        %gather3A_169 = tpu.vector_load_idx %arg10[%add3A_107, %and3A_168] : memref<2816x16xf32, #tpu.memory_space<vmem>>[vector<16xi32>, vector<16xi32>], vector<16xf32>,
        %add3A_170 = arith.addi %get3A_103, %and3A_168 : vector<16xi32>
        tpu.vector_store_idx %arg11[%add3A_170], %gather3A_169 {add = true} : memref<24592xf32, #tpu.memory_space<vmem>>[vector<16xi32>], vector<16xf32>,
        %add3A_171 = arith.constant 8 : i32
        %add3A_172 = vector.broadcast %add3A_171 : i32 to vector<16xi32>
        %add3A_173 = arith.addi %iota3A, %add3A_172 : vector<16xi32>
        %and3A_174 = arith.constant 15 : i32
        %and3A_175 = vector.broadcast %and3A_174 : i32 to vector<16xi32>
        %and3A_176 = arith.andi %add3A_173, %and3A_175 : vector<16xi32>
        %gather3A_177 = tpu.vector_load_idx %arg10[%add3A_107, %and3A_176] : memref<2816x16xf32, #tpu.memory_space<vmem>>[vector<16xi32>, vector<16xi32>], vector<16xf32>,
        %add3A_178 = arith.addi %get3A_103, %and3A_176 : vector<16xi32>
        tpu.vector_store_idx %arg11[%add3A_178], %gather3A_177 {add = true} : memref<24592xf32, #tpu.memory_space<vmem>>[vector<16xi32>], vector<16xf32>,
        %add3A_179 = arith.constant 9 : i32
        %add3A_180 = vector.broadcast %add3A_179 : i32 to vector<16xi32>
        %add3A_181 = arith.addi %iota3A, %add3A_180 : vector<16xi32>
        %and3A_182 = arith.constant 15 : i32
        %and3A_183 = vector.broadcast %and3A_182 : i32 to vector<16xi32>
        %and3A_184 = arith.andi %add3A_181, %and3A_183 : vector<16xi32>
        %gather3A_185 = tpu.vector_load_idx %arg10[%add3A_107, %and3A_184] : memref<2816x16xf32, #tpu.memory_space<vmem>>[vector<16xi32>, vector<16xi32>], vector<16xf32>,
        %add3A_186 = arith.addi %get3A_103, %and3A_184 : vector<16xi32>
        tpu.vector_store_idx %arg11[%add3A_186], %gather3A_185 {add = true} : memref<24592xf32, #tpu.memory_space<vmem>>[vector<16xi32>], vector<16xf32>,
        %add3A_187 = arith.constant 10 : i32
        %add3A_188 = vector.broadcast %add3A_187 : i32 to vector<16xi32>
        %add3A_189 = arith.addi %iota3A, %add3A_188 : vector<16xi32>
        %and3A_190 = arith.constant 15 : i32
        %and3A_191 = vector.broadcast %and3A_190 : i32 to vector<16xi32>
        %and3A_192 = arith.andi %add3A_189, %and3A_191 : vector<16xi32>
        %gather3A_193 = tpu.vector_load_idx %arg10[%add3A_107, %and3A_192] : memref<2816x16xf32, #tpu.memory_space<vmem>>[vector<16xi32>, vector<16xi32>], vector<16xf32>,
        %add3A_194 = arith.addi %get3A_103, %and3A_192 : vector<16xi32>
        tpu.vector_store_idx %arg11[%add3A_194], %gather3A_193 {add = true} : memref<24592xf32, #tpu.memory_space<vmem>>[vector<16xi32>], vector<16xf32>,
        %add3A_195 = arith.constant 11 : i32
        %add3A_196 = vector.broadcast %add3A_195 : i32 to vector<16xi32>
        %add3A_197 = arith.addi %iota3A, %add3A_196 : vector<16xi32>
        %and3A_198 = arith.constant 15 : i32
        %and3A_199 = vector.broadcast %and3A_198 : i32 to vector<16xi32>
        %and3A_200 = arith.andi %add3A_197, %and3A_199 : vector<16xi32>
        %gather3A_201 = tpu.vector_load_idx %arg10[%add3A_107, %and3A_200] : memref<2816x16xf32, #tpu.memory_space<vmem>>[vector<16xi32>, vector<16xi32>], vector<16xf32>,
        %add3A_202 = arith.addi %get3A_103, %and3A_200 : vector<16xi32>
        tpu.vector_store_idx %arg11[%add3A_202], %gather3A_201 {add = true} : memref<24592xf32, #tpu.memory_space<vmem>>[vector<16xi32>], vector<16xf32>,
        %add3A_203 = arith.constant 12 : i32
        %add3A_204 = vector.broadcast %add3A_203 : i32 to vector<16xi32>
        %add3A_205 = arith.addi %iota3A, %add3A_204 : vector<16xi32>
        %and3A_206 = arith.constant 15 : i32
        %and3A_207 = vector.broadcast %and3A_206 : i32 to vector<16xi32>
        %and3A_208 = arith.andi %add3A_205, %and3A_207 : vector<16xi32>
        %gather3A_209 = tpu.vector_load_idx %arg10[%add3A_107, %and3A_208] : memref<2816x16xf32, #tpu.memory_space<vmem>>[vector<16xi32>, vector<16xi32>], vector<16xf32>,
        %add3A_210 = arith.addi %get3A_103, %and3A_208 : vector<16xi32>
        tpu.vector_store_idx %arg11[%add3A_210], %gather3A_209 {add = true} : memref<24592xf32, #tpu.memory_space<vmem>>[vector<16xi32>], vector<16xf32>,
        %add3A_211 = arith.constant 13 : i32
        %add3A_212 = vector.broadcast %add3A_211 : i32 to vector<16xi32>
        %add3A_213 = arith.addi %iota3A, %add3A_212 : vector<16xi32>
        %and3A_214 = arith.constant 15 : i32
        %and3A_215 = vector.broadcast %and3A_214 : i32 to vector<16xi32>
        %and3A_216 = arith.andi %add3A_213, %and3A_215 : vector<16xi32>
        %gather3A_217 = tpu.vector_load_idx %arg10[%add3A_107, %and3A_216] : memref<2816x16xf32, #tpu.memory_space<vmem>>[vector<16xi32>, vector<16xi32>], vector<16xf32>,
        %add3A_218 = arith.addi %get3A_103, %and3A_216 : vector<16xi32>
        tpu.vector_store_idx %arg11[%add3A_218], %gather3A_217 {add = true} : memref<24592xf32, #tpu.memory_space<vmem>>[vector<16xi32>], vector<16xf32>,
        %add3A_219 = arith.constant 14 : i32
        %add3A_220 = vector.broadcast %add3A_219 : i32 to vector<16xi32>
        %add3A_221 = arith.addi %iota3A, %add3A_220 : vector<16xi32>
        %and3A_222 = arith.constant 15 : i32
        %and3A_223 = vector.broadcast %and3A_222 : i32 to vector<16xi32>
        %and3A_224 = arith.andi %add3A_221, %and3A_223 : vector<16xi32>
        %gather3A_225 = tpu.vector_load_idx %arg10[%add3A_107, %and3A_224] : memref<2816x16xf32, #tpu.memory_space<vmem>>[vector<16xi32>, vector<16xi32>], vector<16xf32>,
        %add3A_226 = arith.addi %get3A_103, %and3A_224 : vector<16xi32>
        tpu.vector_store_idx %arg11[%add3A_226], %gather3A_225 {add = true} : memref<24592xf32, #tpu.memory_space<vmem>>[vector<16xi32>], vector<16xf32>,
        %add3A_227 = arith.constant 15 : i32
        %add3A_228 = vector.broadcast %add3A_227 : i32 to vector<16xi32>
        %add3A_229 = arith.addi %iota3A, %add3A_228 : vector<16xi32>
        %and3A_230 = arith.constant 15 : i32
        %and3A_231 = vector.broadcast %and3A_230 : i32 to vector<16xi32>
        %and3A_232 = arith.andi %add3A_229, %and3A_231 : vector<16xi32>
        %gather3A_233 = tpu.vector_load_idx %arg10[%add3A_107, %and3A_232] : memref<2816x16xf32, #tpu.memory_space<vmem>>[vector<16xi32>, vector<16xi32>], vector<16xf32>,
        %add3A_234 = arith.addi %get3A_103, %and3A_232 : vector<16xi32>
        tpu.vector_store_idx %arg11[%add3A_234], %gather3A_233 {add = true} : memref<24592xf32, #tpu.memory_space<vmem>>[vector<16xi32>], vector<16xf32>,
      }
    } else {
    }
    "tpu.region"() ({
      %run_scoped3A = tpu.sem_alloc : memref<!tpu.dma_semaphore, #tpu.memory_space<semaphore_mem>>
      %dma_start3A = arith.constant 0 : i32
      %dma_start3A_22 = tpu.memref_slice %arg11[%dma_start3A] : memref<24592xf32, #tpu.memory_space<vmem>> -> memref<24576xf32, #tpu.memory_space<vmem>>
      %dma_start3A_23 = arith.constant 0 : i32
      %dma_start3A_24 = tpu.memref_slice %arg4[%add3A, %dma_start3A_23] : memref<32x24576xf32, #tpu.memory_space<hbm>> -> memref<1x24576xf32, #tpu.memory_space<hbm>>
      %dma_start3A_25 = tpu.memref_squeeze %dma_start3A_24 : memref<1x24576xf32, #tpu.memory_space<hbm>> -> memref<24576xf32, #tpu.memory_space<hbm>>
      %dma_start3A_26 = arith.constant 0 : i32
      %dma_start3A_27 = tpu.memref_slice %arg4[%add3A, %dma_start3A_26] : memref<32x24576xf32, #tpu.memory_space<hbm>> -> memref<1x24576xf32, #tpu.memory_space<hbm>>
      %dma_start3A_28 = tpu.memref_squeeze %dma_start3A_27 : memref<1x24576xf32, #tpu.memory_space<hbm>> -> memref<24576xf32, #tpu.memory_space<hbm>>
      %dma_start3A_29 = arith.constant 0 : i32
      %dma_start3A_30 = tpu.memref_slice %arg11[%dma_start3A_29] : memref<24592xf32, #tpu.memory_space<vmem>> -> memref<24576xf32, #tpu.memory_space<vmem>>
      tpu.enqueue_dma source(%dma_start3A_30 : memref<24576xf32, #tpu.memory_space<vmem>>) target(%dma_start3A_28 : memref<24576xf32, #tpu.memory_space<hbm>>) target_semaphore(%run_scoped3A : memref<!tpu.dma_semaphore, #tpu.memory_space<semaphore_mem>>)
      %dma_wait3A = arith.constant 0 : i32
      %dma_wait3A_31 = tpu.memref_slice %arg11[%dma_wait3A] : memref<24592xf32, #tpu.memory_space<vmem>> -> memref<24576xf32, #tpu.memory_space<vmem>>
      %dma_wait3A_32 = arith.constant 0 : i32
      %dma_wait3A_33 = tpu.memref_slice %arg4[%add3A, %dma_wait3A_32] : memref<32x24576xf32, #tpu.memory_space<hbm>> -> memref<1x24576xf32, #tpu.memory_space<hbm>>
      %dma_wait3A_34 = tpu.memref_squeeze %dma_wait3A_33 : memref<1x24576xf32, #tpu.memory_space<hbm>> -> memref<24576xf32, #tpu.memory_space<hbm>>
      %dma_wait3A_35 = arith.constant 0 : i32
      %dma_wait3A_36 = tpu.memref_slice %arg4[%add3A, %dma_wait3A_35] : memref<32x24576xf32, #tpu.memory_space<hbm>> -> memref<1x24576xf32, #tpu.memory_space<hbm>>
      %dma_wait3A_37 = tpu.memref_squeeze %dma_wait3A_36 : memref<1x24576xf32, #tpu.memory_space<hbm>> -> memref<24576xf32, #tpu.memory_space<hbm>>
      %dma_wait3A_38 = arith.constant 0 : i32
      %dma_wait3A_39 = tpu.memref_slice %arg11[%dma_wait3A_38] : memref<24592xf32, #tpu.memory_space<vmem>> -> memref<24576xf32, #tpu.memory_space<vmem>>
      tpu.wait_dma2 semaphore(%run_scoped3A : memref<!tpu.dma_semaphore, #tpu.memory_space<semaphore_mem>>) src(%dma_wait3A_39 : memref<24576xf32, #tpu.memory_space<vmem>>) dst(%dma_wait3A_37 : memref<24576xf32, #tpu.memory_space<hbm>>)
      tpu.yield
    }) : () -> ()
    return
  }
}

module attributes {stable_mosaic.version = 14 : i64} {
  func.func @_off_body(%arg0: memref<512x128xi32, #tpu.memory_space<vmem>>, %arg1: memref<512x128xi32, #tpu.memory_space<vmem>>) attributes {dimension_semantics = [], scalar_prefetch = 0 : i64, scratch_operands = 0 : i64, tpu.core_type = #tpu.core_type<tc>} {
    %get3A = arith.constant 0 : index
    %get3A_0 = arith.constant 0 : index
    %get3A_1 = vector.load %arg0[%get3A, %get3A_0] : memref<512x128xi32, #tpu.memory_space<vmem>>, vector<512x128xi32>
    %jit3A = arith.constant 497 : i32
    %div3A = vector.broadcast %jit3A : i32 to vector<512x128xi32>
    %div3A_2 = arith.divsi %get3A_1, %div3A : vector<512x128xi32>
    %sign3A = arith.constant 0 : i32
    %sign3A_3 = vector.broadcast %sign3A : i32 to vector<512x128xi32>
    %sign3A_4 = arith.cmpi sgt, %get3A_1, %sign3A_3 : vector<512x128xi32>
    %sign3A_5 = arith.extui %sign3A_4 : vector<512x128xi1> to vector<512x128xi32>
    %sign3A_6 = arith.constant 0 : i32
    %sign3A_7 = vector.broadcast %sign3A_6 : i32 to vector<512x128xi32>
    %sign3A_8 = arith.cmpi slt, %get3A_1, %sign3A_7 : vector<512x128xi32>
    %sign3A_9 = arith.extui %sign3A_8 : vector<512x128xi1> to vector<512x128xi32>
    %sign3A_10 = arith.subi %sign3A_5, %sign3A_9 : vector<512x128xi32>
    %sign3A_11 = arith.constant 0 : i32
    %sign3A_12 = arith.cmpi sgt, %jit3A, %sign3A_11 : i32
    %sign3A_13 = arith.extui %sign3A_12 : i1 to i32
    %sign3A_14 = arith.constant 0 : i32
    %sign3A_15 = arith.cmpi slt, %jit3A, %sign3A_14 : i32
    %sign3A_16 = arith.extui %sign3A_15 : i1 to i32
    %sign3A_17 = arith.subi %sign3A_13, %sign3A_16 : i32
    %ne3A = vector.broadcast %sign3A_17 : i32 to vector<512x128xi32>
    %ne3A_18 = arith.cmpi ne, %sign3A_10, %ne3A : vector<512x128xi32>
    %rem3A = vector.broadcast %jit3A : i32 to vector<512x128xi32>
    %rem3A_19 = arith.remsi %get3A_1, %rem3A : vector<512x128xi32>
    %ne3A_20 = arith.constant 0 : i32
    %ne3A_21 = vector.broadcast %ne3A_20 : i32 to vector<512x128xi32>
    %ne3A_22 = arith.cmpi ne, %rem3A_19, %ne3A_21 : vector<512x128xi32>
    %and3A = arith.andi %ne3A_18, %ne3A_22 : vector<512x128xi1>
    %sub3A = arith.constant 1 : i32
    %sub3A_23 = vector.broadcast %sub3A : i32 to vector<512x128xi32>
    %sub3A_24 = arith.subi %div3A_2, %sub3A_23 : vector<512x128xi32>
    %select_n3A = arith.select %and3A, %sub3A_24, %div3A_2 : vector<512x128xi1>, vector<512x128xi32>
    %mul3A = arith.constant 512 : i32
    %mul3A_25 = vector.broadcast %mul3A : i32 to vector<512x128xi32>
    %mul3A_26 = arith.muli %select_n3A, %mul3A_25 : vector<512x128xi32>
    %mul3A_27 = arith.constant 497 : i32
    %mul3A_28 = vector.broadcast %mul3A_27 : i32 to vector<512x128xi32>
    %mul3A_29 = arith.muli %select_n3A, %mul3A_28 : vector<512x128xi32>
    %sub3A_30 = arith.subi %get3A_1, %mul3A_29 : vector<512x128xi32>
    %add3A = arith.addi %mul3A_26, %sub3A_30 : vector<512x128xi32>
    %swap3A = arith.constant 0 : index
    %swap3A_31 = arith.constant 0 : index
    %swap3A_32 = vector.load %arg1[%swap3A, %swap3A_31] : memref<512x128xi32, #tpu.memory_space<vmem>>, vector<512x128xi32>
    tpu.vector_store %arg1[%swap3A, %swap3A_31], %add3A {strides = array<i32>} : memref<512x128xi32, #tpu.memory_space<vmem>>, vector<512x128xi32>,
    return
  }
}

</mosaic_0001>

<sc_bundles>
// kernel: kernel.4.cloned.1.call-start
scs
__scs_entry_jumppad:
0x0: {  	(pc) =	sbr.rel $0x88, $3  }
0x1: {  	(tag) =	ssettag $0x0;
	lr =	simm.s32 $0x1  }
0x2: {  	[smem:$0x3F9F] =	sst lr;
	_ =	strace $0xD0000000  }
0x3: {  	_ = 	snop  }
0x4: {  	_ = 	snop  }
0x5: {  	_ = 	snop  }
0x6: {  	_ = 	snop  }
0x7: {  	_ = 	snop  }
__scs_overlays_trampoline_lowered:
0x8: {  	[smem:$0x3FAE] =	sst s0  }
0x9: {  	[smem:$0x3FAF] =	sst s1  }
0xa: {  	[smem:$0x3FB0] =	sst s2  }
0xb: {  	[smem:$0x3FB1] =	sst s3  }
0xc: {  	[smem:$0x3FB2] =	sst s4  }
0xd: {  	[smem:$0x3FB3] =	sst s5  }
0xe: {  	[smem:$0x3FB4] =	sst s6  }
0xf: {  	[smem:$0x3FB5] =	sst s7  }
0x10: {  	[smem:$0x3FB6] =	sst s8  }
0x11: {  	[smem:$0x3FB7] =	sst s9;
	s0 =	simm.s32 @!p0 $0x0  }
0x12: {  	s1 =	sld [smem:$0x3F9D];
	s0 =	simm.s32 @p0 $0x1  }
0x13: {  	[smem:$0x3FB8] =	sst s0;
	s0 =	simm.s32 @!p1 $0x0  }
0x14: {  	s2 =	sld [smem:$0x3F9C];
	s0 =	simm.s32 @p1 $0x1  }
0x15: {  	[smem:$0x3FB9] =	sst s0;
	s0 =	simm.s32 @!p2 $0x0  }
0x16: {  	s3 =	sld [smem:$0x3FDB];
	s0 =	simm.s32 @p2 $0x1  }
0x17: {  	s4 =	simm.s32 $0x1BF5;
	[smem:$0x3FBB] =	sst s0  }
0x18: {  	s0 =	sld [smem:$0x3F9E];
	_ =	swait.ge [sflag:s4], $0x0  }
0x19: {  	s7 =	sld [smem:$0x3F9F]  }
0x1a: {  	s8 =	sadd.s32 $0xFFFFE003, lr  }
0x1b: {  	s9 =	sadd.s32 $0xFFFFFEF7, lr;
	s5 =	simm.s32 $0xFFFFFFFF;
	p2 =	slt.u32 s8, $0xFFFFF086  }
0x1c: {  	p1 =	slt.u32 s9, $0xF7A;
	s5 =	simm.s32 @!p2 $0x0  }
0x1d: {  	s5 =	simm.s32 @p1 $0x1;
	p0 =	seq.s32 s7, s2  }
0x1e: {  	s7 =	smul.u32 @!p0 $0xF7A, s2;
	p2 =	seq.s32 @!p0 s5, $0x0  }
0x1f: {  	s9 =	smul.u32 $0xF7A, s1;
	s8 =	simm.s32 @!p0 $0x1BF5;
	p2 =	por !p2, p0  }
0x20: {  	[sflag:s8] =	ssyncset.s32 @!p0 $0xFFFFF086;
	s6 =	sadd.s32 @!p0 s3, s7;
	s7 =	simm.s32 @!p0 $0x108  }
0x21: {  	s3 =	sadd.s32 s3, s9;
	s6 =	sadd.s32 @!p0 $0x88, s6;
	s7 =	simm.s32 @p2 $0x1082  }
0x22: {  	[simem:s7], [sflag:s8] =	dma.local @!p0 [hbm:s6], $0xF7A  }
0x23: {  	s9 =	sor.u32 $0xD0000000, s2;
	s6 =	simm.s32 $0x108;
	_ =	swait.ge @!p0 [sflag:s8], $0x0  }
0x24: {  	s3 =	sadd.s32 $0x88, s3;
	s6 =	simm.s32 @!p1 $0x1082;
	[sflag:s4] =	ssyncset.s32 $0xFFFFF086  }
0x25: {  	[simem:s6], [sflag:s4] =	dma.local [hbm:s3], $0xF7A  }
0x26: {  	[smem:$0x3F9F] =	sst s1;
	(tag) =	ssettag s2;
	_ =	strace s9  }
0x27: {  	s1 =	sld [smem:$0x3FAF]  }
0x28: {  	s2 =	sld [smem:$0x3FB0]  }
0x29: {  	s4 =	sld [smem:$0x3FB2]  }
0x2a: {  	p0 =	seq.s32 s5, $0x0;
	s5 =	sld [smem:$0x3FB3]  }
0x2b: {  	s6 =	sld [smem:$0x3FB4]  }
0x2c: {  	s7 =	sld [smem:$0x3FB5]  }
0x2d: {  	s3 =	simm.s32 $0x108;
	s8 =	sld [smem:$0x3FB6]  }
0x2e: {  	s3 =	simm.s32 @!p0 $0x1082;
	s9 =	sld [smem:$0x3FB7]  }
0x2f: {  	lr =	sadd.s32 s0, s3;
	s0 =	sld [smem:$0x3FAE]  }
0x30: {  	s3 =	sld [smem:$0x3FB1]  }
0x31: {  	[smem:$0x3FBA] =	sst s10  }
0x32: {  	s10 =	sld [smem:$0x3FB8];
	_ =	sdelay $0x3  }
0x33: {  	p0 =	seq.s32 s10, $0x1;
	s10 =	sld [smem:$0x3FBA];
	_ =	sdelay $0x3  }
0x34: {  	[smem:$0x3FBA] =	sst s10  }
0x35: {  	s10 =	sld [smem:$0x3FB9];
	_ =	sdelay $0x3  }
0x36: {  	p1 =	seq.s32 s10, $0x1;
	s10 =	sld [smem:$0x3FBA];
	_ =	sdelay $0x3  }
0x37: {  	[smem:$0x3FBA] =	sst s10  }
0x38: {  	s10 =	sld [smem:$0x3FBB]  }
0x39: {  	_ = 	snop;
	(pc) =	sbr.ind lr, $3  }
0x3a: {  	_ = 	snop  }
0x3b: {  	_ = 	snop  }
0x3c: {  	p2 =	seq.s32 s10, $0x1;
	s10 =	sld [smem:$0x3FBA]  }
0x3d: {  	_ =	shalt  }
0x3e: {  	_ =	shalt  }
0x3f: {  	_ =	shalt  }
0x40: {  	_ =	shalt  }
0x41: {  	_ =	shalt  }
0x42: {  	_ =	shalt  }
0x43: {  	_ =	shalt  }
0x44: {  	_ =	shalt  }
0x45: {  	_ =	shalt  }
0x46: {  	_ =	shalt  }
0x47: {  	_ =	shalt  }
0x48: {  	_ =	shalt  }
0x49: {  	_ =	shalt  }
0x4a: {  	_ =	shalt  }
0x4b: {  	_ =	shalt  }
0x4c: {  	_ =	shalt  }
0x4d: {  	_ =	shalt  }
0x4e: {  	_ =	shalt  }
0x4f: {  	_ =	shalt  }
0x50: {  	_ =	shalt  }
0x51: {  	_ =	shalt  }
0x52: {  	_ =	shalt  }
0x53: {  	_ =	shalt  }
0x54: {  	_ =	shalt  }
0x55: {  	_ =	shalt  }
0x56: {  	_ =	shalt  }
0x57: {  	_ =	shalt  }
0x58: {  	_ =	shalt  }
0x59: {  	_ =	shalt  }
0x5a: {  	_ =	shalt  }
0x5b: {  	_ =	shalt  }
0x5c: {  	_ =	shalt  }
0x5d: {  	_ =	shalt  }
0x5e: {  	_ =	shalt  }
0x5f: {  	_ =	shalt  }
0x60: {  	_ =	shalt  }
0x61: {  	_ =	shalt  }
0x62: {  	_ =	shalt  }
0x63: {  	_ =	shalt  }
0x64: {  	_ =	shalt  }
0x65: {  	_ =	shalt  }
0x66: {  	_ =	shalt  }
0x67: {  	_ =	shalt  }
0x68: {  	_ =	shalt  }
0x69: {  	_ =	shalt  }
0x6a: {  	_ =	shalt  }
0x6b: {  	_ =	shalt  }
0x6c: {  	_ =	shalt  }
0x6d: {  	_ =	shalt  }
0x6e: {  	_ =	shalt  }
0x6f: {  	_ =	shalt  }
0x70: {  	_ =	shalt  }
0x71: {  	_ =	shalt  }
0x72: {  	_ =	shalt  }
0x73: {  	_ =	shalt  }
0x74: {  	_ =	shalt  }
0x75: {  	_ =	shalt  }
0x76: {  	_ =	shalt  }
0x77: {  	_ =	shalt  }
0x78: {  	_ =	shalt  }
0x79: {  	_ =	shalt  }
0x7a: {  	_ =	shalt  }
0x7b: {  	_ =	shalt  }
0x7c: {  	_ =	shalt  }
0x7d: {  	_ =	shalt  }
0x7e: {  	_ =	shalt  }
0x7f: {  	_ =	shalt  }
0x80: {  	_ =	shalt  }
0x81: {  	_ =	shalt  }
0x82: {  	_ =	shalt  }
0x83: {  	_ =	shalt  }
0x84: {  	_ =	shalt  }
0x85: {  	_ =	shalt  }
0x86: {  	_ =	shalt  }
0x87: {  	_ =	shalt  }
.Lfunc_end0:
.L_simem_size_0:
called_computation_lowered:
.L_overlay_start_0:
0x88: {  	s2 =	sld [smem:$0x3FD9]  }
0x89: {  	s3 =	sld [smem:$0x3FFE];
	_ =	sdelay $0x1  }
0x8a: {  	s1 =	srdreg.scid  }
0x8b: {  	s0 =	sand.u32 $0x1, s1  }
0x8c: {  	s17 =	sshll.u32 s0, $0xA;
	s2 =	sadd.s32 s3, s2  }
0x8d: {  	s2 =	sadd.s32 s2, s17  }
0x8e: {  	[smem:$0x3FC6] =	sst s2  }
0x8f: {  	_ = 	snop  }
0x90: {  	s2 =	sld [smem:$0x3FC9]  }
0x91: {  	s18 =	sld [smem:$0x3FD0];
	(tm) =	ssettm $0x1  }
0x92: {  	s4 =	sld [smem:$0x3FFB];
	_ =	sdelay $0x3  }
0x93: {  	_ =	strace s4  }
0x94: {  	s4 =	sld [smem:$0x3FFC];
	_ =	sdelay $0x3  }
0x95: {  	_ =	strace s4  }
0x96: {  	s4 =	sld [smem:$0x3FFD];
	_ =	sdelay $0x3  }
0x97: {  	_ =	strace s4  }
0x98: {  	_ =	strace $0x8FFFFFFF  }
0x99: {  	s19 =	sld [smem:$0x3FDB];
	_ =	sdelay $0x1  }
0x9a: {  	s5 =	simm.s32 $_scs_section_size  }
0x9b: {  	s6 =	simm.s32 $_size__tile_overlayer_lowered;
	s7 =	simm.s32 $_tile_overlayer_lowered  }
0x9c: {  	s22 =	simm.s32 $0x1BFF;
	s21 =	sshll.u32 s7, $0x1;
	s4 =	sadd.s32 s5, s19  }
0x9d: {  	s8 =	simm.s32 $0x0;
	s20 =	sshll.u32 s6, $0x1;
	s6 =	sadd.s32 s21, s4  }
0x9e: {  	[timem:s8], [sflag:s22] =	dma.local [hbm:s6], s20  }
0x9f: {  	_ =	swait.ge [sflag:s22], s20  }
0xa0: {  	s5 =	ssub.s32 $0x0, s20;
	[sflag:s22] =	ssyncset.done $0x0  }
0xa1: {  	[sflag:s22] =	ssyncadd.s32 s5;
	_ =	sdelay $0x1  }
0xa2: {  	s23 =	simm.s32 $0x1B8B  }
0xa3: {  	_ =	swait.ge [sflag:s23], $0x1  }
0xa4: {  	[sflag:s23] =	ssyncset.done $0x0  }
0xa5: {  	s25 =	simm.s32 $0x1B8E;
	s24 =	sld [smem:$0x3FFE];
	[sflag:s23] =	ssyncadd.s32 $0xFFFFFFFF  }
0xa6: {  	s26 =	simm.s32 $execute0_lowered;
	[smem:$0x3FD2] =	sst s25  }
0xa7: {  	s6 =	sshll.u32 s26, $0x1;
	_ =	strace $0x80000046;
	[dreg:$0x1] =	wrdreg $0xFFFFFFFF  }
0xa8: {  	s28 =	simm.s32 $_size_execute0_lowered;
	s4 =	sadd.s32 s4, s6;
	[dreg:$0x0] =	wrdreg $0x0  }
0xa9: {  	s6 =	sshll.u32 s28, $0x1;
	[dreg:$0x2] =	wrdreg s4  }
0xaa: {  	[dreg:$0x3] =	wrdreg s6  }
0xab: {  	[dreg:$0x4] =	wrdreg $0xC0  }
0xac: {  	_ =	task [dreg:s8], $0x5FFFF  }
0xad: {  	[dreg:$0x1] =	wrdreg $0xFFFFFFFF  }
0xae: {  	[dreg:$0x0] =	wrdreg $0x60  }
0xaf: {  	[dreg:$0x2] =	wrdreg s2  }
0xb0: {  	[dreg:$0x3] =	wrdreg s24  }
0xb1: {  	[dreg:$0x4] =	wrdreg s18  }
0xb2: {  	[dreg:$0x5] =	wrdreg $0x9  }
0xb3: {  	_ =	task.clear_ibuf [dreg:s8], $0x6FFFF;
	_ =	strace $0x90000046  }
0xb4: {  	s29 =	simm.s32 $0x9;
	_ =	strace $0x80000048  }
0xb5: {  	_ =	swait.ge [sflag:s29], $0x1  }
0xb6: {  	[sflag:s29] =	ssyncadd.s32 $0xFFFFFFFF  }
0xb7: {  	_ =	strace $0x90000048  }
0xb8: {  	_ =	sfence  }
0xb9: {  	s30 =	sld [smem:$0x0];
	_ =	sdelay $0x2  }
0xba: {  	s31 =	sshll.u32 s1, $0xD;
	s1 =	sshrl.u32 s1, $0x2  }
0xbb: {  	s3 =	sand.u32 $0x4000, s31;
	s1 =	sadd.s32 s1, s30  }
0xbc: {  	s0 =	sor.u32 s3, s0;
	s1 =	sshll.u32 s1, $0x11  }
0xbd: {  	s0 =	sor.u32 s1, s0  }
0xbe: {  	s0 =	sadd.s32 $0x8F2B, s0  }
0xbf: {  	[sflag:s0] =	ssyncadd.remote.s32 $0x1  }
0xc0: {  	_ =	sfence.sel $0xFFFF  }
0xc1: {  	[dreg:$0x0] =	wrdreg $0xFFFFFFFF;
	(pc) =	sbr.abs _section_cstart, $3  }
0xc2: {  	[dreg:$0x1] =	wrdreg $0xFFFFFFFF  }
0xc3: {  	_ =	task.clear_ibuf [dreg:s8], $0x2FFFF;
	_ =	strace $0x9FFFFFFF  }
0xc4: {  	(tm) =	ssettm $0x7FFFFFFF  }
0xc5: {  	_ =	shalt  }
tec
execute0_lowered:
.L_overlay_start_1:
0x0: {  	(tag) =	ssettag $0x1  }
0x1: {  	v3 =	vimm.f32 $0.0e+00;
	v4 =	vimm.s32 $0x0;
	v7 =	vimm.s32 $0xFEDCBA9  }
0x2: {  	v5 =	vlaneseq.u32;
	v6 =	vimm.s32 $0x400000;
	v10 =	vimm.s32 $0x87654321  }
0x3: {  	v11 =	vimm.s32 $0x98765432;
	v12 =	vimm.s32 $0x210FEDCB;
	v13 =	vimm.s32 $0xA9876543  }
0x4: {  	v23 =	vimm.s32 $0xCBA98765;
	v25 =	vimm.s32 $0x6543210F;
	v26 =	vimm.s32 $0xEDCBA987  }
0x5: {  	v27 =	vimm.s32 $0xFEDCBA98;
	v28 =	vimm.s32 $0x76543210;
	v9 =	vunpack.c.l.s4.s8 v7  }
0x6: {  	s0 =	srdreg.scid;
	v7 =	vimm.s32 $0x6000;
	v8 =	vmul.u32 $0x10, v5;
	v11 =	vunpack.c.l.s4.s8 v11  }
0x7: {  	s5 =	sand.u32 $0x1, s0;
	v12 =	vunpack.c.l.s4.s8 v12;
	v25 =	vunpack.c.l.s4.s8 v25;
	v26 =	vunpack.c.l.s4.s8 v26  }
0x8: {  	s0 =	stileid.u32;
	v27 =	vunpack.c.l.s4.s8 v27;
	s1 =	sshll.u32 s5, $0x4;
	v15 =	vunpack.c.0.s8.s32 v9;
	v9 =	vunpack.c.l.s4.s8 v10  }
0x9: {  	s4 =	sor.u32 s0, s1;
	v10 =	vimm.s32 $0x10FEDCBA;
	v18 =	vunpack.c.0.s8.s32 v11;
	v19 =	vunpack.c.0.s8.s32 v12  }
0xa: {  	v25 =	vunpack.c.0.s8.s32 v25;
	v26 =	vunpack.c.0.s8.s32 v26;
	v27 =	vunpack.c.0.s8.s32 v27;
	s2 =	sshllo.u32 s4, $0x4  }
0xb: {  	v2 =	vmov s4;
	v10 =	vunpack.c.l.s4.s8 v10;
	v1 =	vmov s2  }
0xc: {  	s1 =	sshll.u32 s4, $0x4;
	v16 =	vunpack.c.0.s8.s32 v9;
	v9 =	vunpack.c.l.s4.s8 v13;
	v31 =	vcombine.low v26, v25  }
0xd: {  	s1 =	sadd.s32 $0xFFFFFFF1, s1;
	v27 =	vand.u32 $0xF, v27;
	v17 =	vunpack.c.0.s8.s32 v10;
	v10 =	vimm.s32 $0x3210FEDC  }
0xe: {  	v0 =	vmov s1;
	v20 =	vunpack.c.0.s8.s32 v9;
	v9 =	vunpack.c.l.s4.s8 v10  }
0xf: {  	v10 =	vimm.s32 $0xBA987654;
	v11 =	vcombine.low v16, v15;
	v63 =	vcombine.low v15, v16  }
0x10: {  	v16 =	vand.u32 $0xF, v31;
	v12 =	vcombine.low v18, v17;
	v10 =	vunpack.c.l.s4.s8 v10  }
0x11: {  	v18 =	vcombine.low v17, v18;
	v13 =	vcombine.low v20, v19;
	v21 =	vunpack.c.0.s8.s32 v9  }
0x12: {  	v9 =	vimm.s32 $0x43210FED;
	v19 =	vcombine.low v19, v20;
	v22 =	vunpack.c.0.s8.s32 v10  }
0x13: {  	v14 =	vunpack.c.l.s4.s8 v9;
	v10 =	vand.u32 $0xF, v12;
	v12 =	vunpack.c.l.s4.s8 v23  }
0x14: {  	v17 =	vand.u32 $0xF, v63;
	v9 =	vand.u32 $0xF, v11;
	v18 =	vand.u32 $0xF, v18  }
0x15: {  	v11 =	vand.u32 $0xF, v13;
	v23 =	vunpack.c.0.s8.s32 v14;
	v24 =	vunpack.c.0.s8.s32 v12  }
0x16: {  	s6 =	rddreg [dreg:$0x1];
	v12 =	vimm.s32 $0x543210FE;
	v14 =	vimm.s32 $0xDCBA9876;
	v20 =	vcombine.low v21, v22  }
0x17: {  	s7 =	rddreg [dreg:$0x2];
	s3 =	simm.s32 $0x0;
	v19 =	vand.u32 $0xF, v19;
	v12 =	vunpack.c.l.s4.s8 v12;
	v14 =	vunpack.c.l.s4.s8 v14  }
0x18: {  	s10 =	simm.s32 $0x12630;
	s11 =	simm.s32 $0x2;
	s5 =	ssub.s32 $0x2, s5;
	v13 =	vcombine.low v22, v21;
	v21 =	vcombine.low v23, v24;
	v20 =	vand.u32 $0xF, v20  }
.Ltmp0:
0x19: {  	s12 =	simm.s32 $0x0;
	s8 =	sshrl.u32 s5, $0x1;
	v29 =	vunpack.c.0.s8.s32 v12;
	v30 =	vunpack.c.0.s8.s32 v14;
	v14 =	vunpack.c.l.s4.s8 v28;
	(pc) =	sbr.rel .LBB2_1-.Ltmp0, $4  }
0x1a: {  	[smem:$0x7FF] =	sst s3;
	s9 =	smul.u32 $0xC00, s4;
	s8 =	ssub.s32 s5, s8;
	v12 =	vand.u32 $0xF, v13;
	v13 =	vcombine.low v24, v23;
	v23 =	vcombine.low v25, v26  }
0x1b: {  	s4 =	sadd.s32 $0x800, s6;
	s2 =	rddreg [dreg:$0x3];
	s6 =	smax.u32 s8, $0x1;
	v14 =	vunpack.c.0.s8.s32 v14;
	v62 =	vcombine.low v30, v29;
	v22 =	vcombine.low v29, v30  }
0x1c: {  	s8 =	simm.s32 $0x100;
	s1 =	rddreg [dreg:$0x0];
	_ =	strace $0x80000047;
	v21 =	vand.u32 $0xF, v21;
	v13 =	vand.u32 $0xF, v13;
	v23 =	vand.u32 $0xF, v23  }
0x1d: {  	s5 =	sadd.s32 s7, s9;
	s7 =	simm.s32 $0x1;
	s9 =	simm.s32 $0x7630;
	v14 =	vcombine.low v27, v14;
	v15 =	vand.u32 $0xF, v62;
	v22 =	vand.u32 $0xF, v22  }
.LBB2_34:
0x1e: {  	s15 =	simm.s32 $0x6B20  }
.LBB2_38:
0x1f: {  	_ =	sdelay $0x2  }
0x20: {  	s14 =	sadd.s32 @p0 $0x10, s15  }
0x21: {  	[tilespmem:v25+s10+$0x0] =	vst.idx.add.f32.msk @p0 $0xffff, v26;
	s13 =	smov.u32 @p0 s14  }
0x22: {  	v34 =	vor.u32 v5, v24;
	v26 =	vld [tilespmem:s13+$0x0];
	_ =	sdelay $0x4  }
0x23: {  	v25 =	vld.idx.msk [tilespmem:v34+s9+$0x0], $0xffff;
	v27 =	vadd.s32 v5, v26  }
0x24: {  	v28 =	vor.u32 v9, v24;
	_ =	sdelay $0x3  }
0x25: {  	[tilespmem:v27+s10+$0x0] =	vst.idx.add.f32.msk $0xffff, v25  }
0x26: {  	v35 =	vadd.s32 v9, v26;
	v25 =	vld.idx.msk [tilespmem:v28+s9+$0x0], $0xffff  }
0x27: {  	v36 =	vor.u32 v10, v24;
	_ =	sdelay $0x3  }
0x28: {  	[tilespmem:v35+s10+$0x0] =	vst.idx.add.f32.msk $0xffff, v25  }
0x29: {  	v37 =	vadd.s32 v10, v26;
	v25 =	vld.idx.msk [tilespmem:v36+s9+$0x0], $0xffff  }
0x2a: {  	v38 =	vor.u32 v11, v24;
	_ =	sdelay $0x3  }
0x2b: {  	[tilespmem:v37+s10+$0x0] =	vst.idx.add.f32.msk $0xffff, v25  }
0x2c: {  	v39 =	vadd.s32 v11, v26;
	v25 =	vld.idx.msk [tilespmem:v38+s9+$0x0], $0xffff  }
0x2d: {  	v40 =	vor.u32 v12, v24;
	_ =	sdelay $0x3  }
0x2e: {  	[tilespmem:v39+s10+$0x0] =	vst.idx.add.f32.msk $0xffff, v25  }
0x2f: {  	v41 =	vadd.s32 v12, v26;
	v25 =	vld.idx.msk [tilespmem:v40+s9+$0x0], $0xffff  }
0x30: {  	v42 =	vor.u32 v13, v24;
	_ =	sdelay $0x3  }
0x31: {  	[tilespmem:v41+s10+$0x0] =	vst.idx.add.f32.msk $0xffff, v25  }
0x32: {  	v43 =	vadd.s32 v13, v26;
	v25 =	vld.idx.msk [tilespmem:v42+s9+$0x0], $0xffff  }
0x33: {  	v44 =	vor.u32 v15, v24;
	_ =	sdelay $0x3  }
0x34: {  	[tilespmem:v43+s10+$0x0] =	vst.idx.add.f32.msk $0xffff, v25  }
0x35: {  	v45 =	vadd.s32 v15, v26;
	v25 =	vld.idx.msk [tilespmem:v44+s9+$0x0], $0xffff  }
0x36: {  	v46 =	vor.u32 v16, v24;
	_ =	sdelay $0x3  }
0x37: {  	[tilespmem:v45+s10+$0x0] =	vst.idx.add.f32.msk $0xffff, v25  }
0x38: {  	v47 =	vadd.s32 v16, v26;
	v25 =	vld.idx.msk [tilespmem:v46+s9+$0x0], $0xffff  }
0x39: {  	v48 =	vor.u32 v14, v24;
	_ =	sdelay $0x3  }
0x3a: {  	[tilespmem:v47+s10+$0x0] =	vst.idx.add.f32.msk $0xffff, v25  }
0x3b: {  	v49 =	vadd.s32 v14, v26;
	v25 =	vld.idx.msk [tilespmem:v48+s9+$0x0], $0xffff  }
0x3c: {  	v50 =	vor.u32 v17, v24;
	_ =	sdelay $0x3  }
0x3d: {  	[tilespmem:v49+s10+$0x0] =	vst.idx.add.f32.msk $0xffff, v25  }
0x3e: {  	v51 =	vadd.s32 v17, v26;
	v25 =	vld.idx.msk [tilespmem:v50+s9+$0x0], $0xffff  }
0x3f: {  	v52 =	vor.u32 v18, v24;
	_ =	sdelay $0x3  }
0x40: {  	[tilespmem:v51+s10+$0x0] =	vst.idx.add.f32.msk $0xffff, v25  }
0x41: {  	v53 =	vadd.s32 v18, v26;
	v25 =	vld.idx.msk [tilespmem:v52+s9+$0x0], $0xffff  }
0x42: {  	v54 =	vor.u32 v19, v24;
	_ =	sdelay $0x3  }
0x43: {  	[tilespmem:v53+s10+$0x0] =	vst.idx.add.f32.msk $0xffff, v25  }
0x44: {  	v55 =	vadd.s32 v19, v26;
	v25 =	vld.idx.msk [tilespmem:v54+s9+$0x0], $0xffff  }
0x45: {  	v56 =	vor.u32 v20, v24;
	_ =	sdelay $0x3  }
0x46: {  	[tilespmem:v55+s10+$0x0] =	vst.idx.add.f32.msk $0xffff, v25  }
0x47: {  	v57 =	vadd.s32 v20, v26;
	v25 =	vld.idx.msk [tilespmem:v56+s9+$0x0], $0xffff  }
0x48: {  	v58 =	vor.u32 v21, v24;
	_ =	sdelay $0x3  }
0x49: {  	[tilespmem:v57+s10+$0x0] =	vst.idx.add.f32.msk $0xffff, v25  }
0x4a: {  	v59 =	vadd.s32 v21, v26;
	v25 =	vld.idx.msk [tilespmem:v58+s9+$0x0], $0xffff  }
0x4b: {  	v60 =	vor.u32 v22, v24;
	_ =	sdelay $0x3  }
0x4c: {  	[tilespmem:v59+s10+$0x0] =	vst.idx.add.f32.msk $0xffff, v25  }
0x4d: {  	v61 =	vadd.s32 v22, v26;
	v25 =	vld.idx.msk [tilespmem:v60+s9+$0x0], $0xffff  }
0x4e: {  	v62 =	vor.u32 v23, v24;
	_ =	sdelay $0x3  }
0x4f: {  	[tilespmem:v61+s10+$0x0] =	vst.idx.add.f32.msk $0xffff, v25  }
0x50: {  	v63 =	vadd.s32 v23, v26;
	v24 =	vld.idx.msk [tilespmem:v62+s9+$0x0], $0xffff;
	_ =	sdelay $0x4  }
0x51: {  	[tilespmem:v63+s10+$0x0] =	vst.idx.add.f32.msk $0xffff, v24  }
.LBB2_39:
0x52: {  	s12 =	sadd.s32 $0x1, s12  }
0x53: {  	p0 =	sne.s32 s12, s6  }
.Ltmp1:
0x54: {  	_ = 	snop;
	(pc) =	sbr.rel @!p0 .LBB2_40-.Ltmp1, $4  }
0x55: {  	[hbm4b:s5+s3] =	stream.linear.scatter [tilespmem:s10], [sflag:$0x2], $0x6000, $0x38;
	[tilespmem:$0x18640] =	vst v63  }
0x56: {  	_ =	swait.ge [sflag:s11], $0x6000  }
0x57: {  	[sflag:s11] =	ssyncset.done $0x0  }
0x58: {  	[sflag:s11] =	ssyncadd.s32 $0xFFFFA000  }
.LBB2_1:
0x59: {  	s13 =	simm.s32 $0x40;
	s14 =	simm.s32 $0x0  }
.LBB2_2:
0x5a: {  	p0 =	sne.s32 s13, $0x18000;
	[tilespmem:s14+$0x12630] =	vst v3;
	s14 =	smov.u32 s13;
	s13 =	sadd.s32 $0x40, s13  }
.Ltmp2:
0x5b: {  	(pc) =	sbr.rel @p0 .LBB2_2-.Ltmp2, $2  }
0x5c: {  	_ =	sdelay $0x2  }
0x5d: {  	s14 =	sshra.s32 s14, $0x2  }
0x5e: {  	[tilespmem:s14+$0x12630] =	vst v3;
	s16 =	simm.s32 $0x0;
	s13 =	simm.s32 $0x40;
	s14 =	simm.s32 $0x0  }
.LBB2_4:
0x5f: {  	p0 =	sne.s32 s13, $0x2BC0;
	[tilespmem:s14+$0x6020] =	vst v4;
	s14 =	smov.u32 s13;
	s13 =	sadd.s32 $0x40, s13  }
.Ltmp3:
0x60: {  	(pc) =	sbr.rel @p0 .LBB2_4-.Ltmp3, $2  }
0x61: {  	_ =	sdelay $0x2  }
0x62: {  	s14 =	sshra.s32 s14, $0x2  }
.Ltmp4:
0x63: {  	(pc) =	sbr.rel .LBB2_6-.Ltmp4, $2  }
0x64: {  	_ =	sdelay $0x2  }
0x65: {  	[tilespmem:s14+$0x6020] =	vst v4;
	s13 =	simm.s32 $0x0  }
.LBB2_24:
0x66: {  	s13 =	sadd.s32 $0x1, s13  }
0x67: {  	p0 =	sne.s32 s13, $0x8  }
.Ltmp5:
0x68: {  	_ = 	snop;
	(pc) =	sbr.rel @!p0 .LBB2_25-.Ltmp5, $1  }
0x69: {  	_ =	sdelay $0x3  }
.LBB2_6:
0x6a: {  	s14 =	sshll.u32 s13, $0xA  }
0x6b: {  	s15 =	sadd.s32 s4, s14;
	s14 =	simm.s32 $0x0  }
0x6c: {  	[tilespmem:s14], [sflag:$0x1] =	stream.linear.gather [hbm4b:s15+s14], $0x2000, $0x38;
	[tilespmem:$0x18640] =	vst v63  }
0x6d: {  	_ =	swait.ge [sflag:s7], $0x2000  }
0x6e: {  	[sflag:s7] =	ssyncset.done $0x0  }
0x6f: {  	[sflag:s7] =	ssyncadd.s32 $0xFFFFE000  }
0x70: {  	v24 =	vld [tilespmem:s14+$0x0];
	_ =	sdelay $0x4  }
0x71: {  	v25 =	vshrl.u32 v24, $0x9  }
0x72: {  	vm0 =	vge.s32 v25, v0;
	vm1 =	vle.u32 v25, v1  }
0x73: {  	vm0 =	vmand vm0, vm1  }
0x74: {  	v25 =	vmpcnt.ones.xlane vm0;
	_ =	sdelay $0x1  }
0x75: {  	(v2sf) =	vpush v25, $0x0;
	_ =	sdelay $0x1  }
0x76: {  	s15 =	sshll.u32 s13, $0xD  }
0x77: {  	s17 =	sor.u32 s15, s14  }
0x78: {  	[tilespmem:s14+$0x2000] =	vst.msk vm0, v24;
	v24 =	vor.u32 s17, v5  }
0x79: {  	s17 =	simm.s32 $0x10;
	[tilespmem:s14+$0x4010] =	vst.msk vm0, v24  }
0x7a: {  	s18 =	simm.s32 $0x20;
	s19 =	simm.s32 $0x10;
	v24 =	vld [tilespmem:s17+$0x0]  }
.LBB2_7:
0x7b: {  	p0 =	sne.s32 s18, $0x1FF0;
	_ =	sdelay $0x3  }
0x7c: {  	v25 =	vshrl.u32 v24, $0x9  }
0x7d: {  	vm0 =	vge.s32 v25, v0;
	vm1 =	vle.u32 v25, v1  }
0x7e: {  	vm0 =	vmand vm0, vm1  }
0x7f: {  	v25 =	vmpcnt.ones.xlane vm0  }
0x80: {  	s20 =	spop (v2sf)  }
0x81: {  	s21 =	sor.u32 s15, s17;
	s17 =	smov.u32 s18;
	(v2sf) =	vpush v25, $0x0;
	s14 =	sadd.s32 s14, s20  }
0x82: {  	[tilespmem:s14+$0x2000] =	vst.msk vm0, v24;
	v24 =	vor.u32 s21, v5  }
.Ltmp6:
0x83: {  	[tilespmem:s14+$0x4010] =	vst.msk vm0, v24;
	(pc) =	sbr.rel @p0 .LBB2_7-.Ltmp6, $3  }
0x84: {  	_ =	sdelay $0x1  }
0x85: {  	s19 =	sadd.s32 $0x10, s19  }
0x86: {  	s18 =	sadd.s32 $0x10, s18;
	v24 =	vld [tilespmem:s19+$0x0]  }
0x87: {  	_ =	sdelay $0x3  }
0x88: {  	v25 =	vshrl.u32 v24, $0x9  }
0x89: {  	vm0 =	vge.s32 v25, v0;
	vm1 =	vle.u32 v25, v1  }
0x8a: {  	vm0 =	vmand vm0, vm1  }
0x8b: {  	v62 =	vmpcnt.ones.xlane vm0;
	_ =	sdelay $0x1  }
0x8c: {  	(v2sf) =	vpush v62, $0x0;
	_ =	sdelay $0xd  }
0x8d: {  	s18 =	spop (v2sf)  }
0x8e: {  	s18 =	sadd.s32 s14, s18;
	s29 =	spop (v2sf)  }
0x8f: {  	s19 =	sadd.s32 s18, s29  }
0x90: {  	s31 =	sadd.s32 $0xF, s19  }
0x91: {  	s14 =	sshra.s32 s31, $0x4  }
0x92: {  	p0 =	slt.s32 s14, $0x1  }
.Ltmp7:
0x93: {  	_ = 	snop;
	(pc) =	sbr.rel @!p0 .LBB2_9-.Ltmp7, $4  }
.Ltmp8:
0x94: {  	s30 =	sor.u32 s15, s17;
	(pc) =	sbr.rel @p0 .LBB2_24-.Ltmp8, $4  }
0x95: {  	v63 =	vor.u32 s30, v5;
	[tilespmem:s18+$0x2000] =	vst.msk vm0, v24  }
0x96: {  	[tilespmem:s18+$0x4010] =	vst.msk vm0, v63  }
0x97: {  	s15 =	simm.s32 $0x0;
	[tilespmem:s19+$0x2000] =	vst v6  }
0x98: {  	_ = 	snop  }
.LBB2_18:
0x99: {  	s19 =	simm.s32 $0x6B20  }
.LBB2_22:
0x9a: {  	_ =	sdelay $0x2  }
0x9b: {  	s18 =	sadd.s32 @p0 $0x10, s19  }
0x9c: {  	[tilespmem:v25+s10+$0x0] =	vst.idx.add.f32.msk @p0 $0xffff, v26;
	s17 =	smov.u32 @p0 s18  }
0x9d: {  	v34 =	vor.u32 v5, v24;
	v26 =	vld [tilespmem:s17+$0x0];
	_ =	sdelay $0x4  }
0x9e: {  	v25 =	vld.idx.msk [tilespmem:v34+s9+$0x0], $0xffff;
	v27 =	vadd.s32 v5, v26  }
0x9f: {  	v28 =	vor.u32 v9, v24;
	_ =	sdelay $0x3  }
0xa0: {  	[tilespmem:v27+s10+$0x0] =	vst.idx.add.f32.msk $0xffff, v25  }
0xa1: {  	v35 =	vadd.s32 v9, v26;
	v25 =	vld.idx.msk [tilespmem:v28+s9+$0x0], $0xffff  }
0xa2: {  	v36 =	vor.u32 v10, v24;
	_ =	sdelay $0x3  }
0xa3: {  	[tilespmem:v35+s10+$0x0] =	vst.idx.add.f32.msk $0xffff, v25  }
0xa4: {  	v37 =	vadd.s32 v10, v26;
	v25 =	vld.idx.msk [tilespmem:v36+s9+$0x0], $0xffff  }
0xa5: {  	v38 =	vor.u32 v11, v24;
	_ =	sdelay $0x3  }
0xa6: {  	[tilespmem:v37+s10+$0x0] =	vst.idx.add.f32.msk $0xffff, v25  }
0xa7: {  	v39 =	vadd.s32 v11, v26;
	v25 =	vld.idx.msk [tilespmem:v38+s9+$0x0], $0xffff  }
0xa8: {  	v40 =	vor.u32 v12, v24;
	_ =	sdelay $0x3  }
0xa9: {  	[tilespmem:v39+s10+$0x0] =	vst.idx.add.f32.msk $0xffff, v25  }
0xaa: {  	v41 =	vadd.s32 v12, v26;
	v25 =	vld.idx.msk [tilespmem:v40+s9+$0x0], $0xffff  }
0xab: {  	v42 =	vor.u32 v13, v24;
	_ =	sdelay $0x3  }
0xac: {  	[tilespmem:v41+s10+$0x0] =	vst.idx.add.f32.msk $0xffff, v25  }
0xad: {  	v43 =	vadd.s32 v13, v26;
	v25 =	vld.idx.msk [tilespmem:v42+s9+$0x0], $0xffff  }
0xae: {  	v44 =	vor.u32 v15, v24;
	_ =	sdelay $0x3  }
0xaf: {  	[tilespmem:v43+s10+$0x0] =	vst.idx.add.f32.msk $0xffff, v25  }
0xb0: {  	v45 =	vadd.s32 v15, v26;
	v25 =	vld.idx.msk [tilespmem:v44+s9+$0x0], $0xffff  }
0xb1: {  	v46 =	vor.u32 v16, v24;
	_ =	sdelay $0x3  }
0xb2: {  	[tilespmem:v45+s10+$0x0] =	vst.idx.add.f32.msk $0xffff, v25  }
0xb3: {  	v47 =	vadd.s32 v16, v26;
	v25 =	vld.idx.msk [tilespmem:v46+s9+$0x0], $0xffff  }
0xb4: {  	v48 =	vor.u32 v14, v24;
	_ =	sdelay $0x3  }
0xb5: {  	[tilespmem:v47+s10+$0x0] =	vst.idx.add.f32.msk $0xffff, v25  }
0xb6: {  	v49 =	vadd.s32 v14, v26;
	v25 =	vld.idx.msk [tilespmem:v48+s9+$0x0], $0xffff  }
0xb7: {  	v50 =	vor.u32 v17, v24;
	_ =	sdelay $0x3  }
0xb8: {  	[tilespmem:v49+s10+$0x0] =	vst.idx.add.f32.msk $0xffff, v25  }
0xb9: {  	v51 =	vadd.s32 v17, v26;
	v25 =	vld.idx.msk [tilespmem:v50+s9+$0x0], $0xffff  }
0xba: {  	v52 =	vor.u32 v18, v24;
	_ =	sdelay $0x3  }
0xbb: {  	[tilespmem:v51+s10+$0x0] =	vst.idx.add.f32.msk $0xffff, v25  }
0xbc: {  	v53 =	vadd.s32 v18, v26;
	v25 =	vld.idx.msk [tilespmem:v52+s9+$0x0], $0xffff  }
0xbd: {  	v54 =	vor.u32 v19, v24;
	_ =	sdelay $0x3  }
0xbe: {  	[tilespmem:v53+s10+$0x0] =	vst.idx.add.f32.msk $0xffff, v25  }
0xbf: {  	v55 =	vadd.s32 v19, v26;
	v25 =	vld.idx.msk [tilespmem:v54+s9+$0x0], $0xffff  }
0xc0: {  	v56 =	vor.u32 v20, v24;
	_ =	sdelay $0x3  }
0xc1: {  	[tilespmem:v55+s10+$0x0] =	vst.idx.add.f32.msk $0xffff, v25  }
0xc2: {  	v57 =	vadd.s32 v20, v26;
	v25 =	vld.idx.msk [tilespmem:v56+s9+$0x0], $0xffff  }
0xc3: {  	v58 =	vor.u32 v21, v24;
	_ =	sdelay $0x3  }
0xc4: {  	[tilespmem:v57+s10+$0x0] =	vst.idx.add.f32.msk $0xffff, v25  }
0xc5: {  	v59 =	vadd.s32 v21, v26;
	v25 =	vld.idx.msk [tilespmem:v58+s9+$0x0], $0xffff  }
0xc6: {  	v60 =	vor.u32 v22, v24;
	_ =	sdelay $0x3  }
0xc7: {  	[tilespmem:v59+s10+$0x0] =	vst.idx.add.f32.msk $0xffff, v25  }
0xc8: {  	v61 =	vadd.s32 v22, v26;
	v25 =	vld.idx.msk [tilespmem:v60+s9+$0x0], $0xffff  }
0xc9: {  	v62 =	vor.u32 v23, v24;
	_ =	sdelay $0x3  }
0xca: {  	[tilespmem:v61+s10+$0x0] =	vst.idx.add.f32.msk $0xffff, v25  }
0xcb: {  	v63 =	vadd.s32 v23, v26;
	v24 =	vld.idx.msk [tilespmem:v62+s9+$0x0], $0xffff;
	_ =	sdelay $0x4  }
0xcc: {  	[tilespmem:v63+s10+$0x0] =	vst.idx.add.f32.msk $0xffff, v24  }
.LBB2_23:
0xcd: {  	s17 =	sshll.u32 s15, $0x4  }
0xce: {  	v25 =	vld [tilespmem:s17+$0x2000];
	_ =	sdelay $0x4  }
0xcf: {  	v24 =	vshrl.u32 v25, $0xD  }
0xd0: {  	vm1 =	veq.s32 v24, v2  }
0xd1: {  	v24 =	vmpcnt.ones.xlane vm1;
	_ =	sdelay $0x1  }
0xd2: {  	v26 =	vshrl.u32 v25, $0x9;
	(v2sf) =	vpush v24, $0x0  }
0xd3: {  	v27 =	vadd.s32 $0x1, v26  }
0xd4: {  	v34 =	vshrl.u32 v27, $0x4  }
0xd5: {  	vm2 =	veq.s32 v34, v2  }
0xd6: {  	v24 =	vmpcnt.ones.xlane vm2;
	_ =	sdelay $0x1  }
0xd7: {  	(v2sf) =	vpush v24, $0x0  }
0xd8: {  	v28 =	vadd.s32 $0x2, v26  }
0xd9: {  	v35 =	vld [tilespmem:s17+$0x4010];
	v29 =	vshrl.u32 v28, $0x4  }
0xda: {  	vm3 =	veq.s32 v29, v2  }
0xdb: {  	v29 =	vmpcnt.ones.xlane vm3;
	_ =	sdelay $0x1  }
0xdc: {  	(v2sf) =	vpush v29, $0x0  }
0xdd: {  	p0 =	sgt.s32 s16, $0x7FF;
	v36 =	vadd.s32 $0x3, v26;
	v24 =	vmul.u32 $0x30, v35  }
0xde: {  	s16 =	simm.s32 @p0 $0x0;
	v30 =	vshrl.u32 v36, $0x4  }
0xdf: {  	v31 =	vand.u32 $0x1FFF, v25;
	vm0 =	veq.s32 v30, v2;
	[tilespmem:s16+$0x6020] =	vst.msk vm1, v24;
	s29 =	spop (v2sf)  }
0xe0: {  	v32 =	vmpcnt.ones.xlane vm0;
	v37 =	vadd.s32 $0x10, v24;
	[tilespmem:s16+$0x6B20] =	vst.msk vm1, v31;
	s18 =	sadd.s32 s16, s29  }
0xe1: {  	v38 =	vor.u32 $0x2000, v31;
	s19 =	sshll.u32 s29, $0x1;
	[tilespmem:s18+$0x6020] =	vst.msk vm1, v37  }
0xe2: {  	v25 =	vand.u32 $0x1FF, v25;
	v39 =	vadd.s32 $0x20, v24;
	(v2sf) =	vpush v32, $0x0;
	s17 =	smul.u32 $0x3, s29;
	s30 =	sadd.s32 s16, s19;
	[tilespmem:s18+$0x6B20] =	vst.msk vm1, v38  }
0xe3: {  	v40 =	vor.u32 $0x4000, v31;
	v41 =	vadd.s32 $0x4, v26;
	v27 =	vshll.u32 v27, $0x9;
	[tilespmem:s30+$0x6020] =	vst.msk vm1, v39  }
0xe4: {  	v43 =	vshrl.u32 v41, $0x4;
	v27 =	vand.u32 $0x1E00, v27;
	v42 =	vor.u32 $0x1, v24;
	s16 =	sadd.s32 s16, s17;
	[tilespmem:s30+$0x6B20] =	vst.msk vm1, v40  }
0xe5: {  	vm14 =	veq.s32 v43, v2;
	v27 =	vor.u32 v25, v27;
	s31 =	spop (v2sf);
	[tilespmem:s16+$0x6020] =	vst.msk vm2, v42  }
0xe6: {  	v44 =	vadd.s32 $0x11, v24;
	v32 =	vmpcnt.ones.xlane vm14;
	s19 =	sadd.s32 s16, s31;
	[tilespmem:s16+$0x6B20] =	vst.msk vm2, v27  }
0xe7: {  	v45 =	vor.u32 $0x2000, v27;
	s20 =	sshll.u32 s31, $0x1;
	[tilespmem:s19+$0x6020] =	vst.msk vm2, v44  }
0xe8: {  	v46 =	vadd.s32 $0x21, v24;
	(v2sf) =	vpush v32, $0x0;
	s17 =	smul.u32 $0x3, s31;
	s21 =	sadd.s32 s16, s20;
	[tilespmem:s19+$0x6B20] =	vst.msk vm2, v45  }
0xe9: {  	v47 =	vadd.s32 $0x5, v26;
	v28 =	vshll.u32 v28, $0x9;
	v27 =	vor.u32 $0x4000, v27;
	[tilespmem:s21+$0x6020] =	vst.msk vm2, v46  }
0xea: {  	v50 =	vshrl.u32 v47, $0x4;
	v48 =	vand.u32 $0x1E00, v28;
	v49 =	vor.u32 $0x2, v24;
	s16 =	sadd.s32 s16, s17;
	[tilespmem:s21+$0x6B20] =	vst.msk vm2, v27  }
0xeb: {  	vm15 =	veq.s32 v50, v2;
	s22 =	spop (v2sf);
	v27 =	vor.u32 v25, v48;
	[tilespmem:s16+$0x6020] =	vst.msk vm3, v49  }
0xec: {  	v51 =	vadd.s32 $0x12, v24;
	v32 =	vmpcnt.ones.xlane vm15;
	s23 =	sadd.s32 s16, s22;
	[tilespmem:s16+$0x6B20] =	vst.msk vm3, v27  }
0xed: {  	s24 =	sshll.u32 s22, $0x1;
	v52 =	vor.u32 $0x2000, v27;
	[tilespmem:s23+$0x6020] =	vst.msk vm3, v51  }
0xee: {  	v53 =	vadd.s32 $0x22, v24;
	(v2sf) =	vpush v32, $0x0;
	s17 =	smul.u32 $0x3, s22;
	s25 =	sadd.s32 s16, s24;
	[tilespmem:s23+$0x6B20] =	vst.msk vm3, v52  }
0xef: {  	v55 =	vadd.s32 $0x6, v26;
	v54 =	vshll.u32 v36, $0x9;
	v27 =	vor.u32 $0x4000, v27;
	[tilespmem:s25+$0x6020] =	vst.msk vm3, v53  }
0xf0: {  	v58 =	vshrl.u32 v55, $0x4;
	v56 =	vand.u32 $0x1E00, v54;
	v57 =	vor.u32 $0x3, v24;
	s16 =	sadd.s32 s16, s17;
	[tilespmem:s25+$0x6B20] =	vst.msk vm3, v27  }
0xf1: {  	vm6 =	veq.s32 v58, v2;
	s26 =	spop (v2sf);
	v27 =	vor.u32 v25, v56;
	[tilespmem:s16+$0x6020] =	vst.msk vm0, v57  }
0xf2: {  	v59 =	vadd.s32 $0x13, v24;
	v32 =	vmpcnt.ones.xlane vm6;
	s28 =	sadd.s32 s16, s26;
	[tilespmem:s16+$0x6B20] =	vst.msk vm0, v27  }
0xf3: {  	s29 =	sshll.u32 s26, $0x1;
	v60 =	vor.u32 $0x2000, v27;
	[tilespmem:s28+$0x6020] =	vst.msk vm0, v59  }
0xf4: {  	v61 =	vadd.s32 $0x23, v24;
	(v2sf) =	vpush v32, $0x0;
	s17 =	smul.u32 $0x3, s26;
	s30 =	sadd.s32 s16, s29;
	[tilespmem:s28+$0x6B20] =	vst.msk vm0, v60  }
0xf5: {  	v63 =	vadd.s32 $0x7, v26;
	v62 =	vshll.u32 v41, $0x9;
	v27 =	vor.u32 $0x4000, v27;
	[tilespmem:s30+$0x6020] =	vst.msk vm0, v61  }
0xf6: {  	v36 =	vand.u32 $0x1E00, v62;
	v37 =	vor.u32 $0x4, v24;
	v38 =	vshrl.u32 v63, $0x4;
	s16 =	sadd.s32 s16, s17;
	[tilespmem:s30+$0x6B20] =	vst.msk vm0, v27  }
0xf7: {  	vm7 =	veq.s32 v38, v2;
	s31 =	spop (v2sf);
	v27 =	vor.u32 v25, v36;
	[tilespmem:s16+$0x6020] =	vst.msk vm14, v37  }
0xf8: {  	v39 =	vadd.s32 $0x14, v24;
	v32 =	vmpcnt.ones.xlane vm7;
	s19 =	sadd.s32 s16, s31;
	[tilespmem:s16+$0x6B20] =	vst.msk vm14, v27  }
0xf9: {  	s20 =	sshll.u32 s31, $0x1;
	v40 =	vor.u32 $0x2000, v27;
	[tilespmem:s19+$0x6020] =	vst.msk vm14, v39  }
0xfa: {  	v41 =	vadd.s32 $0x24, v24;
	(v2sf) =	vpush v32, $0x0;
	s17 =	smul.u32 $0x3, s31;
	s21 =	sadd.s32 s16, s20;
	[tilespmem:s19+$0x6B20] =	vst.msk vm14, v40  }
0xfb: {  	v43 =	vadd.s32 $0x8, v26;
	v42 =	vshll.u32 v47, $0x9;
	v27 =	vor.u32 $0x4000, v27;
	[tilespmem:s21+$0x6020] =	vst.msk vm14, v41  }
0xfc: {  	v44 =	vand.u32 $0x1E00, v42;
	v45 =	vor.u32 $0x5, v24;
	v46 =	vshrl.u32 v43, $0x4;
	s16 =	sadd.s32 s16, s17;
	[tilespmem:s21+$0x6B20] =	vst.msk vm14, v27  }
0xfd: {  	vm8 =	veq.s32 v46, v2;
	s22 =	spop (v2sf);
	v27 =	vor.u32 v25, v44;
	[tilespmem:s16+$0x6020] =	vst.msk vm15, v45  }
0xfe: {  	v47 =	vadd.s32 $0x15, v24;
	v32 =	vmpcnt.ones.xlane vm8;
	s23 =	sadd.s32 s16, s22;
	[tilespmem:s16+$0x6B20] =	vst.msk vm15, v27  }
0xff: {  	s24 =	sshll.u32 s22, $0x1;
	v48 =	vor.u32 $0x2000, v27;
	[tilespmem:s23+$0x6020] =	vst.msk vm15, v47  }
0x100: {  	v49 =	vadd.s32 $0x25, v24;
	(v2sf) =	vpush v32, $0x0;
	s17 =	smul.u32 $0x3, s22;
	s25 =	sadd.s32 s16, s24;
	[tilespmem:s23+$0x6B20] =	vst.msk vm15, v48  }
0x101: {  	v50 =	vshll.u32 v55, $0x9;
	v51 =	vadd.s32 $0x9, v26;
	v27 =	vor.u32 $0x4000, v27;
	[tilespmem:s25+$0x6020] =	vst.msk vm15, v49  }
0x102: {  	v52 =	vand.u32 $0x1E00, v50;
	v54 =	vshrl.u32 v51, $0x4;
	v53 =	vor.u32 $0x6, v24;
	s16 =	sadd.s32 s16, s17;
	[tilespmem:s25+$0x6B20] =	vst.msk vm15, v27  }
0x103: {  	vm9 =	veq.s32 v54, v2;
	s26 =	spop (v2sf);
	v27 =	vor.u32 v25, v52;
	[tilespmem:s16+$0x6020] =	vst.msk vm6, v53  }
0x104: {  	v55 =	vadd.s32 $0x16, v24;
	v32 =	vmpcnt.ones.xlane vm9;
	s28 =	sadd.s32 s16, s26;
	[tilespmem:s16+$0x6B20] =	vst.msk vm6, v27  }
0x105: {  	s29 =	sshll.u32 s26, $0x1;
	v56 =	vor.u32 $0x2000, v27;
	[tilespmem:s28+$0x6020] =	vst.msk vm6, v55  }
0x106: {  	v57 =	vadd.s32 $0x26, v24;
	(v2sf) =	vpush v32, $0x0;
	s17 =	smul.u32 $0x3, s26;
	s30 =	sadd.s32 s16, s29;
	[tilespmem:s28+$0x6B20] =	vst.msk vm6, v56  }
0x107: {  	v58 =	vshll.u32 v63, $0x9;
	v59 =	vadd.s32 $0xA, v26;
	v27 =	vor.u32 $0x4000, v27;
	[tilespmem:s30+$0x6020] =	vst.msk vm6, v57  }
0x108: {  	v60 =	vand.u32 $0x1E00, v58;
	v62 =	vshrl.u32 v59, $0x4;
	v61 =	vor.u32 $0x7, v24;
	s16 =	sadd.s32 s16, s17;
	[tilespmem:s30+$0x6B20] =	vst.msk vm6, v27  }
0x109: {  	vm10 =	veq.s32 v62, v2;
	s31 =	spop (v2sf);
	v27 =	vor.u32 v25, v60;
	[tilespmem:s16+$0x6020] =	vst.msk vm7, v61  }
0x10a: {  	v63 =	vadd.s32 $0x17, v24;
	v32 =	vmpcnt.ones.xlane vm10;
	s19 =	sadd.s32 s16, s31;
	[tilespmem:s16+$0x6B20] =	vst.msk vm7, v27  }
0x10b: {  	s20 =	sshll.u32 s31, $0x1;
	v35 =	vor.u32 $0x2000, v27;
	[tilespmem:s19+$0x6020] =	vst.msk vm7, v63  }
0x10c: {  	v36 =	vadd.s32 $0x27, v24;
	(v2sf) =	vpush v32, $0x0;
	s17 =	smul.u32 $0x3, s31;
	s21 =	sadd.s32 s16, s20;
	[tilespmem:s19+$0x6B20] =	vst.msk vm7, v35  }
0x10d: {  	v38 =	vadd.s32 $0xB, v26;
	v37 =	vshll.u32 v43, $0x9;
	v27 =	vor.u32 $0x4000, v27;
	[tilespmem:s21+$0x6020] =	vst.msk vm7, v36  }
0x10e: {  	v39 =	vand.u32 $0x1E00, v37;
	v40 =	vor.u32 $0x8, v24;
	v41 =	vshrl.u32 v38, $0x4;
	s16 =	sadd.s32 s16, s17;
	[tilespmem:s21+$0x6B20] =	vst.msk vm7, v27  }
0x10f: {  	vm11 =	veq.s32 v41, v2;
	s22 =	spop (v2sf);
	v27 =	vor.u32 v25, v39;
	[tilespmem:s16+$0x6020] =	vst.msk vm8, v40  }
0x110: {  	v42 =	vadd.s32 $0x18, v24;
	v32 =	vmpcnt.ones.xlane vm11;
	s23 =	sadd.s32 s16, s22;
	[tilespmem:s16+$0x6B20] =	vst.msk vm8, v27  }
0x111: {  	s24 =	sshll.u32 s22, $0x1;
	v43 =	vor.u32 $0x2000, v27;
	[tilespmem:s23+$0x6020] =	vst.msk vm8, v42  }
0x112: {  	v44 =	vadd.s32 $0x28, v24;
	(v2sf) =	vpush v32, $0x0;
	s17 =	smul.u32 $0x3, s22;
	s25 =	sadd.s32 s16, s24;
	[tilespmem:s23+$0x6B20] =	vst.msk vm8, v43  }
0x113: {  	v46 =	vadd.s32 $0xC, v26;
	v45 =	vshll.u32 v51, $0x9;
	v27 =	vor.u32 $0x4000, v27;
	[tilespmem:s25+$0x6020] =	vst.msk vm8, v44  }
0x114: {  	v47 =	vand.u32 $0x1E00, v45;
	v48 =	vor.u32 $0x9, v24;
	v49 =	vshrl.u32 v46, $0x4;
	s16 =	sadd.s32 s16, s17;
	[tilespmem:s25+$0x6B20] =	vst.msk vm8, v27  }
0x115: {  	vm12 =	veq.s32 v49, v2;
	s26 =	spop (v2sf);
	v27 =	vor.u32 v25, v47;
	[tilespmem:s16+$0x6020] =	vst.msk vm9, v48  }
0x116: {  	v50 =	vadd.s32 $0x19, v24;
	v32 =	vmpcnt.ones.xlane vm12;
	s28 =	sadd.s32 s16, s26;
	[tilespmem:s16+$0x6B20] =	vst.msk vm9, v27  }
0x117: {  	s29 =	sshll.u32 s26, $0x1;
	v51 =	vor.u32 $0x2000, v27;
	[tilespmem:s28+$0x6020] =	vst.msk vm9, v50  }
0x118: {  	v52 =	vadd.s32 $0x29, v24;
	(v2sf) =	vpush v32, $0x0;
	s17 =	smul.u32 $0x3, s26;
	s30 =	sadd.s32 s16, s29;
	[tilespmem:s28+$0x6B20] =	vst.msk vm9, v51  }
0x119: {  	v54 =	vadd.s32 $0xD, v26;
	v53 =	vshll.u32 v59, $0x9;
	v27 =	vor.u32 $0x4000, v27;
	[tilespmem:s30+$0x6020] =	vst.msk vm9, v52  }
0x11a: {  	v55 =	vand.u32 $0x1E00, v53;
	v56 =	vor.u32 $0xA, v24;
	v57 =	vshrl.u32 v54, $0x4;
	s16 =	sadd.s32 s16, s17;
	[tilespmem:s30+$0x6B20] =	vst.msk vm9, v27  }
0x11b: {  	vm13 =	veq.s32 v57, v2;
	s31 =	spop (v2sf);
	v27 =	vor.u32 v25, v55;
	[tilespmem:s16+$0x6020] =	vst.msk vm10, v56  }
0x11c: {  	v58 =	vadd.s32 $0x1A, v24;
	v32 =	vmpcnt.ones.xlane vm13;
	s19 =	sadd.s32 s16, s31;
	[tilespmem:s16+$0x6B20] =	vst.msk vm10, v27  }
0x11d: {  	s20 =	sshll.u32 s31, $0x1;
	v59 =	vor.u32 $0x2000, v27;
	[tilespmem:s19+$0x6020] =	vst.msk vm10, v58  }
0x11e: {  	v60 =	vadd.s32 $0x2A, v24;
	(v2sf) =	vpush v32, $0x0;
	s17 =	smul.u32 $0x3, s31;
	s21 =	sadd.s32 s16, s20;
	[tilespmem:s19+$0x6B20] =	vst.msk vm10, v59  }
0x11f: {  	v62 =	vadd.s32 $0xE, v26;
	v61 =	vshll.u32 v38, $0x9;
	v27 =	vor.u32 $0x4000, v27;
	[tilespmem:s21+$0x6020] =	vst.msk vm10, v60  }
0x120: {  	v37 =	vshrl.u32 v62, $0x4;
	v63 =	vand.u32 $0x1E00, v61;
	v36 =	vor.u32 $0xB, v24;
	s16 =	sadd.s32 s16, s17;
	[tilespmem:s21+$0x6B20] =	vst.msk vm10, v27  }
0x121: {  	vm14 =	veq.s32 v37, v2;
	s22 =	spop (v2sf);
	v27 =	vor.u32 v25, v63;
	[tilespmem:s16+$0x6020] =	vst.msk vm11, v36  }
0x122: {  	v38 =	vadd.s32 $0x1B, v24;
	v32 =	vmpcnt.ones.xlane vm14;
	s23 =	sadd.s32 s16, s22;
	[tilespmem:s16+$0x6B20] =	vst.msk vm11, v27  }
0x123: {  	s24 =	sshll.u32 s22, $0x1;
	v39 =	vor.u32 $0x2000, v27;
	[tilespmem:s23+$0x6020] =	vst.msk vm11, v38  }
0x124: {  	v40 =	vadd.s32 $0x2B, v24;
	(v2sf) =	vpush v32, $0x0;
	s17 =	smul.u32 $0x3, s22;
	s25 =	sadd.s32 s16, s24;
	[tilespmem:s23+$0x6B20] =	vst.msk vm11, v39  }
0x125: {  	v26 =	vadd.s32 $0xF, v26;
	v41 =	vshll.u32 v46, $0x9;
	v27 =	vor.u32 $0x4000, v27;
	[tilespmem:s25+$0x6020] =	vst.msk vm11, v40  }
0x126: {  	v42 =	vand.u32 $0x1E00, v41;
	v43 =	vor.u32 $0xC, v24;
	v44 =	vshrl.u32 v26, $0x4;
	s16 =	sadd.s32 s16, s17;
	[tilespmem:s25+$0x6B20] =	vst.msk vm11, v27  }
0x127: {  	vm15 =	veq.s32 v44, v2;
	s26 =	spop (v2sf);
	v27 =	vor.u32 v25, v42;
	[tilespmem:s16+$0x6020] =	vst.msk vm12, v43  }
0x128: {  	v45 =	vadd.s32 $0x1C, v24;
	v29 =	vmpcnt.ones.xlane vm15;
	s28 =	sadd.s32 s16, s26;
	[tilespmem:s16+$0x6B20] =	vst.msk vm12, v27  }
0x129: {  	s29 =	sshll.u32 s26, $0x1;
	v46 =	vor.u32 $0x2000, v27;
	[tilespmem:s28+$0x6020] =	vst.msk vm12, v45  }
0x12a: {  	v47 =	vadd.s32 $0x2C, v24;
	(v2sf) =	vpush v29, $0x0;
	s17 =	smul.u32 $0x3, s26;
	s30 =	sadd.s32 s16, s29;
	[tilespmem:s28+$0x6B20] =	vst.msk vm12, v46  }
0x12b: {  	v48 =	vshll.u32 v54, $0x9;
	v27 =	vor.u32 $0x4000, v27;
	[tilespmem:s30+$0x6020] =	vst.msk vm12, v47  }
0x12c: {  	v49 =	vand.u32 $0x1E00, v48;
	v50 =	vor.u32 $0xD, v24;
	s16 =	sadd.s32 s16, s17;
	[tilespmem:s30+$0x6B20] =	vst.msk vm12, v27  }
0x12d: {  	s31 =	spop (v2sf);
	v27 =	vor.u32 v25, v49;
	[tilespmem:s16+$0x6020] =	vst.msk vm13, v50  }
0x12e: {  	v51 =	vadd.s32 $0x1D, v24;
	s20 =	sadd.s32 s16, s31;
	[tilespmem:s16+$0x6B20] =	vst.msk vm13, v27  }
0x12f: {  	s21 =	sshll.u32 s31, $0x1;
	v52 =	vor.u32 $0x2000, v27;
	[tilespmem:s20+$0x6020] =	vst.msk vm13, v51  }
0x130: {  	v53 =	vadd.s32 $0x2D, v24;
	s17 =	smul.u32 $0x3, s31;
	s22 =	sadd.s32 s16, s21;
	[tilespmem:s20+$0x6B20] =	vst.msk vm13, v52  }
0x131: {  	v54 =	vshll.u32 v62, $0x9;
	v27 =	vor.u32 $0x4000, v27;
	[tilespmem:s22+$0x6020] =	vst.msk vm13, v53  }
0x132: {  	v55 =	vand.u32 $0x1E00, v54;
	v56 =	vor.u32 $0xE, v24;
	s16 =	sadd.s32 s16, s17;
	[tilespmem:s22+$0x6B20] =	vst.msk vm13, v27  }
0x133: {  	s23 =	spop (v2sf);
	v27 =	vor.u32 v25, v55;
	[tilespmem:s16+$0x6020] =	vst.msk vm14, v56  }
0x134: {  	v57 =	vadd.s32 $0x1E, v24;
	s24 =	sadd.s32 s16, s23;
	[tilespmem:s16+$0x6B20] =	vst.msk vm14, v27  }
0x135: {  	s25 =	sshll.u32 s23, $0x1;
	v58 =	vor.u32 $0x2000, v27;
	[tilespmem:s24+$0x6020] =	vst.msk vm14, v57  }
0x136: {  	v59 =	vadd.s32 $0x2E, v24;
	s17 =	smul.u32 $0x3, s23;
	s26 =	sadd.s32 s16, s25;
	[tilespmem:s24+$0x6B20] =	vst.msk vm14, v58  }
0x137: {  	v26 =	vshll.u32 v26, $0x9;
	v27 =	vor.u32 $0x4000, v27;
	[tilespmem:s26+$0x6020] =	vst.msk vm14, v59  }
0x138: {  	s15 =	sadd.s32 $0x1, s15;
	v26 =	vand.u32 $0x1E00, v26;
	v60 =	vor.u32 $0xF, v24;
	s16 =	sadd.s32 s16, s17;
	[tilespmem:s26+$0x6B20] =	vst.msk vm14, v27  }
0x139: {  	p0 =	sne.s32 s15, s14;
	s28 =	spop (v2sf);
	v25 =	vor.u32 v25, v26;
	[tilespmem:s16+$0x6020] =	vst.msk vm15, v60  }
.Ltmp9:
0x13a: {  	v61 =	vadd.s32 $0x1F, v24;
	s29 =	sadd.s32 s16, s28;
	[tilespmem:s16+$0x6B20] =	vst.msk vm15, v25;
	(pc) =	sbr.rel @!p0 .LBB2_24-.Ltmp9, $4  }
0x13b: {  	s30 =	sshll.u32 s28, $0x1;
	v62 =	vor.u32 $0x2000, v25;
	[tilespmem:s29+$0x6020] =	vst.msk vm15, v61  }
0x13c: {  	v24 =	vadd.s32 $0x2F, v24;
	s17 =	smul.u32 $0x3, s28;
	s31 =	sadd.s32 s16, s30;
	[tilespmem:s29+$0x6B20] =	vst.msk vm15, v62  }
0x13d: {  	v63 =	vor.u32 $0x4000, v25;
	[tilespmem:s31+$0x6020] =	vst.msk vm15, v24  }
0x13e: {  	s16 =	sadd.s32 s16, s17;
	[tilespmem:s31+$0x6B20] =	vst.msk vm15, v63  }
.LBB2_9:
0x13f: {  	p0 =	slt.s32 s16, $0x800  }
.Ltmp10:
0x140: {  	_ = 	snop;
	(pc) =	sbr.rel @p0 .LBB2_23-.Ltmp10, $1  }
0x141: {  	_ =	sdelay $0x3  }
0x142: {  	s17 =	sadd.s32 $0xFF, s16  }
0x143: {  	s18 =	sand.u32 $0xFF, s17  }
0x144: {  	s19 =	sshra.s32 s17, $0x1F;
	p0 =	slt.s32 s17, $0x0;
	p1 =	sne.s32 s18, $0x0  }
0x145: {  	s31 =	sshrl.u32 s19, $0x18;
	p0 =	por !p0, !p1  }
0x146: {  	s18 =	simm.s32 $0x1;
	s17 =	sadd.s32 s31, s17;
	p0 =	por !p0, !p0  }
0x147: {  	s17 =	sshra.s32 s17, $0x8;
	s18 =	simm.s32 @!p0 $0x0  }
0x148: {  	s17 =	ssub.s32 s17, s18  }
0x149: {  	p0 =	slt.s32 s17, $0x1  }
.Ltmp11:
0x14a: {  	_ = 	snop;
	(pc) =	sbr.rel @p0 .LBB2_16-.Ltmp11, $2  }
0x14b: {  	_ =	sdelay $0x2  }
0x14c: {  	[tilespmem:s16+$0x6B20] =	vst v7  }
0x14d: {  	p0 =	sne.s32 s17, $0x1  }
.Ltmp12:
0x14e: {  	_ = 	snop;
	(pc) =	sbr.rel @!p0 .LBB2_13-.Ltmp12, $3  }
0x14f: {  	_ =	sdelay $0x1  }
0x150: {  	s18 =	simm.s32 $0x6020;
	s19 =	simm.s32 $0x7630;
	s20 =	sadd.s32 $0xFFFFFFFF, s17  }
0x151: {  	[tilespmem:s19], [sflag:$0x1] =	stream.indirect.gather [hbm4b:s1+s8], $0x10, s18, s8, $0xb8;
	[tilespmem:$0x18640] =	vst v63  }
.LBB2_12:
0x152: {  	p1 =	sne.s32 s20, $0x1  }
.Ltmp13:
0x153: {  	_ = 	snop;
	(pc) =	sbr.rel @p1 .LBB2_12-.Ltmp13, $4  }
0x154: {  	_ = 	snop  }
0x155: {  	s18 =	sadd.s32 $0x100, s18;
	s19 =	sadd.s32 $0x1000, s19  }
0x156: {  	s20 =	sadd.s32 $0xFFFFFFFF, s20  }
0x157: {  	[tilespmem:s19], [sflag:$0x1] =	stream.indirect.gather [hbm4b:s1+s8], $0x10, s18, s8, $0xb8;
	[tilespmem:$0x18640] =	vst v63  }
.LBB2_13:
.Ltmp14:
0x158: {  	(pc) =	sbr.rel @!p0 .LBB2_15-.Ltmp14, $3  }
0x159: {  	_ =	sdelay $0x1  }
0x15a: {  	_ =	swait.ge [sflag:s7], $0x1000  }
0x15b: {  	s17 =	sadd.s32 $0xFFFFFFFF, s17;
	[sflag:s7] =	ssyncset.done $0x0  }
.LBB2_14:
0x15c: {  	p0 =	sne.s32 s17, $0x1;
	s17 =	sadd.s32 $0xFFFFFFFF, s17;
	[sflag:s7] =	ssyncadd.s32 $0xFFFFF000  }
.Ltmp15:
0x15d: {  	(pc) =	sbr.rel @p0 .LBB2_14-.Ltmp15, $3  }
0x15e: {  	_ =	sdelay $0x1  }
0x15f: {  	_ =	swait.ge [sflag:s7], $0x1000  }
0x160: {  	[sflag:s7] =	ssyncset.done $0x0  }
.LBB2_15:
0x161: {  	[sflag:s7] =	ssyncadd.s32 $0xFFFFF000  }
.LBB2_16:
0x162: {  	s17 =	sadd.s32 $0xF, s16  }
0x163: {  	s18 =	sand.u32 $0xF, s17  }
0x164: {  	s19 =	sshra.s32 s17, $0x1F;
	p0 =	slt.s32 s17, $0x0;
	p1 =	sne.s32 s18, $0x0  }
0x165: {  	s31 =	sshrl.u32 s19, $0x1C;
	p0 =	por !p0, !p1  }
0x166: {  	s18 =	simm.s32 $0x1;
	s17 =	sadd.s32 s31, s17;
	p0 =	por !p0, !p0  }
0x167: {  	s17 =	sshra.s32 s17, $0x4;
	s18 =	simm.s32 @!p0 $0x0  }
0x168: {  	s18 =	ssub.s32 s17, s18  }
0x169: {  	p0 =	slt.s32 s18, $0x1  }
.Ltmp16:
0x16a: {  	_ = 	snop;
	(pc) =	sbr.rel @p0 .LBB2_23-.Ltmp16, $1  }
0x16b: {  	_ =	sdelay $0x3  }
0x16c: {  	p1 =	sne.s32 s18, $0x1  }
.Ltmp17:
0x16d: {  	_ = 	snop;
	(pc) =	sbr.rel @!p1 .LBB2_18-.Ltmp17, $4  }
0x16e: {  	s17 =	simm.s32 $0x0  }
0x16f: {  	v24 =	vmov s17  }
0x170: {  	v24 =	vshll.u32 v24, $0x4  }
0x171: {  	s19 =	sadd.s32 $0xFFFFFFFF, s18;
	p0 =	por $0x0, $0x0;
	s17 =	simm.s32 $0x6B20;
	v24 =	vor.u32 v8, v24  }
0x172: {  	v25 =	vor.u32 v5, v24;
	v27 =	vld [tilespmem:s17+$0x0];
	_ =	sdelay $0x4  }
0x173: {  	v25 =	vld.idx.msk [tilespmem:v25+s9+$0x0], $0xffff;
	v26 =	vadd.s32 v5, v27  }
0x174: {  	v28 =	vor.u32 v9, v24;
	_ =	sdelay $0x3  }
0x175: {  	[tilespmem:v26+s10+$0x0] =	vst.idx.add.f32.msk $0xffff, v25  }
0x176: {  	v26 =	vadd.s32 v9, v27;
	v25 =	vld.idx.msk [tilespmem:v28+s9+$0x0], $0xffff  }
0x177: {  	v50 =	vor.u32 v10, v24;
	_ =	sdelay $0x3  }
0x178: {  	[tilespmem:v26+s10+$0x0] =	vst.idx.add.f32.msk $0xffff, v25  }
0x179: {  	v26 =	vadd.s32 v10, v27;
	v25 =	vld.idx.msk [tilespmem:v50+s9+$0x0], $0xffff  }
0x17a: {  	v51 =	vor.u32 v11, v24;
	_ =	sdelay $0x3  }
0x17b: {  	[tilespmem:v26+s10+$0x0] =	vst.idx.add.f32.msk $0xffff, v25  }
0x17c: {  	v26 =	vadd.s32 v11, v27;
	v25 =	vld.idx.msk [tilespmem:v51+s9+$0x0], $0xffff  }
0x17d: {  	v52 =	vor.u32 v12, v24;
	_ =	sdelay $0x3  }
0x17e: {  	[tilespmem:v26+s10+$0x0] =	vst.idx.add.f32.msk $0xffff, v25  }
0x17f: {  	v26 =	vadd.s32 v12, v27;
	v25 =	vld.idx.msk [tilespmem:v52+s9+$0x0], $0xffff  }
0x180: {  	v53 =	vor.u32 v13, v24;
	_ =	sdelay $0x3  }
0x181: {  	[tilespmem:v26+s10+$0x0] =	vst.idx.add.f32.msk $0xffff, v25  }
0x182: {  	v26 =	vadd.s32 v13, v27;
	v25 =	vld.idx.msk [tilespmem:v53+s9+$0x0], $0xffff  }
0x183: {  	v54 =	vor.u32 v15, v24;
	_ =	sdelay $0x3  }
0x184: {  	[tilespmem:v26+s10+$0x0] =	vst.idx.add.f32.msk $0xffff, v25  }
0x185: {  	v26 =	vadd.s32 v15, v27;
	v25 =	vld.idx.msk [tilespmem:v54+s9+$0x0], $0xffff  }
0x186: {  	v55 =	vor.u32 v16, v24;
	_ =	sdelay $0x3  }
0x187: {  	[tilespmem:v26+s10+$0x0] =	vst.idx.add.f32.msk $0xffff, v25  }
0x188: {  	v26 =	vadd.s32 v16, v27;
	v25 =	vld.idx.msk [tilespmem:v55+s9+$0x0], $0xffff  }
0x189: {  	v56 =	vor.u32 v14, v24;
	_ =	sdelay $0x3  }
0x18a: {  	[tilespmem:v26+s10+$0x0] =	vst.idx.add.f32.msk $0xffff, v25  }
0x18b: {  	v26 =	vadd.s32 v14, v27;
	v25 =	vld.idx.msk [tilespmem:v56+s9+$0x0], $0xffff  }
0x18c: {  	v57 =	vor.u32 v17, v24;
	_ =	sdelay $0x3  }
0x18d: {  	[tilespmem:v26+s10+$0x0] =	vst.idx.add.f32.msk $0xffff, v25  }
0x18e: {  	v26 =	vadd.s32 v17, v27;
	v25 =	vld.idx.msk [tilespmem:v57+s9+$0x0], $0xffff  }
0x18f: {  	v58 =	vor.u32 v18, v24;
	_ =	sdelay $0x3  }
0x190: {  	[tilespmem:v26+s10+$0x0] =	vst.idx.add.f32.msk $0xffff, v25  }
0x191: {  	v26 =	vadd.s32 v18, v27;
	v25 =	vld.idx.msk [tilespmem:v58+s9+$0x0], $0xffff  }
0x192: {  	v59 =	vor.u32 v19, v24;
	_ =	sdelay $0x3  }
0x193: {  	[tilespmem:v26+s10+$0x0] =	vst.idx.add.f32.msk $0xffff, v25  }
0x194: {  	v26 =	vadd.s32 v19, v27;
	v25 =	vld.idx.msk [tilespmem:v59+s9+$0x0], $0xffff  }
0x195: {  	v60 =	vor.u32 v20, v24;
	_ =	sdelay $0x3  }
0x196: {  	[tilespmem:v26+s10+$0x0] =	vst.idx.add.f32.msk $0xffff, v25  }
0x197: {  	v26 =	vadd.s32 v20, v27;
	v25 =	vld.idx.msk [tilespmem:v60+s9+$0x0], $0xffff  }
0x198: {  	v61 =	vor.u32 v21, v24;
	_ =	sdelay $0x3  }
0x199: {  	[tilespmem:v26+s10+$0x0] =	vst.idx.add.f32.msk $0xffff, v25  }
0x19a: {  	v26 =	vadd.s32 v21, v27;
	v25 =	vld.idx.msk [tilespmem:v61+s9+$0x0], $0xffff  }
0x19b: {  	v62 =	vor.u32 v22, v24;
	_ =	sdelay $0x3  }
0x19c: {  	[tilespmem:v26+s10+$0x0] =	vst.idx.add.f32.msk $0xffff, v25  }
0x19d: {  	v26 =	vadd.s32 v22, v27;
	v25 =	vld.idx.msk [tilespmem:v62+s9+$0x0], $0xffff  }
0x19e: {  	v24 =	vor.u32 v23, v24;
	_ =	sdelay $0x3  }
0x19f: {  	p1 =	sne.s32 s19, $0x1;
	[tilespmem:v26+s10+$0x0] =	vst.idx.add.f32.msk $0xffff, v25  }
.Ltmp18:
0x1a0: {  	v25 =	vadd.s32 v23, v27;
	v26 =	vld.idx.msk [tilespmem:v24+s9+$0x0], $0xffff;
	(pc) =	sbr.rel @!p1 .LBB2_20-.Ltmp18, $4  }
0x1a1: {  	s18 =	simm.s32 $0x10  }
0x1a2: {  	v63 =	vmov s18  }
0x1a3: {  	v28 =	vshll.u32 v63, $0x4  }
0x1a4: {  	s20 =	sadd.s32 $0xFFFFFFFF, s19;
	p0 =	por $0x1, $0x1;
	s19 =	simm.s32 $0x6B20;
	v24 =	vor.u32 v8, v28  }
.LBB2_21:
0x1a5: {  	p1 =	sne.s32 s20, $0x1;
	s20 =	sadd.s32 $0xFFFFFFFF, s20;
	v27 =	vor.u32 v5, v24;
	[tilespmem:v25+s10+$0x0] =	vst.idx.add.f32.msk $0xffff, v26;
	s19 =	sadd.s32 $0x10, s19  }
0x1a6: {  	v25 =	vld [tilespmem:s19+$0x0];
	_ =	sdelay $0x3  }
0x1a7: {  	v26 =	vld.idx.msk [tilespmem:v27+s9+$0x0], $0xffff  }
0x1a8: {  	v27 =	vadd.s32 v5, v25  }
0x1a9: {  	v28 =	vor.u32 v9, v24;
	_ =	sdelay $0x3  }
0x1aa: {  	[tilespmem:v27+s10+$0x0] =	vst.idx.add.f32.msk $0xffff, v26  }
0x1ab: {  	v26 =	vld.idx.msk [tilespmem:v28+s9+$0x0], $0xffff  }
0x1ac: {  	v27 =	vadd.s32 v9, v25  }
0x1ad: {  	v28 =	vor.u32 v10, v24;
	_ =	sdelay $0x3  }
0x1ae: {  	[tilespmem:v27+s10+$0x0] =	vst.idx.add.f32.msk $0xffff, v26  }
0x1af: {  	v26 =	vld.idx.msk [tilespmem:v28+s9+$0x0], $0xffff  }
0x1b0: {  	v27 =	vadd.s32 v10, v25  }
0x1b1: {  	v28 =	vor.u32 v11, v24;
	_ =	sdelay $0x3  }
0x1b2: {  	[tilespmem:v27+s10+$0x0] =	vst.idx.add.f32.msk $0xffff, v26  }
0x1b3: {  	v26 =	vld.idx.msk [tilespmem:v28+s9+$0x0], $0xffff  }
0x1b4: {  	v27 =	vadd.s32 v11, v25  }
0x1b5: {  	v28 =	vor.u32 v12, v24;
	_ =	sdelay $0x3  }
0x1b6: {  	[tilespmem:v27+s10+$0x0] =	vst.idx.add.f32.msk $0xffff, v26  }
0x1b7: {  	v26 =	vld.idx.msk [tilespmem:v28+s9+$0x0], $0xffff  }
0x1b8: {  	v27 =	vadd.s32 v12, v25  }
0x1b9: {  	v28 =	vor.u32 v13, v24;
	_ =	sdelay $0x3  }
0x1ba: {  	[tilespmem:v27+s10+$0x0] =	vst.idx.add.f32.msk $0xffff, v26  }
0x1bb: {  	v26 =	vld.idx.msk [tilespmem:v28+s9+$0x0], $0xffff  }
0x1bc: {  	v27 =	vadd.s32 v13, v25  }
0x1bd: {  	v28 =	vor.u32 v15, v24;
	_ =	sdelay $0x3  }
0x1be: {  	[tilespmem:v27+s10+$0x0] =	vst.idx.add.f32.msk $0xffff, v26  }
0x1bf: {  	v26 =	vld.idx.msk [tilespmem:v28+s9+$0x0], $0xffff  }
0x1c0: {  	v27 =	vadd.s32 v15, v25  }
0x1c1: {  	v28 =	vor.u32 v16, v24;
	_ =	sdelay $0x3  }
0x1c2: {  	[tilespmem:v27+s10+$0x0] =	vst.idx.add.f32.msk $0xffff, v26  }
0x1c3: {  	v26 =	vld.idx.msk [tilespmem:v28+s9+$0x0], $0xffff  }
0x1c4: {  	v27 =	vadd.s32 v16, v25  }
0x1c5: {  	v28 =	vor.u32 v14, v24;
	_ =	sdelay $0x3  }
0x1c6: {  	[tilespmem:v27+s10+$0x0] =	vst.idx.add.f32.msk $0xffff, v26  }
0x1c7: {  	v26 =	vld.idx.msk [tilespmem:v28+s9+$0x0], $0xffff  }
0x1c8: {  	v27 =	vadd.s32 v14, v25  }
0x1c9: {  	v28 =	vor.u32 v17, v24;
	_ =	sdelay $0x3  }
0x1ca: {  	[tilespmem:v27+s10+$0x0] =	vst.idx.add.f32.msk $0xffff, v26  }
0x1cb: {  	v26 =	vld.idx.msk [tilespmem:v28+s9+$0x0], $0xffff  }
0x1cc: {  	v27 =	vadd.s32 v17, v25  }
0x1cd: {  	v28 =	vor.u32 v18, v24;
	_ =	sdelay $0x3  }
0x1ce: {  	[tilespmem:v27+s10+$0x0] =	vst.idx.add.f32.msk $0xffff, v26  }
0x1cf: {  	v26 =	vld.idx.msk [tilespmem:v28+s9+$0x0], $0xffff  }
0x1d0: {  	v27 =	vadd.s32 v18, v25  }
0x1d1: {  	v28 =	vor.u32 v19, v24;
	_ =	sdelay $0x3  }
0x1d2: {  	[tilespmem:v27+s10+$0x0] =	vst.idx.add.f32.msk $0xffff, v26  }
0x1d3: {  	v26 =	vld.idx.msk [tilespmem:v28+s9+$0x0], $0xffff  }
0x1d4: {  	v27 =	vadd.s32 v19, v25  }
0x1d5: {  	v28 =	vor.u32 v20, v24;
	_ =	sdelay $0x3  }
0x1d6: {  	[tilespmem:v27+s10+$0x0] =	vst.idx.add.f32.msk $0xffff, v26  }
0x1d7: {  	v26 =	vld.idx.msk [tilespmem:v28+s9+$0x0], $0xffff  }
0x1d8: {  	v27 =	vadd.s32 v20, v25  }
0x1d9: {  	v28 =	vor.u32 v21, v24;
	_ =	sdelay $0x3  }
0x1da: {  	[tilespmem:v27+s10+$0x0] =	vst.idx.add.f32.msk $0xffff, v26  }
0x1db: {  	v26 =	vld.idx.msk [tilespmem:v28+s9+$0x0], $0xffff  }
0x1dc: {  	v27 =	vadd.s32 v21, v25  }
0x1dd: {  	v28 =	vor.u32 v22, v24;
	_ =	sdelay $0x3  }
0x1de: {  	[tilespmem:v27+s10+$0x0] =	vst.idx.add.f32.msk $0xffff, v26  }
0x1df: {  	v26 =	vld.idx.msk [tilespmem:v28+s9+$0x0], $0xffff  }
0x1e0: {  	v27 =	vadd.s32 v22, v25  }
0x1e1: {  	v24 =	vor.u32 v23, v24;
	_ =	sdelay $0x3  }
0x1e2: {  	[tilespmem:v27+s10+$0x0] =	vst.idx.add.f32.msk $0xffff, v26  }
0x1e3: {  	v26 =	vld.idx.msk [tilespmem:v24+s9+$0x0], $0xffff  }
.Ltmp19:
0x1e4: {  	v25 =	vadd.s32 v23, v25;
	(pc) =	sbr.rel @p1 .LBB2_21-.Ltmp19, $4  }
0x1e5: {  	s18 =	sadd.s32 $0x10, s18  }
0x1e6: {  	v24 =	vmov s18  }
0x1e7: {  	v24 =	vshll.u32 v24, $0x4  }
0x1e8: {  	v24 =	vor.u32 v8, v24  }
.Ltmp20:
0x1e9: {  	_ = 	snop;
	(pc) =	sbr.rel .LBB2_22-.Ltmp20, $1  }
0x1ea: {  	_ =	sdelay $0x3  }
.LBB2_20:
.Ltmp21:
0x1eb: {  	(pc) =	sbr.rel .LBB2_22-.Ltmp21, $2  }
0x1ec: {  	_ =	sdelay $0x2  }
0x1ed: {  	s19 =	simm.s32 $0x6B20  }
.LBB2_25:
0x1ee: {  	p0 =	slt.s32 s16, $0x1  }
.Ltmp22:
0x1ef: {  	_ = 	snop;
	(pc) =	sbr.rel @p0 .LBB2_39-.Ltmp22, $1  }
0x1f0: {  	_ =	sdelay $0x3  }
0x1f1: {  	s13 =	sadd.s32 $0xFF, s16  }
0x1f2: {  	s14 =	sand.u32 $0xFF, s13  }
0x1f3: {  	s15 =	sshra.s32 s13, $0x1F;
	p0 =	slt.s32 s13, $0x0;
	p1 =	sne.s32 s14, $0x0  }
0x1f4: {  	s31 =	sshrl.u32 s15, $0x18;
	p0 =	por !p0, !p1  }
0x1f5: {  	s14 =	simm.s32 $0x1;
	s13 =	sadd.s32 s31, s13;
	p0 =	por !p0, !p0  }
0x1f6: {  	s13 =	sshra.s32 s13, $0x8;
	s14 =	simm.s32 @!p0 $0x0  }
0x1f7: {  	s13 =	ssub.s32 s13, s14  }
0x1f8: {  	p0 =	slt.s32 s13, $0x1  }
.Ltmp23:
0x1f9: {  	_ = 	snop;
	(pc) =	sbr.rel @p0 .LBB2_32-.Ltmp23, $2  }
0x1fa: {  	_ =	sdelay $0x2  }
0x1fb: {  	[tilespmem:s16+$0x6B20] =	vst v7  }
0x1fc: {  	p0 =	sne.s32 s13, $0x1  }
.Ltmp24:
0x1fd: {  	_ = 	snop;
	(pc) =	sbr.rel @!p0 .LBB2_29-.Ltmp24, $3  }
0x1fe: {  	_ =	sdelay $0x1  }
0x1ff: {  	s14 =	simm.s32 $0x6020;
	s15 =	simm.s32 $0x7630;
	s17 =	sadd.s32 $0xFFFFFFFF, s13  }
0x200: {  	[tilespmem:s15], [sflag:$0x1] =	stream.indirect.gather [hbm4b:s1+s8], $0x10, s14, s8, $0xb8;
	[tilespmem:$0x18640] =	vst v63  }
.LBB2_28:
0x201: {  	p1 =	sne.s32 s17, $0x1  }
.Ltmp25:
0x202: {  	_ = 	snop;
	(pc) =	sbr.rel @p1 .LBB2_28-.Ltmp25, $4  }
0x203: {  	_ = 	snop  }
0x204: {  	s14 =	sadd.s32 $0x100, s14;
	s15 =	sadd.s32 $0x1000, s15  }
0x205: {  	s17 =	sadd.s32 $0xFFFFFFFF, s17  }
0x206: {  	[tilespmem:s15], [sflag:$0x1] =	stream.indirect.gather [hbm4b:s1+s8], $0x10, s14, s8, $0xb8;
	[tilespmem:$0x18640] =	vst v63  }
.LBB2_29:
.Ltmp26:
0x207: {  	(pc) =	sbr.rel @!p0 .LBB2_31-.Ltmp26, $3  }
0x208: {  	_ =	sdelay $0x1  }
0x209: {  	_ =	swait.ge [sflag:s7], $0x1000  }
0x20a: {  	s13 =	sadd.s32 $0xFFFFFFFF, s13;
	[sflag:s7] =	ssyncset.done $0x0  }
.LBB2_30:
0x20b: {  	p0 =	sne.s32 s13, $0x1;
	s13 =	sadd.s32 $0xFFFFFFFF, s13;
	[sflag:s7] =	ssyncadd.s32 $0xFFFFF000  }
.Ltmp27:
0x20c: {  	(pc) =	sbr.rel @p0 .LBB2_30-.Ltmp27, $3  }
0x20d: {  	_ =	sdelay $0x1  }
0x20e: {  	_ =	swait.ge [sflag:s7], $0x1000  }
0x20f: {  	[sflag:s7] =	ssyncset.done $0x0  }
.LBB2_31:
0x210: {  	[sflag:s7] =	ssyncadd.s32 $0xFFFFF000  }
.LBB2_32:
0x211: {  	s13 =	sadd.s32 $0xF, s16  }
0x212: {  	s14 =	sand.u32 $0xF, s13  }
0x213: {  	s15 =	sshra.s32 s13, $0x1F;
	p0 =	slt.s32 s13, $0x0;
	p1 =	sne.s32 s14, $0x0  }
0x214: {  	s31 =	sshrl.u32 s15, $0x1C;
	p0 =	por !p0, !p1  }
0x215: {  	s14 =	simm.s32 $0x1;
	s13 =	sadd.s32 s31, s13;
	p0 =	por !p0, !p0  }
0x216: {  	s13 =	sshra.s32 s13, $0x4;
	s14 =	simm.s32 @!p0 $0x0  }
0x217: {  	s14 =	ssub.s32 s13, s14  }
0x218: {  	p0 =	slt.s32 s14, $0x1  }
.Ltmp28:
0x219: {  	_ = 	snop;
	(pc) =	sbr.rel @p0 .LBB2_39-.Ltmp28, $1  }
0x21a: {  	_ =	sdelay $0x3  }
0x21b: {  	p1 =	sne.s32 s14, $0x1  }
.Ltmp29:
0x21c: {  	_ = 	snop;
	(pc) =	sbr.rel @!p1 .LBB2_34-.Ltmp29, $4  }
0x21d: {  	s13 =	simm.s32 $0x0  }
0x21e: {  	v24 =	vmov s13  }
0x21f: {  	v24 =	vshll.u32 v24, $0x4  }
0x220: {  	s15 =	sadd.s32 $0xFFFFFFFF, s14;
	p0 =	por $0x0, $0x0;
	s13 =	simm.s32 $0x6B20;
	v24 =	vor.u32 v8, v24  }
0x221: {  	v25 =	vor.u32 v5, v24;
	v27 =	vld [tilespmem:s13+$0x0];
	_ =	sdelay $0x4  }
0x222: {  	v25 =	vld.idx.msk [tilespmem:v25+s9+$0x0], $0xffff;
	v26 =	vadd.s32 v5, v27  }
0x223: {  	v28 =	vor.u32 v9, v24;
	_ =	sdelay $0x3  }
0x224: {  	[tilespmem:v26+s10+$0x0] =	vst.idx.add.f32.msk $0xffff, v25  }
0x225: {  	v26 =	vadd.s32 v9, v27;
	v25 =	vld.idx.msk [tilespmem:v28+s9+$0x0], $0xffff  }
0x226: {  	v50 =	vor.u32 v10, v24;
	_ =	sdelay $0x3  }
0x227: {  	[tilespmem:v26+s10+$0x0] =	vst.idx.add.f32.msk $0xffff, v25  }
0x228: {  	v26 =	vadd.s32 v10, v27;
	v25 =	vld.idx.msk [tilespmem:v50+s9+$0x0], $0xffff  }
0x229: {  	v51 =	vor.u32 v11, v24;
	_ =	sdelay $0x3  }
0x22a: {  	[tilespmem:v26+s10+$0x0] =	vst.idx.add.f32.msk $0xffff, v25  }
0x22b: {  	v26 =	vadd.s32 v11, v27;
	v25 =	vld.idx.msk [tilespmem:v51+s9+$0x0], $0xffff  }
0x22c: {  	v52 =	vor.u32 v12, v24;
	_ =	sdelay $0x3  }
0x22d: {  	[tilespmem:v26+s10+$0x0] =	vst.idx.add.f32.msk $0xffff, v25  }
0x22e: {  	v26 =	vadd.s32 v12, v27;
	v25 =	vld.idx.msk [tilespmem:v52+s9+$0x0], $0xffff  }
0x22f: {  	v53 =	vor.u32 v13, v24;
	_ =	sdelay $0x3  }
0x230: {  	[tilespmem:v26+s10+$0x0] =	vst.idx.add.f32.msk $0xffff, v25  }
0x231: {  	v26 =	vadd.s32 v13, v27;
	v25 =	vld.idx.msk [tilespmem:v53+s9+$0x0], $0xffff  }
0x232: {  	v54 =	vor.u32 v15, v24;
	_ =	sdelay $0x3  }
0x233: {  	[tilespmem:v26+s10+$0x0] =	vst.idx.add.f32.msk $0xffff, v25  }
0x234: {  	v26 =	vadd.s32 v15, v27;
	v25 =	vld.idx.msk [tilespmem:v54+s9+$0x0], $0xffff  }
0x235: {  	v55 =	vor.u32 v16, v24;
	_ =	sdelay $0x3  }
0x236: {  	[tilespmem:v26+s10+$0x0] =	vst.idx.add.f32.msk $0xffff, v25  }
0x237: {  	v26 =	vadd.s32 v16, v27;
	v25 =	vld.idx.msk [tilespmem:v55+s9+$0x0], $0xffff  }
0x238: {  	v56 =	vor.u32 v14, v24;
	_ =	sdelay $0x3  }
0x239: {  	[tilespmem:v26+s10+$0x0] =	vst.idx.add.f32.msk $0xffff, v25  }
0x23a: {  	v26 =	vadd.s32 v14, v27;
	v25 =	vld.idx.msk [tilespmem:v56+s9+$0x0], $0xffff  }
0x23b: {  	v57 =	vor.u32 v17, v24;
	_ =	sdelay $0x3  }
0x23c: {  	[tilespmem:v26+s10+$0x0] =	vst.idx.add.f32.msk $0xffff, v25  }
0x23d: {  	v26 =	vadd.s32 v17, v27;
	v25 =	vld.idx.msk [tilespmem:v57+s9+$0x0], $0xffff  }
0x23e: {  	v58 =	vor.u32 v18, v24;
	_ =	sdelay $0x3  }
0x23f: {  	[tilespmem:v26+s10+$0x0] =	vst.idx.add.f32.msk $0xffff, v25  }
0x240: {  	v26 =	vadd.s32 v18, v27;
	v25 =	vld.idx.msk [tilespmem:v58+s9+$0x0], $0xffff  }
0x241: {  	v59 =	vor.u32 v19, v24;
	_ =	sdelay $0x3  }
0x242: {  	[tilespmem:v26+s10+$0x0] =	vst.idx.add.f32.msk $0xffff, v25  }
0x243: {  	v26 =	vadd.s32 v19, v27;
	v25 =	vld.idx.msk [tilespmem:v59+s9+$0x0], $0xffff  }
0x244: {  	v60 =	vor.u32 v20, v24;
	_ =	sdelay $0x3  }
0x245: {  	[tilespmem:v26+s10+$0x0] =	vst.idx.add.f32.msk $0xffff, v25  }
0x246: {  	v26 =	vadd.s32 v20, v27;
	v25 =	vld.idx.msk [tilespmem:v60+s9+$0x0], $0xffff  }
0x247: {  	v61 =	vor.u32 v21, v24;
	_ =	sdelay $0x3  }
0x248: {  	[tilespmem:v26+s10+$0x0] =	vst.idx.add.f32.msk $0xffff, v25  }
0x249: {  	v26 =	vadd.s32 v21, v27;
	v25 =	vld.idx.msk [tilespmem:v61+s9+$0x0], $0xffff  }
0x24a: {  	v62 =	vor.u32 v22, v24;
	_ =	sdelay $0x3  }
0x24b: {  	[tilespmem:v26+s10+$0x0] =	vst.idx.add.f32.msk $0xffff, v25  }
0x24c: {  	v26 =	vadd.s32 v22, v27;
	v25 =	vld.idx.msk [tilespmem:v62+s9+$0x0], $0xffff  }
0x24d: {  	v24 =	vor.u32 v23, v24;
	_ =	sdelay $0x3  }
0x24e: {  	p1 =	sne.s32 s15, $0x1;
	[tilespmem:v26+s10+$0x0] =	vst.idx.add.f32.msk $0xffff, v25  }
.Ltmp30:
0x24f: {  	v25 =	vadd.s32 v23, v27;
	v26 =	vld.idx.msk [tilespmem:v24+s9+$0x0], $0xffff;
	(pc) =	sbr.rel @!p1 .LBB2_36-.Ltmp30, $4  }
0x250: {  	s14 =	simm.s32 $0x10  }
0x251: {  	v63 =	vmov s14  }
0x252: {  	v28 =	vshll.u32 v63, $0x4  }
0x253: {  	s16 =	sadd.s32 $0xFFFFFFFF, s15;
	p0 =	por $0x1, $0x1;
	s15 =	simm.s32 $0x6B20;
	v24 =	vor.u32 v8, v28  }
.LBB2_37:
0x254: {  	p1 =	sne.s32 s16, $0x1;
	s16 =	sadd.s32 $0xFFFFFFFF, s16;
	v27 =	vor.u32 v5, v24;
	[tilespmem:v25+s10+$0x0] =	vst.idx.add.f32.msk $0xffff, v26;
	s15 =	sadd.s32 $0x10, s15  }
0x255: {  	v25 =	vld [tilespmem:s15+$0x0];
	_ =	sdelay $0x3  }
0x256: {  	v26 =	vld.idx.msk [tilespmem:v27+s9+$0x0], $0xffff  }
0x257: {  	v27 =	vadd.s32 v5, v25  }
0x258: {  	v28 =	vor.u32 v9, v24;
	_ =	sdelay $0x3  }
0x259: {  	[tilespmem:v27+s10+$0x0] =	vst.idx.add.f32.msk $0xffff, v26  }
0x25a: {  	v26 =	vld.idx.msk [tilespmem:v28+s9+$0x0], $0xffff  }
0x25b: {  	v27 =	vadd.s32 v9, v25  }
0x25c: {  	v28 =	vor.u32 v10, v24;
	_ =	sdelay $0x3  }
0x25d: {  	[tilespmem:v27+s10+$0x0] =	vst.idx.add.f32.msk $0xffff, v26  }
0x25e: {  	v26 =	vld.idx.msk [tilespmem:v28+s9+$0x0], $0xffff  }
0x25f: {  	v27 =	vadd.s32 v10, v25  }
0x260: {  	v28 =	vor.u32 v11, v24;
	_ =	sdelay $0x3  }
0x261: {  	[tilespmem:v27+s10+$0x0] =	vst.idx.add.f32.msk $0xffff, v26  }
0x262: {  	v26 =	vld.idx.msk [tilespmem:v28+s9+$0x0], $0xffff  }
0x263: {  	v27 =	vadd.s32 v11, v25  }
0x264: {  	v28 =	vor.u32 v12, v24;
	_ =	sdelay $0x3  }
0x265: {  	[tilespmem:v27+s10+$0x0] =	vst.idx.add.f32.msk $0xffff, v26  }
0x266: {  	v26 =	vld.idx.msk [tilespmem:v28+s9+$0x0], $0xffff  }
0x267: {  	v27 =	vadd.s32 v12, v25  }
0x268: {  	v28 =	vor.u32 v13, v24;
	_ =	sdelay $0x3  }
0x269: {  	[tilespmem:v27+s10+$0x0] =	vst.idx.add.f32.msk $0xffff, v26  }
0x26a: {  	v26 =	vld.idx.msk [tilespmem:v28+s9+$0x0], $0xffff  }
0x26b: {  	v27 =	vadd.s32 v13, v25  }
0x26c: {  	v28 =	vor.u32 v15, v24;
	_ =	sdelay $0x3  }
0x26d: {  	[tilespmem:v27+s10+$0x0] =	vst.idx.add.f32.msk $0xffff, v26  }
0x26e: {  	v26 =	vld.idx.msk [tilespmem:v28+s9+$0x0], $0xffff  }
0x26f: {  	v27 =	vadd.s32 v15, v25  }
0x270: {  	v28 =	vor.u32 v16, v24;
	_ =	sdelay $0x3  }
0x271: {  	[tilespmem:v27+s10+$0x0] =	vst.idx.add.f32.msk $0xffff, v26  }
0x272: {  	v26 =	vld.idx.msk [tilespmem:v28+s9+$0x0], $0xffff  }
0x273: {  	v27 =	vadd.s32 v16, v25  }
0x274: {  	v28 =	vor.u32 v14, v24;
	_ =	sdelay $0x3  }
0x275: {  	[tilespmem:v27+s10+$0x0] =	vst.idx.add.f32.msk $0xffff, v26  }
0x276: {  	v26 =	vld.idx.msk [tilespmem:v28+s9+$0x0], $0xffff  }
0x277: {  	v27 =	vadd.s32 v14, v25  }
0x278: {  	v28 =	vor.u32 v17, v24;
	_ =	sdelay $0x3  }
0x279: {  	[tilespmem:v27+s10+$0x0] =	vst.idx.add.f32.msk $0xffff, v26  }
0x27a: {  	v26 =	vld.idx.msk [tilespmem:v28+s9+$0x0], $0xffff  }
0x27b: {  	v27 =	vadd.s32 v17, v25  }
0x27c: {  	v28 =	vor.u32 v18, v24;
	_ =	sdelay $0x3  }
0x27d: {  	[tilespmem:v27+s10+$0x0] =	vst.idx.add.f32.msk $0xffff, v26  }
0x27e: {  	v26 =	vld.idx.msk [tilespmem:v28+s9+$0x0], $0xffff  }
0x27f: {  	v27 =	vadd.s32 v18, v25  }
0x280: {  	v28 =	vor.u32 v19, v24;
	_ =	sdelay $0x3  }
0x281: {  	[tilespmem:v27+s10+$0x0] =	vst.idx.add.f32.msk $0xffff, v26  }
0x282: {  	v26 =	vld.idx.msk [tilespmem:v28+s9+$0x0], $0xffff  }
0x283: {  	v27 =	vadd.s32 v19, v25  }
0x284: {  	v28 =	vor.u32 v20, v24;
	_ =	sdelay $0x3  }
0x285: {  	[tilespmem:v27+s10+$0x0] =	vst.idx.add.f32.msk $0xffff, v26  }
0x286: {  	v26 =	vld.idx.msk [tilespmem:v28+s9+$0x0], $0xffff  }
0x287: {  	v27 =	vadd.s32 v20, v25  }
0x288: {  	v28 =	vor.u32 v21, v24;
	_ =	sdelay $0x3  }
0x289: {  	[tilespmem:v27+s10+$0x0] =	vst.idx.add.f32.msk $0xffff, v26  }
0x28a: {  	v26 =	vld.idx.msk [tilespmem:v28+s9+$0x0], $0xffff  }
0x28b: {  	v27 =	vadd.s32 v21, v25  }
0x28c: {  	v28 =	vor.u32 v22, v24;
	_ =	sdelay $0x3  }
0x28d: {  	[tilespmem:v27+s10+$0x0] =	vst.idx.add.f32.msk $0xffff, v26  }
0x28e: {  	v26 =	vld.idx.msk [tilespmem:v28+s9+$0x0], $0xffff  }
0x28f: {  	v27 =	vadd.s32 v22, v25  }
0x290: {  	v24 =	vor.u32 v23, v24;
	_ =	sdelay $0x3  }
0x291: {  	[tilespmem:v27+s10+$0x0] =	vst.idx.add.f32.msk $0xffff, v26  }
0x292: {  	v26 =	vld.idx.msk [tilespmem:v24+s9+$0x0], $0xffff  }
.Ltmp31:
0x293: {  	v25 =	vadd.s32 v23, v25;
	(pc) =	sbr.rel @p1 .LBB2_37-.Ltmp31, $4  }
0x294: {  	s14 =	sadd.s32 $0x10, s14  }
0x295: {  	v24 =	vmov s14  }
0x296: {  	v24 =	vshll.u32 v24, $0x4  }
0x297: {  	v24 =	vor.u32 v8, v24  }
.Ltmp32:
0x298: {  	_ = 	snop;
	(pc) =	sbr.rel .LBB2_38-.Ltmp32, $1  }
0x299: {  	_ =	sdelay $0x3  }
.LBB2_36:
.Ltmp33:
0x29a: {  	(pc) =	sbr.rel .LBB2_38-.Ltmp33, $2  }
0x29b: {  	_ =	sdelay $0x2  }
0x29c: {  	s15 =	simm.s32 $0x6B20  }
.LBB2_40:
0x29d: {  	_ =	sfence.sel $0x180000  }
0x29e: {  	[bflag:$0x0] =	sbarrier.arrive $0xFFFF  }
0x29f: {  	p0 =	sne.s32 s0, $0x0;
	_ =	strace $0x90000047  }
0x2a0: {  	s0 =	sadd.s32 @!p0 $0x100000, s2;
	[bflag:$0x2] =	sbarrier.arrive $0xFFFF  }
0x2a1: {  	[sflag:s0] =	ssyncadd.tile.s32 @!p0 $0x1;
	_ =	shalt  }
.Lfunc_end2:
_tile_overlayer_lowered:
.L_overlay_start_2:
0x2a2: {  	(tag) =	ssettag $0x2  }
0x2a3: {  	s0 =	rddreg [dreg:$0x0];
	s2 =	stileid.u32  }
0x2a4: {  	s1 =	rddreg [dreg:$0x1];
	p0 =	sne.s32 s2, $0x0  }
0x2a5: {  	s3 =	rddreg [dreg:$0x2];
	[bflag:$0x3] =	sbarrier.arrive $0xFFFF;
	s2 =	simm.s32 @!p0 $0x1C02  }
0x2a6: {  	[timem:s3], [sflag:s2] =	dma.local @!p0 [hbm:s0], s1  }
0x2a7: {  	s0 =	simm.s32 @!p0 $0x2  }
0x2a8: {  	_ =	swait.ge @!p0 [sflag:s0], s1  }
0x2a9: {  	s1 =	ssub.s32 @!p0 $0x0, s1;
	[sflag:s0] =	ssyncset.done @!p0 $0x0  }
0x2aa: {  	[sflag:s0] =	ssyncadd.s32 @!p0 s1  }
0x2ab: {  	[bflag:$0x3] =	sbarrier.arrive $0xFFFF  }
0x2ac: {  	_ =	shalt  }

</sc_bundles>
